<compile_context>
chip_gen: v7x
topology: tpu7x:2x2x1
jax: 0.10.2.dev20260603
libtpu: 0.0.44.dev20260713+nightly
codegen_flags: <defaults>
</compile_context>

<pallas_src>
import functools

import jax
import jax.numpy as jnp
from jax import lax
from jax.experimental import pallas as pl
from jax.experimental.pallas import tpu as pltpu
from jax.experimental.pallas import tpu_sc as plsc

_N = 128
_P = 128
_T = 10
_OFFSETS_STRIDE = 4.0
_KEY_ITEM_WEIGHT = 0.5
_IGNORE_BOUND = 1000.0
_BETA = 1.0 / _OFFSETS_STRIDE
_JC = 16

_NW = 32
_RPW = _N // _NW


def _smooth_l1(pred, target):
    diff = jnp.abs(pred - target)
    return jnp.where(diff < _BETA, 0.5 * diff * diff / _BETA, diff - 0.5 * _BETA)


def _tc_kernel(
    pxf, pyf, oxf, oyf, kxf, kyf, mf,
    gxc, gyc, gxrc, gyrc, pxc, pyc,
    out_ref, jb_ref, mv_ref,
    runmin, seltx, selty, mn2, jbest,
):
    i = pl.program_id(0)

    @pl.when(i == 0)
    def _():
        runmin[...] = jnp.full((_P, _N), jnp.inf, jnp.float32)
        mn2[...] = jnp.full((_P, _N), jnp.inf, jnp.float32)

    gxr3 = gxrc[...][:, None, :]
    gyr3 = gyrc[...][:, None, :]
    bx3 = gxc[...][:, None, :] - gxr3
    by3 = gyc[...][:, None, :] - gyr3
    c3 = bx3 * bx3 + by3 * by3
    ncr = jnp.where(c3 > 1e-30, -float(_T) / c3, 0.0)
    c100 = c3 * (1.0 / (_T * _T))
    c50 = c100 + c100
    bxT = bx3 * (1.0 / _T)
    byT = by3 * (1.0 / _T)

    px3 = pxf[...][None, :, :]
    py3 = pyf[...][None, :, :]
    dx = gxr3 - px3
    dy = gyr3 - py3
    a3 = dx * dx + dy * dy
    e3 = dx * bx3 + dy * by3
    xs = e3 * ncr
    sf = jnp.clip(jnp.floor(xs), 0.0, float(_T - 2))
    e5 = e3 * (2.0 / _T)
    d1 = (c100 * sf + e5) * sf + a3
    delta = c50 * sf + (c100 + e5)
    take1 = delta >= 0.0
    d2 = d1 + delta
    dmin = jnp.where(take1, d1, d2)
    s_at = jnp.where(take1, sf, sf + 1.0)
    tx3 = bxT * s_at + gxr3
    ty3 = byT * s_at + gyr3

    rm = runmin[...]
    sx = seltx[...]
    sy = selty[...]
    for jj in range(_JC):
        upd = dmin[jj] < rm
        rm = jnp.where(upd, dmin[jj], rm)
        sx = jnp.where(upd, tx3[jj], sx)
        sy = jnp.where(upd, ty3[jj], sy)
    runmin[...] = rm
    seltx[...] = sx
    selty[...] = sy

    kx3 = kxf[...][None, :, :]
    ky3 = kyf[...][None, :, :]
    pxr = pxc[...]
    pyr = pyc[...]
    dx2 = pxr[:, None, :] - kx3
    dy2 = pyr[:, None, :] - ky3
    dd2 = dx2 * dx2 + dy2 * dy2

    m2v = mn2[...]
    jb = jbest[...]
    for jj in range(_JC):
        upd = dd2[jj] < m2v
        m2v = jnp.where(upd, dd2[jj], m2v)
        jb = jnp.where(upd, float(jj) + float(_JC) * i.astype(jnp.float32), jb)
    mn2[...] = m2v
    jbest[...] = jb

    @pl.when(i == pl.num_programs(0) - 1)
    def _():
        inv = 1.0 / _OFFSETS_STRIDE
        bound = _IGNORE_BOUND * _IGNORE_BOUND
        valid1 = rm <= bound
        sl1 = _smooth_l1(oxf[...], (sx - pxf[...]) * inv) + _smooth_l1(
            oyf[...], (sy - pyf[...]) * inv
        )
        out_ref[0, 0] = jnp.sum(jnp.where(valid1, sl1, 0.0))
        out_ref[0, 1] = jnp.sum(valid1.astype(jnp.float32))
        valid2 = m2v <= bound
        mv_ref[...] = jnp.where(
            jnp.logical_and(mf[...] > 0.0, valid2), 1.0, 0.0
        )
        lane_n = lax.broadcasted_iota(jnp.int32, (_P, _N), 1)
        jb_ref[...] = jb.astype(jnp.int32) + lane_n * _P


def _tc_call(px, py, ox, oy, kx, ky, m, gx, gy, gxr, gyr):
    full = pl.BlockSpec((_P, _N), lambda i: (0, 0))
    chunk = pl.BlockSpec((_JC, _N), lambda i: (i, 0))
    return pl.pallas_call(
        _tc_kernel,
        grid=(_P // _JC,),
        in_specs=[full] * 7 + [chunk] * 6,
        out_specs=[
            pl.BlockSpec(memory_space=pltpu.SMEM),
            full,
            full,
        ],
        out_shape=[
            jax.ShapeDtypeStruct((1, 2), jnp.float32),
            jax.ShapeDtypeStruct((_P, _N), jnp.int32),
            jax.ShapeDtypeStruct((_P, _N), jnp.float32),
        ],
        scratch_shapes=[pltpu.VMEM((_P, _N), jnp.float32)] * 5,
    )(px, py, ox, oy, kx, ky, m, gx, gy, gxr, gyr, px, py)


_CH = _RPW * _P


def _make_sc_item2():
    return functools.partial(
        pl.kernel,
        mesh=plsc.VectorSubcoreMesh(core_axis_name="c", subcore_axis_name="s"),
        out_type=jax.ShapeDtypeStruct((_NW, 2, 16), jnp.float32),
        scratch_types=[
            pltpu.VMEM((_RPW, _P), jnp.int32),
            pltpu.VMEM((_RPW, _P), jnp.float32),
            pltpu.VMEM((_RPW, _P), jnp.float32),
            pltpu.VMEM((_RPW, _P), jnp.float32),
            pltpu.VMEM((_RPW, _P), jnp.float32),
            pltpu.VMEM((_RPW, _P), jnp.float32),
            pltpu.VMEM((_RPW, _P), jnp.float32),
            pltpu.VMEM((_RPW, _P), jnp.float32),
            pltpu.VMEM((2, 16), jnp.float32),
            pltpu.SemaphoreType.DMA,
        ],
    )(_sc_item2)


def _sc_item2(
    px_hbm, py_hbm, ox_hbm, oy_hbm, jb_hbm, kx_hbm, ky_hbm, mv_hbm, out_hbm,
    idxv, pxg, pyg, oxg, oyg, kxv, kyv, mvv, outv, sem,
):
    w = lax.axis_index("s") * 2 + lax.axis_index("c")
    base = w * _RPW
    pltpu.sync_copy(jb_hbm.at[pl.ds(base, _RPW)], idxv)
    pltpu.sync_copy(kx_hbm.at[pl.ds(base, _RPW)], kxv)
    pltpu.sync_copy(ky_hbm.at[pl.ds(base, _RPW)], kyv)
    pltpu.sync_copy(mv_hbm.at[pl.ds(base, _RPW)], mvv)

    copies = []
    for nl in range(_RPW):
        row = idxv.at[nl]
        copies.append(pltpu.async_copy(px_hbm.at[row], pxg.at[nl], sem))
        copies.append(pltpu.async_copy(py_hbm.at[row], pyg.at[nl], sem))
        copies.append(pltpu.async_copy(ox_hbm.at[row], oxg.at[nl], sem))
        copies.append(pltpu.async_copy(oy_hbm.at[row], oyg.at[nl], sem))
    for c in copies:
        c.wait()

    inv = 1.0 / _OFFSETS_STRIDE
    acc = jnp.zeros((16,), jnp.float32)
    cnt = jnp.zeros((16,), jnp.float32)
    for o in range(_RPW * _P // 16):
        nl = o // (_P // 16)
        k0 = (o % (_P // 16)) * 16
        pxl = pxg[nl, pl.ds(k0, 16)]
        pyl = pyg[nl, pl.ds(k0, 16)]
        oxl = oxg[nl, pl.ds(k0, 16)]
        oyl = oyg[nl, pl.ds(k0, 16)]
        kxl = kxv[nl, pl.ds(k0, 16)]
        kyl = kyv[nl, pl.ds(k0, 16)]
        mvl = mvv[nl, pl.ds(k0, 16)]
        sl = _smooth_l1(oxl, (kxl - pxl) * inv) + _smooth_l1(oyl, (kyl - pyl) * inv)
        acc = acc + mvl * sl
        cnt = cnt + mvl
    outv[0, :] = acc
    outv[1, :] = cnt
    pltpu.sync_copy(outv, out_hbm.at[w])


def kernel(pred_contours, pred_offsets, gt_contours, gt_key_points, gt_key_points_mask):
    px = pred_contours[..., 0].T
    py = pred_contours[..., 1].T
    ox = pred_offsets[..., 0].T
    oy = pred_offsets[..., 1].T
    gx = gt_contours[..., 0].T
    gy = gt_contours[..., 1].T
    gxr = jnp.roll(gx, 1, axis=0)
    gyr = jnp.roll(gy, 1, axis=0)
    kx = gt_key_points[..., 0].T
    ky = gt_key_points[..., 1].T
    m = gt_key_points_mask.astype(jnp.float32).T

    part1, jb, mval = _tc_call(px, py, ox, oy, kx, ky, m, gx, gy, gxr, gyr)

    flat = _N * _P
    partials = _make_sc_item2()(
        pred_contours[..., 0].reshape(flat),
        pred_contours[..., 1].reshape(flat),
        pred_offsets[..., 0].reshape(flat),
        pred_offsets[..., 1].reshape(flat),
        jb.T,
        gt_key_points[..., 0],
        gt_key_points[..., 1],
        mval.T,
    )

    s1 = part1[0, 0]
    c1 = part1[0, 1]
    s2 = jnp.sum(partials[:, 0, :])
    c2 = jnp.sum(partials[:, 1, :])
    denom1 = jnp.maximum(c1 * 2.0, 1.0)
    denom2 = jnp.maximum(c2 * 2.0, 1.0)
    return (s1 / denom1) * (1.0 - _KEY_ITEM_WEIGHT) + (s2 / denom2) * _KEY_ITEM_WEIGHT

# --- scband reference (transcript-rebuilt; emitter-appended) ---
"""Pipeline reference for scband-dmloss-2705829396669 (READ-ONLY COPY).

The authoritative reference and input builder live on the scoring server;
editing this copy changes nothing except your own understanding.
"""

import jax, jax.numpy as jnp
import numpy as np

N = 128
P = 128
OFFSETS_STRIDE = 4.0
KEY_ITEM_WEIGHT = 0.5
LOSS_WEIGHT = 1.0
IGNORE_BOUND = 1000.0
BETA = 1.0 / OFFSETS_STRIDE


def setup_inputs(seed: int = 0):
    key = jax.random.key(seed)
    k1, k2, k3, k4 = jax.random.split(key, 4)
    return {
        "pred_contours": jax.random.normal(k1, (N, P, 2), dtype=jnp.float32) * 20.0,
        "pred_offsets": jax.random.normal(k2, (N, P, 2), dtype=jnp.float32),
        "gt_contours": jax.random.normal(k3, (N, P, 2), dtype=jnp.float32) * 20.0,
        "gt_key_points": jax.random.normal(k4, (N, P, 2), dtype=jnp.float32) * 20.0,
        "gt_key_points_mask": jnp.ones((N, P), dtype=bool),
    }


def _interpolation(poly, time=10):
    ori_points_num = poly.shape[1]
    poly_roll = jnp.roll(poly, shift=1, axis=1)
    step = jnp.arange(0, time, dtype=jnp.float32) / time
    poly_i = poly[:, :, :, None] * step + poly_roll[:, :, :, None] * (1.0 - step)
    poly_i = jnp.transpose(poly_i, (0, 1, 3, 2)).reshape(poly.shape[0], ori_points_num * time, 2)
    return poly_i


def _compute_distance(pred_poly, gt_poly):
    # pred_poly: [N, Pp, 2], gt_poly: [N, Pg, 2] -> [N, Pg, Pp]
    return jnp.sum((pred_poly[:, None, :, :] - gt_poly[:, :, None, :]) ** 2, axis=3)


def _smooth_l1(pred, target):
    diff = jnp.abs(pred - target)
    return jnp.where(diff < BETA, 0.5 * diff * diff / BETA, diff - 0.5 * BETA)


def _masked_mean(elems, mask):
    # mean over the elements selected by mask (mask is [N, P], elems is [N, P, 2])
    m = mask.astype(elems.dtype)[:, :, None]
    denom = jnp.maximum(jnp.sum(m) * elems.shape[2], 1.0)
    return jnp.sum(elems * m) / denom


def _forward(pred_contours, pred_offsets, gt_contours, gt_key_points, mask):
    # item1: match each pred point to nearest interpolated gt contour point
    targets = _interpolation(gt_contours)
    dist1 = _compute_distance(pred_contours, targets)  # [N, P*10, P]
    matched1 = jnp.min(dist1, axis=1)
    idx_gt = jnp.argmin(dist1, axis=1)  # [N, P]
    valid1 = matched1 <= IGNORE_BOUND ** 2
    targets_sel = jnp.take_along_axis(targets, idx_gt[:, :, None], axis=1)
    off_t1 = jax.lax.stop_gradient((targets_sel - pred_contours) / OFFSETS_STRIDE)
    loss1 = _masked_mean(_smooth_l1(pred_offsets, off_t1), valid1) * (1.0 - KEY_ITEM_WEIGHT)

    # item2: match each gt key point to nearest pred point
    dist2 = _compute_distance(gt_key_points, pred_contours)  # [N, P_pred, P_key]
    matched2 = jnp.min(dist2, axis=1)
    idx_pred = jnp.argmin(dist2, axis=1)  # [N, P_key]
    valid2 = matched2 <= IGNORE_BOUND ** 2
    preds_sel = jnp.take_along_axis(pred_contours, idx_pred[:, :, None], axis=1)
    offs_sel = jnp.take_along_axis(pred_offsets, idx_pred[:, :, None], axis=1)
    off_t2 = jax.lax.stop_gradient((gt_key_points - preds_sel) / OFFSETS_STRIDE)
    m2 = jnp.logical_and(mask, valid2)
    loss2 = _masked_mean(_smooth_l1(offs_sel, off_t2), m2) * KEY_ITEM_WEIGHT

    return (loss1 + loss2) * LOSS_WEIGHT


def reference(pred_contours, pred_offsets, gt_contours, gt_key_points, gt_key_points_mask):
    return _forward(pred_contours, pred_offsets, gt_contours, gt_key_points, gt_key_points_mask)

if __name__ == "__main__":
    import jax
    _d = setup_inputs()
    print(jax.jit(kernel)(*tuple(_d.values())))

</pallas_src>

<mosaic_0001>
#map = affine_map<(d0, d1) -> (0)>
#map1 = affine_map<(d0, d1) -> (0, 0)>
#map2 = affine_map<(d0, d1) -> (0, 0, 0)>
module attributes {stable_mosaic.version = 14 : i64} {
  func.func @_sc_item2(%arg0: i32, %arg1: i32, %arg2: memref<16384xf32, #tpu.memory_space<hbm>>, %arg3: memref<16384xf32, #tpu.memory_space<hbm>>, %arg4: memref<16384xf32, #tpu.memory_space<hbm>>, %arg5: memref<16384xf32, #tpu.memory_space<hbm>>, %arg6: memref<128x128xi32, #tpu.memory_space<hbm>>, %arg7: memref<128x128xf32, #tpu.memory_space<hbm>>, %arg8: memref<128x128xf32, #tpu.memory_space<hbm>>, %arg9: memref<128x128xf32, #tpu.memory_space<hbm>>, %arg10: memref<32x2x16xf32, #tpu.memory_space<hbm>>, %arg11: memref<4x128xi32, #tpu.memory_space<vmem>>, %arg12: memref<4x128xf32, #tpu.memory_space<vmem>>, %arg13: memref<4x128xf32, #tpu.memory_space<vmem>>, %arg14: memref<4x128xf32, #tpu.memory_space<vmem>>, %arg15: memref<4x128xf32, #tpu.memory_space<vmem>>, %arg16: memref<4x128xf32, #tpu.memory_space<vmem>>, %arg17: memref<4x128xf32, #tpu.memory_space<vmem>>, %arg18: memref<4x128xf32, #tpu.memory_space<vmem>>, %arg19: memref<2x16xf32, #tpu.memory_space<vmem>>, %arg20: memref<!tpu.dma_semaphore, #tpu.memory_space<semaphore_mem>>) attributes {dimension_semantics = [#tpu.dimension_semantics<core_parallel>, #tpu.dimension_semantics<subcore_parallel>], iteration_bounds = array<i64: 2, 16>, scalar_prefetch = 0 : i64, scratch_operands = 10 : i64, tpu.core_type = #tpu.core_type<sc_vector_subcore>, window_params = [{transform_indices = #map}, {transform_indices = #map}, {transform_indices = #map}, {transform_indices = #map}, {transform_indices = #map1}, {transform_indices = #map1}, {transform_indices = #map1}, {transform_indices = #map1}, {transform_indices = #map2}]} {
    %mul3A = arith.constant 2 : i32
    %mul3A_0 = arith.muli %arg1, %mul3A : i32
    %add3A = arith.addi %mul3A_0, %arg0 : i32
    %mul3A_1 = arith.constant 4 : i32
    %mul3A_2 = arith.muli %add3A, %mul3A_1 : i32
    "tpu.region"() ({
      %run_scoped3A = tpu.sem_alloc : memref<!tpu.dma_semaphore, #tpu.memory_space<semaphore_mem>>
      %dma_start3A_2857 = arith.constant 0 : i32
      %dma_start3A_2858 = tpu.memref_slice %arg6[%mul3A_2, %dma_start3A_2857] : memref<128x128xi32, #tpu.memory_space<hbm>> -> memref<4x128xi32, #tpu.memory_space<hbm>>
      %dma_start3A_2859 = arith.constant 0 : i32
      %dma_start3A_2860 = tpu.memref_slice %arg6[%mul3A_2, %dma_start3A_2859] : memref<128x128xi32, #tpu.memory_space<hbm>> -> memref<4x128xi32, #tpu.memory_space<hbm>>
      tpu.enqueue_dma source(%dma_start3A_2860 : memref<4x128xi32, #tpu.memory_space<hbm>>) target(%arg11 : memref<4x128xi32, #tpu.memory_space<vmem>>) target_semaphore(%run_scoped3A : memref<!tpu.dma_semaphore, #tpu.memory_space<semaphore_mem>>)
      %dma_wait3A_2861 = arith.constant 0 : i32
      %dma_wait3A_2862 = tpu.memref_slice %arg6[%mul3A_2, %dma_wait3A_2861] : memref<128x128xi32, #tpu.memory_space<hbm>> -> memref<4x128xi32, #tpu.memory_space<hbm>>
      %dma_wait3A_2863 = arith.constant 0 : i32
      %dma_wait3A_2864 = tpu.memref_slice %arg6[%mul3A_2, %dma_wait3A_2863] : memref<128x128xi32, #tpu.memory_space<hbm>> -> memref<4x128xi32, #tpu.memory_space<hbm>>
      tpu.wait_dma2 semaphore(%run_scoped3A : memref<!tpu.dma_semaphore, #tpu.memory_space<semaphore_mem>>) src(%dma_wait3A_2864 : memref<4x128xi32, #tpu.memory_space<hbm>>) dst(%arg11 : memref<4x128xi32, #tpu.memory_space<vmem>>)
      tpu.yield
    }) : () -> ()
    "tpu.region"() ({
      %run_scoped3A = tpu.sem_alloc : memref<!tpu.dma_semaphore, #tpu.memory_space<semaphore_mem>>
      %dma_start3A_2857 = arith.constant 0 : i32
      %dma_start3A_2858 = tpu.memref_slice %arg7[%mul3A_2, %dma_start3A_2857] : memref<128x128xf32, #tpu.memory_space<hbm>> -> memref<4x128xf32, #tpu.memory_space<hbm>>
      %dma_start3A_2859 = arith.constant 0 : i32
      %dma_start3A_2860 = tpu.memref_slice %arg7[%mul3A_2, %dma_start3A_2859] : memref<128x128xf32, #tpu.memory_space<hbm>> -> memref<4x128xf32, #tpu.memory_space<hbm>>
      tpu.enqueue_dma source(%dma_start3A_2860 : memref<4x128xf32, #tpu.memory_space<hbm>>) target(%arg16 : memref<4x128xf32, #tpu.memory_space<vmem>>) target_semaphore(%run_scoped3A : memref<!tpu.dma_semaphore, #tpu.memory_space<semaphore_mem>>)
      %dma_wait3A_2861 = arith.constant 0 : i32
      %dma_wait3A_2862 = tpu.memref_slice %arg7[%mul3A_2, %dma_wait3A_2861] : memref<128x128xf32, #tpu.memory_space<hbm>> -> memref<4x128xf32, #tpu.memory_space<hbm>>
      %dma_wait3A_2863 = arith.constant 0 : i32
      %dma_wait3A_2864 = tpu.memref_slice %arg7[%mul3A_2, %dma_wait3A_2863] : memref<128x128xf32, #tpu.memory_space<hbm>> -> memref<4x128xf32, #tpu.memory_space<hbm>>
      tpu.wait_dma2 semaphore(%run_scoped3A : memref<!tpu.dma_semaphore, #tpu.memory_space<semaphore_mem>>) src(%dma_wait3A_2864 : memref<4x128xf32, #tpu.memory_space<hbm>>) dst(%arg16 : memref<4x128xf32, #tpu.memory_space<vmem>>)
      tpu.yield
    }) : () -> ()
    "tpu.region"() ({
      %run_scoped3A = tpu.sem_alloc : memref<!tpu.dma_semaphore, #tpu.memory_space<semaphore_mem>>
      %dma_start3A_2857 = arith.constant 0 : i32
      %dma_start3A_2858 = tpu.memref_slice %arg8[%mul3A_2, %dma_start3A_2857] : memref<128x128xf32, #tpu.memory_space<hbm>> -> memref<4x128xf32, #tpu.memory_space<hbm>>
      %dma_start3A_2859 = arith.constant 0 : i32
      %dma_start3A_2860 = tpu.memref_slice %arg8[%mul3A_2, %dma_start3A_2859] : memref<128x128xf32, #tpu.memory_space<hbm>> -> memref<4x128xf32, #tpu.memory_space<hbm>>
      tpu.enqueue_dma source(%dma_start3A_2860 : memref<4x128xf32, #tpu.memory_space<hbm>>) target(%arg17 : memref<4x128xf32, #tpu.memory_space<vmem>>) target_semaphore(%run_scoped3A : memref<!tpu.dma_semaphore, #tpu.memory_space<semaphore_mem>>)
      %dma_wait3A_2861 = arith.constant 0 : i32
      %dma_wait3A_2862 = tpu.memref_slice %arg8[%mul3A_2, %dma_wait3A_2861] : memref<128x128xf32, #tpu.memory_space<hbm>> -> memref<4x128xf32, #tpu.memory_space<hbm>>
      %dma_wait3A_2863 = arith.constant 0 : i32
      %dma_wait3A_2864 = tpu.memref_slice %arg8[%mul3A_2, %dma_wait3A_2863] : memref<128x128xf32, #tpu.memory_space<hbm>> -> memref<4x128xf32, #tpu.memory_space<hbm>>
      tpu.wait_dma2 semaphore(%run_scoped3A : memref<!tpu.dma_semaphore, #tpu.memory_space<semaphore_mem>>) src(%dma_wait3A_2864 : memref<4x128xf32, #tpu.memory_space<hbm>>) dst(%arg17 : memref<4x128xf32, #tpu.memory_space<vmem>>)
      tpu.yield
    }) : () -> ()
    "tpu.region"() ({
      %run_scoped3A = tpu.sem_alloc : memref<!tpu.dma_semaphore, #tpu.memory_space<semaphore_mem>>
      %dma_start3A_2857 = arith.constant 0 : i32
      %dma_start3A_2858 = tpu.memref_slice %arg9[%mul3A_2, %dma_start3A_2857] : memref<128x128xf32, #tpu.memory_space<hbm>> -> memref<4x128xf32, #tpu.memory_space<hbm>>
      %dma_start3A_2859 = arith.constant 0 : i32
      %dma_start3A_2860 = tpu.memref_slice %arg9[%mul3A_2, %dma_start3A_2859] : memref<128x128xf32, #tpu.memory_space<hbm>> -> memref<4x128xf32, #tpu.memory_space<hbm>>
      tpu.enqueue_dma source(%dma_start3A_2860 : memref<4x128xf32, #tpu.memory_space<hbm>>) target(%arg18 : memref<4x128xf32, #tpu.memory_space<vmem>>) target_semaphore(%run_scoped3A : memref<!tpu.dma_semaphore, #tpu.memory_space<semaphore_mem>>)
      %dma_wait3A_2861 = arith.constant 0 : i32
      %dma_wait3A_2862 = tpu.memref_slice %arg9[%mul3A_2, %dma_wait3A_2861] : memref<128x128xf32, #tpu.memory_space<hbm>> -> memref<4x128xf32, #tpu.memory_space<hbm>>
      %dma_wait3A_2863 = arith.constant 0 : i32
      %dma_wait3A_2864 = tpu.memref_slice %arg9[%mul3A_2, %dma_wait3A_2863] : memref<128x128xf32, #tpu.memory_space<hbm>> -> memref<4x128xf32, #tpu.memory_space<hbm>>
      tpu.wait_dma2 semaphore(%run_scoped3A : memref<!tpu.dma_semaphore, #tpu.memory_space<semaphore_mem>>) src(%dma_wait3A_2864 : memref<4x128xf32, #tpu.memory_space<hbm>>) dst(%arg18 : memref<4x128xf32, #tpu.memory_space<vmem>>)
      tpu.yield
    }) : () -> ()
    %dma_start3A = arith.constant 0 : i32
    %dma_start3A_3 = arith.constant 0 : i32
    %dma_start3A_4 = arith.constant 0 : i32
    %dma_start3A_5 = tpu.memref_slice %arg12[%dma_start3A_3, %dma_start3A_4] : memref<4x128xf32, #tpu.memory_space<vmem>> -> memref<1x128xf32, #tpu.memory_space<vmem>>
    %dma_start3A_6 = tpu.memref_squeeze %dma_start3A_5 : memref<1x128xf32, #tpu.memory_space<vmem>> -> memref<128xf32, #tpu.memory_space<vmem>>
    %dma_start3A_7 = arith.constant 0 : i32
    %dma_start3A_8 = tpu.memref_slice %arg11[%dma_start3A, %dma_start3A_7] : memref<4x128xi32, #tpu.memory_space<vmem>> -> memref<1x128xi32, #tpu.memory_space<vmem>>
    %dma_start3A_9 = tpu.memref_squeeze %dma_start3A_8 : memref<1x128xi32, #tpu.memory_space<vmem>> -> memref<128xi32, #tpu.memory_space<vmem>>
    %dma_start3A_10 = arith.constant 0 : i32
    %dma_start3A_11 = tpu.memref_slice %arg2[%dma_start3A_10] : memref<16384xf32, #tpu.memory_space<hbm>> -> memref<16384xf32, #tpu.memory_space<hbm>>
    tpu.enqueue_indirect_dma source(%dma_start3A_11 : memref<16384xf32, #tpu.memory_space<hbm>>) target(%dma_start3A_6 : memref<128xf32, #tpu.memory_space<vmem>>) offsets(%dma_start3A_9 : memref<128xi32, #tpu.memory_space<vmem>>) semaphore(%arg20 : memref<!tpu.dma_semaphore, #tpu.memory_space<semaphore_mem>>)
    %dma_start3A_12 = arith.constant 0 : i32
    %dma_start3A_13 = arith.constant 0 : i32
    %dma_start3A_14 = arith.constant 0 : i32
    %dma_start3A_15 = tpu.memref_slice %arg13[%dma_start3A_13, %dma_start3A_14] : memref<4x128xf32, #tpu.memory_space<vmem>> -> memref<1x128xf32, #tpu.memory_space<vmem>>
    %dma_start3A_16 = tpu.memref_squeeze %dma_start3A_15 : memref<1x128xf32, #tpu.memory_space<vmem>> -> memref<128xf32, #tpu.memory_space<vmem>>
    %dma_start3A_17 = arith.constant 0 : i32
    %dma_start3A_18 = tpu.memref_slice %arg11[%dma_start3A_12, %dma_start3A_17] : memref<4x128xi32, #tpu.memory_space<vmem>> -> memref<1x128xi32, #tpu.memory_space<vmem>>
    %dma_start3A_19 = tpu.memref_squeeze %dma_start3A_18 : memref<1x128xi32, #tpu.memory_space<vmem>> -> memref<128xi32, #tpu.memory_space<vmem>>
    %dma_start3A_20 = arith.constant 0 : i32
    %dma_start3A_21 = tpu.memref_slice %arg3[%dma_start3A_20] : memref<16384xf32, #tpu.memory_space<hbm>> -> memref<16384xf32, #tpu.memory_space<hbm>>
    tpu.enqueue_indirect_dma source(%dma_start3A_21 : memref<16384xf32, #tpu.memory_space<hbm>>) target(%dma_start3A_16 : memref<128xf32, #tpu.memory_space<vmem>>) offsets(%dma_start3A_19 : memref<128xi32, #tpu.memory_space<vmem>>) semaphore(%arg20 : memref<!tpu.dma_semaphore, #tpu.memory_space<semaphore_mem>>)
    %dma_start3A_22 = arith.constant 0 : i32
    %dma_start3A_23 = arith.constant 0 : i32
    %dma_start3A_24 = arith.constant 0 : i32
    %dma_start3A_25 = tpu.memref_slice %arg14[%dma_start3A_23, %dma_start3A_24] : memref<4x128xf32, #tpu.memory_space<vmem>> -> memref<1x128xf32, #tpu.memory_space<vmem>>
    %dma_start3A_26 = tpu.memref_squeeze %dma_start3A_25 : memref<1x128xf32, #tpu.memory_space<vmem>> -> memref<128xf32, #tpu.memory_space<vmem>>
    %dma_start3A_27 = arith.constant 0 : i32
    %dma_start3A_28 = tpu.memref_slice %arg11[%dma_start3A_22, %dma_start3A_27] : memref<4x128xi32, #tpu.memory_space<vmem>> -> memref<1x128xi32, #tpu.memory_space<vmem>>
    %dma_start3A_29 = tpu.memref_squeeze %dma_start3A_28 : memref<1x128xi32, #tpu.memory_space<vmem>> -> memref<128xi32, #tpu.memory_space<vmem>>
    %dma_start3A_30 = arith.constant 0 : i32
    %dma_start3A_31 = tpu.memref_slice %arg4[%dma_start3A_30] : memref<16384xf32, #tpu.memory_space<hbm>> -> memref<16384xf32, #tpu.memory_space<hbm>>
    tpu.enqueue_indirect_dma source(%dma_start3A_31 : memref<16384xf32, #tpu.memory_space<hbm>>) target(%dma_start3A_26 : memref<128xf32, #tpu.memory_space<vmem>>) offsets(%dma_start3A_29 : memref<128xi32, #tpu.memory_space<vmem>>) semaphore(%arg20 : memref<!tpu.dma_semaphore, #tpu.memory_space<semaphore_mem>>)
    %dma_start3A_32 = arith.constant 0 : i32
    %dma_start3A_33 = arith.constant 0 : i32
    %dma_start3A_34 = arith.constant 0 : i32
    %dma_start3A_35 = tpu.memref_slice %arg15[%dma_start3A_33, %dma_start3A_34] : memref<4x128xf32, #tpu.memory_space<vmem>> -> memref<1x128xf32, #tpu.memory_space<vmem>>
    %dma_start3A_36 = tpu.memref_squeeze %dma_start3A_35 : memref<1x128xf32, #tpu.memory_space<vmem>> -> memref<128xf32, #tpu.memory_space<vmem>>
    %dma_start3A_37 = arith.constant 0 : i32
    %dma_start3A_38 = tpu.memref_slice %arg11[%dma_start3A_32, %dma_start3A_37] : memref<4x128xi32, #tpu.memory_space<vmem>> -> memref<1x128xi32, #tpu.memory_space<vmem>>
    %dma_start3A_39 = tpu.memref_squeeze %dma_start3A_38 : memref<1x128xi32, #tpu.memory_space<vmem>> -> memref<128xi32, #tpu.memory_space<vmem>>
    %dma_start3A_40 = arith.constant 0 : i32
    %dma_start3A_41 = tpu.memref_slice %arg5[%dma_start3A_40] : memref<16384xf32, #tpu.memory_space<hbm>> -> memref<16384xf32, #tpu.memory_space<hbm>>
    tpu.enqueue_indirect_dma source(%dma_start3A_41 : memref<16384xf32, #tpu.memory_space<hbm>>) target(%dma_start3A_36 : memref<128xf32, #tpu.memory_space<vmem>>) offsets(%dma_start3A_39 : memref<128xi32, #tpu.memory_space<vmem>>) semaphore(%arg20 : memref<!tpu.dma_semaphore, #tpu.memory_space<semaphore_mem>>)
    %dma_start3A_42 = arith.constant 1 : i32
    %dma_start3A_43 = arith.constant 1 : i32
    %dma_start3A_44 = arith.constant 0 : i32
    %dma_start3A_45 = tpu.memref_slice %arg12[%dma_start3A_43, %dma_start3A_44] : memref<4x128xf32, #tpu.memory_space<vmem>> -> memref<1x128xf32, #tpu.memory_space<vmem>>
    %dma_start3A_46 = tpu.memref_squeeze %dma_start3A_45 : memref<1x128xf32, #tpu.memory_space<vmem>> -> memref<128xf32, #tpu.memory_space<vmem>>
    %dma_start3A_47 = arith.constant 0 : i32
    %dma_start3A_48 = tpu.memref_slice %arg11[%dma_start3A_42, %dma_start3A_47] : memref<4x128xi32, #tpu.memory_space<vmem>> -> memref<1x128xi32, #tpu.memory_space<vmem>>
    %dma_start3A_49 = tpu.memref_squeeze %dma_start3A_48 : memref<1x128xi32, #tpu.memory_space<vmem>> -> memref<128xi32, #tpu.memory_space<vmem>>
    %dma_start3A_50 = arith.constant 0 : i32
    %dma_start3A_51 = tpu.memref_slice %arg2[%dma_start3A_50] : memref<16384xf32, #tpu.memory_space<hbm>> -> memref<16384xf32, #tpu.memory_space<hbm>>
    tpu.enqueue_indirect_dma source(%dma_start3A_51 : memref<16384xf32, #tpu.memory_space<hbm>>) target(%dma_start3A_46 : memref<128xf32, #tpu.memory_space<vmem>>) offsets(%dma_start3A_49 : memref<128xi32, #tpu.memory_space<vmem>>) semaphore(%arg20 : memref<!tpu.dma_semaphore, #tpu.memory_space<semaphore_mem>>)
    %dma_start3A_52 = arith.constant 1 : i32
    %dma_start3A_53 = arith.constant 1 : i32
    %dma_start3A_54 = arith.constant 0 : i32
    %dma_start3A_55 = tpu.memref_slice %arg13[%dma_start3A_53, %dma_start3A_54] : memref<4x128xf32, #tpu.memory_space<vmem>> -> memref<1x128xf32, #tpu.memory_space<vmem>>
    %dma_start3A_56 = tpu.memref_squeeze %dma_start3A_55 : memref<1x128xf32, #tpu.memory_space<vmem>> -> memref<128xf32, #tpu.memory_space<vmem>>
    %dma_start3A_57 = arith.constant 0 : i32
    %dma_start3A_58 = tpu.memref_slice %arg11[%dma_start3A_52, %dma_start3A_57] : memref<4x128xi32, #tpu.memory_space<vmem>> -> memref<1x128xi32, #tpu.memory_space<vmem>>
    %dma_start3A_59 = tpu.memref_squeeze %dma_start3A_58 : memref<1x128xi32, #tpu.memory_space<vmem>> -> memref<128xi32, #tpu.memory_space<vmem>>
    %dma_start3A_60 = arith.constant 0 : i32
    %dma_start3A_61 = tpu.memref_slice %arg3[%dma_start3A_60] : memref<16384xf32, #tpu.memory_space<hbm>> -> memref<16384xf32, #tpu.memory_space<hbm>>
    tpu.enqueue_indirect_dma source(%dma_start3A_61 : memref<16384xf32, #tpu.memory_space<hbm>>) target(%dma_start3A_56 : memref<128xf32, #tpu.memory_space<vmem>>) offsets(%dma_start3A_59 : memref<128xi32, #tpu.memory_space<vmem>>) semaphore(%arg20 : memref<!tpu.dma_semaphore, #tpu.memory_space<semaphore_mem>>)
    %dma_start3A_62 = arith.constant 1 : i32
    %dma_start3A_63 = arith.constant 1 : i32
    %dma_start3A_64 = arith.constant 0 : i32
    %dma_start3A_65 = tpu.memref_slice %arg14[%dma_start3A_63, %dma_start3A_64] : memref<4x128xf32, #tpu.memory_space<vmem>> -> memref<1x128xf32, #tpu.memory_space<vmem>>
    %dma_start3A_66 = tpu.memref_squeeze %dma_start3A_65 : memref<1x128xf32, #tpu.memory_space<vmem>> -> memref<128xf32, #tpu.memory_space<vmem>>
    %dma_start3A_67 = arith.constant 0 : i32
    %dma_start3A_68 = tpu.memref_slice %arg11[%dma_start3A_62, %dma_start3A_67] : memref<4x128xi32, #tpu.memory_space<vmem>> -> memref<1x128xi32, #tpu.memory_space<vmem>>
    %dma_start3A_69 = tpu.memref_squeeze %dma_start3A_68 : memref<1x128xi32, #tpu.memory_space<vmem>> -> memref<128xi32, #tpu.memory_space<vmem>>
    %dma_start3A_70 = arith.constant 0 : i32
    %dma_start3A_71 = tpu.memref_slice %arg4[%dma_start3A_70] : memref<16384xf32, #tpu.memory_space<hbm>> -> memref<16384xf32, #tpu.memory_space<hbm>>
    tpu.enqueue_indirect_dma source(%dma_start3A_71 : memref<16384xf32, #tpu.memory_space<hbm>>) target(%dma_start3A_66 : memref<128xf32, #tpu.memory_space<vmem>>) offsets(%dma_start3A_69 : memref<128xi32, #tpu.memory_space<vmem>>) semaphore(%arg20 : memref<!tpu.dma_semaphore, #tpu.memory_space<semaphore_mem>>)
    %dma_start3A_72 = arith.constant 1 : i32
    %dma_start3A_73 = arith.constant 1 : i32
    %dma_start3A_74 = arith.constant 0 : i32
    %dma_start3A_75 = tpu.memref_slice %arg15[%dma_start3A_73, %dma_start3A_74] : memref<4x128xf32, #tpu.memory_space<vmem>> -> memref<1x128xf32, #tpu.memory_space<vmem>>
    %dma_start3A_76 = tpu.memref_squeeze %dma_start3A_75 : memref<1x128xf32, #tpu.memory_space<vmem>> -> memref<128xf32, #tpu.memory_space<vmem>>
    %dma_start3A_77 = arith.constant 0 : i32
    %dma_start3A_78 = tpu.memref_slice %arg11[%dma_start3A_72, %dma_start3A_77] : memref<4x128xi32, #tpu.memory_space<vmem>> -> memref<1x128xi32, #tpu.memory_space<vmem>>
    %dma_start3A_79 = tpu.memref_squeeze %dma_start3A_78 : memref<1x128xi32, #tpu.memory_space<vmem>> -> memref<128xi32, #tpu.memory_space<vmem>>
    %dma_start3A_80 = arith.constant 0 : i32
    %dma_start3A_81 = tpu.memref_slice %arg5[%dma_start3A_80] : memref<16384xf32, #tpu.memory_space<hbm>> -> memref<16384xf32, #tpu.memory_space<hbm>>
    tpu.enqueue_indirect_dma source(%dma_start3A_81 : memref<16384xf32, #tpu.memory_space<hbm>>) target(%dma_start3A_76 : memref<128xf32, #tpu.memory_space<vmem>>) offsets(%dma_start3A_79 : memref<128xi32, #tpu.memory_space<vmem>>) semaphore(%arg20 : memref<!tpu.dma_semaphore, #tpu.memory_space<semaphore_mem>>)
    %dma_start3A_82 = arith.constant 2 : i32
    %dma_start3A_83 = arith.constant 2 : i32
    %dma_start3A_84 = arith.constant 0 : i32
    %dma_start3A_85 = tpu.memref_slice %arg12[%dma_start3A_83, %dma_start3A_84] : memref<4x128xf32, #tpu.memory_space<vmem>> -> memref<1x128xf32, #tpu.memory_space<vmem>>
    %dma_start3A_86 = tpu.memref_squeeze %dma_start3A_85 : memref<1x128xf32, #tpu.memory_space<vmem>> -> memref<128xf32, #tpu.memory_space<vmem>>
    %dma_start3A_87 = arith.constant 0 : i32
    %dma_start3A_88 = tpu.memref_slice %arg11[%dma_start3A_82, %dma_start3A_87] : memref<4x128xi32, #tpu.memory_space<vmem>> -> memref<1x128xi32, #tpu.memory_space<vmem>>
    %dma_start3A_89 = tpu.memref_squeeze %dma_start3A_88 : memref<1x128xi32, #tpu.memory_space<vmem>> -> memref<128xi32, #tpu.memory_space<vmem>>
    %dma_start3A_90 = arith.constant 0 : i32
    %dma_start3A_91 = tpu.memref_slice %arg2[%dma_start3A_90] : memref<16384xf32, #tpu.memory_space<hbm>> -> memref<16384xf32, #tpu.memory_space<hbm>>
    tpu.enqueue_indirect_dma source(%dma_start3A_91 : memref<16384xf32, #tpu.memory_space<hbm>>) target(%dma_start3A_86 : memref<128xf32, #tpu.memory_space<vmem>>) offsets(%dma_start3A_89 : memref<128xi32, #tpu.memory_space<vmem>>) semaphore(%arg20 : memref<!tpu.dma_semaphore, #tpu.memory_space<semaphore_mem>>)
    %dma_start3A_92 = arith.constant 2 : i32
    %dma_start3A_93 = arith.constant 2 : i32
    %dma_start3A_94 = arith.constant 0 : i32
    %dma_start3A_95 = tpu.memref_slice %arg13[%dma_start3A_93, %dma_start3A_94] : memref<4x128xf32, #tpu.memory_space<vmem>> -> memref<1x128xf32, #tpu.memory_space<vmem>>
    %dma_start3A_96 = tpu.memref_squeeze %dma_start3A_95 : memref<1x128xf32, #tpu.memory_space<vmem>> -> memref<128xf32, #tpu.memory_space<vmem>>
    %dma_start3A_97 = arith.constant 0 : i32
    %dma_start3A_98 = tpu.memref_slice %arg11[%dma_start3A_92, %dma_start3A_97] : memref<4x128xi32, #tpu.memory_space<vmem>> -> memref<1x128xi32, #tpu.memory_space<vmem>>
    %dma_start3A_99 = tpu.memref_squeeze %dma_start3A_98 : memref<1x128xi32, #tpu.memory_space<vmem>> -> memref<128xi32, #tpu.memory_space<vmem>>
    %dma_start3A_100 = arith.constant 0 : i32
    %dma_start3A_101 = tpu.memref_slice %arg3[%dma_start3A_100] : memref<16384xf32, #tpu.memory_space<hbm>> -> memref<16384xf32, #tpu.memory_space<hbm>>
    tpu.enqueue_indirect_dma source(%dma_start3A_101 : memref<16384xf32, #tpu.memory_space<hbm>>) target(%dma_start3A_96 : memref<128xf32, #tpu.memory_space<vmem>>) offsets(%dma_start3A_99 : memref<128xi32, #tpu.memory_space<vmem>>) semaphore(%arg20 : memref<!tpu.dma_semaphore, #tpu.memory_space<semaphore_mem>>)
    %dma_start3A_102 = arith.constant 2 : i32
    %dma_start3A_103 = arith.constant 2 : i32
    %dma_start3A_104 = arith.constant 0 : i32
    %dma_start3A_105 = tpu.memref_slice %arg14[%dma_start3A_103, %dma_start3A_104] : memref<4x128xf32, #tpu.memory_space<vmem>> -> memref<1x128xf32, #tpu.memory_space<vmem>>
    %dma_start3A_106 = tpu.memref_squeeze %dma_start3A_105 : memref<1x128xf32, #tpu.memory_space<vmem>> -> memref<128xf32, #tpu.memory_space<vmem>>
    %dma_start3A_107 = arith.constant 0 : i32
    %dma_start3A_108 = tpu.memref_slice %arg11[%dma_start3A_102, %dma_start3A_107] : memref<4x128xi32, #tpu.memory_space<vmem>> -> memref<1x128xi32, #tpu.memory_space<vmem>>
    %dma_start3A_109 = tpu.memref_squeeze %dma_start3A_108 : memref<1x128xi32, #tpu.memory_space<vmem>> -> memref<128xi32, #tpu.memory_space<vmem>>
    %dma_start3A_110 = arith.constant 0 : i32
    %dma_start3A_111 = tpu.memref_slice %arg4[%dma_start3A_110] : memref<16384xf32, #tpu.memory_space<hbm>> -> memref<16384xf32, #tpu.memory_space<hbm>>
    tpu.enqueue_indirect_dma source(%dma_start3A_111 : memref<16384xf32, #tpu.memory_space<hbm>>) target(%dma_start3A_106 : memref<128xf32, #tpu.memory_space<vmem>>) offsets(%dma_start3A_109 : memref<128xi32, #tpu.memory_space<vmem>>) semaphore(%arg20 : memref<!tpu.dma_semaphore, #tpu.memory_space<semaphore_mem>>)
    %dma_start3A_112 = arith.constant 2 : i32
    %dma_start3A_113 = arith.constant 2 : i32
    %dma_start3A_114 = arith.constant 0 : i32
    %dma_start3A_115 = tpu.memref_slice %arg15[%dma_start3A_113, %dma_start3A_114] : memref<4x128xf32, #tpu.memory_space<vmem>> -> memref<1x128xf32, #tpu.memory_space<vmem>>
    %dma_start3A_116 = tpu.memref_squeeze %dma_start3A_115 : memref<1x128xf32, #tpu.memory_space<vmem>> -> memref<128xf32, #tpu.memory_space<vmem>>
    %dma_start3A_117 = arith.constant 0 : i32
    %dma_start3A_118 = tpu.memref_slice %arg11[%dma_start3A_112, %dma_start3A_117] : memref<4x128xi32, #tpu.memory_space<vmem>> -> memref<1x128xi32, #tpu.memory_space<vmem>>
    %dma_start3A_119 = tpu.memref_squeeze %dma_start3A_118 : memref<1x128xi32, #tpu.memory_space<vmem>> -> memref<128xi32, #tpu.memory_space<vmem>>
    %dma_start3A_120 = arith.constant 0 : i32
    %dma_start3A_121 = tpu.memref_slice %arg5[%dma_start3A_120] : memref<16384xf32, #tpu.memory_space<hbm>> -> memref<16384xf32, #tpu.memory_space<hbm>>
    tpu.enqueue_indirect_dma source(%dma_start3A_121 : memref<16384xf32, #tpu.memory_space<hbm>>) target(%dma_start3A_116 : memref<128xf32, #tpu.memory_space<vmem>>) offsets(%dma_start3A_119 : memref<128xi32, #tpu.memory_space<vmem>>) semaphore(%arg20 : memref<!tpu.dma_semaphore, #tpu.memory_space<semaphore_mem>>)
    %dma_start3A_122 = arith.constant 3 : i32
    %dma_start3A_123 = arith.constant 3 : i32
    %dma_start3A_124 = arith.constant 0 : i32
    %dma_start3A_125 = tpu.memref_slice %arg12[%dma_start3A_123, %dma_start3A_124] : memref<4x128xf32, #tpu.memory_space<vmem>> -> memref<1x128xf32, #tpu.memory_space<vmem>>
    %dma_start3A_126 = tpu.memref_squeeze %dma_start3A_125 : memref<1x128xf32, #tpu.memory_space<vmem>> -> memref<128xf32, #tpu.memory_space<vmem>>
    %dma_start3A_127 = arith.constant 0 : i32
    %dma_start3A_128 = tpu.memref_slice %arg11[%dma_start3A_122, %dma_start3A_127] : memref<4x128xi32, #tpu.memory_space<vmem>> -> memref<1x128xi32, #tpu.memory_space<vmem>>
    %dma_start3A_129 = tpu.memref_squeeze %dma_start3A_128 : memref<1x128xi32, #tpu.memory_space<vmem>> -> memref<128xi32, #tpu.memory_space<vmem>>
    %dma_start3A_130 = arith.constant 0 : i32
    %dma_start3A_131 = tpu.memref_slice %arg2[%dma_start3A_130] : memref<16384xf32, #tpu.memory_space<hbm>> -> memref<16384xf32, #tpu.memory_space<hbm>>
    tpu.enqueue_indirect_dma source(%dma_start3A_131 : memref<16384xf32, #tpu.memory_space<hbm>>) target(%dma_start3A_126 : memref<128xf32, #tpu.memory_space<vmem>>) offsets(%dma_start3A_129 : memref<128xi32, #tpu.memory_space<vmem>>) semaphore(%arg20 : memref<!tpu.dma_semaphore, #tpu.memory_space<semaphore_mem>>)
    %dma_start3A_132 = arith.constant 3 : i32
    %dma_start3A_133 = arith.constant 3 : i32
    %dma_start3A_134 = arith.constant 0 : i32
    %dma_start3A_135 = tpu.memref_slice %arg13[%dma_start3A_133, %dma_start3A_134] : memref<4x128xf32, #tpu.memory_space<vmem>> -> memref<1x128xf32, #tpu.memory_space<vmem>>
    %dma_start3A_136 = tpu.memref_squeeze %dma_start3A_135 : memref<1x128xf32, #tpu.memory_space<vmem>> -> memref<128xf32, #tpu.memory_space<vmem>>
    %dma_start3A_137 = arith.constant 0 : i32
    %dma_start3A_138 = tpu.memref_slice %arg11[%dma_start3A_132, %dma_start3A_137] : memref<4x128xi32, #tpu.memory_space<vmem>> -> memref<1x128xi32, #tpu.memory_space<vmem>>
    %dma_start3A_139 = tpu.memref_squeeze %dma_start3A_138 : memref<1x128xi32, #tpu.memory_space<vmem>> -> memref<128xi32, #tpu.memory_space<vmem>>
    %dma_start3A_140 = arith.constant 0 : i32
    %dma_start3A_141 = tpu.memref_slice %arg3[%dma_start3A_140] : memref<16384xf32, #tpu.memory_space<hbm>> -> memref<16384xf32, #tpu.memory_space<hbm>>
    tpu.enqueue_indirect_dma source(%dma_start3A_141 : memref<16384xf32, #tpu.memory_space<hbm>>) target(%dma_start3A_136 : memref<128xf32, #tpu.memory_space<vmem>>) offsets(%dma_start3A_139 : memref<128xi32, #tpu.memory_space<vmem>>) semaphore(%arg20 : memref<!tpu.dma_semaphore, #tpu.memory_space<semaphore_mem>>)
    %dma_start3A_142 = arith.constant 3 : i32
    %dma_start3A_143 = arith.constant 3 : i32
    %dma_start3A_144 = arith.constant 0 : i32
    %dma_start3A_145 = tpu.memref_slice %arg14[%dma_start3A_143, %dma_start3A_144] : memref<4x128xf32, #tpu.memory_space<vmem>> -> memref<1x128xf32, #tpu.memory_space<vmem>>
    %dma_start3A_146 = tpu.memref_squeeze %dma_start3A_145 : memref<1x128xf32, #tpu.memory_space<vmem>> -> memref<128xf32, #tpu.memory_space<vmem>>
    %dma_start3A_147 = arith.constant 0 : i32
    %dma_start3A_148 = tpu.memref_slice %arg11[%dma_start3A_142, %dma_start3A_147] : memref<4x128xi32, #tpu.memory_space<vmem>> -> memref<1x128xi32, #tpu.memory_space<vmem>>
    %dma_start3A_149 = tpu.memref_squeeze %dma_start3A_148 : memref<1x128xi32, #tpu.memory_space<vmem>> -> memref<128xi32, #tpu.memory_space<vmem>>
    %dma_start3A_150 = arith.constant 0 : i32
    %dma_start3A_151 = tpu.memref_slice %arg4[%dma_start3A_150] : memref<16384xf32, #tpu.memory_space<hbm>> -> memref<16384xf32, #tpu.memory_space<hbm>>
    tpu.enqueue_indirect_dma source(%dma_start3A_151 : memref<16384xf32, #tpu.memory_space<hbm>>) target(%dma_start3A_146 : memref<128xf32, #tpu.memory_space<vmem>>) offsets(%dma_start3A_149 : memref<128xi32, #tpu.memory_space<vmem>>) semaphore(%arg20 : memref<!tpu.dma_semaphore, #tpu.memory_space<semaphore_mem>>)
    %dma_start3A_152 = arith.constant 3 : i32
    %dma_start3A_153 = arith.constant 3 : i32
    %dma_start3A_154 = arith.constant 0 : i32
    %dma_start3A_155 = tpu.memref_slice %arg15[%dma_start3A_153, %dma_start3A_154] : memref<4x128xf32, #tpu.memory_space<vmem>> -> memref<1x128xf32, #tpu.memory_space<vmem>>
    %dma_start3A_156 = tpu.memref_squeeze %dma_start3A_155 : memref<1x128xf32, #tpu.memory_space<vmem>> -> memref<128xf32, #tpu.memory_space<vmem>>
    %dma_start3A_157 = arith.constant 0 : i32
    %dma_start3A_158 = tpu.memref_slice %arg11[%dma_start3A_152, %dma_start3A_157] : memref<4x128xi32, #tpu.memory_space<vmem>> -> memref<1x128xi32, #tpu.memory_space<vmem>>
    %dma_start3A_159 = tpu.memref_squeeze %dma_start3A_158 : memref<1x128xi32, #tpu.memory_space<vmem>> -> memref<128xi32, #tpu.memory_space<vmem>>
    %dma_start3A_160 = arith.constant 0 : i32
    %dma_start3A_161 = tpu.memref_slice %arg5[%dma_start3A_160] : memref<16384xf32, #tpu.memory_space<hbm>> -> memref<16384xf32, #tpu.memory_space<hbm>>
    tpu.enqueue_indirect_dma source(%dma_start3A_161 : memref<16384xf32, #tpu.memory_space<hbm>>) target(%dma_start3A_156 : memref<128xf32, #tpu.memory_space<vmem>>) offsets(%dma_start3A_159 : memref<128xi32, #tpu.memory_space<vmem>>) semaphore(%arg20 : memref<!tpu.dma_semaphore, #tpu.memory_space<semaphore_mem>>)
    %dma_wait3A = arith.constant 0 : i32
    %dma_wait3A_162 = arith.constant 0 : i32
    %dma_wait3A_163 = arith.constant 0 : i32
    %dma_wait3A_164 = tpu.memref_slice %arg12[%dma_wait3A_162, %dma_wait3A_163] : memref<4x128xf32, #tpu.memory_space<vmem>> -> memref<1x128xf32, #tpu.memory_space<vmem>>
    %dma_wait3A_165 = tpu.memref_squeeze %dma_wait3A_164 : memref<1x128xf32, #tpu.memory_space<vmem>> -> memref<128xf32, #tpu.memory_space<vmem>>
    %dma_wait3A_166 = arith.constant 0 : i32
    %dma_wait3A_167 = tpu.memref_slice %arg11[%dma_wait3A, %dma_wait3A_166] : memref<4x128xi32, #tpu.memory_space<vmem>> -> memref<1x128xi32, #tpu.memory_space<vmem>>
    %dma_wait3A_168 = tpu.memref_squeeze %dma_wait3A_167 : memref<1x128xi32, #tpu.memory_space<vmem>> -> memref<128xi32, #tpu.memory_space<vmem>>
    %dma_wait3A_169 = arith.constant 0 : i32
    %dma_wait3A_170 = tpu.memref_slice %arg2[%dma_wait3A_169] : memref<16384xf32, #tpu.memory_space<hbm>> -> memref<16384xf32, #tpu.memory_space<hbm>>
    tpu.wait_indirect_dma semaphore(%arg20 : memref<!tpu.dma_semaphore, #tpu.memory_space<semaphore_mem>>) src(%dma_wait3A_170 : memref<16384xf32, #tpu.memory_space<hbm>>) dst(%dma_wait3A_165 : memref<128xf32, #tpu.memory_space<vmem>>)
    %dma_wait3A_171 = arith.constant 0 : i32
    %dma_wait3A_172 = arith.constant 0 : i32
    %dma_wait3A_173 = arith.constant 0 : i32
    %dma_wait3A_174 = tpu.memref_slice %arg13[%dma_wait3A_172, %dma_wait3A_173] : memref<4x128xf32, #tpu.memory_space<vmem>> -> memref<1x128xf32, #tpu.memory_space<vmem>>
    %dma_wait3A_175 = tpu.memref_squeeze %dma_wait3A_174 : memref<1x128xf32, #tpu.memory_space<vmem>> -> memref<128xf32, #tpu.memory_space<vmem>>
    %dma_wait3A_176 = arith.constant 0 : i32
    %dma_wait3A_177 = tpu.memref_slice %arg11[%dma_wait3A_171, %dma_wait3A_176] : memref<4x128xi32, #tpu.memory_space<vmem>> -> memref<1x128xi32, #tpu.memory_space<vmem>>
    %dma_wait3A_178 = tpu.memref_squeeze %dma_wait3A_177 : memref<1x128xi32, #tpu.memory_space<vmem>> -> memref<128xi32, #tpu.memory_space<vmem>>
    %dma_wait3A_179 = arith.constant 0 : i32
    %dma_wait3A_180 = tpu.memref_slice %arg3[%dma_wait3A_179] : memref<16384xf32, #tpu.memory_space<hbm>> -> memref<16384xf32, #tpu.memory_space<hbm>>
    tpu.wait_indirect_dma semaphore(%arg20 : memref<!tpu.dma_semaphore, #tpu.memory_space<semaphore_mem>>) src(%dma_wait3A_180 : memref<16384xf32, #tpu.memory_space<hbm>>) dst(%dma_wait3A_175 : memref<128xf32, #tpu.memory_space<vmem>>)
    %dma_wait3A_181 = arith.constant 0 : i32
    %dma_wait3A_182 = arith.constant 0 : i32
    %dma_wait3A_183 = arith.constant 0 : i32
    %dma_wait3A_184 = tpu.memref_slice %arg14[%dma_wait3A_182, %dma_wait3A_183] : memref<4x128xf32, #tpu.memory_space<vmem>> -> memref<1x128xf32, #tpu.memory_space<vmem>>
    %dma_wait3A_185 = tpu.memref_squeeze %dma_wait3A_184 : memref<1x128xf32, #tpu.memory_space<vmem>> -> memref<128xf32, #tpu.memory_space<vmem>>
    %dma_wait3A_186 = arith.constant 0 : i32
    %dma_wait3A_187 = tpu.memref_slice %arg11[%dma_wait3A_181, %dma_wait3A_186] : memref<4x128xi32, #tpu.memory_space<vmem>> -> memref<1x128xi32, #tpu.memory_space<vmem>>
    %dma_wait3A_188 = tpu.memref_squeeze %dma_wait3A_187 : memref<1x128xi32, #tpu.memory_space<vmem>> -> memref<128xi32, #tpu.memory_space<vmem>>
    %dma_wait3A_189 = arith.constant 0 : i32
    %dma_wait3A_190 = tpu.memref_slice %arg4[%dma_wait3A_189] : memref<16384xf32, #tpu.memory_space<hbm>> -> memref<16384xf32, #tpu.memory_space<hbm>>
    tpu.wait_indirect_dma semaphore(%arg20 : memref<!tpu.dma_semaphore, #tpu.memory_space<semaphore_mem>>) src(%dma_wait3A_190 : memref<16384xf32, #tpu.memory_space<hbm>>) dst(%dma_wait3A_185 : memref<128xf32, #tpu.memory_space<vmem>>)
    %dma_wait3A_191 = arith.constant 0 : i32
    %dma_wait3A_192 = arith.constant 0 : i32
    %dma_wait3A_193 = arith.constant 0 : i32
    %dma_wait3A_194 = tpu.memref_slice %arg15[%dma_wait3A_192, %dma_wait3A_193] : memref<4x128xf32, #tpu.memory_space<vmem>> -> memref<1x128xf32, #tpu.memory_space<vmem>>
    %dma_wait3A_195 = tpu.memref_squeeze %dma_wait3A_194 : memref<1x128xf32, #tpu.memory_space<vmem>> -> memref<128xf32, #tpu.memory_space<vmem>>
    %dma_wait3A_196 = arith.constant 0 : i32
    %dma_wait3A_197 = tpu.memref_slice %arg11[%dma_wait3A_191, %dma_wait3A_196] : memref<4x128xi32, #tpu.memory_space<vmem>> -> memref<1x128xi32, #tpu.memory_space<vmem>>
    %dma_wait3A_198 = tpu.memref_squeeze %dma_wait3A_197 : memref<1x128xi32, #tpu.memory_space<vmem>> -> memref<128xi32, #tpu.memory_space<vmem>>
    %dma_wait3A_199 = arith.constant 0 : i32
    %dma_wait3A_200 = tpu.memref_slice %arg5[%dma_wait3A_199] : memref<16384xf32, #tpu.memory_space<hbm>> -> memref<16384xf32, #tpu.memory_space<hbm>>
    tpu.wait_indirect_dma semaphore(%arg20 : memref<!tpu.dma_semaphore, #tpu.memory_space<semaphore_mem>>) src(%dma_wait3A_200 : memref<16384xf32, #tpu.memory_space<hbm>>) dst(%dma_wait3A_195 : memref<128xf32, #tpu.memory_space<vmem>>)
    %dma_wait3A_201 = arith.constant 1 : i32
    %dma_wait3A_202 = arith.constant 1 : i32
    %dma_wait3A_203 = arith.constant 0 : i32
    %dma_wait3A_204 = tpu.memref_slice %arg12[%dma_wait3A_202, %dma_wait3A_203] : memref<4x128xf32, #tpu.memory_space<vmem>> -> memref<1x128xf32, #tpu.memory_space<vmem>>
    %dma_wait3A_205 = tpu.memref_squeeze %dma_wait3A_204 : memref<1x128xf32, #tpu.memory_space<vmem>> -> memref<128xf32, #tpu.memory_space<vmem>>
    %dma_wait3A_206 = arith.constant 0 : i32
    %dma_wait3A_207 = tpu.memref_slice %arg11[%dma_wait3A_201, %dma_wait3A_206] : memref<4x128xi32, #tpu.memory_space<vmem>> -> memref<1x128xi32, #tpu.memory_space<vmem>>
    %dma_wait3A_208 = tpu.memref_squeeze %dma_wait3A_207 : memref<1x128xi32, #tpu.memory_space<vmem>> -> memref<128xi32, #tpu.memory_space<vmem>>
    %dma_wait3A_209 = arith.constant 0 : i32
    %dma_wait3A_210 = tpu.memref_slice %arg2[%dma_wait3A_209] : memref<16384xf32, #tpu.memory_space<hbm>> -> memref<16384xf32, #tpu.memory_space<hbm>>
    tpu.wait_indirect_dma semaphore(%arg20 : memref<!tpu.dma_semaphore, #tpu.memory_space<semaphore_mem>>) src(%dma_wait3A_210 : memref<16384xf32, #tpu.memory_space<hbm>>) dst(%dma_wait3A_205 : memref<128xf32, #tpu.memory_space<vmem>>)
    %dma_wait3A_211 = arith.constant 1 : i32
    %dma_wait3A_212 = arith.constant 1 : i32
    %dma_wait3A_213 = arith.constant 0 : i32
    %dma_wait3A_214 = tpu.memref_slice %arg13[%dma_wait3A_212, %dma_wait3A_213] : memref<4x128xf32, #tpu.memory_space<vmem>> -> memref<1x128xf32, #tpu.memory_space<vmem>>
    %dma_wait3A_215 = tpu.memref_squeeze %dma_wait3A_214 : memref<1x128xf32, #tpu.memory_space<vmem>> -> memref<128xf32, #tpu.memory_space<vmem>>
    %dma_wait3A_216 = arith.constant 0 : i32
    %dma_wait3A_217 = tpu.memref_slice %arg11[%dma_wait3A_211, %dma_wait3A_216] : memref<4x128xi32, #tpu.memory_space<vmem>> -> memref<1x128xi32, #tpu.memory_space<vmem>>
    %dma_wait3A_218 = tpu.memref_squeeze %dma_wait3A_217 : memref<1x128xi32, #tpu.memory_space<vmem>> -> memref<128xi32, #tpu.memory_space<vmem>>
    %dma_wait3A_219 = arith.constant 0 : i32
    %dma_wait3A_220 = tpu.memref_slice %arg3[%dma_wait3A_219] : memref<16384xf32, #tpu.memory_space<hbm>> -> memref<16384xf32, #tpu.memory_space<hbm>>
    tpu.wait_indirect_dma semaphore(%arg20 : memref<!tpu.dma_semaphore, #tpu.memory_space<semaphore_mem>>) src(%dma_wait3A_220 : memref<16384xf32, #tpu.memory_space<hbm>>) dst(%dma_wait3A_215 : memref<128xf32, #tpu.memory_space<vmem>>)
    %dma_wait3A_221 = arith.constant 1 : i32
    %dma_wait3A_222 = arith.constant 1 : i32
    %dma_wait3A_223 = arith.constant 0 : i32
    %dma_wait3A_224 = tpu.memref_slice %arg14[%dma_wait3A_222, %dma_wait3A_223] : memref<4x128xf32, #tpu.memory_space<vmem>> -> memref<1x128xf32, #tpu.memory_space<vmem>>
    %dma_wait3A_225 = tpu.memref_squeeze %dma_wait3A_224 : memref<1x128xf32, #tpu.memory_space<vmem>> -> memref<128xf32, #tpu.memory_space<vmem>>
    %dma_wait3A_226 = arith.constant 0 : i32
    %dma_wait3A_227 = tpu.memref_slice %arg11[%dma_wait3A_221, %dma_wait3A_226] : memref<4x128xi32, #tpu.memory_space<vmem>> -> memref<1x128xi32, #tpu.memory_space<vmem>>
    %dma_wait3A_228 = tpu.memref_squeeze %dma_wait3A_227 : memref<1x128xi32, #tpu.memory_space<vmem>> -> memref<128xi32, #tpu.memory_space<vmem>>
    %dma_wait3A_229 = arith.constant 0 : i32
    %dma_wait3A_230 = tpu.memref_slice %arg4[%dma_wait3A_229] : memref<16384xf32, #tpu.memory_space<hbm>> -> memref<16384xf32, #tpu.memory_space<hbm>>
    tpu.wait_indirect_dma semaphore(%arg20 : memref<!tpu.dma_semaphore, #tpu.memory_space<semaphore_mem>>) src(%dma_wait3A_230 : memref<16384xf32, #tpu.memory_space<hbm>>) dst(%dma_wait3A_225 : memref<128xf32, #tpu.memory_space<vmem>>)
    %dma_wait3A_231 = arith.constant 1 : i32
    %dma_wait3A_232 = arith.constant 1 : i32
    %dma_wait3A_233 = arith.constant 0 : i32
    %dma_wait3A_234 = tpu.memref_slice %arg15[%dma_wait3A_232, %dma_wait3A_233] : memref<4x128xf32, #tpu.memory_space<vmem>> -> memref<1x128xf32, #tpu.memory_space<vmem>>
    %dma_wait3A_235 = tpu.memref_squeeze %dma_wait3A_234 : memref<1x128xf32, #tpu.memory_space<vmem>> -> memref<128xf32, #tpu.memory_space<vmem>>
    %dma_wait3A_236 = arith.constant 0 : i32
    %dma_wait3A_237 = tpu.memref_slice %arg11[%dma_wait3A_231, %dma_wait3A_236] : memref<4x128xi32, #tpu.memory_space<vmem>> -> memref<1x128xi32, #tpu.memory_space<vmem>>
    %dma_wait3A_238 = tpu.memref_squeeze %dma_wait3A_237 : memref<1x128xi32, #tpu.memory_space<vmem>> -> memref<128xi32, #tpu.memory_space<vmem>>
    %dma_wait3A_239 = arith.constant 0 : i32
    %dma_wait3A_240 = tpu.memref_slice %arg5[%dma_wait3A_239] : memref<16384xf32, #tpu.memory_space<hbm>> -> memref<16384xf32, #tpu.memory_space<hbm>>
    tpu.wait_indirect_dma semaphore(%arg20 : memref<!tpu.dma_semaphore, #tpu.memory_space<semaphore_mem>>) src(%dma_wait3A_240 : memref<16384xf32, #tpu.memory_space<hbm>>) dst(%dma_wait3A_235 : memref<128xf32, #tpu.memory_space<vmem>>)
    %dma_wait3A_241 = arith.constant 2 : i32
    %dma_wait3A_242 = arith.constant 2 : i32
    %dma_wait3A_243 = arith.constant 0 : i32
    %dma_wait3A_244 = tpu.memref_slice %arg12[%dma_wait3A_242, %dma_wait3A_243] : memref<4x128xf32, #tpu.memory_space<vmem>> -> memref<1x128xf32, #tpu.memory_space<vmem>>
    %dma_wait3A_245 = tpu.memref_squeeze %dma_wait3A_244 : memref<1x128xf32, #tpu.memory_space<vmem>> -> memref<128xf32, #tpu.memory_space<vmem>>
    %dma_wait3A_246 = arith.constant 0 : i32
    %dma_wait3A_247 = tpu.memref_slice %arg11[%dma_wait3A_241, %dma_wait3A_246] : memref<4x128xi32, #tpu.memory_space<vmem>> -> memref<1x128xi32, #tpu.memory_space<vmem>>
    %dma_wait3A_248 = tpu.memref_squeeze %dma_wait3A_247 : memref<1x128xi32, #tpu.memory_space<vmem>> -> memref<128xi32, #tpu.memory_space<vmem>>
    %dma_wait3A_249 = arith.constant 0 : i32
    %dma_wait3A_250 = tpu.memref_slice %arg2[%dma_wait3A_249] : memref<16384xf32, #tpu.memory_space<hbm>> -> memref<16384xf32, #tpu.memory_space<hbm>>
    tpu.wait_indirect_dma semaphore(%arg20 : memref<!tpu.dma_semaphore, #tpu.memory_space<semaphore_mem>>) src(%dma_wait3A_250 : memref<16384xf32, #tpu.memory_space<hbm>>) dst(%dma_wait3A_245 : memref<128xf32, #tpu.memory_space<vmem>>)
    %dma_wait3A_251 = arith.constant 2 : i32
    %dma_wait3A_252 = arith.constant 2 : i32
    %dma_wait3A_253 = arith.constant 0 : i32
    %dma_wait3A_254 = tpu.memref_slice %arg13[%dma_wait3A_252, %dma_wait3A_253] : memref<4x128xf32, #tpu.memory_space<vmem>> -> memref<1x128xf32, #tpu.memory_space<vmem>>
    %dma_wait3A_255 = tpu.memref_squeeze %dma_wait3A_254 : memref<1x128xf32, #tpu.memory_space<vmem>> -> memref<128xf32, #tpu.memory_space<vmem>>
    %dma_wait3A_256 = arith.constant 0 : i32
    %dma_wait3A_257 = tpu.memref_slice %arg11[%dma_wait3A_251, %dma_wait3A_256] : memref<4x128xi32, #tpu.memory_space<vmem>> -> memref<1x128xi32, #tpu.memory_space<vmem>>
    %dma_wait3A_258 = tpu.memref_squeeze %dma_wait3A_257 : memref<1x128xi32, #tpu.memory_space<vmem>> -> memref<128xi32, #tpu.memory_space<vmem>>
    %dma_wait3A_259 = arith.constant 0 : i32
    %dma_wait3A_260 = tpu.memref_slice %arg3[%dma_wait3A_259] : memref<16384xf32, #tpu.memory_space<hbm>> -> memref<16384xf32, #tpu.memory_space<hbm>>
    tpu.wait_indirect_dma semaphore(%arg20 : memref<!tpu.dma_semaphore, #tpu.memory_space<semaphore_mem>>) src(%dma_wait3A_260 : memref<16384xf32, #tpu.memory_space<hbm>>) dst(%dma_wait3A_255 : memref<128xf32, #tpu.memory_space<vmem>>)
    %dma_wait3A_261 = arith.constant 2 : i32
    %dma_wait3A_262 = arith.constant 2 : i32
    %dma_wait3A_263 = arith.constant 0 : i32
    %dma_wait3A_264 = tpu.memref_slice %arg14[%dma_wait3A_262, %dma_wait3A_263] : memref<4x128xf32, #tpu.memory_space<vmem>> -> memref<1x128xf32, #tpu.memory_space<vmem>>
    %dma_wait3A_265 = tpu.memref_squeeze %dma_wait3A_264 : memref<1x128xf32, #tpu.memory_space<vmem>> -> memref<128xf32, #tpu.memory_space<vmem>>
    %dma_wait3A_266 = arith.constant 0 : i32
    %dma_wait3A_267 = tpu.memref_slice %arg11[%dma_wait3A_261, %dma_wait3A_266] : memref<4x128xi32, #tpu.memory_space<vmem>> -> memref<1x128xi32, #tpu.memory_space<vmem>>
    %dma_wait3A_268 = tpu.memref_squeeze %dma_wait3A_267 : memref<1x128xi32, #tpu.memory_space<vmem>> -> memref<128xi32, #tpu.memory_space<vmem>>
    %dma_wait3A_269 = arith.constant 0 : i32
    %dma_wait3A_270 = tpu.memref_slice %arg4[%dma_wait3A_269] : memref<16384xf32, #tpu.memory_space<hbm>> -> memref<16384xf32, #tpu.memory_space<hbm>>
    tpu.wait_indirect_dma semaphore(%arg20 : memref<!tpu.dma_semaphore, #tpu.memory_space<semaphore_mem>>) src(%dma_wait3A_270 : memref<16384xf32, #tpu.memory_space<hbm>>) dst(%dma_wait3A_265 : memref<128xf32, #tpu.memory_space<vmem>>)
    %dma_wait3A_271 = arith.constant 2 : i32
    %dma_wait3A_272 = arith.constant 2 : i32
    %dma_wait3A_273 = arith.constant 0 : i32
    %dma_wait3A_274 = tpu.memref_slice %arg15[%dma_wait3A_272, %dma_wait3A_273] : memref<4x128xf32, #tpu.memory_space<vmem>> -> memref<1x128xf32, #tpu.memory_space<vmem>>
    %dma_wait3A_275 = tpu.memref_squeeze %dma_wait3A_274 : memref<1x128xf32, #tpu.memory_space<vmem>> -> memref<128xf32, #tpu.memory_space<vmem>>
    %dma_wait3A_276 = arith.constant 0 : i32
    %dma_wait3A_277 = tpu.memref_slice %arg11[%dma_wait3A_271, %dma_wait3A_276] : memref<4x128xi32, #tpu.memory_space<vmem>> -> memref<1x128xi32, #tpu.memory_space<vmem>>
    %dma_wait3A_278 = tpu.memref_squeeze %dma_wait3A_277 : memref<1x128xi32, #tpu.memory_space<vmem>> -> memref<128xi32, #tpu.memory_space<vmem>>
    %dma_wait3A_279 = arith.constant 0 : i32
    %dma_wait3A_280 = tpu.memref_slice %arg5[%dma_wait3A_279] : memref<16384xf32, #tpu.memory_space<hbm>> -> memref<16384xf32, #tpu.memory_space<hbm>>
    tpu.wait_indirect_dma semaphore(%arg20 : memref<!tpu.dma_semaphore, #tpu.memory_space<semaphore_mem>>) src(%dma_wait3A_280 : memref<16384xf32, #tpu.memory_space<hbm>>) dst(%dma_wait3A_275 : memref<128xf32, #tpu.memory_space<vmem>>)
    %dma_wait3A_281 = arith.constant 3 : i32
    %dma_wait3A_282 = arith.constant 3 : i32
    %dma_wait3A_283 = arith.constant 0 : i32
    %dma_wait3A_284 = tpu.memref_slice %arg12[%dma_wait3A_282, %dma_wait3A_283] : memref<4x128xf32, #tpu.memory_space<vmem>> -> memref<1x128xf32, #tpu.memory_space<vmem>>
    %dma_wait3A_285 = tpu.memref_squeeze %dma_wait3A_284 : memref<1x128xf32, #tpu.memory_space<vmem>> -> memref<128xf32, #tpu.memory_space<vmem>>
    %dma_wait3A_286 = arith.constant 0 : i32
    %dma_wait3A_287 = tpu.memref_slice %arg11[%dma_wait3A_281, %dma_wait3A_286] : memref<4x128xi32, #tpu.memory_space<vmem>> -> memref<1x128xi32, #tpu.memory_space<vmem>>
    %dma_wait3A_288 = tpu.memref_squeeze %dma_wait3A_287 : memref<1x128xi32, #tpu.memory_space<vmem>> -> memref<128xi32, #tpu.memory_space<vmem>>
    %dma_wait3A_289 = arith.constant 0 : i32
    %dma_wait3A_290 = tpu.memref_slice %arg2[%dma_wait3A_289] : memref<16384xf32, #tpu.memory_space<hbm>> -> memref<16384xf32, #tpu.memory_space<hbm>>
    tpu.wait_indirect_dma semaphore(%arg20 : memref<!tpu.dma_semaphore, #tpu.memory_space<semaphore_mem>>) src(%dma_wait3A_290 : memref<16384xf32, #tpu.memory_space<hbm>>) dst(%dma_wait3A_285 : memref<128xf32, #tpu.memory_space<vmem>>)
    %dma_wait3A_291 = arith.constant 3 : i32
    %dma_wait3A_292 = arith.constant 3 : i32
    %dma_wait3A_293 = arith.constant 0 : i32
    %dma_wait3A_294 = tpu.memref_slice %arg13[%dma_wait3A_292, %dma_wait3A_293] : memref<4x128xf32, #tpu.memory_space<vmem>> -> memref<1x128xf32, #tpu.memory_space<vmem>>
    %dma_wait3A_295 = tpu.memref_squeeze %dma_wait3A_294 : memref<1x128xf32, #tpu.memory_space<vmem>> -> memref<128xf32, #tpu.memory_space<vmem>>
    %dma_wait3A_296 = arith.constant 0 : i32
    %dma_wait3A_297 = tpu.memref_slice %arg11[%dma_wait3A_291, %dma_wait3A_296] : memref<4x128xi32, #tpu.memory_space<vmem>> -> memref<1x128xi32, #tpu.memory_space<vmem>>
    %dma_wait3A_298 = tpu.memref_squeeze %dma_wait3A_297 : memref<1x128xi32, #tpu.memory_space<vmem>> -> memref<128xi32, #tpu.memory_space<vmem>>
    %dma_wait3A_299 = arith.constant 0 : i32
    %dma_wait3A_300 = tpu.memref_slice %arg3[%dma_wait3A_299] : memref<16384xf32, #tpu.memory_space<hbm>> -> memref<16384xf32, #tpu.memory_space<hbm>>
    tpu.wait_indirect_dma semaphore(%arg20 : memref<!tpu.dma_semaphore, #tpu.memory_space<semaphore_mem>>) src(%dma_wait3A_300 : memref<16384xf32, #tpu.memory_space<hbm>>) dst(%dma_wait3A_295 : memref<128xf32, #tpu.memory_space<vmem>>)
    %dma_wait3A_301 = arith.constant 3 : i32
    %dma_wait3A_302 = arith.constant 3 : i32
    %dma_wait3A_303 = arith.constant 0 : i32
    %dma_wait3A_304 = tpu.memref_slice %arg14[%dma_wait3A_302, %dma_wait3A_303] : memref<4x128xf32, #tpu.memory_space<vmem>> -> memref<1x128xf32, #tpu.memory_space<vmem>>
    %dma_wait3A_305 = tpu.memref_squeeze %dma_wait3A_304 : memref<1x128xf32, #tpu.memory_space<vmem>> -> memref<128xf32, #tpu.memory_space<vmem>>
    %dma_wait3A_306 = arith.constant 0 : i32
    %dma_wait3A_307 = tpu.memref_slice %arg11[%dma_wait3A_301, %dma_wait3A_306] : memref<4x128xi32, #tpu.memory_space<vmem>> -> memref<1x128xi32, #tpu.memory_space<vmem>>
    %dma_wait3A_308 = tpu.memref_squeeze %dma_wait3A_307 : memref<1x128xi32, #tpu.memory_space<vmem>> -> memref<128xi32, #tpu.memory_space<vmem>>
    %dma_wait3A_309 = arith.constant 0 : i32
    %dma_wait3A_310 = tpu.memref_slice %arg4[%dma_wait3A_309] : memref<16384xf32, #tpu.memory_space<hbm>> -> memref<16384xf32, #tpu.memory_space<hbm>>
    tpu.wait_indirect_dma semaphore(%arg20 : memref<!tpu.dma_semaphore, #tpu.memory_space<semaphore_mem>>) src(%dma_wait3A_310 : memref<16384xf32, #tpu.memory_space<hbm>>) dst(%dma_wait3A_305 : memref<128xf32, #tpu.memory_space<vmem>>)
    %dma_wait3A_311 = arith.constant 3 : i32
    %dma_wait3A_312 = arith.constant 3 : i32
    %dma_wait3A_313 = arith.constant 0 : i32
    %dma_wait3A_314 = tpu.memref_slice %arg15[%dma_wait3A_312, %dma_wait3A_313] : memref<4x128xf32, #tpu.memory_space<vmem>> -> memref<1x128xf32, #tpu.memory_space<vmem>>
    %dma_wait3A_315 = tpu.memref_squeeze %dma_wait3A_314 : memref<1x128xf32, #tpu.memory_space<vmem>> -> memref<128xf32, #tpu.memory_space<vmem>>
    %dma_wait3A_316 = arith.constant 0 : i32
    %dma_wait3A_317 = tpu.memref_slice %arg11[%dma_wait3A_311, %dma_wait3A_316] : memref<4x128xi32, #tpu.memory_space<vmem>> -> memref<1x128xi32, #tpu.memory_space<vmem>>
    %dma_wait3A_318 = tpu.memref_squeeze %dma_wait3A_317 : memref<1x128xi32, #tpu.memory_space<vmem>> -> memref<128xi32, #tpu.memory_space<vmem>>
    %dma_wait3A_319 = arith.constant 0 : i32
    %dma_wait3A_320 = tpu.memref_slice %arg5[%dma_wait3A_319] : memref<16384xf32, #tpu.memory_space<hbm>> -> memref<16384xf32, #tpu.memory_space<hbm>>
    tpu.wait_indirect_dma semaphore(%arg20 : memref<!tpu.dma_semaphore, #tpu.memory_space<semaphore_mem>>) src(%dma_wait3A_320 : memref<16384xf32, #tpu.memory_space<hbm>>) dst(%dma_wait3A_315 : memref<128xf32, #tpu.memory_space<vmem>>)
    %broadcast_in_dim3A = arith.constant 0.000000e+00 : f32
    %broadcast_in_dim3A_321 = vector.broadcast %broadcast_in_dim3A : f32 to vector<16xf32>
    %broadcast_in_dim3A_322 = arith.constant 0.000000e+00 : f32
    %broadcast_in_dim3A_323 = vector.broadcast %broadcast_in_dim3A_322 : f32 to vector<16xf32>
    %get3A = arith.constant 0 : i32
    %get3A_324 = arith.index_cast %get3A : i32 to index
    %get3A_325 = arith.constant 0 : index
    %get3A_326 = tpu.vector_load %arg12[%get3A_324, %get3A_325] {strides = array<i32>} : memref<4x128xf32, #tpu.memory_space<vmem>>, vector<1x16xf32>,
    %get3A_327 = vector.shape_cast %get3A_326 : vector<1x16xf32> to vector<16xf32>
    %get3A_328 = arith.constant 0 : i32
    %get3A_329 = arith.index_cast %get3A_328 : i32 to index
    %get3A_330 = arith.constant 0 : index
    %get3A_331 = tpu.vector_load %arg13[%get3A_329, %get3A_330] {strides = array<i32>} : memref<4x128xf32, #tpu.memory_space<vmem>>, vector<1x16xf32>,
    %get3A_332 = vector.shape_cast %get3A_331 : vector<1x16xf32> to vector<16xf32>
    %get3A_333 = arith.constant 0 : i32
    %get3A_334 = arith.index_cast %get3A_333 : i32 to index
    %get3A_335 = arith.constant 0 : index
    %get3A_336 = tpu.vector_load %arg14[%get3A_334, %get3A_335] {strides = array<i32>} : memref<4x128xf32, #tpu.memory_space<vmem>>, vector<1x16xf32>,
    %get3A_337 = vector.shape_cast %get3A_336 : vector<1x16xf32> to vector<16xf32>
    %get3A_338 = arith.constant 0 : i32
    %get3A_339 = arith.index_cast %get3A_338 : i32 to index
    %get3A_340 = arith.constant 0 : index
    %get3A_341 = tpu.vector_load %arg15[%get3A_339, %get3A_340] {strides = array<i32>} : memref<4x128xf32, #tpu.memory_space<vmem>>, vector<1x16xf32>,
    %get3A_342 = vector.shape_cast %get3A_341 : vector<1x16xf32> to vector<16xf32>
    %get3A_343 = arith.constant 0 : i32
    %get3A_344 = arith.index_cast %get3A_343 : i32 to index
    %get3A_345 = arith.constant 0 : index
    %get3A_346 = tpu.vector_load %arg16[%get3A_344, %get3A_345] {strides = array<i32>} : memref<4x128xf32, #tpu.memory_space<vmem>>, vector<1x16xf32>,
    %get3A_347 = vector.shape_cast %get3A_346 : vector<1x16xf32> to vector<16xf32>
    %get3A_348 = arith.constant 0 : i32
    %get3A_349 = arith.index_cast %get3A_348 : i32 to index
    %get3A_350 = arith.constant 0 : index
    %get3A_351 = tpu.vector_load %arg17[%get3A_349, %get3A_350] {strides = array<i32>} : memref<4x128xf32, #tpu.memory_space<vmem>>, vector<1x16xf32>,
    %get3A_352 = vector.shape_cast %get3A_351 : vector<1x16xf32> to vector<16xf32>
    %get3A_353 = arith.constant 0 : i32
    %get3A_354 = arith.index_cast %get3A_353 : i32 to index
    %get3A_355 = arith.constant 0 : index
    %get3A_356 = tpu.vector_load %arg18[%get3A_354, %get3A_355] {strides = array<i32>} : memref<4x128xf32, #tpu.memory_space<vmem>>, vector<1x16xf32>,
    %get3A_357 = vector.shape_cast %get3A_356 : vector<1x16xf32> to vector<16xf32>
    %sub3A = arith.subf %get3A_347, %get3A_327 : vector<16xf32>
    %mul3A_358 = arith.constant 2.500000e-01 : f32
    %mul3A_359 = vector.broadcast %mul3A_358 : f32 to vector<16xf32>
    %mul3A_360 = arith.mulf %sub3A, %mul3A_359 : vector<16xf32>
    %sub3A_361 = arith.subf %get3A_337, %mul3A_360 : vector<16xf32>
    %abs3A = math.absf %sub3A_361 : vector<16xf32>
    %lt3A = arith.constant 2.500000e-01 : f32
    %lt3A_362 = vector.broadcast %lt3A : f32 to vector<16xf32>
    %lt3A_363 = arith.cmpf olt, %abs3A, %lt3A_362 : vector<16xf32>
    %mul3A_364 = arith.constant 5.000000e-01 : f32
    %mul3A_365 = vector.broadcast %mul3A_364 : f32 to vector<16xf32>
    %mul3A_366 = arith.mulf %mul3A_365, %abs3A : vector<16xf32>
    %mul3A_367 = arith.mulf %mul3A_366, %abs3A : vector<16xf32>
    %div3A = arith.constant 2.500000e-01 : f32
    %div3A_368 = vector.broadcast %div3A : f32 to vector<16xf32>
    %div3A_369 = arith.divf %mul3A_367, %div3A_368 : vector<16xf32>
    %sub3A_370 = arith.constant 1.250000e-01 : f32
    %sub3A_371 = vector.broadcast %sub3A_370 : f32 to vector<16xf32>
    %sub3A_372 = arith.subf %abs3A, %sub3A_371 : vector<16xf32>
    %select_n3A = arith.select %lt3A_363, %div3A_369, %sub3A_372 : vector<16xi1>, vector<16xf32>
    %sub3A_373 = arith.subf %get3A_352, %get3A_332 : vector<16xf32>
    %mul3A_374 = arith.constant 2.500000e-01 : f32
    %mul3A_375 = vector.broadcast %mul3A_374 : f32 to vector<16xf32>
    %mul3A_376 = arith.mulf %sub3A_373, %mul3A_375 : vector<16xf32>
    %sub3A_377 = arith.subf %get3A_342, %mul3A_376 : vector<16xf32>
    %abs3A_378 = math.absf %sub3A_377 : vector<16xf32>
    %lt3A_379 = arith.constant 2.500000e-01 : f32
    %lt3A_380 = vector.broadcast %lt3A_379 : f32 to vector<16xf32>
    %lt3A_381 = arith.cmpf olt, %abs3A_378, %lt3A_380 : vector<16xf32>
    %mul3A_382 = arith.constant 5.000000e-01 : f32
    %mul3A_383 = vector.broadcast %mul3A_382 : f32 to vector<16xf32>
    %mul3A_384 = arith.mulf %mul3A_383, %abs3A_378 : vector<16xf32>
    %mul3A_385 = arith.mulf %mul3A_384, %abs3A_378 : vector<16xf32>
    %div3A_386 = arith.constant 2.500000e-01 : f32
    %div3A_387 = vector.broadcast %div3A_386 : f32 to vector<16xf32>
    %div3A_388 = arith.divf %mul3A_385, %div3A_387 : vector<16xf32>
    %sub3A_389 = arith.constant 1.250000e-01 : f32
    %sub3A_390 = vector.broadcast %sub3A_389 : f32 to vector<16xf32>
    %sub3A_391 = arith.subf %abs3A_378, %sub3A_390 : vector<16xf32>
    %select_n3A_392 = arith.select %lt3A_381, %div3A_388, %sub3A_391 : vector<16xi1>, vector<16xf32>
    %add3A_393 = arith.addf %select_n3A, %select_n3A_392 : vector<16xf32>
    %mul3A_394 = arith.mulf %get3A_357, %add3A_393 : vector<16xf32>
    %add3A_395 = arith.addf %broadcast_in_dim3A_321, %mul3A_394 : vector<16xf32>
    %add3A_396 = arith.addf %broadcast_in_dim3A_323, %get3A_357 : vector<16xf32>
    %get3A_397 = arith.constant 0 : i32
    %get3A_398 = arith.index_cast %get3A_397 : i32 to index
    %get3A_399 = arith.constant 16 : index
    %get3A_400 = tpu.vector_load %arg12[%get3A_398, %get3A_399] {strides = array<i32>} : memref<4x128xf32, #tpu.memory_space<vmem>>, vector<1x16xf32>,
    %get3A_401 = vector.shape_cast %get3A_400 : vector<1x16xf32> to vector<16xf32>
    %get3A_402 = arith.constant 0 : i32
    %get3A_403 = arith.index_cast %get3A_402 : i32 to index
    %get3A_404 = arith.constant 16 : index
    %get3A_405 = tpu.vector_load %arg13[%get3A_403, %get3A_404] {strides = array<i32>} : memref<4x128xf32, #tpu.memory_space<vmem>>, vector<1x16xf32>,
    %get3A_406 = vector.shape_cast %get3A_405 : vector<1x16xf32> to vector<16xf32>
    %get3A_407 = arith.constant 0 : i32
    %get3A_408 = arith.index_cast %get3A_407 : i32 to index
    %get3A_409 = arith.constant 16 : index
    %get3A_410 = tpu.vector_load %arg14[%get3A_408, %get3A_409] {strides = array<i32>} : memref<4x128xf32, #tpu.memory_space<vmem>>, vector<1x16xf32>,
    %get3A_411 = vector.shape_cast %get3A_410 : vector<1x16xf32> to vector<16xf32>
    %get3A_412 = arith.constant 0 : i32
    %get3A_413 = arith.index_cast %get3A_412 : i32 to index
    %get3A_414 = arith.constant 16 : index
    %get3A_415 = tpu.vector_load %arg15[%get3A_413, %get3A_414] {strides = array<i32>} : memref<4x128xf32, #tpu.memory_space<vmem>>, vector<1x16xf32>,
    %get3A_416 = vector.shape_cast %get3A_415 : vector<1x16xf32> to vector<16xf32>
    %get3A_417 = arith.constant 0 : i32
    %get3A_418 = arith.index_cast %get3A_417 : i32 to index
    %get3A_419 = arith.constant 16 : index
    %get3A_420 = tpu.vector_load %arg16[%get3A_418, %get3A_419] {strides = array<i32>} : memref<4x128xf32, #tpu.memory_space<vmem>>, vector<1x16xf32>,
    %get3A_421 = vector.shape_cast %get3A_420 : vector<1x16xf32> to vector<16xf32>
    %get3A_422 = arith.constant 0 : i32
    %get3A_423 = arith.index_cast %get3A_422 : i32 to index
    %get3A_424 = arith.constant 16 : index
    %get3A_425 = tpu.vector_load %arg17[%get3A_423, %get3A_424] {strides = array<i32>} : memref<4x128xf32, #tpu.memory_space<vmem>>, vector<1x16xf32>,
    %get3A_426 = vector.shape_cast %get3A_425 : vector<1x16xf32> to vector<16xf32>
    %get3A_427 = arith.constant 0 : i32
    %get3A_428 = arith.index_cast %get3A_427 : i32 to index
    %get3A_429 = arith.constant 16 : index
    %get3A_430 = tpu.vector_load %arg18[%get3A_428, %get3A_429] {strides = array<i32>} : memref<4x128xf32, #tpu.memory_space<vmem>>, vector<1x16xf32>,
    %get3A_431 = vector.shape_cast %get3A_430 : vector<1x16xf32> to vector<16xf32>
    %sub3A_432 = arith.subf %get3A_421, %get3A_401 : vector<16xf32>
    %mul3A_433 = arith.constant 2.500000e-01 : f32
    %mul3A_434 = vector.broadcast %mul3A_433 : f32 to vector<16xf32>
    %mul3A_435 = arith.mulf %sub3A_432, %mul3A_434 : vector<16xf32>
    %sub3A_436 = arith.subf %get3A_411, %mul3A_435 : vector<16xf32>
    %abs3A_437 = math.absf %sub3A_436 : vector<16xf32>
    %lt3A_438 = arith.constant 2.500000e-01 : f32
    %lt3A_439 = vector.broadcast %lt3A_438 : f32 to vector<16xf32>
    %lt3A_440 = arith.cmpf olt, %abs3A_437, %lt3A_439 : vector<16xf32>
    %mul3A_441 = arith.constant 5.000000e-01 : f32
    %mul3A_442 = vector.broadcast %mul3A_441 : f32 to vector<16xf32>
    %mul3A_443 = arith.mulf %mul3A_442, %abs3A_437 : vector<16xf32>
    %mul3A_444 = arith.mulf %mul3A_443, %abs3A_437 : vector<16xf32>
    %div3A_445 = arith.constant 2.500000e-01 : f32
    %div3A_446 = vector.broadcast %div3A_445 : f32 to vector<16xf32>
    %div3A_447 = arith.divf %mul3A_444, %div3A_446 : vector<16xf32>
    %sub3A_448 = arith.constant 1.250000e-01 : f32
    %sub3A_449 = vector.broadcast %sub3A_448 : f32 to vector<16xf32>
    %sub3A_450 = arith.subf %abs3A_437, %sub3A_449 : vector<16xf32>
    %select_n3A_451 = arith.select %lt3A_440, %div3A_447, %sub3A_450 : vector<16xi1>, vector<16xf32>
    %sub3A_452 = arith.subf %get3A_426, %get3A_406 : vector<16xf32>
    %mul3A_453 = arith.constant 2.500000e-01 : f32
    %mul3A_454 = vector.broadcast %mul3A_453 : f32 to vector<16xf32>
    %mul3A_455 = arith.mulf %sub3A_452, %mul3A_454 : vector<16xf32>
    %sub3A_456 = arith.subf %get3A_416, %mul3A_455 : vector<16xf32>
    %abs3A_457 = math.absf %sub3A_456 : vector<16xf32>
    %lt3A_458 = arith.constant 2.500000e-01 : f32
    %lt3A_459 = vector.broadcast %lt3A_458 : f32 to vector<16xf32>
    %lt3A_460 = arith.cmpf olt, %abs3A_457, %lt3A_459 : vector<16xf32>
    %mul3A_461 = arith.constant 5.000000e-01 : f32
    %mul3A_462 = vector.broadcast %mul3A_461 : f32 to vector<16xf32>
    %mul3A_463 = arith.mulf %mul3A_462, %abs3A_457 : vector<16xf32>
    %mul3A_464 = arith.mulf %mul3A_463, %abs3A_457 : vector<16xf32>
    %div3A_465 = arith.constant 2.500000e-01 : f32
    %div3A_466 = vector.broadcast %div3A_465 : f32 to vector<16xf32>
    %div3A_467 = arith.divf %mul3A_464, %div3A_466 : vector<16xf32>
    %sub3A_468 = arith.constant 1.250000e-01 : f32
    %sub3A_469 = vector.broadcast %sub3A_468 : f32 to vector<16xf32>
    %sub3A_470 = arith.subf %abs3A_457, %sub3A_469 : vector<16xf32>
    %select_n3A_471 = arith.select %lt3A_460, %div3A_467, %sub3A_470 : vector<16xi1>, vector<16xf32>
    %add3A_472 = arith.addf %select_n3A_451, %select_n3A_471 : vector<16xf32>
    %mul3A_473 = arith.mulf %get3A_431, %add3A_472 : vector<16xf32>
    %add3A_474 = arith.addf %add3A_395, %mul3A_473 : vector<16xf32>
    %add3A_475 = arith.addf %add3A_396, %get3A_431 : vector<16xf32>
    %get3A_476 = arith.constant 0 : i32
    %get3A_477 = arith.index_cast %get3A_476 : i32 to index
    %get3A_478 = arith.constant 32 : index
    %get3A_479 = tpu.vector_load %arg12[%get3A_477, %get3A_478] {strides = array<i32>} : memref<4x128xf32, #tpu.memory_space<vmem>>, vector<1x16xf32>,
    %get3A_480 = vector.shape_cast %get3A_479 : vector<1x16xf32> to vector<16xf32>
    %get3A_481 = arith.constant 0 : i32
    %get3A_482 = arith.index_cast %get3A_481 : i32 to index
    %get3A_483 = arith.constant 32 : index
    %get3A_484 = tpu.vector_load %arg13[%get3A_482, %get3A_483] {strides = array<i32>} : memref<4x128xf32, #tpu.memory_space<vmem>>, vector<1x16xf32>,
    %get3A_485 = vector.shape_cast %get3A_484 : vector<1x16xf32> to vector<16xf32>
    %get3A_486 = arith.constant 0 : i32
    %get3A_487 = arith.index_cast %get3A_486 : i32 to index
    %get3A_488 = arith.constant 32 : index
    %get3A_489 = tpu.vector_load %arg14[%get3A_487, %get3A_488] {strides = array<i32>} : memref<4x128xf32, #tpu.memory_space<vmem>>, vector<1x16xf32>,
    %get3A_490 = vector.shape_cast %get3A_489 : vector<1x16xf32> to vector<16xf32>
    %get3A_491 = arith.constant 0 : i32
    %get3A_492 = arith.index_cast %get3A_491 : i32 to index
    %get3A_493 = arith.constant 32 : index
    %get3A_494 = tpu.vector_load %arg15[%get3A_492, %get3A_493] {strides = array<i32>} : memref<4x128xf32, #tpu.memory_space<vmem>>, vector<1x16xf32>,
    %get3A_495 = vector.shape_cast %get3A_494 : vector<1x16xf32> to vector<16xf32>
    %get3A_496 = arith.constant 0 : i32
    %get3A_497 = arith.index_cast %get3A_496 : i32 to index
    %get3A_498 = arith.constant 32 : index
    %get3A_499 = tpu.vector_load %arg16[%get3A_497, %get3A_498] {strides = array<i32>} : memref<4x128xf32, #tpu.memory_space<vmem>>, vector<1x16xf32>,
    %get3A_500 = vector.shape_cast %get3A_499 : vector<1x16xf32> to vector<16xf32>
    %get3A_501 = arith.constant 0 : i32
    %get3A_502 = arith.index_cast %get3A_501 : i32 to index
    %get3A_503 = arith.constant 32 : index
    %get3A_504 = tpu.vector_load %arg17[%get3A_502, %get3A_503] {strides = array<i32>} : memref<4x128xf32, #tpu.memory_space<vmem>>, vector<1x16xf32>,
    %get3A_505 = vector.shape_cast %get3A_504 : vector<1x16xf32> to vector<16xf32>
    %get3A_506 = arith.constant 0 : i32
    %get3A_507 = arith.index_cast %get3A_506 : i32 to index
    %get3A_508 = arith.constant 32 : index
    %get3A_509 = tpu.vector_load %arg18[%get3A_507, %get3A_508] {strides = array<i32>} : memref<4x128xf32, #tpu.memory_space<vmem>>, vector<1x16xf32>,
    %get3A_510 = vector.shape_cast %get3A_509 : vector<1x16xf32> to vector<16xf32>
    %sub3A_511 = arith.subf %get3A_500, %get3A_480 : vector<16xf32>
    %mul3A_512 = arith.constant 2.500000e-01 : f32
    %mul3A_513 = vector.broadcast %mul3A_512 : f32 to vector<16xf32>
    %mul3A_514 = arith.mulf %sub3A_511, %mul3A_513 : vector<16xf32>
    %sub3A_515 = arith.subf %get3A_490, %mul3A_514 : vector<16xf32>
    %abs3A_516 = math.absf %sub3A_515 : vector<16xf32>
    %lt3A_517 = arith.constant 2.500000e-01 : f32
    %lt3A_518 = vector.broadcast %lt3A_517 : f32 to vector<16xf32>
    %lt3A_519 = arith.cmpf olt, %abs3A_516, %lt3A_518 : vector<16xf32>
    %mul3A_520 = arith.constant 5.000000e-01 : f32
    %mul3A_521 = vector.broadcast %mul3A_520 : f32 to vector<16xf32>
    %mul3A_522 = arith.mulf %mul3A_521, %abs3A_516 : vector<16xf32>
    %mul3A_523 = arith.mulf %mul3A_522, %abs3A_516 : vector<16xf32>
    %div3A_524 = arith.constant 2.500000e-01 : f32
    %div3A_525 = vector.broadcast %div3A_524 : f32 to vector<16xf32>
    %div3A_526 = arith.divf %mul3A_523, %div3A_525 : vector<16xf32>
    %sub3A_527 = arith.constant 1.250000e-01 : f32
    %sub3A_528 = vector.broadcast %sub3A_527 : f32 to vector<16xf32>
    %sub3A_529 = arith.subf %abs3A_516, %sub3A_528 : vector<16xf32>
    %select_n3A_530 = arith.select %lt3A_519, %div3A_526, %sub3A_529 : vector<16xi1>, vector<16xf32>
    %sub3A_531 = arith.subf %get3A_505, %get3A_485 : vector<16xf32>
    %mul3A_532 = arith.constant 2.500000e-01 : f32
    %mul3A_533 = vector.broadcast %mul3A_532 : f32 to vector<16xf32>
    %mul3A_534 = arith.mulf %sub3A_531, %mul3A_533 : vector<16xf32>
    %sub3A_535 = arith.subf %get3A_495, %mul3A_534 : vector<16xf32>
    %abs3A_536 = math.absf %sub3A_535 : vector<16xf32>
    %lt3A_537 = arith.constant 2.500000e-01 : f32
    %lt3A_538 = vector.broadcast %lt3A_537 : f32 to vector<16xf32>
    %lt3A_539 = arith.cmpf olt, %abs3A_536, %lt3A_538 : vector<16xf32>
    %mul3A_540 = arith.constant 5.000000e-01 : f32
    %mul3A_541 = vector.broadcast %mul3A_540 : f32 to vector<16xf32>
    %mul3A_542 = arith.mulf %mul3A_541, %abs3A_536 : vector<16xf32>
    %mul3A_543 = arith.mulf %mul3A_542, %abs3A_536 : vector<16xf32>
    %div3A_544 = arith.constant 2.500000e-01 : f32
    %div3A_545 = vector.broadcast %div3A_544 : f32 to vector<16xf32>
    %div3A_546 = arith.divf %mul3A_543, %div3A_545 : vector<16xf32>
    %sub3A_547 = arith.constant 1.250000e-01 : f32
    %sub3A_548 = vector.broadcast %sub3A_547 : f32 to vector<16xf32>
    %sub3A_549 = arith.subf %abs3A_536, %sub3A_548 : vector<16xf32>
    %select_n3A_550 = arith.select %lt3A_539, %div3A_546, %sub3A_549 : vector<16xi1>, vector<16xf32>
    %add3A_551 = arith.addf %select_n3A_530, %select_n3A_550 : vector<16xf32>
    %mul3A_552 = arith.mulf %get3A_510, %add3A_551 : vector<16xf32>
    %add3A_553 = arith.addf %add3A_474, %mul3A_552 : vector<16xf32>
    %add3A_554 = arith.addf %add3A_475, %get3A_510 : vector<16xf32>
    %get3A_555 = arith.constant 0 : i32
    %get3A_556 = arith.index_cast %get3A_555 : i32 to index
    %get3A_557 = arith.constant 48 : index
    %get3A_558 = tpu.vector_load %arg12[%get3A_556, %get3A_557] {strides = array<i32>} : memref<4x128xf32, #tpu.memory_space<vmem>>, vector<1x16xf32>,
    %get3A_559 = vector.shape_cast %get3A_558 : vector<1x16xf32> to vector<16xf32>
    %get3A_560 = arith.constant 0 : i32
    %get3A_561 = arith.index_cast %get3A_560 : i32 to index
    %get3A_562 = arith.constant 48 : index
    %get3A_563 = tpu.vector_load %arg13[%get3A_561, %get3A_562] {strides = array<i32>} : memref<4x128xf32, #tpu.memory_space<vmem>>, vector<1x16xf32>,
    %get3A_564 = vector.shape_cast %get3A_563 : vector<1x16xf32> to vector<16xf32>
    %get3A_565 = arith.constant 0 : i32
    %get3A_566 = arith.index_cast %get3A_565 : i32 to index
    %get3A_567 = arith.constant 48 : index
    %get3A_568 = tpu.vector_load %arg14[%get3A_566, %get3A_567] {strides = array<i32>} : memref<4x128xf32, #tpu.memory_space<vmem>>, vector<1x16xf32>,
    %get3A_569 = vector.shape_cast %get3A_568 : vector<1x16xf32> to vector<16xf32>
    %get3A_570 = arith.constant 0 : i32
    %get3A_571 = arith.index_cast %get3A_570 : i32 to index
    %get3A_572 = arith.constant 48 : index
    %get3A_573 = tpu.vector_load %arg15[%get3A_571, %get3A_572] {strides = array<i32>} : memref<4x128xf32, #tpu.memory_space<vmem>>, vector<1x16xf32>,
    %get3A_574 = vector.shape_cast %get3A_573 : vector<1x16xf32> to vector<16xf32>
    %get3A_575 = arith.constant 0 : i32
    %get3A_576 = arith.index_cast %get3A_575 : i32 to index
    %get3A_577 = arith.constant 48 : index
    %get3A_578 = tpu.vector_load %arg16[%get3A_576, %get3A_577] {strides = array<i32>} : memref<4x128xf32, #tpu.memory_space<vmem>>, vector<1x16xf32>,
    %get3A_579 = vector.shape_cast %get3A_578 : vector<1x16xf32> to vector<16xf32>
    %get3A_580 = arith.constant 0 : i32
    %get3A_581 = arith.index_cast %get3A_580 : i32 to index
    %get3A_582 = arith.constant 48 : index
    %get3A_583 = tpu.vector_load %arg17[%get3A_581, %get3A_582] {strides = array<i32>} : memref<4x128xf32, #tpu.memory_space<vmem>>, vector<1x16xf32>,
    %get3A_584 = vector.shape_cast %get3A_583 : vector<1x16xf32> to vector<16xf32>
    %get3A_585 = arith.constant 0 : i32
    %get3A_586 = arith.index_cast %get3A_585 : i32 to index
    %get3A_587 = arith.constant 48 : index
    %get3A_588 = tpu.vector_load %arg18[%get3A_586, %get3A_587] {strides = array<i32>} : memref<4x128xf32, #tpu.memory_space<vmem>>, vector<1x16xf32>,
    %get3A_589 = vector.shape_cast %get3A_588 : vector<1x16xf32> to vector<16xf32>
    %sub3A_590 = arith.subf %get3A_579, %get3A_559 : vector<16xf32>
    %mul3A_591 = arith.constant 2.500000e-01 : f32
    %mul3A_592 = vector.broadcast %mul3A_591 : f32 to vector<16xf32>
    %mul3A_593 = arith.mulf %sub3A_590, %mul3A_592 : vector<16xf32>
    %sub3A_594 = arith.subf %get3A_569, %mul3A_593 : vector<16xf32>
    %abs3A_595 = math.absf %sub3A_594 : vector<16xf32>
    %lt3A_596 = arith.constant 2.500000e-01 : f32
    %lt3A_597 = vector.broadcast %lt3A_596 : f32 to vector<16xf32>
    %lt3A_598 = arith.cmpf olt, %abs3A_595, %lt3A_597 : vector<16xf32>
    %mul3A_599 = arith.constant 5.000000e-01 : f32
    %mul3A_600 = vector.broadcast %mul3A_599 : f32 to vector<16xf32>
    %mul3A_601 = arith.mulf %mul3A_600, %abs3A_595 : vector<16xf32>
    %mul3A_602 = arith.mulf %mul3A_601, %abs3A_595 : vector<16xf32>
    %div3A_603 = arith.constant 2.500000e-01 : f32
    %div3A_604 = vector.broadcast %div3A_603 : f32 to vector<16xf32>
    %div3A_605 = arith.divf %mul3A_602, %div3A_604 : vector<16xf32>
    %sub3A_606 = arith.constant 1.250000e-01 : f32
    %sub3A_607 = vector.broadcast %sub3A_606 : f32 to vector<16xf32>
    %sub3A_608 = arith.subf %abs3A_595, %sub3A_607 : vector<16xf32>
    %select_n3A_609 = arith.select %lt3A_598, %div3A_605, %sub3A_608 : vector<16xi1>, vector<16xf32>
    %sub3A_610 = arith.subf %get3A_584, %get3A_564 : vector<16xf32>
    %mul3A_611 = arith.constant 2.500000e-01 : f32
    %mul3A_612 = vector.broadcast %mul3A_611 : f32 to vector<16xf32>
    %mul3A_613 = arith.mulf %sub3A_610, %mul3A_612 : vector<16xf32>
    %sub3A_614 = arith.subf %get3A_574, %mul3A_613 : vector<16xf32>
    %abs3A_615 = math.absf %sub3A_614 : vector<16xf32>
    %lt3A_616 = arith.constant 2.500000e-01 : f32
    %lt3A_617 = vector.broadcast %lt3A_616 : f32 to vector<16xf32>
    %lt3A_618 = arith.cmpf olt, %abs3A_615, %lt3A_617 : vector<16xf32>
    %mul3A_619 = arith.constant 5.000000e-01 : f32
    %mul3A_620 = vector.broadcast %mul3A_619 : f32 to vector<16xf32>
    %mul3A_621 = arith.mulf %mul3A_620, %abs3A_615 : vector<16xf32>
    %mul3A_622 = arith.mulf %mul3A_621, %abs3A_615 : vector<16xf32>
    %div3A_623 = arith.constant 2.500000e-01 : f32
    %div3A_624 = vector.broadcast %div3A_623 : f32 to vector<16xf32>
    %div3A_625 = arith.divf %mul3A_622, %div3A_624 : vector<16xf32>
    %sub3A_626 = arith.constant 1.250000e-01 : f32
    %sub3A_627 = vector.broadcast %sub3A_626 : f32 to vector<16xf32>
    %sub3A_628 = arith.subf %abs3A_615, %sub3A_627 : vector<16xf32>
    %select_n3A_629 = arith.select %lt3A_618, %div3A_625, %sub3A_628 : vector<16xi1>, vector<16xf32>
    %add3A_630 = arith.addf %select_n3A_609, %select_n3A_629 : vector<16xf32>
    %mul3A_631 = arith.mulf %get3A_589, %add3A_630 : vector<16xf32>
    %add3A_632 = arith.addf %add3A_553, %mul3A_631 : vector<16xf32>
    %add3A_633 = arith.addf %add3A_554, %get3A_589 : vector<16xf32>
    %get3A_634 = arith.constant 0 : i32
    %get3A_635 = arith.index_cast %get3A_634 : i32 to index
    %get3A_636 = arith.constant 64 : index
    %get3A_637 = tpu.vector_load %arg12[%get3A_635, %get3A_636] {strides = array<i32>} : memref<4x128xf32, #tpu.memory_space<vmem>>, vector<1x16xf32>,
    %get3A_638 = vector.shape_cast %get3A_637 : vector<1x16xf32> to vector<16xf32>
    %get3A_639 = arith.constant 0 : i32
    %get3A_640 = arith.index_cast %get3A_639 : i32 to index
    %get3A_641 = arith.constant 64 : index
    %get3A_642 = tpu.vector_load %arg13[%get3A_640, %get3A_641] {strides = array<i32>} : memref<4x128xf32, #tpu.memory_space<vmem>>, vector<1x16xf32>,
    %get3A_643 = vector.shape_cast %get3A_642 : vector<1x16xf32> to vector<16xf32>
    %get3A_644 = arith.constant 0 : i32
    %get3A_645 = arith.index_cast %get3A_644 : i32 to index
    %get3A_646 = arith.constant 64 : index
    %get3A_647 = tpu.vector_load %arg14[%get3A_645, %get3A_646] {strides = array<i32>} : memref<4x128xf32, #tpu.memory_space<vmem>>, vector<1x16xf32>,
    %get3A_648 = vector.shape_cast %get3A_647 : vector<1x16xf32> to vector<16xf32>
    %get3A_649 = arith.constant 0 : i32
    %get3A_650 = arith.index_cast %get3A_649 : i32 to index
    %get3A_651 = arith.constant 64 : index
    %get3A_652 = tpu.vector_load %arg15[%get3A_650, %get3A_651] {strides = array<i32>} : memref<4x128xf32, #tpu.memory_space<vmem>>, vector<1x16xf32>,
    %get3A_653 = vector.shape_cast %get3A_652 : vector<1x16xf32> to vector<16xf32>
    %get3A_654 = arith.constant 0 : i32
    %get3A_655 = arith.index_cast %get3A_654 : i32 to index
    %get3A_656 = arith.constant 64 : index
    %get3A_657 = tpu.vector_load %arg16[%get3A_655, %get3A_656] {strides = array<i32>} : memref<4x128xf32, #tpu.memory_space<vmem>>, vector<1x16xf32>,
    %get3A_658 = vector.shape_cast %get3A_657 : vector<1x16xf32> to vector<16xf32>
    %get3A_659 = arith.constant 0 : i32
    %get3A_660 = arith.index_cast %get3A_659 : i32 to index
    %get3A_661 = arith.constant 64 : index
    %get3A_662 = tpu.vector_load %arg17[%get3A_660, %get3A_661] {strides = array<i32>} : memref<4x128xf32, #tpu.memory_space<vmem>>, vector<1x16xf32>,
    %get3A_663 = vector.shape_cast %get3A_662 : vector<1x16xf32> to vector<16xf32>
    %get3A_664 = arith.constant 0 : i32
    %get3A_665 = arith.index_cast %get3A_664 : i32 to index
    %get3A_666 = arith.constant 64 : index
    %get3A_667 = tpu.vector_load %arg18[%get3A_665, %get3A_666] {strides = array<i32>} : memref<4x128xf32, #tpu.memory_space<vmem>>, vector<1x16xf32>,
    %get3A_668 = vector.shape_cast %get3A_667 : vector<1x16xf32> to vector<16xf32>
    %sub3A_669 = arith.subf %get3A_658, %get3A_638 : vector<16xf32>
    %mul3A_670 = arith.constant 2.500000e-01 : f32
    %mul3A_671 = vector.broadcast %mul3A_670 : f32 to vector<16xf32>
    %mul3A_672 = arith.mulf %sub3A_669, %mul3A_671 : vector<16xf32>
    %sub3A_673 = arith.subf %get3A_648, %mul3A_672 : vector<16xf32>
    %abs3A_674 = math.absf %sub3A_673 : vector<16xf32>
    %lt3A_675 = arith.constant 2.500000e-01 : f32
    %lt3A_676 = vector.broadcast %lt3A_675 : f32 to vector<16xf32>
    %lt3A_677 = arith.cmpf olt, %abs3A_674, %lt3A_676 : vector<16xf32>
    %mul3A_678 = arith.constant 5.000000e-01 : f32
    %mul3A_679 = vector.broadcast %mul3A_678 : f32 to vector<16xf32>
    %mul3A_680 = arith.mulf %mul3A_679, %abs3A_674 : vector<16xf32>
    %mul3A_681 = arith.mulf %mul3A_680, %abs3A_674 : vector<16xf32>
    %div3A_682 = arith.constant 2.500000e-01 : f32
    %div3A_683 = vector.broadcast %div3A_682 : f32 to vector<16xf32>
    %div3A_684 = arith.divf %mul3A_681, %div3A_683 : vector<16xf32>
    %sub3A_685 = arith.constant 1.250000e-01 : f32
    %sub3A_686 = vector.broadcast %sub3A_685 : f32 to vector<16xf32>
    %sub3A_687 = arith.subf %abs3A_674, %sub3A_686 : vector<16xf32>
    %select_n3A_688 = arith.select %lt3A_677, %div3A_684, %sub3A_687 : vector<16xi1>, vector<16xf32>
    %sub3A_689 = arith.subf %get3A_663, %get3A_643 : vector<16xf32>
    %mul3A_690 = arith.constant 2.500000e-01 : f32
    %mul3A_691 = vector.broadcast %mul3A_690 : f32 to vector<16xf32>
    %mul3A_692 = arith.mulf %sub3A_689, %mul3A_691 : vector<16xf32>
    %sub3A_693 = arith.subf %get3A_653, %mul3A_692 : vector<16xf32>
    %abs3A_694 = math.absf %sub3A_693 : vector<16xf32>
    %lt3A_695 = arith.constant 2.500000e-01 : f32
    %lt3A_696 = vector.broadcast %lt3A_695 : f32 to vector<16xf32>
    %lt3A_697 = arith.cmpf olt, %abs3A_694, %lt3A_696 : vector<16xf32>
    %mul3A_698 = arith.constant 5.000000e-01 : f32
    %mul3A_699 = vector.broadcast %mul3A_698 : f32 to vector<16xf32>
    %mul3A_700 = arith.mulf %mul3A_699, %abs3A_694 : vector<16xf32>
    %mul3A_701 = arith.mulf %mul3A_700, %abs3A_694 : vector<16xf32>
    %div3A_702 = arith.constant 2.500000e-01 : f32
    %div3A_703 = vector.broadcast %div3A_702 : f32 to vector<16xf32>
    %div3A_704 = arith.divf %mul3A_701, %div3A_703 : vector<16xf32>
    %sub3A_705 = arith.constant 1.250000e-01 : f32
    %sub3A_706 = vector.broadcast %sub3A_705 : f32 to vector<16xf32>
    %sub3A_707 = arith.subf %abs3A_694, %sub3A_706 : vector<16xf32>
    %select_n3A_708 = arith.select %lt3A_697, %div3A_704, %sub3A_707 : vector<16xi1>, vector<16xf32>
    %add3A_709 = arith.addf %select_n3A_688, %select_n3A_708 : vector<16xf32>
    %mul3A_710 = arith.mulf %get3A_668, %add3A_709 : vector<16xf32>
    %add3A_711 = arith.addf %add3A_632, %mul3A_710 : vector<16xf32>
    %add3A_712 = arith.addf %add3A_633, %get3A_668 : vector<16xf32>
    %get3A_713 = arith.constant 0 : i32
    %get3A_714 = arith.index_cast %get3A_713 : i32 to index
    %get3A_715 = arith.constant 80 : index
    %get3A_716 = tpu.vector_load %arg12[%get3A_714, %get3A_715] {strides = array<i32>} : memref<4x128xf32, #tpu.memory_space<vmem>>, vector<1x16xf32>,
    %get3A_717 = vector.shape_cast %get3A_716 : vector<1x16xf32> to vector<16xf32>
    %get3A_718 = arith.constant 0 : i32
    %get3A_719 = arith.index_cast %get3A_718 : i32 to index
    %get3A_720 = arith.constant 80 : index
    %get3A_721 = tpu.vector_load %arg13[%get3A_719, %get3A_720] {strides = array<i32>} : memref<4x128xf32, #tpu.memory_space<vmem>>, vector<1x16xf32>,
    %get3A_722 = vector.shape_cast %get3A_721 : vector<1x16xf32> to vector<16xf32>
    %get3A_723 = arith.constant 0 : i32
    %get3A_724 = arith.index_cast %get3A_723 : i32 to index
    %get3A_725 = arith.constant 80 : index
    %get3A_726 = tpu.vector_load %arg14[%get3A_724, %get3A_725] {strides = array<i32>} : memref<4x128xf32, #tpu.memory_space<vmem>>, vector<1x16xf32>,
    %get3A_727 = vector.shape_cast %get3A_726 : vector<1x16xf32> to vector<16xf32>
    %get3A_728 = arith.constant 0 : i32
    %get3A_729 = arith.index_cast %get3A_728 : i32 to index
    %get3A_730 = arith.constant 80 : index
    %get3A_731 = tpu.vector_load %arg15[%get3A_729, %get3A_730] {strides = array<i32>} : memref<4x128xf32, #tpu.memory_space<vmem>>, vector<1x16xf32>,
    %get3A_732 = vector.shape_cast %get3A_731 : vector<1x16xf32> to vector<16xf32>
    %get3A_733 = arith.constant 0 : i32
    %get3A_734 = arith.index_cast %get3A_733 : i32 to index
    %get3A_735 = arith.constant 80 : index
    %get3A_736 = tpu.vector_load %arg16[%get3A_734, %get3A_735] {strides = array<i32>} : memref<4x128xf32, #tpu.memory_space<vmem>>, vector<1x16xf32>,
    %get3A_737 = vector.shape_cast %get3A_736 : vector<1x16xf32> to vector<16xf32>
    %get3A_738 = arith.constant 0 : i32
    %get3A_739 = arith.index_cast %get3A_738 : i32 to index
    %get3A_740 = arith.constant 80 : index
    %get3A_741 = tpu.vector_load %arg17[%get3A_739, %get3A_740] {strides = array<i32>} : memref<4x128xf32, #tpu.memory_space<vmem>>, vector<1x16xf32>,
    %get3A_742 = vector.shape_cast %get3A_741 : vector<1x16xf32> to vector<16xf32>
    %get3A_743 = arith.constant 0 : i32
    %get3A_744 = arith.index_cast %get3A_743 : i32 to index
    %get3A_745 = arith.constant 80 : index
    %get3A_746 = tpu.vector_load %arg18[%get3A_744, %get3A_745] {strides = array<i32>} : memref<4x128xf32, #tpu.memory_space<vmem>>, vector<1x16xf32>,
    %get3A_747 = vector.shape_cast %get3A_746 : vector<1x16xf32> to vector<16xf32>
    %sub3A_748 = arith.subf %get3A_737, %get3A_717 : vector<16xf32>
    %mul3A_749 = arith.constant 2.500000e-01 : f32
    %mul3A_750 = vector.broadcast %mul3A_749 : f32 to vector<16xf32>
    %mul3A_751 = arith.mulf %sub3A_748, %mul3A_750 : vector<16xf32>
    %sub3A_752 = arith.subf %get3A_727, %mul3A_751 : vector<16xf32>
    %abs3A_753 = math.absf %sub3A_752 : vector<16xf32>
    %lt3A_754 = arith.constant 2.500000e-01 : f32
    %lt3A_755 = vector.broadcast %lt3A_754 : f32 to vector<16xf32>
    %lt3A_756 = arith.cmpf olt, %abs3A_753, %lt3A_755 : vector<16xf32>
    %mul3A_757 = arith.constant 5.000000e-01 : f32
    %mul3A_758 = vector.broadcast %mul3A_757 : f32 to vector<16xf32>
    %mul3A_759 = arith.mulf %mul3A_758, %abs3A_753 : vector<16xf32>
    %mul3A_760 = arith.mulf %mul3A_759, %abs3A_753 : vector<16xf32>
    %div3A_761 = arith.constant 2.500000e-01 : f32
    %div3A_762 = vector.broadcast %div3A_761 : f32 to vector<16xf32>
    %div3A_763 = arith.divf %mul3A_760, %div3A_762 : vector<16xf32>
    %sub3A_764 = arith.constant 1.250000e-01 : f32
    %sub3A_765 = vector.broadcast %sub3A_764 : f32 to vector<16xf32>
    %sub3A_766 = arith.subf %abs3A_753, %sub3A_765 : vector<16xf32>
    %select_n3A_767 = arith.select %lt3A_756, %div3A_763, %sub3A_766 : vector<16xi1>, vector<16xf32>
    %sub3A_768 = arith.subf %get3A_742, %get3A_722 : vector<16xf32>
    %mul3A_769 = arith.constant 2.500000e-01 : f32
    %mul3A_770 = vector.broadcast %mul3A_769 : f32 to vector<16xf32>
    %mul3A_771 = arith.mulf %sub3A_768, %mul3A_770 : vector<16xf32>
    %sub3A_772 = arith.subf %get3A_732, %mul3A_771 : vector<16xf32>
    %abs3A_773 = math.absf %sub3A_772 : vector<16xf32>
    %lt3A_774 = arith.constant 2.500000e-01 : f32
    %lt3A_775 = vector.broadcast %lt3A_774 : f32 to vector<16xf32>
    %lt3A_776 = arith.cmpf olt, %abs3A_773, %lt3A_775 : vector<16xf32>
    %mul3A_777 = arith.constant 5.000000e-01 : f32
    %mul3A_778 = vector.broadcast %mul3A_777 : f32 to vector<16xf32>
    %mul3A_779 = arith.mulf %mul3A_778, %abs3A_773 : vector<16xf32>
    %mul3A_780 = arith.mulf %mul3A_779, %abs3A_773 : vector<16xf32>
    %div3A_781 = arith.constant 2.500000e-01 : f32
    %div3A_782 = vector.broadcast %div3A_781 : f32 to vector<16xf32>
    %div3A_783 = arith.divf %mul3A_780, %div3A_782 : vector<16xf32>
    %sub3A_784 = arith.constant 1.250000e-01 : f32
    %sub3A_785 = vector.broadcast %sub3A_784 : f32 to vector<16xf32>
    %sub3A_786 = arith.subf %abs3A_773, %sub3A_785 : vector<16xf32>
    %select_n3A_787 = arith.select %lt3A_776, %div3A_783, %sub3A_786 : vector<16xi1>, vector<16xf32>
    %add3A_788 = arith.addf %select_n3A_767, %select_n3A_787 : vector<16xf32>
    %mul3A_789 = arith.mulf %get3A_747, %add3A_788 : vector<16xf32>
    %add3A_790 = arith.addf %add3A_711, %mul3A_789 : vector<16xf32>
    %add3A_791 = arith.addf %add3A_712, %get3A_747 : vector<16xf32>
    %get3A_792 = arith.constant 0 : i32
    %get3A_793 = arith.index_cast %get3A_792 : i32 to index
    %get3A_794 = arith.constant 96 : index
    %get3A_795 = tpu.vector_load %arg12[%get3A_793, %get3A_794] {strides = array<i32>} : memref<4x128xf32, #tpu.memory_space<vmem>>, vector<1x16xf32>,
    %get3A_796 = vector.shape_cast %get3A_795 : vector<1x16xf32> to vector<16xf32>
    %get3A_797 = arith.constant 0 : i32
    %get3A_798 = arith.index_cast %get3A_797 : i32 to index
    %get3A_799 = arith.constant 96 : index
    %get3A_800 = tpu.vector_load %arg13[%get3A_798, %get3A_799] {strides = array<i32>} : memref<4x128xf32, #tpu.memory_space<vmem>>, vector<1x16xf32>,
    %get3A_801 = vector.shape_cast %get3A_800 : vector<1x16xf32> to vector<16xf32>
    %get3A_802 = arith.constant 0 : i32
    %get3A_803 = arith.index_cast %get3A_802 : i32 to index
    %get3A_804 = arith.constant 96 : index
    %get3A_805 = tpu.vector_load %arg14[%get3A_803, %get3A_804] {strides = array<i32>} : memref<4x128xf32, #tpu.memory_space<vmem>>, vector<1x16xf32>,
    %get3A_806 = vector.shape_cast %get3A_805 : vector<1x16xf32> to vector<16xf32>
    %get3A_807 = arith.constant 0 : i32
    %get3A_808 = arith.index_cast %get3A_807 : i32 to index
    %get3A_809 = arith.constant 96 : index
    %get3A_810 = tpu.vector_load %arg15[%get3A_808, %get3A_809] {strides = array<i32>} : memref<4x128xf32, #tpu.memory_space<vmem>>, vector<1x16xf32>,
    %get3A_811 = vector.shape_cast %get3A_810 : vector<1x16xf32> to vector<16xf32>
    %get3A_812 = arith.constant 0 : i32
    %get3A_813 = arith.index_cast %get3A_812 : i32 to index
    %get3A_814 = arith.constant 96 : index
    %get3A_815 = tpu.vector_load %arg16[%get3A_813, %get3A_814] {strides = array<i32>} : memref<4x128xf32, #tpu.memory_space<vmem>>, vector<1x16xf32>,
    %get3A_816 = vector.shape_cast %get3A_815 : vector<1x16xf32> to vector<16xf32>
    %get3A_817 = arith.constant 0 : i32
    %get3A_818 = arith.index_cast %get3A_817 : i32 to index
    %get3A_819 = arith.constant 96 : index
    %get3A_820 = tpu.vector_load %arg17[%get3A_818, %get3A_819] {strides = array<i32>} : memref<4x128xf32, #tpu.memory_space<vmem>>, vector<1x16xf32>,
    %get3A_821 = vector.shape_cast %get3A_820 : vector<1x16xf32> to vector<16xf32>
    %get3A_822 = arith.constant 0 : i32
    %get3A_823 = arith.index_cast %get3A_822 : i32 to index
    %get3A_824 = arith.constant 96 : index
    %get3A_825 = tpu.vector_load %arg18[%get3A_823, %get3A_824] {strides = array<i32>} : memref<4x128xf32, #tpu.memory_space<vmem>>, vector<1x16xf32>,
    %get3A_826 = vector.shape_cast %get3A_825 : vector<1x16xf32> to vector<16xf32>
    %sub3A_827 = arith.subf %get3A_816, %get3A_796 : vector<16xf32>
    %mul3A_828 = arith.constant 2.500000e-01 : f32
    %mul3A_829 = vector.broadcast %mul3A_828 : f32 to vector<16xf32>
    %mul3A_830 = arith.mulf %sub3A_827, %mul3A_829 : vector<16xf32>
    %sub3A_831 = arith.subf %get3A_806, %mul3A_830 : vector<16xf32>
    %abs3A_832 = math.absf %sub3A_831 : vector<16xf32>
    %lt3A_833 = arith.constant 2.500000e-01 : f32
    %lt3A_834 = vector.broadcast %lt3A_833 : f32 to vector<16xf32>
    %lt3A_835 = arith.cmpf olt, %abs3A_832, %lt3A_834 : vector<16xf32>
    %mul3A_836 = arith.constant 5.000000e-01 : f32
    %mul3A_837 = vector.broadcast %mul3A_836 : f32 to vector<16xf32>
    %mul3A_838 = arith.mulf %mul3A_837, %abs3A_832 : vector<16xf32>
    %mul3A_839 = arith.mulf %mul3A_838, %abs3A_832 : vector<16xf32>
    %div3A_840 = arith.constant 2.500000e-01 : f32
    %div3A_841 = vector.broadcast %div3A_840 : f32 to vector<16xf32>
    %div3A_842 = arith.divf %mul3A_839, %div3A_841 : vector<16xf32>
    %sub3A_843 = arith.constant 1.250000e-01 : f32
    %sub3A_844 = vector.broadcast %sub3A_843 : f32 to vector<16xf32>
    %sub3A_845 = arith.subf %abs3A_832, %sub3A_844 : vector<16xf32>
    %select_n3A_846 = arith.select %lt3A_835, %div3A_842, %sub3A_845 : vector<16xi1>, vector<16xf32>
    %sub3A_847 = arith.subf %get3A_821, %get3A_801 : vector<16xf32>
    %mul3A_848 = arith.constant 2.500000e-01 : f32
    %mul3A_849 = vector.broadcast %mul3A_848 : f32 to vector<16xf32>
    %mul3A_850 = arith.mulf %sub3A_847, %mul3A_849 : vector<16xf32>
    %sub3A_851 = arith.subf %get3A_811, %mul3A_850 : vector<16xf32>
    %abs3A_852 = math.absf %sub3A_851 : vector<16xf32>
    %lt3A_853 = arith.constant 2.500000e-01 : f32
    %lt3A_854 = vector.broadcast %lt3A_853 : f32 to vector<16xf32>
    %lt3A_855 = arith.cmpf olt, %abs3A_852, %lt3A_854 : vector<16xf32>
    %mul3A_856 = arith.constant 5.000000e-01 : f32
    %mul3A_857 = vector.broadcast %mul3A_856 : f32 to vector<16xf32>
    %mul3A_858 = arith.mulf %mul3A_857, %abs3A_852 : vector<16xf32>
    %mul3A_859 = arith.mulf %mul3A_858, %abs3A_852 : vector<16xf32>
    %div3A_860 = arith.constant 2.500000e-01 : f32
    %div3A_861 = vector.broadcast %div3A_860 : f32 to vector<16xf32>
    %div3A_862 = arith.divf %mul3A_859, %div3A_861 : vector<16xf32>
    %sub3A_863 = arith.constant 1.250000e-01 : f32
    %sub3A_864 = vector.broadcast %sub3A_863 : f32 to vector<16xf32>
    %sub3A_865 = arith.subf %abs3A_852, %sub3A_864 : vector<16xf32>
    %select_n3A_866 = arith.select %lt3A_855, %div3A_862, %sub3A_865 : vector<16xi1>, vector<16xf32>
    %add3A_867 = arith.addf %select_n3A_846, %select_n3A_866 : vector<16xf32>
    %mul3A_868 = arith.mulf %get3A_826, %add3A_867 : vector<16xf32>
    %add3A_869 = arith.addf %add3A_790, %mul3A_868 : vector<16xf32>
    %add3A_870 = arith.addf %add3A_791, %get3A_826 : vector<16xf32>
    %get3A_871 = arith.constant 0 : i32
    %get3A_872 = arith.index_cast %get3A_871 : i32 to index
    %get3A_873 = arith.constant 112 : index
    %get3A_874 = tpu.vector_load %arg12[%get3A_872, %get3A_873] {strides = array<i32>} : memref<4x128xf32, #tpu.memory_space<vmem>>, vector<1x16xf32>,
    %get3A_875 = vector.shape_cast %get3A_874 : vector<1x16xf32> to vector<16xf32>
    %get3A_876 = arith.constant 0 : i32
    %get3A_877 = arith.index_cast %get3A_876 : i32 to index
    %get3A_878 = arith.constant 112 : index
    %get3A_879 = tpu.vector_load %arg13[%get3A_877, %get3A_878] {strides = array<i32>} : memref<4x128xf32, #tpu.memory_space<vmem>>, vector<1x16xf32>,
    %get3A_880 = vector.shape_cast %get3A_879 : vector<1x16xf32> to vector<16xf32>
    %get3A_881 = arith.constant 0 : i32
    %get3A_882 = arith.index_cast %get3A_881 : i32 to index
    %get3A_883 = arith.constant 112 : index
    %get3A_884 = tpu.vector_load %arg14[%get3A_882, %get3A_883] {strides = array<i32>} : memref<4x128xf32, #tpu.memory_space<vmem>>, vector<1x16xf32>,
    %get3A_885 = vector.shape_cast %get3A_884 : vector<1x16xf32> to vector<16xf32>
    %get3A_886 = arith.constant 0 : i32
    %get3A_887 = arith.index_cast %get3A_886 : i32 to index
    %get3A_888 = arith.constant 112 : index
    %get3A_889 = tpu.vector_load %arg15[%get3A_887, %get3A_888] {strides = array<i32>} : memref<4x128xf32, #tpu.memory_space<vmem>>, vector<1x16xf32>,
    %get3A_890 = vector.shape_cast %get3A_889 : vector<1x16xf32> to vector<16xf32>
    %get3A_891 = arith.constant 0 : i32
    %get3A_892 = arith.index_cast %get3A_891 : i32 to index
    %get3A_893 = arith.constant 112 : index
    %get3A_894 = tpu.vector_load %arg16[%get3A_892, %get3A_893] {strides = array<i32>} : memref<4x128xf32, #tpu.memory_space<vmem>>, vector<1x16xf32>,
    %get3A_895 = vector.shape_cast %get3A_894 : vector<1x16xf32> to vector<16xf32>
    %get3A_896 = arith.constant 0 : i32
    %get3A_897 = arith.index_cast %get3A_896 : i32 to index
    %get3A_898 = arith.constant 112 : index
    %get3A_899 = tpu.vector_load %arg17[%get3A_897, %get3A_898] {strides = array<i32>} : memref<4x128xf32, #tpu.memory_space<vmem>>, vector<1x16xf32>,
    %get3A_900 = vector.shape_cast %get3A_899 : vector<1x16xf32> to vector<16xf32>
    %get3A_901 = arith.constant 0 : i32
    %get3A_902 = arith.index_cast %get3A_901 : i32 to index
    %get3A_903 = arith.constant 112 : index
    %get3A_904 = tpu.vector_load %arg18[%get3A_902, %get3A_903] {strides = array<i32>} : memref<4x128xf32, #tpu.memory_space<vmem>>, vector<1x16xf32>,
    %get3A_905 = vector.shape_cast %get3A_904 : vector<1x16xf32> to vector<16xf32>
    %sub3A_906 = arith.subf %get3A_895, %get3A_875 : vector<16xf32>
    %mul3A_907 = arith.constant 2.500000e-01 : f32
    %mul3A_908 = vector.broadcast %mul3A_907 : f32 to vector<16xf32>
    %mul3A_909 = arith.mulf %sub3A_906, %mul3A_908 : vector<16xf32>
    %sub3A_910 = arith.subf %get3A_885, %mul3A_909 : vector<16xf32>
    %abs3A_911 = math.absf %sub3A_910 : vector<16xf32>
    %lt3A_912 = arith.constant 2.500000e-01 : f32
    %lt3A_913 = vector.broadcast %lt3A_912 : f32 to vector<16xf32>
    %lt3A_914 = arith.cmpf olt, %abs3A_911, %lt3A_913 : vector<16xf32>
    %mul3A_915 = arith.constant 5.000000e-01 : f32
    %mul3A_916 = vector.broadcast %mul3A_915 : f32 to vector<16xf32>
    %mul3A_917 = arith.mulf %mul3A_916, %abs3A_911 : vector<16xf32>
    %mul3A_918 = arith.mulf %mul3A_917, %abs3A_911 : vector<16xf32>
    %div3A_919 = arith.constant 2.500000e-01 : f32
    %div3A_920 = vector.broadcast %div3A_919 : f32 to vector<16xf32>
    %div3A_921 = arith.divf %mul3A_918, %div3A_920 : vector<16xf32>
    %sub3A_922 = arith.constant 1.250000e-01 : f32
    %sub3A_923 = vector.broadcast %sub3A_922 : f32 to vector<16xf32>
    %sub3A_924 = arith.subf %abs3A_911, %sub3A_923 : vector<16xf32>
    %select_n3A_925 = arith.select %lt3A_914, %div3A_921, %sub3A_924 : vector<16xi1>, vector<16xf32>
    %sub3A_926 = arith.subf %get3A_900, %get3A_880 : vector<16xf32>
    %mul3A_927 = arith.constant 2.500000e-01 : f32
    %mul3A_928 = vector.broadcast %mul3A_927 : f32 to vector<16xf32>
    %mul3A_929 = arith.mulf %sub3A_926, %mul3A_928 : vector<16xf32>
    %sub3A_930 = arith.subf %get3A_890, %mul3A_929 : vector<16xf32>
    %abs3A_931 = math.absf %sub3A_930 : vector<16xf32>
    %lt3A_932 = arith.constant 2.500000e-01 : f32
    %lt3A_933 = vector.broadcast %lt3A_932 : f32 to vector<16xf32>
    %lt3A_934 = arith.cmpf olt, %abs3A_931, %lt3A_933 : vector<16xf32>
    %mul3A_935 = arith.constant 5.000000e-01 : f32
    %mul3A_936 = vector.broadcast %mul3A_935 : f32 to vector<16xf32>
    %mul3A_937 = arith.mulf %mul3A_936, %abs3A_931 : vector<16xf32>
    %mul3A_938 = arith.mulf %mul3A_937, %abs3A_931 : vector<16xf32>
    %div3A_939 = arith.constant 2.500000e-01 : f32
    %div3A_940 = vector.broadcast %div3A_939 : f32 to vector<16xf32>
    %div3A_941 = arith.divf %mul3A_938, %div3A_940 : vector<16xf32>
    %sub3A_942 = arith.constant 1.250000e-01 : f32
    %sub3A_943 = vector.broadcast %sub3A_942 : f32 to vector<16xf32>
    %sub3A_944 = arith.subf %abs3A_931, %sub3A_943 : vector<16xf32>
    %select_n3A_945 = arith.select %lt3A_934, %div3A_941, %sub3A_944 : vector<16xi1>, vector<16xf32>
    %add3A_946 = arith.addf %select_n3A_925, %select_n3A_945 : vector<16xf32>
    %mul3A_947 = arith.mulf %get3A_905, %add3A_946 : vector<16xf32>
    %add3A_948 = arith.addf %add3A_869, %mul3A_947 : vector<16xf32>
    %add3A_949 = arith.addf %add3A_870, %get3A_905 : vector<16xf32>
    %get3A_950 = arith.constant 1 : i32
    %get3A_951 = arith.index_cast %get3A_950 : i32 to index
    %get3A_952 = arith.constant 0 : index
    %get3A_953 = tpu.vector_load %arg12[%get3A_951, %get3A_952] {strides = array<i32>} : memref<4x128xf32, #tpu.memory_space<vmem>>, vector<1x16xf32>,
    %get3A_954 = vector.shape_cast %get3A_953 : vector<1x16xf32> to vector<16xf32>
    %get3A_955 = arith.constant 1 : i32
    %get3A_956 = arith.index_cast %get3A_955 : i32 to index
    %get3A_957 = arith.constant 0 : index
    %get3A_958 = tpu.vector_load %arg13[%get3A_956, %get3A_957] {strides = array<i32>} : memref<4x128xf32, #tpu.memory_space<vmem>>, vector<1x16xf32>,
    %get3A_959 = vector.shape_cast %get3A_958 : vector<1x16xf32> to vector<16xf32>
    %get3A_960 = arith.constant 1 : i32
    %get3A_961 = arith.index_cast %get3A_960 : i32 to index
    %get3A_962 = arith.constant 0 : index
    %get3A_963 = tpu.vector_load %arg14[%get3A_961, %get3A_962] {strides = array<i32>} : memref<4x128xf32, #tpu.memory_space<vmem>>, vector<1x16xf32>,
    %get3A_964 = vector.shape_cast %get3A_963 : vector<1x16xf32> to vector<16xf32>
    %get3A_965 = arith.constant 1 : i32
    %get3A_966 = arith.index_cast %get3A_965 : i32 to index
    %get3A_967 = arith.constant 0 : index
    %get3A_968 = tpu.vector_load %arg15[%get3A_966, %get3A_967] {strides = array<i32>} : memref<4x128xf32, #tpu.memory_space<vmem>>, vector<1x16xf32>,
    %get3A_969 = vector.shape_cast %get3A_968 : vector<1x16xf32> to vector<16xf32>
    %get3A_970 = arith.constant 1 : i32
    %get3A_971 = arith.index_cast %get3A_970 : i32 to index
    %get3A_972 = arith.constant 0 : index
    %get3A_973 = tpu.vector_load %arg16[%get3A_971, %get3A_972] {strides = array<i32>} : memref<4x128xf32, #tpu.memory_space<vmem>>, vector<1x16xf32>,
    %get3A_974 = vector.shape_cast %get3A_973 : vector<1x16xf32> to vector<16xf32>
    %get3A_975 = arith.constant 1 : i32
    %get3A_976 = arith.index_cast %get3A_975 : i32 to index
    %get3A_977 = arith.constant 0 : index
    %get3A_978 = tpu.vector_load %arg17[%get3A_976, %get3A_977] {strides = array<i32>} : memref<4x128xf32, #tpu.memory_space<vmem>>, vector<1x16xf32>,
    %get3A_979 = vector.shape_cast %get3A_978 : vector<1x16xf32> to vector<16xf32>
    %get3A_980 = arith.constant 1 : i32
    %get3A_981 = arith.index_cast %get3A_980 : i32 to index
    %get3A_982 = arith.constant 0 : index
    %get3A_983 = tpu.vector_load %arg18[%get3A_981, %get3A_982] {strides = array<i32>} : memref<4x128xf32, #tpu.memory_space<vmem>>, vector<1x16xf32>,
    %get3A_984 = vector.shape_cast %get3A_983 : vector<1x16xf32> to vector<16xf32>
    %sub3A_985 = arith.subf %get3A_974, %get3A_954 : vector<16xf32>
    %mul3A_986 = arith.constant 2.500000e-01 : f32
    %mul3A_987 = vector.broadcast %mul3A_986 : f32 to vector<16xf32>
    %mul3A_988 = arith.mulf %sub3A_985, %mul3A_987 : vector<16xf32>
    %sub3A_989 = arith.subf %get3A_964, %mul3A_988 : vector<16xf32>
    %abs3A_990 = math.absf %sub3A_989 : vector<16xf32>
    %lt3A_991 = arith.constant 2.500000e-01 : f32
    %lt3A_992 = vector.broadcast %lt3A_991 : f32 to vector<16xf32>
    %lt3A_993 = arith.cmpf olt, %abs3A_990, %lt3A_992 : vector<16xf32>
    %mul3A_994 = arith.constant 5.000000e-01 : f32
    %mul3A_995 = vector.broadcast %mul3A_994 : f32 to vector<16xf32>
    %mul3A_996 = arith.mulf %mul3A_995, %abs3A_990 : vector<16xf32>
    %mul3A_997 = arith.mulf %mul3A_996, %abs3A_990 : vector<16xf32>
    %div3A_998 = arith.constant 2.500000e-01 : f32
    %div3A_999 = vector.broadcast %div3A_998 : f32 to vector<16xf32>
    %div3A_1000 = arith.divf %mul3A_997, %div3A_999 : vector<16xf32>
    %sub3A_1001 = arith.constant 1.250000e-01 : f32
    %sub3A_1002 = vector.broadcast %sub3A_1001 : f32 to vector<16xf32>
    %sub3A_1003 = arith.subf %abs3A_990, %sub3A_1002 : vector<16xf32>
    %select_n3A_1004 = arith.select %lt3A_993, %div3A_1000, %sub3A_1003 : vector<16xi1>, vector<16xf32>
    %sub3A_1005 = arith.subf %get3A_979, %get3A_959 : vector<16xf32>
    %mul3A_1006 = arith.constant 2.500000e-01 : f32
    %mul3A_1007 = vector.broadcast %mul3A_1006 : f32 to vector<16xf32>
    %mul3A_1008 = arith.mulf %sub3A_1005, %mul3A_1007 : vector<16xf32>
    %sub3A_1009 = arith.subf %get3A_969, %mul3A_1008 : vector<16xf32>
    %abs3A_1010 = math.absf %sub3A_1009 : vector<16xf32>
    %lt3A_1011 = arith.constant 2.500000e-01 : f32
    %lt3A_1012 = vector.broadcast %lt3A_1011 : f32 to vector<16xf32>
    %lt3A_1013 = arith.cmpf olt, %abs3A_1010, %lt3A_1012 : vector<16xf32>
    %mul3A_1014 = arith.constant 5.000000e-01 : f32
    %mul3A_1015 = vector.broadcast %mul3A_1014 : f32 to vector<16xf32>
    %mul3A_1016 = arith.mulf %mul3A_1015, %abs3A_1010 : vector<16xf32>
    %mul3A_1017 = arith.mulf %mul3A_1016, %abs3A_1010 : vector<16xf32>
    %div3A_1018 = arith.constant 2.500000e-01 : f32
    %div3A_1019 = vector.broadcast %div3A_1018 : f32 to vector<16xf32>
    %div3A_1020 = arith.divf %mul3A_1017, %div3A_1019 : vector<16xf32>
    %sub3A_1021 = arith.constant 1.250000e-01 : f32
    %sub3A_1022 = vector.broadcast %sub3A_1021 : f32 to vector<16xf32>
    %sub3A_1023 = arith.subf %abs3A_1010, %sub3A_1022 : vector<16xf32>
    %select_n3A_1024 = arith.select %lt3A_1013, %div3A_1020, %sub3A_1023 : vector<16xi1>, vector<16xf32>
    %add3A_1025 = arith.addf %select_n3A_1004, %select_n3A_1024 : vector<16xf32>
    %mul3A_1026 = arith.mulf %get3A_984, %add3A_1025 : vector<16xf32>
    %add3A_1027 = arith.addf %add3A_948, %mul3A_1026 : vector<16xf32>
    %add3A_1028 = arith.addf %add3A_949, %get3A_984 : vector<16xf32>
    %get3A_1029 = arith.constant 1 : i32
    %get3A_1030 = arith.index_cast %get3A_1029 : i32 to index
    %get3A_1031 = arith.constant 16 : index
    %get3A_1032 = tpu.vector_load %arg12[%get3A_1030, %get3A_1031] {strides = array<i32>} : memref<4x128xf32, #tpu.memory_space<vmem>>, vector<1x16xf32>,
    %get3A_1033 = vector.shape_cast %get3A_1032 : vector<1x16xf32> to vector<16xf32>
    %get3A_1034 = arith.constant 1 : i32
    %get3A_1035 = arith.index_cast %get3A_1034 : i32 to index
    %get3A_1036 = arith.constant 16 : index
    %get3A_1037 = tpu.vector_load %arg13[%get3A_1035, %get3A_1036] {strides = array<i32>} : memref<4x128xf32, #tpu.memory_space<vmem>>, vector<1x16xf32>,
    %get3A_1038 = vector.shape_cast %get3A_1037 : vector<1x16xf32> to vector<16xf32>
    %get3A_1039 = arith.constant 1 : i32
    %get3A_1040 = arith.index_cast %get3A_1039 : i32 to index
    %get3A_1041 = arith.constant 16 : index
    %get3A_1042 = tpu.vector_load %arg14[%get3A_1040, %get3A_1041] {strides = array<i32>} : memref<4x128xf32, #tpu.memory_space<vmem>>, vector<1x16xf32>,
    %get3A_1043 = vector.shape_cast %get3A_1042 : vector<1x16xf32> to vector<16xf32>
    %get3A_1044 = arith.constant 1 : i32
    %get3A_1045 = arith.index_cast %get3A_1044 : i32 to index
    %get3A_1046 = arith.constant 16 : index
    %get3A_1047 = tpu.vector_load %arg15[%get3A_1045, %get3A_1046] {strides = array<i32>} : memref<4x128xf32, #tpu.memory_space<vmem>>, vector<1x16xf32>,
    %get3A_1048 = vector.shape_cast %get3A_1047 : vector<1x16xf32> to vector<16xf32>
    %get3A_1049 = arith.constant 1 : i32
    %get3A_1050 = arith.index_cast %get3A_1049 : i32 to index
    %get3A_1051 = arith.constant 16 : index
    %get3A_1052 = tpu.vector_load %arg16[%get3A_1050, %get3A_1051] {strides = array<i32>} : memref<4x128xf32, #tpu.memory_space<vmem>>, vector<1x16xf32>,
    %get3A_1053 = vector.shape_cast %get3A_1052 : vector<1x16xf32> to vector<16xf32>
    %get3A_1054 = arith.constant 1 : i32
    %get3A_1055 = arith.index_cast %get3A_1054 : i32 to index
    %get3A_1056 = arith.constant 16 : index
    %get3A_1057 = tpu.vector_load %arg17[%get3A_1055, %get3A_1056] {strides = array<i32>} : memref<4x128xf32, #tpu.memory_space<vmem>>, vector<1x16xf32>,
    %get3A_1058 = vector.shape_cast %get3A_1057 : vector<1x16xf32> to vector<16xf32>
    %get3A_1059 = arith.constant 1 : i32
    %get3A_1060 = arith.index_cast %get3A_1059 : i32 to index
    %get3A_1061 = arith.constant 16 : index
    %get3A_1062 = tpu.vector_load %arg18[%get3A_1060, %get3A_1061] {strides = array<i32>} : memref<4x128xf32, #tpu.memory_space<vmem>>, vector<1x16xf32>,
    %get3A_1063 = vector.shape_cast %get3A_1062 : vector<1x16xf32> to vector<16xf32>
    %sub3A_1064 = arith.subf %get3A_1053, %get3A_1033 : vector<16xf32>
    %mul3A_1065 = arith.constant 2.500000e-01 : f32
    %mul3A_1066 = vector.broadcast %mul3A_1065 : f32 to vector<16xf32>
    %mul3A_1067 = arith.mulf %sub3A_1064, %mul3A_1066 : vector<16xf32>
    %sub3A_1068 = arith.subf %get3A_1043, %mul3A_1067 : vector<16xf32>
    %abs3A_1069 = math.absf %sub3A_1068 : vector<16xf32>
    %lt3A_1070 = arith.constant 2.500000e-01 : f32
    %lt3A_1071 = vector.broadcast %lt3A_1070 : f32 to vector<16xf32>
    %lt3A_1072 = arith.cmpf olt, %abs3A_1069, %lt3A_1071 : vector<16xf32>
    %mul3A_1073 = arith.constant 5.000000e-01 : f32
    %mul3A_1074 = vector.broadcast %mul3A_1073 : f32 to vector<16xf32>
    %mul3A_1075 = arith.mulf %mul3A_1074, %abs3A_1069 : vector<16xf32>
    %mul3A_1076 = arith.mulf %mul3A_1075, %abs3A_1069 : vector<16xf32>
    %div3A_1077 = arith.constant 2.500000e-01 : f32
    %div3A_1078 = vector.broadcast %div3A_1077 : f32 to vector<16xf32>
    %div3A_1079 = arith.divf %mul3A_1076, %div3A_1078 : vector<16xf32>
    %sub3A_1080 = arith.constant 1.250000e-01 : f32
    %sub3A_1081 = vector.broadcast %sub3A_1080 : f32 to vector<16xf32>
    %sub3A_1082 = arith.subf %abs3A_1069, %sub3A_1081 : vector<16xf32>
    %select_n3A_1083 = arith.select %lt3A_1072, %div3A_1079, %sub3A_1082 : vector<16xi1>, vector<16xf32>
    %sub3A_1084 = arith.subf %get3A_1058, %get3A_1038 : vector<16xf32>
    %mul3A_1085 = arith.constant 2.500000e-01 : f32
    %mul3A_1086 = vector.broadcast %mul3A_1085 : f32 to vector<16xf32>
    %mul3A_1087 = arith.mulf %sub3A_1084, %mul3A_1086 : vector<16xf32>
    %sub3A_1088 = arith.subf %get3A_1048, %mul3A_1087 : vector<16xf32>
    %abs3A_1089 = math.absf %sub3A_1088 : vector<16xf32>
    %lt3A_1090 = arith.constant 2.500000e-01 : f32
    %lt3A_1091 = vector.broadcast %lt3A_1090 : f32 to vector<16xf32>
    %lt3A_1092 = arith.cmpf olt, %abs3A_1089, %lt3A_1091 : vector<16xf32>
    %mul3A_1093 = arith.constant 5.000000e-01 : f32
    %mul3A_1094 = vector.broadcast %mul3A_1093 : f32 to vector<16xf32>
    %mul3A_1095 = arith.mulf %mul3A_1094, %abs3A_1089 : vector<16xf32>
    %mul3A_1096 = arith.mulf %mul3A_1095, %abs3A_1089 : vector<16xf32>
    %div3A_1097 = arith.constant 2.500000e-01 : f32
    %div3A_1098 = vector.broadcast %div3A_1097 : f32 to vector<16xf32>
    %div3A_1099 = arith.divf %mul3A_1096, %div3A_1098 : vector<16xf32>
    %sub3A_1100 = arith.constant 1.250000e-01 : f32
    %sub3A_1101 = vector.broadcast %sub3A_1100 : f32 to vector<16xf32>
    %sub3A_1102 = arith.subf %abs3A_1089, %sub3A_1101 : vector<16xf32>
    %select_n3A_1103 = arith.select %lt3A_1092, %div3A_1099, %sub3A_1102 : vector<16xi1>, vector<16xf32>
    %add3A_1104 = arith.addf %select_n3A_1083, %select_n3A_1103 : vector<16xf32>
    %mul3A_1105 = arith.mulf %get3A_1063, %add3A_1104 : vector<16xf32>
    %add3A_1106 = arith.addf %add3A_1027, %mul3A_1105 : vector<16xf32>
    %add3A_1107 = arith.addf %add3A_1028, %get3A_1063 : vector<16xf32>
    %get3A_1108 = arith.constant 1 : i32
    %get3A_1109 = arith.index_cast %get3A_1108 : i32 to index
    %get3A_1110 = arith.constant 32 : index
    %get3A_1111 = tpu.vector_load %arg12[%get3A_1109, %get3A_1110] {strides = array<i32>} : memref<4x128xf32, #tpu.memory_space<vmem>>, vector<1x16xf32>,
    %get3A_1112 = vector.shape_cast %get3A_1111 : vector<1x16xf32> to vector<16xf32>
    %get3A_1113 = arith.constant 1 : i32
    %get3A_1114 = arith.index_cast %get3A_1113 : i32 to index
    %get3A_1115 = arith.constant 32 : index
    %get3A_1116 = tpu.vector_load %arg13[%get3A_1114, %get3A_1115] {strides = array<i32>} : memref<4x128xf32, #tpu.memory_space<vmem>>, vector<1x16xf32>,
    %get3A_1117 = vector.shape_cast %get3A_1116 : vector<1x16xf32> to vector<16xf32>
    %get3A_1118 = arith.constant 1 : i32
    %get3A_1119 = arith.index_cast %get3A_1118 : i32 to index
    %get3A_1120 = arith.constant 32 : index
    %get3A_1121 = tpu.vector_load %arg14[%get3A_1119, %get3A_1120] {strides = array<i32>} : memref<4x128xf32, #tpu.memory_space<vmem>>, vector<1x16xf32>,
    %get3A_1122 = vector.shape_cast %get3A_1121 : vector<1x16xf32> to vector<16xf32>
    %get3A_1123 = arith.constant 1 : i32
    %get3A_1124 = arith.index_cast %get3A_1123 : i32 to index
    %get3A_1125 = arith.constant 32 : index
    %get3A_1126 = tpu.vector_load %arg15[%get3A_1124, %get3A_1125] {strides = array<i32>} : memref<4x128xf32, #tpu.memory_space<vmem>>, vector<1x16xf32>,
    %get3A_1127 = vector.shape_cast %get3A_1126 : vector<1x16xf32> to vector<16xf32>
    %get3A_1128 = arith.constant 1 : i32
    %get3A_1129 = arith.index_cast %get3A_1128 : i32 to index
    %get3A_1130 = arith.constant 32 : index
    %get3A_1131 = tpu.vector_load %arg16[%get3A_1129, %get3A_1130] {strides = array<i32>} : memref<4x128xf32, #tpu.memory_space<vmem>>, vector<1x16xf32>,
    %get3A_1132 = vector.shape_cast %get3A_1131 : vector<1x16xf32> to vector<16xf32>
    %get3A_1133 = arith.constant 1 : i32
    %get3A_1134 = arith.index_cast %get3A_1133 : i32 to index
    %get3A_1135 = arith.constant 32 : index
    %get3A_1136 = tpu.vector_load %arg17[%get3A_1134, %get3A_1135] {strides = array<i32>} : memref<4x128xf32, #tpu.memory_space<vmem>>, vector<1x16xf32>,
    %get3A_1137 = vector.shape_cast %get3A_1136 : vector<1x16xf32> to vector<16xf32>
    %get3A_1138 = arith.constant 1 : i32
    %get3A_1139 = arith.index_cast %get3A_1138 : i32 to index
    %get3A_1140 = arith.constant 32 : index
    %get3A_1141 = tpu.vector_load %arg18[%get3A_1139, %get3A_1140] {strides = array<i32>} : memref<4x128xf32, #tpu.memory_space<vmem>>, vector<1x16xf32>,
    %get3A_1142 = vector.shape_cast %get3A_1141 : vector<1x16xf32> to vector<16xf32>
    %sub3A_1143 = arith.subf %get3A_1132, %get3A_1112 : vector<16xf32>
    %mul3A_1144 = arith.constant 2.500000e-01 : f32
    %mul3A_1145 = vector.broadcast %mul3A_1144 : f32 to vector<16xf32>
    %mul3A_1146 = arith.mulf %sub3A_1143, %mul3A_1145 : vector<16xf32>
    %sub3A_1147 = arith.subf %get3A_1122, %mul3A_1146 : vector<16xf32>
    %abs3A_1148 = math.absf %sub3A_1147 : vector<16xf32>
    %lt3A_1149 = arith.constant 2.500000e-01 : f32
    %lt3A_1150 = vector.broadcast %lt3A_1149 : f32 to vector<16xf32>
    %lt3A_1151 = arith.cmpf olt, %abs3A_1148, %lt3A_1150 : vector<16xf32>
    %mul3A_1152 = arith.constant 5.000000e-01 : f32
    %mul3A_1153 = vector.broadcast %mul3A_1152 : f32 to vector<16xf32>
    %mul3A_1154 = arith.mulf %mul3A_1153, %abs3A_1148 : vector<16xf32>
    %mul3A_1155 = arith.mulf %mul3A_1154, %abs3A_1148 : vector<16xf32>
    %div3A_1156 = arith.constant 2.500000e-01 : f32
    %div3A_1157 = vector.broadcast %div3A_1156 : f32 to vector<16xf32>
    %div3A_1158 = arith.divf %mul3A_1155, %div3A_1157 : vector<16xf32>
    %sub3A_1159 = arith.constant 1.250000e-01 : f32
    %sub3A_1160 = vector.broadcast %sub3A_1159 : f32 to vector<16xf32>
    %sub3A_1161 = arith.subf %abs3A_1148, %sub3A_1160 : vector<16xf32>
    %select_n3A_1162 = arith.select %lt3A_1151, %div3A_1158, %sub3A_1161 : vector<16xi1>, vector<16xf32>
    %sub3A_1163 = arith.subf %get3A_1137, %get3A_1117 : vector<16xf32>
    %mul3A_1164 = arith.constant 2.500000e-01 : f32
    %mul3A_1165 = vector.broadcast %mul3A_1164 : f32 to vector<16xf32>
    %mul3A_1166 = arith.mulf %sub3A_1163, %mul3A_1165 : vector<16xf32>
    %sub3A_1167 = arith.subf %get3A_1127, %mul3A_1166 : vector<16xf32>
    %abs3A_1168 = math.absf %sub3A_1167 : vector<16xf32>
    %lt3A_1169 = arith.constant 2.500000e-01 : f32
    %lt3A_1170 = vector.broadcast %lt3A_1169 : f32 to vector<16xf32>
    %lt3A_1171 = arith.cmpf olt, %abs3A_1168, %lt3A_1170 : vector<16xf32>
    %mul3A_1172 = arith.constant 5.000000e-01 : f32
    %mul3A_1173 = vector.broadcast %mul3A_1172 : f32 to vector<16xf32>
    %mul3A_1174 = arith.mulf %mul3A_1173, %abs3A_1168 : vector<16xf32>
    %mul3A_1175 = arith.mulf %mul3A_1174, %abs3A_1168 : vector<16xf32>
    %div3A_1176 = arith.constant 2.500000e-01 : f32
    %div3A_1177 = vector.broadcast %div3A_1176 : f32 to vector<16xf32>
    %div3A_1178 = arith.divf %mul3A_1175, %div3A_1177 : vector<16xf32>
    %sub3A_1179 = arith.constant 1.250000e-01 : f32
    %sub3A_1180 = vector.broadcast %sub3A_1179 : f32 to vector<16xf32>
    %sub3A_1181 = arith.subf %abs3A_1168, %sub3A_1180 : vector<16xf32>
    %select_n3A_1182 = arith.select %lt3A_1171, %div3A_1178, %sub3A_1181 : vector<16xi1>, vector<16xf32>
    %add3A_1183 = arith.addf %select_n3A_1162, %select_n3A_1182 : vector<16xf32>
    %mul3A_1184 = arith.mulf %get3A_1142, %add3A_1183 : vector<16xf32>
    %add3A_1185 = arith.addf %add3A_1106, %mul3A_1184 : vector<16xf32>
    %add3A_1186 = arith.addf %add3A_1107, %get3A_1142 : vector<16xf32>
    %get3A_1187 = arith.constant 1 : i32
    %get3A_1188 = arith.index_cast %get3A_1187 : i32 to index
    %get3A_1189 = arith.constant 48 : index
    %get3A_1190 = tpu.vector_load %arg12[%get3A_1188, %get3A_1189] {strides = array<i32>} : memref<4x128xf32, #tpu.memory_space<vmem>>, vector<1x16xf32>,
    %get3A_1191 = vector.shape_cast %get3A_1190 : vector<1x16xf32> to vector<16xf32>
    %get3A_1192 = arith.constant 1 : i32
    %get3A_1193 = arith.index_cast %get3A_1192 : i32 to index
    %get3A_1194 = arith.constant 48 : index
    %get3A_1195 = tpu.vector_load %arg13[%get3A_1193, %get3A_1194] {strides = array<i32>} : memref<4x128xf32, #tpu.memory_space<vmem>>, vector<1x16xf32>,
    %get3A_1196 = vector.shape_cast %get3A_1195 : vector<1x16xf32> to vector<16xf32>
    %get3A_1197 = arith.constant 1 : i32
    %get3A_1198 = arith.index_cast %get3A_1197 : i32 to index
    %get3A_1199 = arith.constant 48 : index
    %get3A_1200 = tpu.vector_load %arg14[%get3A_1198, %get3A_1199] {strides = array<i32>} : memref<4x128xf32, #tpu.memory_space<vmem>>, vector<1x16xf32>,
    %get3A_1201 = vector.shape_cast %get3A_1200 : vector<1x16xf32> to vector<16xf32>
    %get3A_1202 = arith.constant 1 : i32
    %get3A_1203 = arith.index_cast %get3A_1202 : i32 to index
    %get3A_1204 = arith.constant 48 : index
    %get3A_1205 = tpu.vector_load %arg15[%get3A_1203, %get3A_1204] {strides = array<i32>} : memref<4x128xf32, #tpu.memory_space<vmem>>, vector<1x16xf32>,
    %get3A_1206 = vector.shape_cast %get3A_1205 : vector<1x16xf32> to vector<16xf32>
    %get3A_1207 = arith.constant 1 : i32
    %get3A_1208 = arith.index_cast %get3A_1207 : i32 to index
    %get3A_1209 = arith.constant 48 : index
    %get3A_1210 = tpu.vector_load %arg16[%get3A_1208, %get3A_1209] {strides = array<i32>} : memref<4x128xf32, #tpu.memory_space<vmem>>, vector<1x16xf32>,
    %get3A_1211 = vector.shape_cast %get3A_1210 : vector<1x16xf32> to vector<16xf32>
    %get3A_1212 = arith.constant 1 : i32
    %get3A_1213 = arith.index_cast %get3A_1212 : i32 to index
    %get3A_1214 = arith.constant 48 : index
    %get3A_1215 = tpu.vector_load %arg17[%get3A_1213, %get3A_1214] {strides = array<i32>} : memref<4x128xf32, #tpu.memory_space<vmem>>, vector<1x16xf32>,
    %get3A_1216 = vector.shape_cast %get3A_1215 : vector<1x16xf32> to vector<16xf32>
    %get3A_1217 = arith.constant 1 : i32
    %get3A_1218 = arith.index_cast %get3A_1217 : i32 to index
    %get3A_1219 = arith.constant 48 : index
    %get3A_1220 = tpu.vector_load %arg18[%get3A_1218, %get3A_1219] {strides = array<i32>} : memref<4x128xf32, #tpu.memory_space<vmem>>, vector<1x16xf32>,
    %get3A_1221 = vector.shape_cast %get3A_1220 : vector<1x16xf32> to vector<16xf32>
    %sub3A_1222 = arith.subf %get3A_1211, %get3A_1191 : vector<16xf32>
    %mul3A_1223 = arith.constant 2.500000e-01 : f32
    %mul3A_1224 = vector.broadcast %mul3A_1223 : f32 to vector<16xf32>
    %mul3A_1225 = arith.mulf %sub3A_1222, %mul3A_1224 : vector<16xf32>
    %sub3A_1226 = arith.subf %get3A_1201, %mul3A_1225 : vector<16xf32>
    %abs3A_1227 = math.absf %sub3A_1226 : vector<16xf32>
    %lt3A_1228 = arith.constant 2.500000e-01 : f32
    %lt3A_1229 = vector.broadcast %lt3A_1228 : f32 to vector<16xf32>
    %lt3A_1230 = arith.cmpf olt, %abs3A_1227, %lt3A_1229 : vector<16xf32>
    %mul3A_1231 = arith.constant 5.000000e-01 : f32
    %mul3A_1232 = vector.broadcast %mul3A_1231 : f32 to vector<16xf32>
    %mul3A_1233 = arith.mulf %mul3A_1232, %abs3A_1227 : vector<16xf32>
    %mul3A_1234 = arith.mulf %mul3A_1233, %abs3A_1227 : vector<16xf32>
    %div3A_1235 = arith.constant 2.500000e-01 : f32
    %div3A_1236 = vector.broadcast %div3A_1235 : f32 to vector<16xf32>
    %div3A_1237 = arith.divf %mul3A_1234, %div3A_1236 : vector<16xf32>
    %sub3A_1238 = arith.constant 1.250000e-01 : f32
    %sub3A_1239 = vector.broadcast %sub3A_1238 : f32 to vector<16xf32>
    %sub3A_1240 = arith.subf %abs3A_1227, %sub3A_1239 : vector<16xf32>
    %select_n3A_1241 = arith.select %lt3A_1230, %div3A_1237, %sub3A_1240 : vector<16xi1>, vector<16xf32>
    %sub3A_1242 = arith.subf %get3A_1216, %get3A_1196 : vector<16xf32>
    %mul3A_1243 = arith.constant 2.500000e-01 : f32
    %mul3A_1244 = vector.broadcast %mul3A_1243 : f32 to vector<16xf32>
    %mul3A_1245 = arith.mulf %sub3A_1242, %mul3A_1244 : vector<16xf32>
    %sub3A_1246 = arith.subf %get3A_1206, %mul3A_1245 : vector<16xf32>
    %abs3A_1247 = math.absf %sub3A_1246 : vector<16xf32>
    %lt3A_1248 = arith.constant 2.500000e-01 : f32
    %lt3A_1249 = vector.broadcast %lt3A_1248 : f32 to vector<16xf32>
    %lt3A_1250 = arith.cmpf olt, %abs3A_1247, %lt3A_1249 : vector<16xf32>
    %mul3A_1251 = arith.constant 5.000000e-01 : f32
    %mul3A_1252 = vector.broadcast %mul3A_1251 : f32 to vector<16xf32>
    %mul3A_1253 = arith.mulf %mul3A_1252, %abs3A_1247 : vector<16xf32>
    %mul3A_1254 = arith.mulf %mul3A_1253, %abs3A_1247 : vector<16xf32>
    %div3A_1255 = arith.constant 2.500000e-01 : f32
    %div3A_1256 = vector.broadcast %div3A_1255 : f32 to vector<16xf32>
    %div3A_1257 = arith.divf %mul3A_1254, %div3A_1256 : vector<16xf32>
    %sub3A_1258 = arith.constant 1.250000e-01 : f32
    %sub3A_1259 = vector.broadcast %sub3A_1258 : f32 to vector<16xf32>
    %sub3A_1260 = arith.subf %abs3A_1247, %sub3A_1259 : vector<16xf32>
    %select_n3A_1261 = arith.select %lt3A_1250, %div3A_1257, %sub3A_1260 : vector<16xi1>, vector<16xf32>
    %add3A_1262 = arith.addf %select_n3A_1241, %select_n3A_1261 : vector<16xf32>
    %mul3A_1263 = arith.mulf %get3A_1221, %add3A_1262 : vector<16xf32>
    %add3A_1264 = arith.addf %add3A_1185, %mul3A_1263 : vector<16xf32>
    %add3A_1265 = arith.addf %add3A_1186, %get3A_1221 : vector<16xf32>
    %get3A_1266 = arith.constant 1 : i32
    %get3A_1267 = arith.index_cast %get3A_1266 : i32 to index
    %get3A_1268 = arith.constant 64 : index
    %get3A_1269 = tpu.vector_load %arg12[%get3A_1267, %get3A_1268] {strides = array<i32>} : memref<4x128xf32, #tpu.memory_space<vmem>>, vector<1x16xf32>,
    %get3A_1270 = vector.shape_cast %get3A_1269 : vector<1x16xf32> to vector<16xf32>
    %get3A_1271 = arith.constant 1 : i32
    %get3A_1272 = arith.index_cast %get3A_1271 : i32 to index
    %get3A_1273 = arith.constant 64 : index
    %get3A_1274 = tpu.vector_load %arg13[%get3A_1272, %get3A_1273] {strides = array<i32>} : memref<4x128xf32, #tpu.memory_space<vmem>>, vector<1x16xf32>,
    %get3A_1275 = vector.shape_cast %get3A_1274 : vector<1x16xf32> to vector<16xf32>
    %get3A_1276 = arith.constant 1 : i32
    %get3A_1277 = arith.index_cast %get3A_1276 : i32 to index
    %get3A_1278 = arith.constant 64 : index
    %get3A_1279 = tpu.vector_load %arg14[%get3A_1277, %get3A_1278] {strides = array<i32>} : memref<4x128xf32, #tpu.memory_space<vmem>>, vector<1x16xf32>,
    %get3A_1280 = vector.shape_cast %get3A_1279 : vector<1x16xf32> to vector<16xf32>
    %get3A_1281 = arith.constant 1 : i32
    %get3A_1282 = arith.index_cast %get3A_1281 : i32 to index
    %get3A_1283 = arith.constant 64 : index
    %get3A_1284 = tpu.vector_load %arg15[%get3A_1282, %get3A_1283] {strides = array<i32>} : memref<4x128xf32, #tpu.memory_space<vmem>>, vector<1x16xf32>,
    %get3A_1285 = vector.shape_cast %get3A_1284 : vector<1x16xf32> to vector<16xf32>
    %get3A_1286 = arith.constant 1 : i32
    %get3A_1287 = arith.index_cast %get3A_1286 : i32 to index
    %get3A_1288 = arith.constant 64 : index
    %get3A_1289 = tpu.vector_load %arg16[%get3A_1287, %get3A_1288] {strides = array<i32>} : memref<4x128xf32, #tpu.memory_space<vmem>>, vector<1x16xf32>,
    %get3A_1290 = vector.shape_cast %get3A_1289 : vector<1x16xf32> to vector<16xf32>
    %get3A_1291 = arith.constant 1 : i32
    %get3A_1292 = arith.index_cast %get3A_1291 : i32 to index
    %get3A_1293 = arith.constant 64 : index
    %get3A_1294 = tpu.vector_load %arg17[%get3A_1292, %get3A_1293] {strides = array<i32>} : memref<4x128xf32, #tpu.memory_space<vmem>>, vector<1x16xf32>,
    %get3A_1295 = vector.shape_cast %get3A_1294 : vector<1x16xf32> to vector<16xf32>
    %get3A_1296 = arith.constant 1 : i32
    %get3A_1297 = arith.index_cast %get3A_1296 : i32 to index
    %get3A_1298 = arith.constant 64 : index
    %get3A_1299 = tpu.vector_load %arg18[%get3A_1297, %get3A_1298] {strides = array<i32>} : memref<4x128xf32, #tpu.memory_space<vmem>>, vector<1x16xf32>,
    %get3A_1300 = vector.shape_cast %get3A_1299 : vector<1x16xf32> to vector<16xf32>
    %sub3A_1301 = arith.subf %get3A_1290, %get3A_1270 : vector<16xf32>
    %mul3A_1302 = arith.constant 2.500000e-01 : f32
    %mul3A_1303 = vector.broadcast %mul3A_1302 : f32 to vector<16xf32>
    %mul3A_1304 = arith.mulf %sub3A_1301, %mul3A_1303 : vector<16xf32>
    %sub3A_1305 = arith.subf %get3A_1280, %mul3A_1304 : vector<16xf32>
    %abs3A_1306 = math.absf %sub3A_1305 : vector<16xf32>
    %lt3A_1307 = arith.constant 2.500000e-01 : f32
    %lt3A_1308 = vector.broadcast %lt3A_1307 : f32 to vector<16xf32>
    %lt3A_1309 = arith.cmpf olt, %abs3A_1306, %lt3A_1308 : vector<16xf32>
    %mul3A_1310 = arith.constant 5.000000e-01 : f32
    %mul3A_1311 = vector.broadcast %mul3A_1310 : f32 to vector<16xf32>
    %mul3A_1312 = arith.mulf %mul3A_1311, %abs3A_1306 : vector<16xf32>
    %mul3A_1313 = arith.mulf %mul3A_1312, %abs3A_1306 : vector<16xf32>
    %div3A_1314 = arith.constant 2.500000e-01 : f32
    %div3A_1315 = vector.broadcast %div3A_1314 : f32 to vector<16xf32>
    %div3A_1316 = arith.divf %mul3A_1313, %div3A_1315 : vector<16xf32>
    %sub3A_1317 = arith.constant 1.250000e-01 : f32
    %sub3A_1318 = vector.broadcast %sub3A_1317 : f32 to vector<16xf32>
    %sub3A_1319 = arith.subf %abs3A_1306, %sub3A_1318 : vector<16xf32>
    %select_n3A_1320 = arith.select %lt3A_1309, %div3A_1316, %sub3A_1319 : vector<16xi1>, vector<16xf32>
    %sub3A_1321 = arith.subf %get3A_1295, %get3A_1275 : vector<16xf32>
    %mul3A_1322 = arith.constant 2.500000e-01 : f32
    %mul3A_1323 = vector.broadcast %mul3A_1322 : f32 to vector<16xf32>
    %mul3A_1324 = arith.mulf %sub3A_1321, %mul3A_1323 : vector<16xf32>
    %sub3A_1325 = arith.subf %get3A_1285, %mul3A_1324 : vector<16xf32>
    %abs3A_1326 = math.absf %sub3A_1325 : vector<16xf32>
    %lt3A_1327 = arith.constant 2.500000e-01 : f32
    %lt3A_1328 = vector.broadcast %lt3A_1327 : f32 to vector<16xf32>
    %lt3A_1329 = arith.cmpf olt, %abs3A_1326, %lt3A_1328 : vector<16xf32>
    %mul3A_1330 = arith.constant 5.000000e-01 : f32
    %mul3A_1331 = vector.broadcast %mul3A_1330 : f32 to vector<16xf32>
    %mul3A_1332 = arith.mulf %mul3A_1331, %abs3A_1326 : vector<16xf32>
    %mul3A_1333 = arith.mulf %mul3A_1332, %abs3A_1326 : vector<16xf32>
    %div3A_1334 = arith.constant 2.500000e-01 : f32
    %div3A_1335 = vector.broadcast %div3A_1334 : f32 to vector<16xf32>
    %div3A_1336 = arith.divf %mul3A_1333, %div3A_1335 : vector<16xf32>
    %sub3A_1337 = arith.constant 1.250000e-01 : f32
    %sub3A_1338 = vector.broadcast %sub3A_1337 : f32 to vector<16xf32>
    %sub3A_1339 = arith.subf %abs3A_1326, %sub3A_1338 : vector<16xf32>
    %select_n3A_1340 = arith.select %lt3A_1329, %div3A_1336, %sub3A_1339 : vector<16xi1>, vector<16xf32>
    %add3A_1341 = arith.addf %select_n3A_1320, %select_n3A_1340 : vector<16xf32>
    %mul3A_1342 = arith.mulf %get3A_1300, %add3A_1341 : vector<16xf32>
    %add3A_1343 = arith.addf %add3A_1264, %mul3A_1342 : vector<16xf32>
    %add3A_1344 = arith.addf %add3A_1265, %get3A_1300 : vector<16xf32>
    %get3A_1345 = arith.constant 1 : i32
    %get3A_1346 = arith.index_cast %get3A_1345 : i32 to index
    %get3A_1347 = arith.constant 80 : index
    %get3A_1348 = tpu.vector_load %arg12[%get3A_1346, %get3A_1347] {strides = array<i32>} : memref<4x128xf32, #tpu.memory_space<vmem>>, vector<1x16xf32>,
    %get3A_1349 = vector.shape_cast %get3A_1348 : vector<1x16xf32> to vector<16xf32>
    %get3A_1350 = arith.constant 1 : i32
    %get3A_1351 = arith.index_cast %get3A_1350 : i32 to index
    %get3A_1352 = arith.constant 80 : index
    %get3A_1353 = tpu.vector_load %arg13[%get3A_1351, %get3A_1352] {strides = array<i32>} : memref<4x128xf32, #tpu.memory_space<vmem>>, vector<1x16xf32>,
    %get3A_1354 = vector.shape_cast %get3A_1353 : vector<1x16xf32> to vector<16xf32>
    %get3A_1355 = arith.constant 1 : i32
    %get3A_1356 = arith.index_cast %get3A_1355 : i32 to index
    %get3A_1357 = arith.constant 80 : index
    %get3A_1358 = tpu.vector_load %arg14[%get3A_1356, %get3A_1357] {strides = array<i32>} : memref<4x128xf32, #tpu.memory_space<vmem>>, vector<1x16xf32>,
    %get3A_1359 = vector.shape_cast %get3A_1358 : vector<1x16xf32> to vector<16xf32>
    %get3A_1360 = arith.constant 1 : i32
    %get3A_1361 = arith.index_cast %get3A_1360 : i32 to index
    %get3A_1362 = arith.constant 80 : index
    %get3A_1363 = tpu.vector_load %arg15[%get3A_1361, %get3A_1362] {strides = array<i32>} : memref<4x128xf32, #tpu.memory_space<vmem>>, vector<1x16xf32>,
    %get3A_1364 = vector.shape_cast %get3A_1363 : vector<1x16xf32> to vector<16xf32>
    %get3A_1365 = arith.constant 1 : i32
    %get3A_1366 = arith.index_cast %get3A_1365 : i32 to index
    %get3A_1367 = arith.constant 80 : index
    %get3A_1368 = tpu.vector_load %arg16[%get3A_1366, %get3A_1367] {strides = array<i32>} : memref<4x128xf32, #tpu.memory_space<vmem>>, vector<1x16xf32>,
    %get3A_1369 = vector.shape_cast %get3A_1368 : vector<1x16xf32> to vector<16xf32>
    %get3A_1370 = arith.constant 1 : i32
    %get3A_1371 = arith.index_cast %get3A_1370 : i32 to index
    %get3A_1372 = arith.constant 80 : index
    %get3A_1373 = tpu.vector_load %arg17[%get3A_1371, %get3A_1372] {strides = array<i32>} : memref<4x128xf32, #tpu.memory_space<vmem>>, vector<1x16xf32>,
    %get3A_1374 = vector.shape_cast %get3A_1373 : vector<1x16xf32> to vector<16xf32>
    %get3A_1375 = arith.constant 1 : i32
    %get3A_1376 = arith.index_cast %get3A_1375 : i32 to index
    %get3A_1377 = arith.constant 80 : index
    %get3A_1378 = tpu.vector_load %arg18[%get3A_1376, %get3A_1377] {strides = array<i32>} : memref<4x128xf32, #tpu.memory_space<vmem>>, vector<1x16xf32>,
    %get3A_1379 = vector.shape_cast %get3A_1378 : vector<1x16xf32> to vector<16xf32>
    %sub3A_1380 = arith.subf %get3A_1369, %get3A_1349 : vector<16xf32>
    %mul3A_1381 = arith.constant 2.500000e-01 : f32
    %mul3A_1382 = vector.broadcast %mul3A_1381 : f32 to vector<16xf32>
    %mul3A_1383 = arith.mulf %sub3A_1380, %mul3A_1382 : vector<16xf32>
    %sub3A_1384 = arith.subf %get3A_1359, %mul3A_1383 : vector<16xf32>
    %abs3A_1385 = math.absf %sub3A_1384 : vector<16xf32>
    %lt3A_1386 = arith.constant 2.500000e-01 : f32
    %lt3A_1387 = vector.broadcast %lt3A_1386 : f32 to vector<16xf32>
    %lt3A_1388 = arith.cmpf olt, %abs3A_1385, %lt3A_1387 : vector<16xf32>
    %mul3A_1389 = arith.constant 5.000000e-01 : f32
    %mul3A_1390 = vector.broadcast %mul3A_1389 : f32 to vector<16xf32>
    %mul3A_1391 = arith.mulf %mul3A_1390, %abs3A_1385 : vector<16xf32>
    %mul3A_1392 = arith.mulf %mul3A_1391, %abs3A_1385 : vector<16xf32>
    %div3A_1393 = arith.constant 2.500000e-01 : f32
    %div3A_1394 = vector.broadcast %div3A_1393 : f32 to vector<16xf32>
    %div3A_1395 = arith.divf %mul3A_1392, %div3A_1394 : vector<16xf32>
    %sub3A_1396 = arith.constant 1.250000e-01 : f32
    %sub3A_1397 = vector.broadcast %sub3A_1396 : f32 to vector<16xf32>
    %sub3A_1398 = arith.subf %abs3A_1385, %sub3A_1397 : vector<16xf32>
    %select_n3A_1399 = arith.select %lt3A_1388, %div3A_1395, %sub3A_1398 : vector<16xi1>, vector<16xf32>
    %sub3A_1400 = arith.subf %get3A_1374, %get3A_1354 : vector<16xf32>
    %mul3A_1401 = arith.constant 2.500000e-01 : f32
    %mul3A_1402 = vector.broadcast %mul3A_1401 : f32 to vector<16xf32>
    %mul3A_1403 = arith.mulf %sub3A_1400, %mul3A_1402 : vector<16xf32>
    %sub3A_1404 = arith.subf %get3A_1364, %mul3A_1403 : vector<16xf32>
    %abs3A_1405 = math.absf %sub3A_1404 : vector<16xf32>
    %lt3A_1406 = arith.constant 2.500000e-01 : f32
    %lt3A_1407 = vector.broadcast %lt3A_1406 : f32 to vector<16xf32>
    %lt3A_1408 = arith.cmpf olt, %abs3A_1405, %lt3A_1407 : vector<16xf32>
    %mul3A_1409 = arith.constant 5.000000e-01 : f32
    %mul3A_1410 = vector.broadcast %mul3A_1409 : f32 to vector<16xf32>
    %mul3A_1411 = arith.mulf %mul3A_1410, %abs3A_1405 : vector<16xf32>
    %mul3A_1412 = arith.mulf %mul3A_1411, %abs3A_1405 : vector<16xf32>
    %div3A_1413 = arith.constant 2.500000e-01 : f32
    %div3A_1414 = vector.broadcast %div3A_1413 : f32 to vector<16xf32>
    %div3A_1415 = arith.divf %mul3A_1412, %div3A_1414 : vector<16xf32>
    %sub3A_1416 = arith.constant 1.250000e-01 : f32
    %sub3A_1417 = vector.broadcast %sub3A_1416 : f32 to vector<16xf32>
    %sub3A_1418 = arith.subf %abs3A_1405, %sub3A_1417 : vector<16xf32>
    %select_n3A_1419 = arith.select %lt3A_1408, %div3A_1415, %sub3A_1418 : vector<16xi1>, vector<16xf32>
    %add3A_1420 = arith.addf %select_n3A_1399, %select_n3A_1419 : vector<16xf32>
    %mul3A_1421 = arith.mulf %get3A_1379, %add3A_1420 : vector<16xf32>
    %add3A_1422 = arith.addf %add3A_1343, %mul3A_1421 : vector<16xf32>
    %add3A_1423 = arith.addf %add3A_1344, %get3A_1379 : vector<16xf32>
    %get3A_1424 = arith.constant 1 : i32
    %get3A_1425 = arith.index_cast %get3A_1424 : i32 to index
    %get3A_1426 = arith.constant 96 : index
    %get3A_1427 = tpu.vector_load %arg12[%get3A_1425, %get3A_1426] {strides = array<i32>} : memref<4x128xf32, #tpu.memory_space<vmem>>, vector<1x16xf32>,
    %get3A_1428 = vector.shape_cast %get3A_1427 : vector<1x16xf32> to vector<16xf32>
    %get3A_1429 = arith.constant 1 : i32
    %get3A_1430 = arith.index_cast %get3A_1429 : i32 to index
    %get3A_1431 = arith.constant 96 : index
    %get3A_1432 = tpu.vector_load %arg13[%get3A_1430, %get3A_1431] {strides = array<i32>} : memref<4x128xf32, #tpu.memory_space<vmem>>, vector<1x16xf32>,
    %get3A_1433 = vector.shape_cast %get3A_1432 : vector<1x16xf32> to vector<16xf32>
    %get3A_1434 = arith.constant 1 : i32
    %get3A_1435 = arith.index_cast %get3A_1434 : i32 to index
    %get3A_1436 = arith.constant 96 : index
    %get3A_1437 = tpu.vector_load %arg14[%get3A_1435, %get3A_1436] {strides = array<i32>} : memref<4x128xf32, #tpu.memory_space<vmem>>, vector<1x16xf32>,
    %get3A_1438 = vector.shape_cast %get3A_1437 : vector<1x16xf32> to vector<16xf32>
    %get3A_1439 = arith.constant 1 : i32
    %get3A_1440 = arith.index_cast %get3A_1439 : i32 to index
    %get3A_1441 = arith.constant 96 : index
    %get3A_1442 = tpu.vector_load %arg15[%get3A_1440, %get3A_1441] {strides = array<i32>} : memref<4x128xf32, #tpu.memory_space<vmem>>, vector<1x16xf32>,
    %get3A_1443 = vector.shape_cast %get3A_1442 : vector<1x16xf32> to vector<16xf32>
    %get3A_1444 = arith.constant 1 : i32
    %get3A_1445 = arith.index_cast %get3A_1444 : i32 to index
    %get3A_1446 = arith.constant 96 : index
    %get3A_1447 = tpu.vector_load %arg16[%get3A_1445, %get3A_1446] {strides = array<i32>} : memref<4x128xf32, #tpu.memory_space<vmem>>, vector<1x16xf32>,
    %get3A_1448 = vector.shape_cast %get3A_1447 : vector<1x16xf32> to vector<16xf32>
    %get3A_1449 = arith.constant 1 : i32
    %get3A_1450 = arith.index_cast %get3A_1449 : i32 to index
    %get3A_1451 = arith.constant 96 : index
    %get3A_1452 = tpu.vector_load %arg17[%get3A_1450, %get3A_1451] {strides = array<i32>} : memref<4x128xf32, #tpu.memory_space<vmem>>, vector<1x16xf32>,
    %get3A_1453 = vector.shape_cast %get3A_1452 : vector<1x16xf32> to vector<16xf32>
    %get3A_1454 = arith.constant 1 : i32
    %get3A_1455 = arith.index_cast %get3A_1454 : i32 to index
    %get3A_1456 = arith.constant 96 : index
    %get3A_1457 = tpu.vector_load %arg18[%get3A_1455, %get3A_1456] {strides = array<i32>} : memref<4x128xf32, #tpu.memory_space<vmem>>, vector<1x16xf32>,
    %get3A_1458 = vector.shape_cast %get3A_1457 : vector<1x16xf32> to vector<16xf32>
    %sub3A_1459 = arith.subf %get3A_1448, %get3A_1428 : vector<16xf32>
    %mul3A_1460 = arith.constant 2.500000e-01 : f32
    %mul3A_1461 = vector.broadcast %mul3A_1460 : f32 to vector<16xf32>
    %mul3A_1462 = arith.mulf %sub3A_1459, %mul3A_1461 : vector<16xf32>
    %sub3A_1463 = arith.subf %get3A_1438, %mul3A_1462 : vector<16xf32>
    %abs3A_1464 = math.absf %sub3A_1463 : vector<16xf32>
    %lt3A_1465 = arith.constant 2.500000e-01 : f32
    %lt3A_1466 = vector.broadcast %lt3A_1465 : f32 to vector<16xf32>
    %lt3A_1467 = arith.cmpf olt, %abs3A_1464, %lt3A_1466 : vector<16xf32>
    %mul3A_1468 = arith.constant 5.000000e-01 : f32
    %mul3A_1469 = vector.broadcast %mul3A_1468 : f32 to vector<16xf32>
    %mul3A_1470 = arith.mulf %mul3A_1469, %abs3A_1464 : vector<16xf32>
    %mul3A_1471 = arith.mulf %mul3A_1470, %abs3A_1464 : vector<16xf32>
    %div3A_1472 = arith.constant 2.500000e-01 : f32
    %div3A_1473 = vector.broadcast %div3A_1472 : f32 to vector<16xf32>
    %div3A_1474 = arith.divf %mul3A_1471, %div3A_1473 : vector<16xf32>
    %sub3A_1475 = arith.constant 1.250000e-01 : f32
    %sub3A_1476 = vector.broadcast %sub3A_1475 : f32 to vector<16xf32>
    %sub3A_1477 = arith.subf %abs3A_1464, %sub3A_1476 : vector<16xf32>
    %select_n3A_1478 = arith.select %lt3A_1467, %div3A_1474, %sub3A_1477 : vector<16xi1>, vector<16xf32>
    %sub3A_1479 = arith.subf %get3A_1453, %get3A_1433 : vector<16xf32>
    %mul3A_1480 = arith.constant 2.500000e-01 : f32
    %mul3A_1481 = vector.broadcast %mul3A_1480 : f32 to vector<16xf32>
    %mul3A_1482 = arith.mulf %sub3A_1479, %mul3A_1481 : vector<16xf32>
    %sub3A_1483 = arith.subf %get3A_1443, %mul3A_1482 : vector<16xf32>
    %abs3A_1484 = math.absf %sub3A_1483 : vector<16xf32>
    %lt3A_1485 = arith.constant 2.500000e-01 : f32
    %lt3A_1486 = vector.broadcast %lt3A_1485 : f32 to vector<16xf32>
    %lt3A_1487 = arith.cmpf olt, %abs3A_1484, %lt3A_1486 : vector<16xf32>
    %mul3A_1488 = arith.constant 5.000000e-01 : f32
    %mul3A_1489 = vector.broadcast %mul3A_1488 : f32 to vector<16xf32>
    %mul3A_1490 = arith.mulf %mul3A_1489, %abs3A_1484 : vector<16xf32>
    %mul3A_1491 = arith.mulf %mul3A_1490, %abs3A_1484 : vector<16xf32>
    %div3A_1492 = arith.constant 2.500000e-01 : f32
    %div3A_1493 = vector.broadcast %div3A_1492 : f32 to vector<16xf32>
    %div3A_1494 = arith.divf %mul3A_1491, %div3A_1493 : vector<16xf32>
    %sub3A_1495 = arith.constant 1.250000e-01 : f32
    %sub3A_1496 = vector.broadcast %sub3A_1495 : f32 to vector<16xf32>
    %sub3A_1497 = arith.subf %abs3A_1484, %sub3A_1496 : vector<16xf32>
    %select_n3A_1498 = arith.select %lt3A_1487, %div3A_1494, %sub3A_1497 : vector<16xi1>, vector<16xf32>
    %add3A_1499 = arith.addf %select_n3A_1478, %select_n3A_1498 : vector<16xf32>
    %mul3A_1500 = arith.mulf %get3A_1458, %add3A_1499 : vector<16xf32>
    %add3A_1501 = arith.addf %add3A_1422, %mul3A_1500 : vector<16xf32>
    %add3A_1502 = arith.addf %add3A_1423, %get3A_1458 : vector<16xf32>
    %get3A_1503 = arith.constant 1 : i32
    %get3A_1504 = arith.index_cast %get3A_1503 : i32 to index
    %get3A_1505 = arith.constant 112 : index
    %get3A_1506 = tpu.vector_load %arg12[%get3A_1504, %get3A_1505] {strides = array<i32>} : memref<4x128xf32, #tpu.memory_space<vmem>>, vector<1x16xf32>,
    %get3A_1507 = vector.shape_cast %get3A_1506 : vector<1x16xf32> to vector<16xf32>
    %get3A_1508 = arith.constant 1 : i32
    %get3A_1509 = arith.index_cast %get3A_1508 : i32 to index
    %get3A_1510 = arith.constant 112 : index
    %get3A_1511 = tpu.vector_load %arg13[%get3A_1509, %get3A_1510] {strides = array<i32>} : memref<4x128xf32, #tpu.memory_space<vmem>>, vector<1x16xf32>,
    %get3A_1512 = vector.shape_cast %get3A_1511 : vector<1x16xf32> to vector<16xf32>
    %get3A_1513 = arith.constant 1 : i32
    %get3A_1514 = arith.index_cast %get3A_1513 : i32 to index
    %get3A_1515 = arith.constant 112 : index
    %get3A_1516 = tpu.vector_load %arg14[%get3A_1514, %get3A_1515] {strides = array<i32>} : memref<4x128xf32, #tpu.memory_space<vmem>>, vector<1x16xf32>,
    %get3A_1517 = vector.shape_cast %get3A_1516 : vector<1x16xf32> to vector<16xf32>
    %get3A_1518 = arith.constant 1 : i32
    %get3A_1519 = arith.index_cast %get3A_1518 : i32 to index
    %get3A_1520 = arith.constant 112 : index
    %get3A_1521 = tpu.vector_load %arg15[%get3A_1519, %get3A_1520] {strides = array<i32>} : memref<4x128xf32, #tpu.memory_space<vmem>>, vector<1x16xf32>,
    %get3A_1522 = vector.shape_cast %get3A_1521 : vector<1x16xf32> to vector<16xf32>
    %get3A_1523 = arith.constant 1 : i32
    %get3A_1524 = arith.index_cast %get3A_1523 : i32 to index
    %get3A_1525 = arith.constant 112 : index
    %get3A_1526 = tpu.vector_load %arg16[%get3A_1524, %get3A_1525] {strides = array<i32>} : memref<4x128xf32, #tpu.memory_space<vmem>>, vector<1x16xf32>,
    %get3A_1527 = vector.shape_cast %get3A_1526 : vector<1x16xf32> to vector<16xf32>
    %get3A_1528 = arith.constant 1 : i32
    %get3A_1529 = arith.index_cast %get3A_1528 : i32 to index
    %get3A_1530 = arith.constant 112 : index
    %get3A_1531 = tpu.vector_load %arg17[%get3A_1529, %get3A_1530] {strides = array<i32>} : memref<4x128xf32, #tpu.memory_space<vmem>>, vector<1x16xf32>,
    %get3A_1532 = vector.shape_cast %get3A_1531 : vector<1x16xf32> to vector<16xf32>
    %get3A_1533 = arith.constant 1 : i32
    %get3A_1534 = arith.index_cast %get3A_1533 : i32 to index
    %get3A_1535 = arith.constant 112 : index
    %get3A_1536 = tpu.vector_load %arg18[%get3A_1534, %get3A_1535] {strides = array<i32>} : memref<4x128xf32, #tpu.memory_space<vmem>>, vector<1x16xf32>,
    %get3A_1537 = vector.shape_cast %get3A_1536 : vector<1x16xf32> to vector<16xf32>
    %sub3A_1538 = arith.subf %get3A_1527, %get3A_1507 : vector<16xf32>
    %mul3A_1539 = arith.constant 2.500000e-01 : f32
    %mul3A_1540 = vector.broadcast %mul3A_1539 : f32 to vector<16xf32>
    %mul3A_1541 = arith.mulf %sub3A_1538, %mul3A_1540 : vector<16xf32>
    %sub3A_1542 = arith.subf %get3A_1517, %mul3A_1541 : vector<16xf32>
    %abs3A_1543 = math.absf %sub3A_1542 : vector<16xf32>
    %lt3A_1544 = arith.constant 2.500000e-01 : f32
    %lt3A_1545 = vector.broadcast %lt3A_1544 : f32 to vector<16xf32>
    %lt3A_1546 = arith.cmpf olt, %abs3A_1543, %lt3A_1545 : vector<16xf32>
    %mul3A_1547 = arith.constant 5.000000e-01 : f32
    %mul3A_1548 = vector.broadcast %mul3A_1547 : f32 to vector<16xf32>
    %mul3A_1549 = arith.mulf %mul3A_1548, %abs3A_1543 : vector<16xf32>
    %mul3A_1550 = arith.mulf %mul3A_1549, %abs3A_1543 : vector<16xf32>
    %div3A_1551 = arith.constant 2.500000e-01 : f32
    %div3A_1552 = vector.broadcast %div3A_1551 : f32 to vector<16xf32>
    %div3A_1553 = arith.divf %mul3A_1550, %div3A_1552 : vector<16xf32>
    %sub3A_1554 = arith.constant 1.250000e-01 : f32
    %sub3A_1555 = vector.broadcast %sub3A_1554 : f32 to vector<16xf32>
    %sub3A_1556 = arith.subf %abs3A_1543, %sub3A_1555 : vector<16xf32>
    %select_n3A_1557 = arith.select %lt3A_1546, %div3A_1553, %sub3A_1556 : vector<16xi1>, vector<16xf32>
    %sub3A_1558 = arith.subf %get3A_1532, %get3A_1512 : vector<16xf32>
    %mul3A_1559 = arith.constant 2.500000e-01 : f32
    %mul3A_1560 = vector.broadcast %mul3A_1559 : f32 to vector<16xf32>
    %mul3A_1561 = arith.mulf %sub3A_1558, %mul3A_1560 : vector<16xf32>
    %sub3A_1562 = arith.subf %get3A_1522, %mul3A_1561 : vector<16xf32>
    %abs3A_1563 = math.absf %sub3A_1562 : vector<16xf32>
    %lt3A_1564 = arith.constant 2.500000e-01 : f32
    %lt3A_1565 = vector.broadcast %lt3A_1564 : f32 to vector<16xf32>
    %lt3A_1566 = arith.cmpf olt, %abs3A_1563, %lt3A_1565 : vector<16xf32>
    %mul3A_1567 = arith.constant 5.000000e-01 : f32
    %mul3A_1568 = vector.broadcast %mul3A_1567 : f32 to vector<16xf32>
    %mul3A_1569 = arith.mulf %mul3A_1568, %abs3A_1563 : vector<16xf32>
    %mul3A_1570 = arith.mulf %mul3A_1569, %abs3A_1563 : vector<16xf32>
    %div3A_1571 = arith.constant 2.500000e-01 : f32
    %div3A_1572 = vector.broadcast %div3A_1571 : f32 to vector<16xf32>
    %div3A_1573 = arith.divf %mul3A_1570, %div3A_1572 : vector<16xf32>
    %sub3A_1574 = arith.constant 1.250000e-01 : f32
    %sub3A_1575 = vector.broadcast %sub3A_1574 : f32 to vector<16xf32>
    %sub3A_1576 = arith.subf %abs3A_1563, %sub3A_1575 : vector<16xf32>
    %select_n3A_1577 = arith.select %lt3A_1566, %div3A_1573, %sub3A_1576 : vector<16xi1>, vector<16xf32>
    %add3A_1578 = arith.addf %select_n3A_1557, %select_n3A_1577 : vector<16xf32>
    %mul3A_1579 = arith.mulf %get3A_1537, %add3A_1578 : vector<16xf32>
    %add3A_1580 = arith.addf %add3A_1501, %mul3A_1579 : vector<16xf32>
    %add3A_1581 = arith.addf %add3A_1502, %get3A_1537 : vector<16xf32>
    %get3A_1582 = arith.constant 2 : i32
    %get3A_1583 = arith.index_cast %get3A_1582 : i32 to index
    %get3A_1584 = arith.constant 0 : index
    %get3A_1585 = tpu.vector_load %arg12[%get3A_1583, %get3A_1584] {strides = array<i32>} : memref<4x128xf32, #tpu.memory_space<vmem>>, vector<1x16xf32>,
    %get3A_1586 = vector.shape_cast %get3A_1585 : vector<1x16xf32> to vector<16xf32>
    %get3A_1587 = arith.constant 2 : i32
    %get3A_1588 = arith.index_cast %get3A_1587 : i32 to index
    %get3A_1589 = arith.constant 0 : index
    %get3A_1590 = tpu.vector_load %arg13[%get3A_1588, %get3A_1589] {strides = array<i32>} : memref<4x128xf32, #tpu.memory_space<vmem>>, vector<1x16xf32>,
    %get3A_1591 = vector.shape_cast %get3A_1590 : vector<1x16xf32> to vector<16xf32>
    %get3A_1592 = arith.constant 2 : i32
    %get3A_1593 = arith.index_cast %get3A_1592 : i32 to index
    %get3A_1594 = arith.constant 0 : index
    %get3A_1595 = tpu.vector_load %arg14[%get3A_1593, %get3A_1594] {strides = array<i32>} : memref<4x128xf32, #tpu.memory_space<vmem>>, vector<1x16xf32>,
    %get3A_1596 = vector.shape_cast %get3A_1595 : vector<1x16xf32> to vector<16xf32>
    %get3A_1597 = arith.constant 2 : i32
    %get3A_1598 = arith.index_cast %get3A_1597 : i32 to index
    %get3A_1599 = arith.constant 0 : index
    %get3A_1600 = tpu.vector_load %arg15[%get3A_1598, %get3A_1599] {strides = array<i32>} : memref<4x128xf32, #tpu.memory_space<vmem>>, vector<1x16xf32>,
    %get3A_1601 = vector.shape_cast %get3A_1600 : vector<1x16xf32> to vector<16xf32>
    %get3A_1602 = arith.constant 2 : i32
    %get3A_1603 = arith.index_cast %get3A_1602 : i32 to index
    %get3A_1604 = arith.constant 0 : index
    %get3A_1605 = tpu.vector_load %arg16[%get3A_1603, %get3A_1604] {strides = array<i32>} : memref<4x128xf32, #tpu.memory_space<vmem>>, vector<1x16xf32>,
    %get3A_1606 = vector.shape_cast %get3A_1605 : vector<1x16xf32> to vector<16xf32>
    %get3A_1607 = arith.constant 2 : i32
    %get3A_1608 = arith.index_cast %get3A_1607 : i32 to index
    %get3A_1609 = arith.constant 0 : index
    %get3A_1610 = tpu.vector_load %arg17[%get3A_1608, %get3A_1609] {strides = array<i32>} : memref<4x128xf32, #tpu.memory_space<vmem>>, vector<1x16xf32>,
    %get3A_1611 = vector.shape_cast %get3A_1610 : vector<1x16xf32> to vector<16xf32>
    %get3A_1612 = arith.constant 2 : i32
    %get3A_1613 = arith.index_cast %get3A_1612 : i32 to index
    %get3A_1614 = arith.constant 0 : index
    %get3A_1615 = tpu.vector_load %arg18[%get3A_1613, %get3A_1614] {strides = array<i32>} : memref<4x128xf32, #tpu.memory_space<vmem>>, vector<1x16xf32>,
    %get3A_1616 = vector.shape_cast %get3A_1615 : vector<1x16xf32> to vector<16xf32>
    %sub3A_1617 = arith.subf %get3A_1606, %get3A_1586 : vector<16xf32>
    %mul3A_1618 = arith.constant 2.500000e-01 : f32
    %mul3A_1619 = vector.broadcast %mul3A_1618 : f32 to vector<16xf32>
    %mul3A_1620 = arith.mulf %sub3A_1617, %mul3A_1619 : vector<16xf32>
    %sub3A_1621 = arith.subf %get3A_1596, %mul3A_1620 : vector<16xf32>
    %abs3A_1622 = math.absf %sub3A_1621 : vector<16xf32>
    %lt3A_1623 = arith.constant 2.500000e-01 : f32
    %lt3A_1624 = vector.broadcast %lt3A_1623 : f32 to vector<16xf32>
    %lt3A_1625 = arith.cmpf olt, %abs3A_1622, %lt3A_1624 : vector<16xf32>
    %mul3A_1626 = arith.constant 5.000000e-01 : f32
    %mul3A_1627 = vector.broadcast %mul3A_1626 : f32 to vector<16xf32>
    %mul3A_1628 = arith.mulf %mul3A_1627, %abs3A_1622 : vector<16xf32>
    %mul3A_1629 = arith.mulf %mul3A_1628, %abs3A_1622 : vector<16xf32>
    %div3A_1630 = arith.constant 2.500000e-01 : f32
    %div3A_1631 = vector.broadcast %div3A_1630 : f32 to vector<16xf32>
    %div3A_1632 = arith.divf %mul3A_1629, %div3A_1631 : vector<16xf32>
    %sub3A_1633 = arith.constant 1.250000e-01 : f32
    %sub3A_1634 = vector.broadcast %sub3A_1633 : f32 to vector<16xf32>
    %sub3A_1635 = arith.subf %abs3A_1622, %sub3A_1634 : vector<16xf32>
    %select_n3A_1636 = arith.select %lt3A_1625, %div3A_1632, %sub3A_1635 : vector<16xi1>, vector<16xf32>
    %sub3A_1637 = arith.subf %get3A_1611, %get3A_1591 : vector<16xf32>
    %mul3A_1638 = arith.constant 2.500000e-01 : f32
    %mul3A_1639 = vector.broadcast %mul3A_1638 : f32 to vector<16xf32>
    %mul3A_1640 = arith.mulf %sub3A_1637, %mul3A_1639 : vector<16xf32>
    %sub3A_1641 = arith.subf %get3A_1601, %mul3A_1640 : vector<16xf32>
    %abs3A_1642 = math.absf %sub3A_1641 : vector<16xf32>
    %lt3A_1643 = arith.constant 2.500000e-01 : f32
    %lt3A_1644 = vector.broadcast %lt3A_1643 : f32 to vector<16xf32>
    %lt3A_1645 = arith.cmpf olt, %abs3A_1642, %lt3A_1644 : vector<16xf32>
    %mul3A_1646 = arith.constant 5.000000e-01 : f32
    %mul3A_1647 = vector.broadcast %mul3A_1646 : f32 to vector<16xf32>
    %mul3A_1648 = arith.mulf %mul3A_1647, %abs3A_1642 : vector<16xf32>
    %mul3A_1649 = arith.mulf %mul3A_1648, %abs3A_1642 : vector<16xf32>
    %div3A_1650 = arith.constant 2.500000e-01 : f32
    %div3A_1651 = vector.broadcast %div3A_1650 : f32 to vector<16xf32>
    %div3A_1652 = arith.divf %mul3A_1649, %div3A_1651 : vector<16xf32>
    %sub3A_1653 = arith.constant 1.250000e-01 : f32
    %sub3A_1654 = vector.broadcast %sub3A_1653 : f32 to vector<16xf32>
    %sub3A_1655 = arith.subf %abs3A_1642, %sub3A_1654 : vector<16xf32>
    %select_n3A_1656 = arith.select %lt3A_1645, %div3A_1652, %sub3A_1655 : vector<16xi1>, vector<16xf32>
    %add3A_1657 = arith.addf %select_n3A_1636, %select_n3A_1656 : vector<16xf32>
    %mul3A_1658 = arith.mulf %get3A_1616, %add3A_1657 : vector<16xf32>
    %add3A_1659 = arith.addf %add3A_1580, %mul3A_1658 : vector<16xf32>
    %add3A_1660 = arith.addf %add3A_1581, %get3A_1616 : vector<16xf32>
    %get3A_1661 = arith.constant 2 : i32
    %get3A_1662 = arith.index_cast %get3A_1661 : i32 to index
    %get3A_1663 = arith.constant 16 : index
    %get3A_1664 = tpu.vector_load %arg12[%get3A_1662, %get3A_1663] {strides = array<i32>} : memref<4x128xf32, #tpu.memory_space<vmem>>, vector<1x16xf32>,
    %get3A_1665 = vector.shape_cast %get3A_1664 : vector<1x16xf32> to vector<16xf32>
    %get3A_1666 = arith.constant 2 : i32
    %get3A_1667 = arith.index_cast %get3A_1666 : i32 to index
    %get3A_1668 = arith.constant 16 : index
    %get3A_1669 = tpu.vector_load %arg13[%get3A_1667, %get3A_1668] {strides = array<i32>} : memref<4x128xf32, #tpu.memory_space<vmem>>, vector<1x16xf32>,
    %get3A_1670 = vector.shape_cast %get3A_1669 : vector<1x16xf32> to vector<16xf32>
    %get3A_1671 = arith.constant 2 : i32
    %get3A_1672 = arith.index_cast %get3A_1671 : i32 to index
    %get3A_1673 = arith.constant 16 : index
    %get3A_1674 = tpu.vector_load %arg14[%get3A_1672, %get3A_1673] {strides = array<i32>} : memref<4x128xf32, #tpu.memory_space<vmem>>, vector<1x16xf32>,
    %get3A_1675 = vector.shape_cast %get3A_1674 : vector<1x16xf32> to vector<16xf32>
    %get3A_1676 = arith.constant 2 : i32
    %get3A_1677 = arith.index_cast %get3A_1676 : i32 to index
    %get3A_1678 = arith.constant 16 : index
    %get3A_1679 = tpu.vector_load %arg15[%get3A_1677, %get3A_1678] {strides = array<i32>} : memref<4x128xf32, #tpu.memory_space<vmem>>, vector<1x16xf32>,
    %get3A_1680 = vector.shape_cast %get3A_1679 : vector<1x16xf32> to vector<16xf32>
    %get3A_1681 = arith.constant 2 : i32
    %get3A_1682 = arith.index_cast %get3A_1681 : i32 to index
    %get3A_1683 = arith.constant 16 : index
    %get3A_1684 = tpu.vector_load %arg16[%get3A_1682, %get3A_1683] {strides = array<i32>} : memref<4x128xf32, #tpu.memory_space<vmem>>, vector<1x16xf32>,
    %get3A_1685 = vector.shape_cast %get3A_1684 : vector<1x16xf32> to vector<16xf32>
    %get3A_1686 = arith.constant 2 : i32
    %get3A_1687 = arith.index_cast %get3A_1686 : i32 to index
    %get3A_1688 = arith.constant 16 : index
    %get3A_1689 = tpu.vector_load %arg17[%get3A_1687, %get3A_1688] {strides = array<i32>} : memref<4x128xf32, #tpu.memory_space<vmem>>, vector<1x16xf32>,
    %get3A_1690 = vector.shape_cast %get3A_1689 : vector<1x16xf32> to vector<16xf32>
    %get3A_1691 = arith.constant 2 : i32
    %get3A_1692 = arith.index_cast %get3A_1691 : i32 to index
    %get3A_1693 = arith.constant 16 : index
    %get3A_1694 = tpu.vector_load %arg18[%get3A_1692, %get3A_1693] {strides = array<i32>} : memref<4x128xf32, #tpu.memory_space<vmem>>, vector<1x16xf32>,
    %get3A_1695 = vector.shape_cast %get3A_1694 : vector<1x16xf32> to vector<16xf32>
    %sub3A_1696 = arith.subf %get3A_1685, %get3A_1665 : vector<16xf32>
    %mul3A_1697 = arith.constant 2.500000e-01 : f32
    %mul3A_1698 = vector.broadcast %mul3A_1697 : f32 to vector<16xf32>
    %mul3A_1699 = arith.mulf %sub3A_1696, %mul3A_1698 : vector<16xf32>
    %sub3A_1700 = arith.subf %get3A_1675, %mul3A_1699 : vector<16xf32>
    %abs3A_1701 = math.absf %sub3A_1700 : vector<16xf32>
    %lt3A_1702 = arith.constant 2.500000e-01 : f32
    %lt3A_1703 = vector.broadcast %lt3A_1702 : f32 to vector<16xf32>
    %lt3A_1704 = arith.cmpf olt, %abs3A_1701, %lt3A_1703 : vector<16xf32>
    %mul3A_1705 = arith.constant 5.000000e-01 : f32
    %mul3A_1706 = vector.broadcast %mul3A_1705 : f32 to vector<16xf32>
    %mul3A_1707 = arith.mulf %mul3A_1706, %abs3A_1701 : vector<16xf32>
    %mul3A_1708 = arith.mulf %mul3A_1707, %abs3A_1701 : vector<16xf32>
    %div3A_1709 = arith.constant 2.500000e-01 : f32
    %div3A_1710 = vector.broadcast %div3A_1709 : f32 to vector<16xf32>
    %div3A_1711 = arith.divf %mul3A_1708, %div3A_1710 : vector<16xf32>
    %sub3A_1712 = arith.constant 1.250000e-01 : f32
    %sub3A_1713 = vector.broadcast %sub3A_1712 : f32 to vector<16xf32>
    %sub3A_1714 = arith.subf %abs3A_1701, %sub3A_1713 : vector<16xf32>
    %select_n3A_1715 = arith.select %lt3A_1704, %div3A_1711, %sub3A_1714 : vector<16xi1>, vector<16xf32>
    %sub3A_1716 = arith.subf %get3A_1690, %get3A_1670 : vector<16xf32>
    %mul3A_1717 = arith.constant 2.500000e-01 : f32
    %mul3A_1718 = vector.broadcast %mul3A_1717 : f32 to vector<16xf32>
    %mul3A_1719 = arith.mulf %sub3A_1716, %mul3A_1718 : vector<16xf32>
    %sub3A_1720 = arith.subf %get3A_1680, %mul3A_1719 : vector<16xf32>
    %abs3A_1721 = math.absf %sub3A_1720 : vector<16xf32>
    %lt3A_1722 = arith.constant 2.500000e-01 : f32
    %lt3A_1723 = vector.broadcast %lt3A_1722 : f32 to vector<16xf32>
    %lt3A_1724 = arith.cmpf olt, %abs3A_1721, %lt3A_1723 : vector<16xf32>
    %mul3A_1725 = arith.constant 5.000000e-01 : f32
    %mul3A_1726 = vector.broadcast %mul3A_1725 : f32 to vector<16xf32>
    %mul3A_1727 = arith.mulf %mul3A_1726, %abs3A_1721 : vector<16xf32>
    %mul3A_1728 = arith.mulf %mul3A_1727, %abs3A_1721 : vector<16xf32>
    %div3A_1729 = arith.constant 2.500000e-01 : f32
    %div3A_1730 = vector.broadcast %div3A_1729 : f32 to vector<16xf32>
    %div3A_1731 = arith.divf %mul3A_1728, %div3A_1730 : vector<16xf32>
    %sub3A_1732 = arith.constant 1.250000e-01 : f32
    %sub3A_1733 = vector.broadcast %sub3A_1732 : f32 to vector<16xf32>
    %sub3A_1734 = arith.subf %abs3A_1721, %sub3A_1733 : vector<16xf32>
    %select_n3A_1735 = arith.select %lt3A_1724, %div3A_1731, %sub3A_1734 : vector<16xi1>, vector<16xf32>
    %add3A_1736 = arith.addf %select_n3A_1715, %select_n3A_1735 : vector<16xf32>
    %mul3A_1737 = arith.mulf %get3A_1695, %add3A_1736 : vector<16xf32>
    %add3A_1738 = arith.addf %add3A_1659, %mul3A_1737 : vector<16xf32>
    %add3A_1739 = arith.addf %add3A_1660, %get3A_1695 : vector<16xf32>
    %get3A_1740 = arith.constant 2 : i32
    %get3A_1741 = arith.index_cast %get3A_1740 : i32 to index
    %get3A_1742 = arith.constant 32 : index
    %get3A_1743 = tpu.vector_load %arg12[%get3A_1741, %get3A_1742] {strides = array<i32>} : memref<4x128xf32, #tpu.memory_space<vmem>>, vector<1x16xf32>,
    %get3A_1744 = vector.shape_cast %get3A_1743 : vector<1x16xf32> to vector<16xf32>
    %get3A_1745 = arith.constant 2 : i32
    %get3A_1746 = arith.index_cast %get3A_1745 : i32 to index
    %get3A_1747 = arith.constant 32 : index
    %get3A_1748 = tpu.vector_load %arg13[%get3A_1746, %get3A_1747] {strides = array<i32>} : memref<4x128xf32, #tpu.memory_space<vmem>>, vector<1x16xf32>,
    %get3A_1749 = vector.shape_cast %get3A_1748 : vector<1x16xf32> to vector<16xf32>
    %get3A_1750 = arith.constant 2 : i32
    %get3A_1751 = arith.index_cast %get3A_1750 : i32 to index
    %get3A_1752 = arith.constant 32 : index
    %get3A_1753 = tpu.vector_load %arg14[%get3A_1751, %get3A_1752] {strides = array<i32>} : memref<4x128xf32, #tpu.memory_space<vmem>>, vector<1x16xf32>,
    %get3A_1754 = vector.shape_cast %get3A_1753 : vector<1x16xf32> to vector<16xf32>
    %get3A_1755 = arith.constant 2 : i32
    %get3A_1756 = arith.index_cast %get3A_1755 : i32 to index
    %get3A_1757 = arith.constant 32 : index
    %get3A_1758 = tpu.vector_load %arg15[%get3A_1756, %get3A_1757] {strides = array<i32>} : memref<4x128xf32, #tpu.memory_space<vmem>>, vector<1x16xf32>,
    %get3A_1759 = vector.shape_cast %get3A_1758 : vector<1x16xf32> to vector<16xf32>
    %get3A_1760 = arith.constant 2 : i32
    %get3A_1761 = arith.index_cast %get3A_1760 : i32 to index
    %get3A_1762 = arith.constant 32 : index
    %get3A_1763 = tpu.vector_load %arg16[%get3A_1761, %get3A_1762] {strides = array<i32>} : memref<4x128xf32, #tpu.memory_space<vmem>>, vector<1x16xf32>,
    %get3A_1764 = vector.shape_cast %get3A_1763 : vector<1x16xf32> to vector<16xf32>
    %get3A_1765 = arith.constant 2 : i32
    %get3A_1766 = arith.index_cast %get3A_1765 : i32 to index
    %get3A_1767 = arith.constant 32 : index
    %get3A_1768 = tpu.vector_load %arg17[%get3A_1766, %get3A_1767] {strides = array<i32>} : memref<4x128xf32, #tpu.memory_space<vmem>>, vector<1x16xf32>,
    %get3A_1769 = vector.shape_cast %get3A_1768 : vector<1x16xf32> to vector<16xf32>
    %get3A_1770 = arith.constant 2 : i32
    %get3A_1771 = arith.index_cast %get3A_1770 : i32 to index
    %get3A_1772 = arith.constant 32 : index
    %get3A_1773 = tpu.vector_load %arg18[%get3A_1771, %get3A_1772] {strides = array<i32>} : memref<4x128xf32, #tpu.memory_space<vmem>>, vector<1x16xf32>,
    %get3A_1774 = vector.shape_cast %get3A_1773 : vector<1x16xf32> to vector<16xf32>
    %sub3A_1775 = arith.subf %get3A_1764, %get3A_1744 : vector<16xf32>
    %mul3A_1776 = arith.constant 2.500000e-01 : f32
    %mul3A_1777 = vector.broadcast %mul3A_1776 : f32 to vector<16xf32>
    %mul3A_1778 = arith.mulf %sub3A_1775, %mul3A_1777 : vector<16xf32>
    %sub3A_1779 = arith.subf %get3A_1754, %mul3A_1778 : vector<16xf32>
    %abs3A_1780 = math.absf %sub3A_1779 : vector<16xf32>
    %lt3A_1781 = arith.constant 2.500000e-01 : f32
    %lt3A_1782 = vector.broadcast %lt3A_1781 : f32 to vector<16xf32>
    %lt3A_1783 = arith.cmpf olt, %abs3A_1780, %lt3A_1782 : vector<16xf32>
    %mul3A_1784 = arith.constant 5.000000e-01 : f32
    %mul3A_1785 = vector.broadcast %mul3A_1784 : f32 to vector<16xf32>
    %mul3A_1786 = arith.mulf %mul3A_1785, %abs3A_1780 : vector<16xf32>
    %mul3A_1787 = arith.mulf %mul3A_1786, %abs3A_1780 : vector<16xf32>
    %div3A_1788 = arith.constant 2.500000e-01 : f32
    %div3A_1789 = vector.broadcast %div3A_1788 : f32 to vector<16xf32>
    %div3A_1790 = arith.divf %mul3A_1787, %div3A_1789 : vector<16xf32>
    %sub3A_1791 = arith.constant 1.250000e-01 : f32
    %sub3A_1792 = vector.broadcast %sub3A_1791 : f32 to vector<16xf32>
    %sub3A_1793 = arith.subf %abs3A_1780, %sub3A_1792 : vector<16xf32>
    %select_n3A_1794 = arith.select %lt3A_1783, %div3A_1790, %sub3A_1793 : vector<16xi1>, vector<16xf32>
    %sub3A_1795 = arith.subf %get3A_1769, %get3A_1749 : vector<16xf32>
    %mul3A_1796 = arith.constant 2.500000e-01 : f32
    %mul3A_1797 = vector.broadcast %mul3A_1796 : f32 to vector<16xf32>
    %mul3A_1798 = arith.mulf %sub3A_1795, %mul3A_1797 : vector<16xf32>
    %sub3A_1799 = arith.subf %get3A_1759, %mul3A_1798 : vector<16xf32>
    %abs3A_1800 = math.absf %sub3A_1799 : vector<16xf32>
    %lt3A_1801 = arith.constant 2.500000e-01 : f32
    %lt3A_1802 = vector.broadcast %lt3A_1801 : f32 to vector<16xf32>
    %lt3A_1803 = arith.cmpf olt, %abs3A_1800, %lt3A_1802 : vector<16xf32>
    %mul3A_1804 = arith.constant 5.000000e-01 : f32
    %mul3A_1805 = vector.broadcast %mul3A_1804 : f32 to vector<16xf32>
    %mul3A_1806 = arith.mulf %mul3A_1805, %abs3A_1800 : vector<16xf32>
    %mul3A_1807 = arith.mulf %mul3A_1806, %abs3A_1800 : vector<16xf32>
    %div3A_1808 = arith.constant 2.500000e-01 : f32
    %div3A_1809 = vector.broadcast %div3A_1808 : f32 to vector<16xf32>
    %div3A_1810 = arith.divf %mul3A_1807, %div3A_1809 : vector<16xf32>
    %sub3A_1811 = arith.constant 1.250000e-01 : f32
    %sub3A_1812 = vector.broadcast %sub3A_1811 : f32 to vector<16xf32>
    %sub3A_1813 = arith.subf %abs3A_1800, %sub3A_1812 : vector<16xf32>
    %select_n3A_1814 = arith.select %lt3A_1803, %div3A_1810, %sub3A_1813 : vector<16xi1>, vector<16xf32>
    %add3A_1815 = arith.addf %select_n3A_1794, %select_n3A_1814 : vector<16xf32>
    %mul3A_1816 = arith.mulf %get3A_1774, %add3A_1815 : vector<16xf32>
    %add3A_1817 = arith.addf %add3A_1738, %mul3A_1816 : vector<16xf32>
    %add3A_1818 = arith.addf %add3A_1739, %get3A_1774 : vector<16xf32>
    %get3A_1819 = arith.constant 2 : i32
    %get3A_1820 = arith.index_cast %get3A_1819 : i32 to index
    %get3A_1821 = arith.constant 48 : index
    %get3A_1822 = tpu.vector_load %arg12[%get3A_1820, %get3A_1821] {strides = array<i32>} : memref<4x128xf32, #tpu.memory_space<vmem>>, vector<1x16xf32>,
    %get3A_1823 = vector.shape_cast %get3A_1822 : vector<1x16xf32> to vector<16xf32>
    %get3A_1824 = arith.constant 2 : i32
    %get3A_1825 = arith.index_cast %get3A_1824 : i32 to index
    %get3A_1826 = arith.constant 48 : index
    %get3A_1827 = tpu.vector_load %arg13[%get3A_1825, %get3A_1826] {strides = array<i32>} : memref<4x128xf32, #tpu.memory_space<vmem>>, vector<1x16xf32>,
    %get3A_1828 = vector.shape_cast %get3A_1827 : vector<1x16xf32> to vector<16xf32>
    %get3A_1829 = arith.constant 2 : i32
    %get3A_1830 = arith.index_cast %get3A_1829 : i32 to index
    %get3A_1831 = arith.constant 48 : index
    %get3A_1832 = tpu.vector_load %arg14[%get3A_1830, %get3A_1831] {strides = array<i32>} : memref<4x128xf32, #tpu.memory_space<vmem>>, vector<1x16xf32>,
    %get3A_1833 = vector.shape_cast %get3A_1832 : vector<1x16xf32> to vector<16xf32>
    %get3A_1834 = arith.constant 2 : i32
    %get3A_1835 = arith.index_cast %get3A_1834 : i32 to index
    %get3A_1836 = arith.constant 48 : index
    %get3A_1837 = tpu.vector_load %arg15[%get3A_1835, %get3A_1836] {strides = array<i32>} : memref<4x128xf32, #tpu.memory_space<vmem>>, vector<1x16xf32>,
    %get3A_1838 = vector.shape_cast %get3A_1837 : vector<1x16xf32> to vector<16xf32>
    %get3A_1839 = arith.constant 2 : i32
    %get3A_1840 = arith.index_cast %get3A_1839 : i32 to index
    %get3A_1841 = arith.constant 48 : index
    %get3A_1842 = tpu.vector_load %arg16[%get3A_1840, %get3A_1841] {strides = array<i32>} : memref<4x128xf32, #tpu.memory_space<vmem>>, vector<1x16xf32>,
    %get3A_1843 = vector.shape_cast %get3A_1842 : vector<1x16xf32> to vector<16xf32>
    %get3A_1844 = arith.constant 2 : i32
    %get3A_1845 = arith.index_cast %get3A_1844 : i32 to index
    %get3A_1846 = arith.constant 48 : index
    %get3A_1847 = tpu.vector_load %arg17[%get3A_1845, %get3A_1846] {strides = array<i32>} : memref<4x128xf32, #tpu.memory_space<vmem>>, vector<1x16xf32>,
    %get3A_1848 = vector.shape_cast %get3A_1847 : vector<1x16xf32> to vector<16xf32>
    %get3A_1849 = arith.constant 2 : i32
    %get3A_1850 = arith.index_cast %get3A_1849 : i32 to index
    %get3A_1851 = arith.constant 48 : index
    %get3A_1852 = tpu.vector_load %arg18[%get3A_1850, %get3A_1851] {strides = array<i32>} : memref<4x128xf32, #tpu.memory_space<vmem>>, vector<1x16xf32>,
    %get3A_1853 = vector.shape_cast %get3A_1852 : vector<1x16xf32> to vector<16xf32>
    %sub3A_1854 = arith.subf %get3A_1843, %get3A_1823 : vector<16xf32>
    %mul3A_1855 = arith.constant 2.500000e-01 : f32
    %mul3A_1856 = vector.broadcast %mul3A_1855 : f32 to vector<16xf32>
    %mul3A_1857 = arith.mulf %sub3A_1854, %mul3A_1856 : vector<16xf32>
    %sub3A_1858 = arith.subf %get3A_1833, %mul3A_1857 : vector<16xf32>
    %abs3A_1859 = math.absf %sub3A_1858 : vector<16xf32>
    %lt3A_1860 = arith.constant 2.500000e-01 : f32
    %lt3A_1861 = vector.broadcast %lt3A_1860 : f32 to vector<16xf32>
    %lt3A_1862 = arith.cmpf olt, %abs3A_1859, %lt3A_1861 : vector<16xf32>
    %mul3A_1863 = arith.constant 5.000000e-01 : f32
    %mul3A_1864 = vector.broadcast %mul3A_1863 : f32 to vector<16xf32>
    %mul3A_1865 = arith.mulf %mul3A_1864, %abs3A_1859 : vector<16xf32>
    %mul3A_1866 = arith.mulf %mul3A_1865, %abs3A_1859 : vector<16xf32>
    %div3A_1867 = arith.constant 2.500000e-01 : f32
    %div3A_1868 = vector.broadcast %div3A_1867 : f32 to vector<16xf32>
    %div3A_1869 = arith.divf %mul3A_1866, %div3A_1868 : vector<16xf32>
    %sub3A_1870 = arith.constant 1.250000e-01 : f32
    %sub3A_1871 = vector.broadcast %sub3A_1870 : f32 to vector<16xf32>
    %sub3A_1872 = arith.subf %abs3A_1859, %sub3A_1871 : vector<16xf32>
    %select_n3A_1873 = arith.select %lt3A_1862, %div3A_1869, %sub3A_1872 : vector<16xi1>, vector<16xf32>
    %sub3A_1874 = arith.subf %get3A_1848, %get3A_1828 : vector<16xf32>
    %mul3A_1875 = arith.constant 2.500000e-01 : f32
    %mul3A_1876 = vector.broadcast %mul3A_1875 : f32 to vector<16xf32>
    %mul3A_1877 = arith.mulf %sub3A_1874, %mul3A_1876 : vector<16xf32>
    %sub3A_1878 = arith.subf %get3A_1838, %mul3A_1877 : vector<16xf32>
    %abs3A_1879 = math.absf %sub3A_1878 : vector<16xf32>
    %lt3A_1880 = arith.constant 2.500000e-01 : f32
    %lt3A_1881 = vector.broadcast %lt3A_1880 : f32 to vector<16xf32>
    %lt3A_1882 = arith.cmpf olt, %abs3A_1879, %lt3A_1881 : vector<16xf32>
    %mul3A_1883 = arith.constant 5.000000e-01 : f32
    %mul3A_1884 = vector.broadcast %mul3A_1883 : f32 to vector<16xf32>
    %mul3A_1885 = arith.mulf %mul3A_1884, %abs3A_1879 : vector<16xf32>
    %mul3A_1886 = arith.mulf %mul3A_1885, %abs3A_1879 : vector<16xf32>
    %div3A_1887 = arith.constant 2.500000e-01 : f32
    %div3A_1888 = vector.broadcast %div3A_1887 : f32 to vector<16xf32>
    %div3A_1889 = arith.divf %mul3A_1886, %div3A_1888 : vector<16xf32>
    %sub3A_1890 = arith.constant 1.250000e-01 : f32
    %sub3A_1891 = vector.broadcast %sub3A_1890 : f32 to vector<16xf32>
    %sub3A_1892 = arith.subf %abs3A_1879, %sub3A_1891 : vector<16xf32>
    %select_n3A_1893 = arith.select %lt3A_1882, %div3A_1889, %sub3A_1892 : vector<16xi1>, vector<16xf32>
    %add3A_1894 = arith.addf %select_n3A_1873, %select_n3A_1893 : vector<16xf32>
    %mul3A_1895 = arith.mulf %get3A_1853, %add3A_1894 : vector<16xf32>
    %add3A_1896 = arith.addf %add3A_1817, %mul3A_1895 : vector<16xf32>
    %add3A_1897 = arith.addf %add3A_1818, %get3A_1853 : vector<16xf32>
    %get3A_1898 = arith.constant 2 : i32
    %get3A_1899 = arith.index_cast %get3A_1898 : i32 to index
    %get3A_1900 = arith.constant 64 : index
    %get3A_1901 = tpu.vector_load %arg12[%get3A_1899, %get3A_1900] {strides = array<i32>} : memref<4x128xf32, #tpu.memory_space<vmem>>, vector<1x16xf32>,
    %get3A_1902 = vector.shape_cast %get3A_1901 : vector<1x16xf32> to vector<16xf32>
    %get3A_1903 = arith.constant 2 : i32
    %get3A_1904 = arith.index_cast %get3A_1903 : i32 to index
    %get3A_1905 = arith.constant 64 : index
    %get3A_1906 = tpu.vector_load %arg13[%get3A_1904, %get3A_1905] {strides = array<i32>} : memref<4x128xf32, #tpu.memory_space<vmem>>, vector<1x16xf32>,
    %get3A_1907 = vector.shape_cast %get3A_1906 : vector<1x16xf32> to vector<16xf32>
    %get3A_1908 = arith.constant 2 : i32
    %get3A_1909 = arith.index_cast %get3A_1908 : i32 to index
    %get3A_1910 = arith.constant 64 : index
    %get3A_1911 = tpu.vector_load %arg14[%get3A_1909, %get3A_1910] {strides = array<i32>} : memref<4x128xf32, #tpu.memory_space<vmem>>, vector<1x16xf32>,
    %get3A_1912 = vector.shape_cast %get3A_1911 : vector<1x16xf32> to vector<16xf32>
    %get3A_1913 = arith.constant 2 : i32
    %get3A_1914 = arith.index_cast %get3A_1913 : i32 to index
    %get3A_1915 = arith.constant 64 : index
    %get3A_1916 = tpu.vector_load %arg15[%get3A_1914, %get3A_1915] {strides = array<i32>} : memref<4x128xf32, #tpu.memory_space<vmem>>, vector<1x16xf32>,
    %get3A_1917 = vector.shape_cast %get3A_1916 : vector<1x16xf32> to vector<16xf32>
    %get3A_1918 = arith.constant 2 : i32
    %get3A_1919 = arith.index_cast %get3A_1918 : i32 to index
    %get3A_1920 = arith.constant 64 : index
    %get3A_1921 = tpu.vector_load %arg16[%get3A_1919, %get3A_1920] {strides = array<i32>} : memref<4x128xf32, #tpu.memory_space<vmem>>, vector<1x16xf32>,
    %get3A_1922 = vector.shape_cast %get3A_1921 : vector<1x16xf32> to vector<16xf32>
    %get3A_1923 = arith.constant 2 : i32
    %get3A_1924 = arith.index_cast %get3A_1923 : i32 to index
    %get3A_1925 = arith.constant 64 : index
    %get3A_1926 = tpu.vector_load %arg17[%get3A_1924, %get3A_1925] {strides = array<i32>} : memref<4x128xf32, #tpu.memory_space<vmem>>, vector<1x16xf32>,
    %get3A_1927 = vector.shape_cast %get3A_1926 : vector<1x16xf32> to vector<16xf32>
    %get3A_1928 = arith.constant 2 : i32
    %get3A_1929 = arith.index_cast %get3A_1928 : i32 to index
    %get3A_1930 = arith.constant 64 : index
    %get3A_1931 = tpu.vector_load %arg18[%get3A_1929, %get3A_1930] {strides = array<i32>} : memref<4x128xf32, #tpu.memory_space<vmem>>, vector<1x16xf32>,
    %get3A_1932 = vector.shape_cast %get3A_1931 : vector<1x16xf32> to vector<16xf32>
    %sub3A_1933 = arith.subf %get3A_1922, %get3A_1902 : vector<16xf32>
    %mul3A_1934 = arith.constant 2.500000e-01 : f32
    %mul3A_1935 = vector.broadcast %mul3A_1934 : f32 to vector<16xf32>
    %mul3A_1936 = arith.mulf %sub3A_1933, %mul3A_1935 : vector<16xf32>
    %sub3A_1937 = arith.subf %get3A_1912, %mul3A_1936 : vector<16xf32>
    %abs3A_1938 = math.absf %sub3A_1937 : vector<16xf32>
    %lt3A_1939 = arith.constant 2.500000e-01 : f32
    %lt3A_1940 = vector.broadcast %lt3A_1939 : f32 to vector<16xf32>
    %lt3A_1941 = arith.cmpf olt, %abs3A_1938, %lt3A_1940 : vector<16xf32>
    %mul3A_1942 = arith.constant 5.000000e-01 : f32
    %mul3A_1943 = vector.broadcast %mul3A_1942 : f32 to vector<16xf32>
    %mul3A_1944 = arith.mulf %mul3A_1943, %abs3A_1938 : vector<16xf32>
    %mul3A_1945 = arith.mulf %mul3A_1944, %abs3A_1938 : vector<16xf32>
    %div3A_1946 = arith.constant 2.500000e-01 : f32
    %div3A_1947 = vector.broadcast %div3A_1946 : f32 to vector<16xf32>
    %div3A_1948 = arith.divf %mul3A_1945, %div3A_1947 : vector<16xf32>
    %sub3A_1949 = arith.constant 1.250000e-01 : f32
    %sub3A_1950 = vector.broadcast %sub3A_1949 : f32 to vector<16xf32>
    %sub3A_1951 = arith.subf %abs3A_1938, %sub3A_1950 : vector<16xf32>
    %select_n3A_1952 = arith.select %lt3A_1941, %div3A_1948, %sub3A_1951 : vector<16xi1>, vector<16xf32>
    %sub3A_1953 = arith.subf %get3A_1927, %get3A_1907 : vector<16xf32>
    %mul3A_1954 = arith.constant 2.500000e-01 : f32
    %mul3A_1955 = vector.broadcast %mul3A_1954 : f32 to vector<16xf32>
    %mul3A_1956 = arith.mulf %sub3A_1953, %mul3A_1955 : vector<16xf32>
    %sub3A_1957 = arith.subf %get3A_1917, %mul3A_1956 : vector<16xf32>
    %abs3A_1958 = math.absf %sub3A_1957 : vector<16xf32>
    %lt3A_1959 = arith.constant 2.500000e-01 : f32
    %lt3A_1960 = vector.broadcast %lt3A_1959 : f32 to vector<16xf32>
    %lt3A_1961 = arith.cmpf olt, %abs3A_1958, %lt3A_1960 : vector<16xf32>
    %mul3A_1962 = arith.constant 5.000000e-01 : f32
    %mul3A_1963 = vector.broadcast %mul3A_1962 : f32 to vector<16xf32>
    %mul3A_1964 = arith.mulf %mul3A_1963, %abs3A_1958 : vector<16xf32>
    %mul3A_1965 = arith.mulf %mul3A_1964, %abs3A_1958 : vector<16xf32>
    %div3A_1966 = arith.constant 2.500000e-01 : f32
    %div3A_1967 = vector.broadcast %div3A_1966 : f32 to vector<16xf32>
    %div3A_1968 = arith.divf %mul3A_1965, %div3A_1967 : vector<16xf32>
    %sub3A_1969 = arith.constant 1.250000e-01 : f32
    %sub3A_1970 = vector.broadcast %sub3A_1969 : f32 to vector<16xf32>
    %sub3A_1971 = arith.subf %abs3A_1958, %sub3A_1970 : vector<16xf32>
    %select_n3A_1972 = arith.select %lt3A_1961, %div3A_1968, %sub3A_1971 : vector<16xi1>, vector<16xf32>
    %add3A_1973 = arith.addf %select_n3A_1952, %select_n3A_1972 : vector<16xf32>
    %mul3A_1974 = arith.mulf %get3A_1932, %add3A_1973 : vector<16xf32>
    %add3A_1975 = arith.addf %add3A_1896, %mul3A_1974 : vector<16xf32>
    %add3A_1976 = arith.addf %add3A_1897, %get3A_1932 : vector<16xf32>
    %get3A_1977 = arith.constant 2 : i32
    %get3A_1978 = arith.index_cast %get3A_1977 : i32 to index
    %get3A_1979 = arith.constant 80 : index
    %get3A_1980 = tpu.vector_load %arg12[%get3A_1978, %get3A_1979] {strides = array<i32>} : memref<4x128xf32, #tpu.memory_space<vmem>>, vector<1x16xf32>,
    %get3A_1981 = vector.shape_cast %get3A_1980 : vector<1x16xf32> to vector<16xf32>
    %get3A_1982 = arith.constant 2 : i32
    %get3A_1983 = arith.index_cast %get3A_1982 : i32 to index
    %get3A_1984 = arith.constant 80 : index
    %get3A_1985 = tpu.vector_load %arg13[%get3A_1983, %get3A_1984] {strides = array<i32>} : memref<4x128xf32, #tpu.memory_space<vmem>>, vector<1x16xf32>,
    %get3A_1986 = vector.shape_cast %get3A_1985 : vector<1x16xf32> to vector<16xf32>
    %get3A_1987 = arith.constant 2 : i32
    %get3A_1988 = arith.index_cast %get3A_1987 : i32 to index
    %get3A_1989 = arith.constant 80 : index
    %get3A_1990 = tpu.vector_load %arg14[%get3A_1988, %get3A_1989] {strides = array<i32>} : memref<4x128xf32, #tpu.memory_space<vmem>>, vector<1x16xf32>,
    %get3A_1991 = vector.shape_cast %get3A_1990 : vector<1x16xf32> to vector<16xf32>
    %get3A_1992 = arith.constant 2 : i32
    %get3A_1993 = arith.index_cast %get3A_1992 : i32 to index
    %get3A_1994 = arith.constant 80 : index
    %get3A_1995 = tpu.vector_load %arg15[%get3A_1993, %get3A_1994] {strides = array<i32>} : memref<4x128xf32, #tpu.memory_space<vmem>>, vector<1x16xf32>,
    %get3A_1996 = vector.shape_cast %get3A_1995 : vector<1x16xf32> to vector<16xf32>
    %get3A_1997 = arith.constant 2 : i32
    %get3A_1998 = arith.index_cast %get3A_1997 : i32 to index
    %get3A_1999 = arith.constant 80 : index
    %get3A_2000 = tpu.vector_load %arg16[%get3A_1998, %get3A_1999] {strides = array<i32>} : memref<4x128xf32, #tpu.memory_space<vmem>>, vector<1x16xf32>,
    %get3A_2001 = vector.shape_cast %get3A_2000 : vector<1x16xf32> to vector<16xf32>
    %get3A_2002 = arith.constant 2 : i32
    %get3A_2003 = arith.index_cast %get3A_2002 : i32 to index
    %get3A_2004 = arith.constant 80 : index
    %get3A_2005 = tpu.vector_load %arg17[%get3A_2003, %get3A_2004] {strides = array<i32>} : memref<4x128xf32, #tpu.memory_space<vmem>>, vector<1x16xf32>,
    %get3A_2006 = vector.shape_cast %get3A_2005 : vector<1x16xf32> to vector<16xf32>
    %get3A_2007 = arith.constant 2 : i32
    %get3A_2008 = arith.index_cast %get3A_2007 : i32 to index
    %get3A_2009 = arith.constant 80 : index
    %get3A_2010 = tpu.vector_load %arg18[%get3A_2008, %get3A_2009] {strides = array<i32>} : memref<4x128xf32, #tpu.memory_space<vmem>>, vector<1x16xf32>,
    %get3A_2011 = vector.shape_cast %get3A_2010 : vector<1x16xf32> to vector<16xf32>
    %sub3A_2012 = arith.subf %get3A_2001, %get3A_1981 : vector<16xf32>
    %mul3A_2013 = arith.constant 2.500000e-01 : f32
    %mul3A_2014 = vector.broadcast %mul3A_2013 : f32 to vector<16xf32>
    %mul3A_2015 = arith.mulf %sub3A_2012, %mul3A_2014 : vector<16xf32>
    %sub3A_2016 = arith.subf %get3A_1991, %mul3A_2015 : vector<16xf32>
    %abs3A_2017 = math.absf %sub3A_2016 : vector<16xf32>
    %lt3A_2018 = arith.constant 2.500000e-01 : f32
    %lt3A_2019 = vector.broadcast %lt3A_2018 : f32 to vector<16xf32>
    %lt3A_2020 = arith.cmpf olt, %abs3A_2017, %lt3A_2019 : vector<16xf32>
    %mul3A_2021 = arith.constant 5.000000e-01 : f32
    %mul3A_2022 = vector.broadcast %mul3A_2021 : f32 to vector<16xf32>
    %mul3A_2023 = arith.mulf %mul3A_2022, %abs3A_2017 : vector<16xf32>
    %mul3A_2024 = arith.mulf %mul3A_2023, %abs3A_2017 : vector<16xf32>
    %div3A_2025 = arith.constant 2.500000e-01 : f32
    %div3A_2026 = vector.broadcast %div3A_2025 : f32 to vector<16xf32>
    %div3A_2027 = arith.divf %mul3A_2024, %div3A_2026 : vector<16xf32>
    %sub3A_2028 = arith.constant 1.250000e-01 : f32
    %sub3A_2029 = vector.broadcast %sub3A_2028 : f32 to vector<16xf32>
    %sub3A_2030 = arith.subf %abs3A_2017, %sub3A_2029 : vector<16xf32>
    %select_n3A_2031 = arith.select %lt3A_2020, %div3A_2027, %sub3A_2030 : vector<16xi1>, vector<16xf32>
    %sub3A_2032 = arith.subf %get3A_2006, %get3A_1986 : vector<16xf32>
    %mul3A_2033 = arith.constant 2.500000e-01 : f32
    %mul3A_2034 = vector.broadcast %mul3A_2033 : f32 to vector<16xf32>
    %mul3A_2035 = arith.mulf %sub3A_2032, %mul3A_2034 : vector<16xf32>
    %sub3A_2036 = arith.subf %get3A_1996, %mul3A_2035 : vector<16xf32>
    %abs3A_2037 = math.absf %sub3A_2036 : vector<16xf32>
    %lt3A_2038 = arith.constant 2.500000e-01 : f32
    %lt3A_2039 = vector.broadcast %lt3A_2038 : f32 to vector<16xf32>
    %lt3A_2040 = arith.cmpf olt, %abs3A_2037, %lt3A_2039 : vector<16xf32>
    %mul3A_2041 = arith.constant 5.000000e-01 : f32
    %mul3A_2042 = vector.broadcast %mul3A_2041 : f32 to vector<16xf32>
    %mul3A_2043 = arith.mulf %mul3A_2042, %abs3A_2037 : vector<16xf32>
    %mul3A_2044 = arith.mulf %mul3A_2043, %abs3A_2037 : vector<16xf32>
    %div3A_2045 = arith.constant 2.500000e-01 : f32
    %div3A_2046 = vector.broadcast %div3A_2045 : f32 to vector<16xf32>
    %div3A_2047 = arith.divf %mul3A_2044, %div3A_2046 : vector<16xf32>
    %sub3A_2048 = arith.constant 1.250000e-01 : f32
    %sub3A_2049 = vector.broadcast %sub3A_2048 : f32 to vector<16xf32>
    %sub3A_2050 = arith.subf %abs3A_2037, %sub3A_2049 : vector<16xf32>
    %select_n3A_2051 = arith.select %lt3A_2040, %div3A_2047, %sub3A_2050 : vector<16xi1>, vector<16xf32>
    %add3A_2052 = arith.addf %select_n3A_2031, %select_n3A_2051 : vector<16xf32>
    %mul3A_2053 = arith.mulf %get3A_2011, %add3A_2052 : vector<16xf32>
    %add3A_2054 = arith.addf %add3A_1975, %mul3A_2053 : vector<16xf32>
    %add3A_2055 = arith.addf %add3A_1976, %get3A_2011 : vector<16xf32>
    %get3A_2056 = arith.constant 2 : i32
    %get3A_2057 = arith.index_cast %get3A_2056 : i32 to index
    %get3A_2058 = arith.constant 96 : index
    %get3A_2059 = tpu.vector_load %arg12[%get3A_2057, %get3A_2058] {strides = array<i32>} : memref<4x128xf32, #tpu.memory_space<vmem>>, vector<1x16xf32>,
    %get3A_2060 = vector.shape_cast %get3A_2059 : vector<1x16xf32> to vector<16xf32>
    %get3A_2061 = arith.constant 2 : i32
    %get3A_2062 = arith.index_cast %get3A_2061 : i32 to index
    %get3A_2063 = arith.constant 96 : index
    %get3A_2064 = tpu.vector_load %arg13[%get3A_2062, %get3A_2063] {strides = array<i32>} : memref<4x128xf32, #tpu.memory_space<vmem>>, vector<1x16xf32>,
    %get3A_2065 = vector.shape_cast %get3A_2064 : vector<1x16xf32> to vector<16xf32>
    %get3A_2066 = arith.constant 2 : i32
    %get3A_2067 = arith.index_cast %get3A_2066 : i32 to index
    %get3A_2068 = arith.constant 96 : index
    %get3A_2069 = tpu.vector_load %arg14[%get3A_2067, %get3A_2068] {strides = array<i32>} : memref<4x128xf32, #tpu.memory_space<vmem>>, vector<1x16xf32>,
    %get3A_2070 = vector.shape_cast %get3A_2069 : vector<1x16xf32> to vector<16xf32>
    %get3A_2071 = arith.constant 2 : i32
    %get3A_2072 = arith.index_cast %get3A_2071 : i32 to index
    %get3A_2073 = arith.constant 96 : index
    %get3A_2074 = tpu.vector_load %arg15[%get3A_2072, %get3A_2073] {strides = array<i32>} : memref<4x128xf32, #tpu.memory_space<vmem>>, vector<1x16xf32>,
    %get3A_2075 = vector.shape_cast %get3A_2074 : vector<1x16xf32> to vector<16xf32>
    %get3A_2076 = arith.constant 2 : i32
    %get3A_2077 = arith.index_cast %get3A_2076 : i32 to index
    %get3A_2078 = arith.constant 96 : index
    %get3A_2079 = tpu.vector_load %arg16[%get3A_2077, %get3A_2078] {strides = array<i32>} : memref<4x128xf32, #tpu.memory_space<vmem>>, vector<1x16xf32>,
    %get3A_2080 = vector.shape_cast %get3A_2079 : vector<1x16xf32> to vector<16xf32>
    %get3A_2081 = arith.constant 2 : i32
    %get3A_2082 = arith.index_cast %get3A_2081 : i32 to index
    %get3A_2083 = arith.constant 96 : index
    %get3A_2084 = tpu.vector_load %arg17[%get3A_2082, %get3A_2083] {strides = array<i32>} : memref<4x128xf32, #tpu.memory_space<vmem>>, vector<1x16xf32>,
    %get3A_2085 = vector.shape_cast %get3A_2084 : vector<1x16xf32> to vector<16xf32>
    %get3A_2086 = arith.constant 2 : i32
    %get3A_2087 = arith.index_cast %get3A_2086 : i32 to index
    %get3A_2088 = arith.constant 96 : index
    %get3A_2089 = tpu.vector_load %arg18[%get3A_2087, %get3A_2088] {strides = array<i32>} : memref<4x128xf32, #tpu.memory_space<vmem>>, vector<1x16xf32>,
    %get3A_2090 = vector.shape_cast %get3A_2089 : vector<1x16xf32> to vector<16xf32>
    %sub3A_2091 = arith.subf %get3A_2080, %get3A_2060 : vector<16xf32>
    %mul3A_2092 = arith.constant 2.500000e-01 : f32
    %mul3A_2093 = vector.broadcast %mul3A_2092 : f32 to vector<16xf32>
    %mul3A_2094 = arith.mulf %sub3A_2091, %mul3A_2093 : vector<16xf32>
    %sub3A_2095 = arith.subf %get3A_2070, %mul3A_2094 : vector<16xf32>
    %abs3A_2096 = math.absf %sub3A_2095 : vector<16xf32>
    %lt3A_2097 = arith.constant 2.500000e-01 : f32
    %lt3A_2098 = vector.broadcast %lt3A_2097 : f32 to vector<16xf32>
    %lt3A_2099 = arith.cmpf olt, %abs3A_2096, %lt3A_2098 : vector<16xf32>
    %mul3A_2100 = arith.constant 5.000000e-01 : f32
    %mul3A_2101 = vector.broadcast %mul3A_2100 : f32 to vector<16xf32>
    %mul3A_2102 = arith.mulf %mul3A_2101, %abs3A_2096 : vector<16xf32>
    %mul3A_2103 = arith.mulf %mul3A_2102, %abs3A_2096 : vector<16xf32>
    %div3A_2104 = arith.constant 2.500000e-01 : f32
    %div3A_2105 = vector.broadcast %div3A_2104 : f32 to vector<16xf32>
    %div3A_2106 = arith.divf %mul3A_2103, %div3A_2105 : vector<16xf32>
    %sub3A_2107 = arith.constant 1.250000e-01 : f32
    %sub3A_2108 = vector.broadcast %sub3A_2107 : f32 to vector<16xf32>
    %sub3A_2109 = arith.subf %abs3A_2096, %sub3A_2108 : vector<16xf32>
    %select_n3A_2110 = arith.select %lt3A_2099, %div3A_2106, %sub3A_2109 : vector<16xi1>, vector<16xf32>
    %sub3A_2111 = arith.subf %get3A_2085, %get3A_2065 : vector<16xf32>
    %mul3A_2112 = arith.constant 2.500000e-01 : f32
    %mul3A_2113 = vector.broadcast %mul3A_2112 : f32 to vector<16xf32>
    %mul3A_2114 = arith.mulf %sub3A_2111, %mul3A_2113 : vector<16xf32>
    %sub3A_2115 = arith.subf %get3A_2075, %mul3A_2114 : vector<16xf32>
    %abs3A_2116 = math.absf %sub3A_2115 : vector<16xf32>
    %lt3A_2117 = arith.constant 2.500000e-01 : f32
    %lt3A_2118 = vector.broadcast %lt3A_2117 : f32 to vector<16xf32>
    %lt3A_2119 = arith.cmpf olt, %abs3A_2116, %lt3A_2118 : vector<16xf32>
    %mul3A_2120 = arith.constant 5.000000e-01 : f32
    %mul3A_2121 = vector.broadcast %mul3A_2120 : f32 to vector<16xf32>
    %mul3A_2122 = arith.mulf %mul3A_2121, %abs3A_2116 : vector<16xf32>
    %mul3A_2123 = arith.mulf %mul3A_2122, %abs3A_2116 : vector<16xf32>
    %div3A_2124 = arith.constant 2.500000e-01 : f32
    %div3A_2125 = vector.broadcast %div3A_2124 : f32 to vector<16xf32>
    %div3A_2126 = arith.divf %mul3A_2123, %div3A_2125 : vector<16xf32>
    %sub3A_2127 = arith.constant 1.250000e-01 : f32
    %sub3A_2128 = vector.broadcast %sub3A_2127 : f32 to vector<16xf32>
    %sub3A_2129 = arith.subf %abs3A_2116, %sub3A_2128 : vector<16xf32>
    %select_n3A_2130 = arith.select %lt3A_2119, %div3A_2126, %sub3A_2129 : vector<16xi1>, vector<16xf32>
    %add3A_2131 = arith.addf %select_n3A_2110, %select_n3A_2130 : vector<16xf32>
    %mul3A_2132 = arith.mulf %get3A_2090, %add3A_2131 : vector<16xf32>
    %add3A_2133 = arith.addf %add3A_2054, %mul3A_2132 : vector<16xf32>
    %add3A_2134 = arith.addf %add3A_2055, %get3A_2090 : vector<16xf32>
    %get3A_2135 = arith.constant 2 : i32
    %get3A_2136 = arith.index_cast %get3A_2135 : i32 to index
    %get3A_2137 = arith.constant 112 : index
    %get3A_2138 = tpu.vector_load %arg12[%get3A_2136, %get3A_2137] {strides = array<i32>} : memref<4x128xf32, #tpu.memory_space<vmem>>, vector<1x16xf32>,
    %get3A_2139 = vector.shape_cast %get3A_2138 : vector<1x16xf32> to vector<16xf32>
    %get3A_2140 = arith.constant 2 : i32
    %get3A_2141 = arith.index_cast %get3A_2140 : i32 to index
    %get3A_2142 = arith.constant 112 : index
    %get3A_2143 = tpu.vector_load %arg13[%get3A_2141, %get3A_2142] {strides = array<i32>} : memref<4x128xf32, #tpu.memory_space<vmem>>, vector<1x16xf32>,
    %get3A_2144 = vector.shape_cast %get3A_2143 : vector<1x16xf32> to vector<16xf32>
    %get3A_2145 = arith.constant 2 : i32
    %get3A_2146 = arith.index_cast %get3A_2145 : i32 to index
    %get3A_2147 = arith.constant 112 : index
    %get3A_2148 = tpu.vector_load %arg14[%get3A_2146, %get3A_2147] {strides = array<i32>} : memref<4x128xf32, #tpu.memory_space<vmem>>, vector<1x16xf32>,
    %get3A_2149 = vector.shape_cast %get3A_2148 : vector<1x16xf32> to vector<16xf32>
    %get3A_2150 = arith.constant 2 : i32
    %get3A_2151 = arith.index_cast %get3A_2150 : i32 to index
    %get3A_2152 = arith.constant 112 : index
    %get3A_2153 = tpu.vector_load %arg15[%get3A_2151, %get3A_2152] {strides = array<i32>} : memref<4x128xf32, #tpu.memory_space<vmem>>, vector<1x16xf32>,
    %get3A_2154 = vector.shape_cast %get3A_2153 : vector<1x16xf32> to vector<16xf32>
    %get3A_2155 = arith.constant 2 : i32
    %get3A_2156 = arith.index_cast %get3A_2155 : i32 to index
    %get3A_2157 = arith.constant 112 : index
    %get3A_2158 = tpu.vector_load %arg16[%get3A_2156, %get3A_2157] {strides = array<i32>} : memref<4x128xf32, #tpu.memory_space<vmem>>, vector<1x16xf32>,
    %get3A_2159 = vector.shape_cast %get3A_2158 : vector<1x16xf32> to vector<16xf32>
    %get3A_2160 = arith.constant 2 : i32
    %get3A_2161 = arith.index_cast %get3A_2160 : i32 to index
    %get3A_2162 = arith.constant 112 : index
    %get3A_2163 = tpu.vector_load %arg17[%get3A_2161, %get3A_2162] {strides = array<i32>} : memref<4x128xf32, #tpu.memory_space<vmem>>, vector<1x16xf32>,
    %get3A_2164 = vector.shape_cast %get3A_2163 : vector<1x16xf32> to vector<16xf32>
    %get3A_2165 = arith.constant 2 : i32
    %get3A_2166 = arith.index_cast %get3A_2165 : i32 to index
    %get3A_2167 = arith.constant 112 : index
    %get3A_2168 = tpu.vector_load %arg18[%get3A_2166, %get3A_2167] {strides = array<i32>} : memref<4x128xf32, #tpu.memory_space<vmem>>, vector<1x16xf32>,
    %get3A_2169 = vector.shape_cast %get3A_2168 : vector<1x16xf32> to vector<16xf32>
    %sub3A_2170 = arith.subf %get3A_2159, %get3A_2139 : vector<16xf32>
    %mul3A_2171 = arith.constant 2.500000e-01 : f32
    %mul3A_2172 = vector.broadcast %mul3A_2171 : f32 to vector<16xf32>
    %mul3A_2173 = arith.mulf %sub3A_2170, %mul3A_2172 : vector<16xf32>
    %sub3A_2174 = arith.subf %get3A_2149, %mul3A_2173 : vector<16xf32>
    %abs3A_2175 = math.absf %sub3A_2174 : vector<16xf32>
    %lt3A_2176 = arith.constant 2.500000e-01 : f32
    %lt3A_2177 = vector.broadcast %lt3A_2176 : f32 to vector<16xf32>
    %lt3A_2178 = arith.cmpf olt, %abs3A_2175, %lt3A_2177 : vector<16xf32>
    %mul3A_2179 = arith.constant 5.000000e-01 : f32
    %mul3A_2180 = vector.broadcast %mul3A_2179 : f32 to vector<16xf32>
    %mul3A_2181 = arith.mulf %mul3A_2180, %abs3A_2175 : vector<16xf32>
    %mul3A_2182 = arith.mulf %mul3A_2181, %abs3A_2175 : vector<16xf32>
    %div3A_2183 = arith.constant 2.500000e-01 : f32
    %div3A_2184 = vector.broadcast %div3A_2183 : f32 to vector<16xf32>
    %div3A_2185 = arith.divf %mul3A_2182, %div3A_2184 : vector<16xf32>
    %sub3A_2186 = arith.constant 1.250000e-01 : f32
    %sub3A_2187 = vector.broadcast %sub3A_2186 : f32 to vector<16xf32>
    %sub3A_2188 = arith.subf %abs3A_2175, %sub3A_2187 : vector<16xf32>
    %select_n3A_2189 = arith.select %lt3A_2178, %div3A_2185, %sub3A_2188 : vector<16xi1>, vector<16xf32>
    %sub3A_2190 = arith.subf %get3A_2164, %get3A_2144 : vector<16xf32>
    %mul3A_2191 = arith.constant 2.500000e-01 : f32
    %mul3A_2192 = vector.broadcast %mul3A_2191 : f32 to vector<16xf32>
    %mul3A_2193 = arith.mulf %sub3A_2190, %mul3A_2192 : vector<16xf32>
    %sub3A_2194 = arith.subf %get3A_2154, %mul3A_2193 : vector<16xf32>
    %abs3A_2195 = math.absf %sub3A_2194 : vector<16xf32>
    %lt3A_2196 = arith.constant 2.500000e-01 : f32
    %lt3A_2197 = vector.broadcast %lt3A_2196 : f32 to vector<16xf32>
    %lt3A_2198 = arith.cmpf olt, %abs3A_2195, %lt3A_2197 : vector<16xf32>
    %mul3A_2199 = arith.constant 5.000000e-01 : f32
    %mul3A_2200 = vector.broadcast %mul3A_2199 : f32 to vector<16xf32>
    %mul3A_2201 = arith.mulf %mul3A_2200, %abs3A_2195 : vector<16xf32>
    %mul3A_2202 = arith.mulf %mul3A_2201, %abs3A_2195 : vector<16xf32>
    %div3A_2203 = arith.constant 2.500000e-01 : f32
    %div3A_2204 = vector.broadcast %div3A_2203 : f32 to vector<16xf32>
    %div3A_2205 = arith.divf %mul3A_2202, %div3A_2204 : vector<16xf32>
    %sub3A_2206 = arith.constant 1.250000e-01 : f32
    %sub3A_2207 = vector.broadcast %sub3A_2206 : f32 to vector<16xf32>
    %sub3A_2208 = arith.subf %abs3A_2195, %sub3A_2207 : vector<16xf32>
    %select_n3A_2209 = arith.select %lt3A_2198, %div3A_2205, %sub3A_2208 : vector<16xi1>, vector<16xf32>
    %add3A_2210 = arith.addf %select_n3A_2189, %select_n3A_2209 : vector<16xf32>
    %mul3A_2211 = arith.mulf %get3A_2169, %add3A_2210 : vector<16xf32>
    %add3A_2212 = arith.addf %add3A_2133, %mul3A_2211 : vector<16xf32>
    %add3A_2213 = arith.addf %add3A_2134, %get3A_2169 : vector<16xf32>
    %get3A_2214 = arith.constant 3 : i32
    %get3A_2215 = arith.index_cast %get3A_2214 : i32 to index
    %get3A_2216 = arith.constant 0 : index
    %get3A_2217 = tpu.vector_load %arg12[%get3A_2215, %get3A_2216] {strides = array<i32>} : memref<4x128xf32, #tpu.memory_space<vmem>>, vector<1x16xf32>,
    %get3A_2218 = vector.shape_cast %get3A_2217 : vector<1x16xf32> to vector<16xf32>
    %get3A_2219 = arith.constant 3 : i32
    %get3A_2220 = arith.index_cast %get3A_2219 : i32 to index
    %get3A_2221 = arith.constant 0 : index
    %get3A_2222 = tpu.vector_load %arg13[%get3A_2220, %get3A_2221] {strides = array<i32>} : memref<4x128xf32, #tpu.memory_space<vmem>>, vector<1x16xf32>,
    %get3A_2223 = vector.shape_cast %get3A_2222 : vector<1x16xf32> to vector<16xf32>
    %get3A_2224 = arith.constant 3 : i32
    %get3A_2225 = arith.index_cast %get3A_2224 : i32 to index
    %get3A_2226 = arith.constant 0 : index
    %get3A_2227 = tpu.vector_load %arg14[%get3A_2225, %get3A_2226] {strides = array<i32>} : memref<4x128xf32, #tpu.memory_space<vmem>>, vector<1x16xf32>,
    %get3A_2228 = vector.shape_cast %get3A_2227 : vector<1x16xf32> to vector<16xf32>
    %get3A_2229 = arith.constant 3 : i32
    %get3A_2230 = arith.index_cast %get3A_2229 : i32 to index
    %get3A_2231 = arith.constant 0 : index
    %get3A_2232 = tpu.vector_load %arg15[%get3A_2230, %get3A_2231] {strides = array<i32>} : memref<4x128xf32, #tpu.memory_space<vmem>>, vector<1x16xf32>,
    %get3A_2233 = vector.shape_cast %get3A_2232 : vector<1x16xf32> to vector<16xf32>
    %get3A_2234 = arith.constant 3 : i32
    %get3A_2235 = arith.index_cast %get3A_2234 : i32 to index
    %get3A_2236 = arith.constant 0 : index
    %get3A_2237 = tpu.vector_load %arg16[%get3A_2235, %get3A_2236] {strides = array<i32>} : memref<4x128xf32, #tpu.memory_space<vmem>>, vector<1x16xf32>,
    %get3A_2238 = vector.shape_cast %get3A_2237 : vector<1x16xf32> to vector<16xf32>
    %get3A_2239 = arith.constant 3 : i32
    %get3A_2240 = arith.index_cast %get3A_2239 : i32 to index
    %get3A_2241 = arith.constant 0 : index
    %get3A_2242 = tpu.vector_load %arg17[%get3A_2240, %get3A_2241] {strides = array<i32>} : memref<4x128xf32, #tpu.memory_space<vmem>>, vector<1x16xf32>,
    %get3A_2243 = vector.shape_cast %get3A_2242 : vector<1x16xf32> to vector<16xf32>
    %get3A_2244 = arith.constant 3 : i32
    %get3A_2245 = arith.index_cast %get3A_2244 : i32 to index
    %get3A_2246 = arith.constant 0 : index
    %get3A_2247 = tpu.vector_load %arg18[%get3A_2245, %get3A_2246] {strides = array<i32>} : memref<4x128xf32, #tpu.memory_space<vmem>>, vector<1x16xf32>,
    %get3A_2248 = vector.shape_cast %get3A_2247 : vector<1x16xf32> to vector<16xf32>
    %sub3A_2249 = arith.subf %get3A_2238, %get3A_2218 : vector<16xf32>
    %mul3A_2250 = arith.constant 2.500000e-01 : f32
    %mul3A_2251 = vector.broadcast %mul3A_2250 : f32 to vector<16xf32>
    %mul3A_2252 = arith.mulf %sub3A_2249, %mul3A_2251 : vector<16xf32>
    %sub3A_2253 = arith.subf %get3A_2228, %mul3A_2252 : vector<16xf32>
    %abs3A_2254 = math.absf %sub3A_2253 : vector<16xf32>
    %lt3A_2255 = arith.constant 2.500000e-01 : f32
    %lt3A_2256 = vector.broadcast %lt3A_2255 : f32 to vector<16xf32>
    %lt3A_2257 = arith.cmpf olt, %abs3A_2254, %lt3A_2256 : vector<16xf32>
    %mul3A_2258 = arith.constant 5.000000e-01 : f32
    %mul3A_2259 = vector.broadcast %mul3A_2258 : f32 to vector<16xf32>
    %mul3A_2260 = arith.mulf %mul3A_2259, %abs3A_2254 : vector<16xf32>
    %mul3A_2261 = arith.mulf %mul3A_2260, %abs3A_2254 : vector<16xf32>
    %div3A_2262 = arith.constant 2.500000e-01 : f32
    %div3A_2263 = vector.broadcast %div3A_2262 : f32 to vector<16xf32>
    %div3A_2264 = arith.divf %mul3A_2261, %div3A_2263 : vector<16xf32>
    %sub3A_2265 = arith.constant 1.250000e-01 : f32
    %sub3A_2266 = vector.broadcast %sub3A_2265 : f32 to vector<16xf32>
    %sub3A_2267 = arith.subf %abs3A_2254, %sub3A_2266 : vector<16xf32>
    %select_n3A_2268 = arith.select %lt3A_2257, %div3A_2264, %sub3A_2267 : vector<16xi1>, vector<16xf32>
    %sub3A_2269 = arith.subf %get3A_2243, %get3A_2223 : vector<16xf32>
    %mul3A_2270 = arith.constant 2.500000e-01 : f32
    %mul3A_2271 = vector.broadcast %mul3A_2270 : f32 to vector<16xf32>
    %mul3A_2272 = arith.mulf %sub3A_2269, %mul3A_2271 : vector<16xf32>
    %sub3A_2273 = arith.subf %get3A_2233, %mul3A_2272 : vector<16xf32>
    %abs3A_2274 = math.absf %sub3A_2273 : vector<16xf32>
    %lt3A_2275 = arith.constant 2.500000e-01 : f32
    %lt3A_2276 = vector.broadcast %lt3A_2275 : f32 to vector<16xf32>
    %lt3A_2277 = arith.cmpf olt, %abs3A_2274, %lt3A_2276 : vector<16xf32>
    %mul3A_2278 = arith.constant 5.000000e-01 : f32
    %mul3A_2279 = vector.broadcast %mul3A_2278 : f32 to vector<16xf32>
    %mul3A_2280 = arith.mulf %mul3A_2279, %abs3A_2274 : vector<16xf32>
    %mul3A_2281 = arith.mulf %mul3A_2280, %abs3A_2274 : vector<16xf32>
    %div3A_2282 = arith.constant 2.500000e-01 : f32
    %div3A_2283 = vector.broadcast %div3A_2282 : f32 to vector<16xf32>
    %div3A_2284 = arith.divf %mul3A_2281, %div3A_2283 : vector<16xf32>
    %sub3A_2285 = arith.constant 1.250000e-01 : f32
    %sub3A_2286 = vector.broadcast %sub3A_2285 : f32 to vector<16xf32>
    %sub3A_2287 = arith.subf %abs3A_2274, %sub3A_2286 : vector<16xf32>
    %select_n3A_2288 = arith.select %lt3A_2277, %div3A_2284, %sub3A_2287 : vector<16xi1>, vector<16xf32>
    %add3A_2289 = arith.addf %select_n3A_2268, %select_n3A_2288 : vector<16xf32>
    %mul3A_2290 = arith.mulf %get3A_2248, %add3A_2289 : vector<16xf32>
    %add3A_2291 = arith.addf %add3A_2212, %mul3A_2290 : vector<16xf32>
    %add3A_2292 = arith.addf %add3A_2213, %get3A_2248 : vector<16xf32>
    %get3A_2293 = arith.constant 3 : i32
    %get3A_2294 = arith.index_cast %get3A_2293 : i32 to index
    %get3A_2295 = arith.constant 16 : index
    %get3A_2296 = tpu.vector_load %arg12[%get3A_2294, %get3A_2295] {strides = array<i32>} : memref<4x128xf32, #tpu.memory_space<vmem>>, vector<1x16xf32>,
    %get3A_2297 = vector.shape_cast %get3A_2296 : vector<1x16xf32> to vector<16xf32>
    %get3A_2298 = arith.constant 3 : i32
    %get3A_2299 = arith.index_cast %get3A_2298 : i32 to index
    %get3A_2300 = arith.constant 16 : index
    %get3A_2301 = tpu.vector_load %arg13[%get3A_2299, %get3A_2300] {strides = array<i32>} : memref<4x128xf32, #tpu.memory_space<vmem>>, vector<1x16xf32>,
    %get3A_2302 = vector.shape_cast %get3A_2301 : vector<1x16xf32> to vector<16xf32>
    %get3A_2303 = arith.constant 3 : i32
    %get3A_2304 = arith.index_cast %get3A_2303 : i32 to index
    %get3A_2305 = arith.constant 16 : index
    %get3A_2306 = tpu.vector_load %arg14[%get3A_2304, %get3A_2305] {strides = array<i32>} : memref<4x128xf32, #tpu.memory_space<vmem>>, vector<1x16xf32>,
    %get3A_2307 = vector.shape_cast %get3A_2306 : vector<1x16xf32> to vector<16xf32>
    %get3A_2308 = arith.constant 3 : i32
    %get3A_2309 = arith.index_cast %get3A_2308 : i32 to index
    %get3A_2310 = arith.constant 16 : index
    %get3A_2311 = tpu.vector_load %arg15[%get3A_2309, %get3A_2310] {strides = array<i32>} : memref<4x128xf32, #tpu.memory_space<vmem>>, vector<1x16xf32>,
    %get3A_2312 = vector.shape_cast %get3A_2311 : vector<1x16xf32> to vector<16xf32>
    %get3A_2313 = arith.constant 3 : i32
    %get3A_2314 = arith.index_cast %get3A_2313 : i32 to index
    %get3A_2315 = arith.constant 16 : index
    %get3A_2316 = tpu.vector_load %arg16[%get3A_2314, %get3A_2315] {strides = array<i32>} : memref<4x128xf32, #tpu.memory_space<vmem>>, vector<1x16xf32>,
    %get3A_2317 = vector.shape_cast %get3A_2316 : vector<1x16xf32> to vector<16xf32>
    %get3A_2318 = arith.constant 3 : i32
    %get3A_2319 = arith.index_cast %get3A_2318 : i32 to index
    %get3A_2320 = arith.constant 16 : index
    %get3A_2321 = tpu.vector_load %arg17[%get3A_2319, %get3A_2320] {strides = array<i32>} : memref<4x128xf32, #tpu.memory_space<vmem>>, vector<1x16xf32>,
    %get3A_2322 = vector.shape_cast %get3A_2321 : vector<1x16xf32> to vector<16xf32>
    %get3A_2323 = arith.constant 3 : i32
    %get3A_2324 = arith.index_cast %get3A_2323 : i32 to index
    %get3A_2325 = arith.constant 16 : index
    %get3A_2326 = tpu.vector_load %arg18[%get3A_2324, %get3A_2325] {strides = array<i32>} : memref<4x128xf32, #tpu.memory_space<vmem>>, vector<1x16xf32>,
    %get3A_2327 = vector.shape_cast %get3A_2326 : vector<1x16xf32> to vector<16xf32>
    %sub3A_2328 = arith.subf %get3A_2317, %get3A_2297 : vector<16xf32>
    %mul3A_2329 = arith.constant 2.500000e-01 : f32
    %mul3A_2330 = vector.broadcast %mul3A_2329 : f32 to vector<16xf32>
    %mul3A_2331 = arith.mulf %sub3A_2328, %mul3A_2330 : vector<16xf32>
    %sub3A_2332 = arith.subf %get3A_2307, %mul3A_2331 : vector<16xf32>
    %abs3A_2333 = math.absf %sub3A_2332 : vector<16xf32>
    %lt3A_2334 = arith.constant 2.500000e-01 : f32
    %lt3A_2335 = vector.broadcast %lt3A_2334 : f32 to vector<16xf32>
    %lt3A_2336 = arith.cmpf olt, %abs3A_2333, %lt3A_2335 : vector<16xf32>
    %mul3A_2337 = arith.constant 5.000000e-01 : f32
    %mul3A_2338 = vector.broadcast %mul3A_2337 : f32 to vector<16xf32>
    %mul3A_2339 = arith.mulf %mul3A_2338, %abs3A_2333 : vector<16xf32>
    %mul3A_2340 = arith.mulf %mul3A_2339, %abs3A_2333 : vector<16xf32>
    %div3A_2341 = arith.constant 2.500000e-01 : f32
    %div3A_2342 = vector.broadcast %div3A_2341 : f32 to vector<16xf32>
    %div3A_2343 = arith.divf %mul3A_2340, %div3A_2342 : vector<16xf32>
    %sub3A_2344 = arith.constant 1.250000e-01 : f32
    %sub3A_2345 = vector.broadcast %sub3A_2344 : f32 to vector<16xf32>
    %sub3A_2346 = arith.subf %abs3A_2333, %sub3A_2345 : vector<16xf32>
    %select_n3A_2347 = arith.select %lt3A_2336, %div3A_2343, %sub3A_2346 : vector<16xi1>, vector<16xf32>
    %sub3A_2348 = arith.subf %get3A_2322, %get3A_2302 : vector<16xf32>
    %mul3A_2349 = arith.constant 2.500000e-01 : f32
    %mul3A_2350 = vector.broadcast %mul3A_2349 : f32 to vector<16xf32>
    %mul3A_2351 = arith.mulf %sub3A_2348, %mul3A_2350 : vector<16xf32>
    %sub3A_2352 = arith.subf %get3A_2312, %mul3A_2351 : vector<16xf32>
    %abs3A_2353 = math.absf %sub3A_2352 : vector<16xf32>
    %lt3A_2354 = arith.constant 2.500000e-01 : f32
    %lt3A_2355 = vector.broadcast %lt3A_2354 : f32 to vector<16xf32>
    %lt3A_2356 = arith.cmpf olt, %abs3A_2353, %lt3A_2355 : vector<16xf32>
    %mul3A_2357 = arith.constant 5.000000e-01 : f32
    %mul3A_2358 = vector.broadcast %mul3A_2357 : f32 to vector<16xf32>
    %mul3A_2359 = arith.mulf %mul3A_2358, %abs3A_2353 : vector<16xf32>
    %mul3A_2360 = arith.mulf %mul3A_2359, %abs3A_2353 : vector<16xf32>
    %div3A_2361 = arith.constant 2.500000e-01 : f32
    %div3A_2362 = vector.broadcast %div3A_2361 : f32 to vector<16xf32>
    %div3A_2363 = arith.divf %mul3A_2360, %div3A_2362 : vector<16xf32>
    %sub3A_2364 = arith.constant 1.250000e-01 : f32
    %sub3A_2365 = vector.broadcast %sub3A_2364 : f32 to vector<16xf32>
    %sub3A_2366 = arith.subf %abs3A_2353, %sub3A_2365 : vector<16xf32>
    %select_n3A_2367 = arith.select %lt3A_2356, %div3A_2363, %sub3A_2366 : vector<16xi1>, vector<16xf32>
    %add3A_2368 = arith.addf %select_n3A_2347, %select_n3A_2367 : vector<16xf32>
    %mul3A_2369 = arith.mulf %get3A_2327, %add3A_2368 : vector<16xf32>
    %add3A_2370 = arith.addf %add3A_2291, %mul3A_2369 : vector<16xf32>
    %add3A_2371 = arith.addf %add3A_2292, %get3A_2327 : vector<16xf32>
    %get3A_2372 = arith.constant 3 : i32
    %get3A_2373 = arith.index_cast %get3A_2372 : i32 to index
    %get3A_2374 = arith.constant 32 : index
    %get3A_2375 = tpu.vector_load %arg12[%get3A_2373, %get3A_2374] {strides = array<i32>} : memref<4x128xf32, #tpu.memory_space<vmem>>, vector<1x16xf32>,
    %get3A_2376 = vector.shape_cast %get3A_2375 : vector<1x16xf32> to vector<16xf32>
    %get3A_2377 = arith.constant 3 : i32
    %get3A_2378 = arith.index_cast %get3A_2377 : i32 to index
    %get3A_2379 = arith.constant 32 : index
    %get3A_2380 = tpu.vector_load %arg13[%get3A_2378, %get3A_2379] {strides = array<i32>} : memref<4x128xf32, #tpu.memory_space<vmem>>, vector<1x16xf32>,
    %get3A_2381 = vector.shape_cast %get3A_2380 : vector<1x16xf32> to vector<16xf32>
    %get3A_2382 = arith.constant 3 : i32
    %get3A_2383 = arith.index_cast %get3A_2382 : i32 to index
    %get3A_2384 = arith.constant 32 : index
    %get3A_2385 = tpu.vector_load %arg14[%get3A_2383, %get3A_2384] {strides = array<i32>} : memref<4x128xf32, #tpu.memory_space<vmem>>, vector<1x16xf32>,
    %get3A_2386 = vector.shape_cast %get3A_2385 : vector<1x16xf32> to vector<16xf32>
    %get3A_2387 = arith.constant 3 : i32
    %get3A_2388 = arith.index_cast %get3A_2387 : i32 to index
    %get3A_2389 = arith.constant 32 : index
    %get3A_2390 = tpu.vector_load %arg15[%get3A_2388, %get3A_2389] {strides = array<i32>} : memref<4x128xf32, #tpu.memory_space<vmem>>, vector<1x16xf32>,
    %get3A_2391 = vector.shape_cast %get3A_2390 : vector<1x16xf32> to vector<16xf32>
    %get3A_2392 = arith.constant 3 : i32
    %get3A_2393 = arith.index_cast %get3A_2392 : i32 to index
    %get3A_2394 = arith.constant 32 : index
    %get3A_2395 = tpu.vector_load %arg16[%get3A_2393, %get3A_2394] {strides = array<i32>} : memref<4x128xf32, #tpu.memory_space<vmem>>, vector<1x16xf32>,
    %get3A_2396 = vector.shape_cast %get3A_2395 : vector<1x16xf32> to vector<16xf32>
    %get3A_2397 = arith.constant 3 : i32
    %get3A_2398 = arith.index_cast %get3A_2397 : i32 to index
    %get3A_2399 = arith.constant 32 : index
    %get3A_2400 = tpu.vector_load %arg17[%get3A_2398, %get3A_2399] {strides = array<i32>} : memref<4x128xf32, #tpu.memory_space<vmem>>, vector<1x16xf32>,
    %get3A_2401 = vector.shape_cast %get3A_2400 : vector<1x16xf32> to vector<16xf32>
    %get3A_2402 = arith.constant 3 : i32
    %get3A_2403 = arith.index_cast %get3A_2402 : i32 to index
    %get3A_2404 = arith.constant 32 : index
    %get3A_2405 = tpu.vector_load %arg18[%get3A_2403, %get3A_2404] {strides = array<i32>} : memref<4x128xf32, #tpu.memory_space<vmem>>, vector<1x16xf32>,
    %get3A_2406 = vector.shape_cast %get3A_2405 : vector<1x16xf32> to vector<16xf32>
    %sub3A_2407 = arith.subf %get3A_2396, %get3A_2376 : vector<16xf32>
    %mul3A_2408 = arith.constant 2.500000e-01 : f32
    %mul3A_2409 = vector.broadcast %mul3A_2408 : f32 to vector<16xf32>
    %mul3A_2410 = arith.mulf %sub3A_2407, %mul3A_2409 : vector<16xf32>
    %sub3A_2411 = arith.subf %get3A_2386, %mul3A_2410 : vector<16xf32>
    %abs3A_2412 = math.absf %sub3A_2411 : vector<16xf32>
    %lt3A_2413 = arith.constant 2.500000e-01 : f32
    %lt3A_2414 = vector.broadcast %lt3A_2413 : f32 to vector<16xf32>
    %lt3A_2415 = arith.cmpf olt, %abs3A_2412, %lt3A_2414 : vector<16xf32>
    %mul3A_2416 = arith.constant 5.000000e-01 : f32
    %mul3A_2417 = vector.broadcast %mul3A_2416 : f32 to vector<16xf32>
    %mul3A_2418 = arith.mulf %mul3A_2417, %abs3A_2412 : vector<16xf32>
    %mul3A_2419 = arith.mulf %mul3A_2418, %abs3A_2412 : vector<16xf32>
    %div3A_2420 = arith.constant 2.500000e-01 : f32
    %div3A_2421 = vector.broadcast %div3A_2420 : f32 to vector<16xf32>
    %div3A_2422 = arith.divf %mul3A_2419, %div3A_2421 : vector<16xf32>
    %sub3A_2423 = arith.constant 1.250000e-01 : f32
    %sub3A_2424 = vector.broadcast %sub3A_2423 : f32 to vector<16xf32>
    %sub3A_2425 = arith.subf %abs3A_2412, %sub3A_2424 : vector<16xf32>
    %select_n3A_2426 = arith.select %lt3A_2415, %div3A_2422, %sub3A_2425 : vector<16xi1>, vector<16xf32>
    %sub3A_2427 = arith.subf %get3A_2401, %get3A_2381 : vector<16xf32>
    %mul3A_2428 = arith.constant 2.500000e-01 : f32
    %mul3A_2429 = vector.broadcast %mul3A_2428 : f32 to vector<16xf32>
    %mul3A_2430 = arith.mulf %sub3A_2427, %mul3A_2429 : vector<16xf32>
    %sub3A_2431 = arith.subf %get3A_2391, %mul3A_2430 : vector<16xf32>
    %abs3A_2432 = math.absf %sub3A_2431 : vector<16xf32>
    %lt3A_2433 = arith.constant 2.500000e-01 : f32
    %lt3A_2434 = vector.broadcast %lt3A_2433 : f32 to vector<16xf32>
    %lt3A_2435 = arith.cmpf olt, %abs3A_2432, %lt3A_2434 : vector<16xf32>
    %mul3A_2436 = arith.constant 5.000000e-01 : f32
    %mul3A_2437 = vector.broadcast %mul3A_2436 : f32 to vector<16xf32>
    %mul3A_2438 = arith.mulf %mul3A_2437, %abs3A_2432 : vector<16xf32>
    %mul3A_2439 = arith.mulf %mul3A_2438, %abs3A_2432 : vector<16xf32>
    %div3A_2440 = arith.constant 2.500000e-01 : f32
    %div3A_2441 = vector.broadcast %div3A_2440 : f32 to vector<16xf32>
    %div3A_2442 = arith.divf %mul3A_2439, %div3A_2441 : vector<16xf32>
    %sub3A_2443 = arith.constant 1.250000e-01 : f32
    %sub3A_2444 = vector.broadcast %sub3A_2443 : f32 to vector<16xf32>
    %sub3A_2445 = arith.subf %abs3A_2432, %sub3A_2444 : vector<16xf32>
    %select_n3A_2446 = arith.select %lt3A_2435, %div3A_2442, %sub3A_2445 : vector<16xi1>, vector<16xf32>
    %add3A_2447 = arith.addf %select_n3A_2426, %select_n3A_2446 : vector<16xf32>
    %mul3A_2448 = arith.mulf %get3A_2406, %add3A_2447 : vector<16xf32>
    %add3A_2449 = arith.addf %add3A_2370, %mul3A_2448 : vector<16xf32>
    %add3A_2450 = arith.addf %add3A_2371, %get3A_2406 : vector<16xf32>
    %get3A_2451 = arith.constant 3 : i32
    %get3A_2452 = arith.index_cast %get3A_2451 : i32 to index
    %get3A_2453 = arith.constant 48 : index
    %get3A_2454 = tpu.vector_load %arg12[%get3A_2452, %get3A_2453] {strides = array<i32>} : memref<4x128xf32, #tpu.memory_space<vmem>>, vector<1x16xf32>,
    %get3A_2455 = vector.shape_cast %get3A_2454 : vector<1x16xf32> to vector<16xf32>
    %get3A_2456 = arith.constant 3 : i32
    %get3A_2457 = arith.index_cast %get3A_2456 : i32 to index
    %get3A_2458 = arith.constant 48 : index
    %get3A_2459 = tpu.vector_load %arg13[%get3A_2457, %get3A_2458] {strides = array<i32>} : memref<4x128xf32, #tpu.memory_space<vmem>>, vector<1x16xf32>,
    %get3A_2460 = vector.shape_cast %get3A_2459 : vector<1x16xf32> to vector<16xf32>
    %get3A_2461 = arith.constant 3 : i32
    %get3A_2462 = arith.index_cast %get3A_2461 : i32 to index
    %get3A_2463 = arith.constant 48 : index
    %get3A_2464 = tpu.vector_load %arg14[%get3A_2462, %get3A_2463] {strides = array<i32>} : memref<4x128xf32, #tpu.memory_space<vmem>>, vector<1x16xf32>,
    %get3A_2465 = vector.shape_cast %get3A_2464 : vector<1x16xf32> to vector<16xf32>
    %get3A_2466 = arith.constant 3 : i32
    %get3A_2467 = arith.index_cast %get3A_2466 : i32 to index
    %get3A_2468 = arith.constant 48 : index
    %get3A_2469 = tpu.vector_load %arg15[%get3A_2467, %get3A_2468] {strides = array<i32>} : memref<4x128xf32, #tpu.memory_space<vmem>>, vector<1x16xf32>,
    %get3A_2470 = vector.shape_cast %get3A_2469 : vector<1x16xf32> to vector<16xf32>
    %get3A_2471 = arith.constant 3 : i32
    %get3A_2472 = arith.index_cast %get3A_2471 : i32 to index
    %get3A_2473 = arith.constant 48 : index
    %get3A_2474 = tpu.vector_load %arg16[%get3A_2472, %get3A_2473] {strides = array<i32>} : memref<4x128xf32, #tpu.memory_space<vmem>>, vector<1x16xf32>,
    %get3A_2475 = vector.shape_cast %get3A_2474 : vector<1x16xf32> to vector<16xf32>
    %get3A_2476 = arith.constant 3 : i32
    %get3A_2477 = arith.index_cast %get3A_2476 : i32 to index
    %get3A_2478 = arith.constant 48 : index
    %get3A_2479 = tpu.vector_load %arg17[%get3A_2477, %get3A_2478] {strides = array<i32>} : memref<4x128xf32, #tpu.memory_space<vmem>>, vector<1x16xf32>,
    %get3A_2480 = vector.shape_cast %get3A_2479 : vector<1x16xf32> to vector<16xf32>
    %get3A_2481 = arith.constant 3 : i32
    %get3A_2482 = arith.index_cast %get3A_2481 : i32 to index
    %get3A_2483 = arith.constant 48 : index
    %get3A_2484 = tpu.vector_load %arg18[%get3A_2482, %get3A_2483] {strides = array<i32>} : memref<4x128xf32, #tpu.memory_space<vmem>>, vector<1x16xf32>,
    %get3A_2485 = vector.shape_cast %get3A_2484 : vector<1x16xf32> to vector<16xf32>
    %sub3A_2486 = arith.subf %get3A_2475, %get3A_2455 : vector<16xf32>
    %mul3A_2487 = arith.constant 2.500000e-01 : f32
    %mul3A_2488 = vector.broadcast %mul3A_2487 : f32 to vector<16xf32>
    %mul3A_2489 = arith.mulf %sub3A_2486, %mul3A_2488 : vector<16xf32>
    %sub3A_2490 = arith.subf %get3A_2465, %mul3A_2489 : vector<16xf32>
    %abs3A_2491 = math.absf %sub3A_2490 : vector<16xf32>
    %lt3A_2492 = arith.constant 2.500000e-01 : f32
    %lt3A_2493 = vector.broadcast %lt3A_2492 : f32 to vector<16xf32>
    %lt3A_2494 = arith.cmpf olt, %abs3A_2491, %lt3A_2493 : vector<16xf32>
    %mul3A_2495 = arith.constant 5.000000e-01 : f32
    %mul3A_2496 = vector.broadcast %mul3A_2495 : f32 to vector<16xf32>
    %mul3A_2497 = arith.mulf %mul3A_2496, %abs3A_2491 : vector<16xf32>
    %mul3A_2498 = arith.mulf %mul3A_2497, %abs3A_2491 : vector<16xf32>
    %div3A_2499 = arith.constant 2.500000e-01 : f32
    %div3A_2500 = vector.broadcast %div3A_2499 : f32 to vector<16xf32>
    %div3A_2501 = arith.divf %mul3A_2498, %div3A_2500 : vector<16xf32>
    %sub3A_2502 = arith.constant 1.250000e-01 : f32
    %sub3A_2503 = vector.broadcast %sub3A_2502 : f32 to vector<16xf32>
    %sub3A_2504 = arith.subf %abs3A_2491, %sub3A_2503 : vector<16xf32>
    %select_n3A_2505 = arith.select %lt3A_2494, %div3A_2501, %sub3A_2504 : vector<16xi1>, vector<16xf32>
    %sub3A_2506 = arith.subf %get3A_2480, %get3A_2460 : vector<16xf32>
    %mul3A_2507 = arith.constant 2.500000e-01 : f32
    %mul3A_2508 = vector.broadcast %mul3A_2507 : f32 to vector<16xf32>
    %mul3A_2509 = arith.mulf %sub3A_2506, %mul3A_2508 : vector<16xf32>
    %sub3A_2510 = arith.subf %get3A_2470, %mul3A_2509 : vector<16xf32>
    %abs3A_2511 = math.absf %sub3A_2510 : vector<16xf32>
    %lt3A_2512 = arith.constant 2.500000e-01 : f32
    %lt3A_2513 = vector.broadcast %lt3A_2512 : f32 to vector<16xf32>
    %lt3A_2514 = arith.cmpf olt, %abs3A_2511, %lt3A_2513 : vector<16xf32>
    %mul3A_2515 = arith.constant 5.000000e-01 : f32
    %mul3A_2516 = vector.broadcast %mul3A_2515 : f32 to vector<16xf32>
    %mul3A_2517 = arith.mulf %mul3A_2516, %abs3A_2511 : vector<16xf32>
    %mul3A_2518 = arith.mulf %mul3A_2517, %abs3A_2511 : vector<16xf32>
    %div3A_2519 = arith.constant 2.500000e-01 : f32
    %div3A_2520 = vector.broadcast %div3A_2519 : f32 to vector<16xf32>
    %div3A_2521 = arith.divf %mul3A_2518, %div3A_2520 : vector<16xf32>
    %sub3A_2522 = arith.constant 1.250000e-01 : f32
    %sub3A_2523 = vector.broadcast %sub3A_2522 : f32 to vector<16xf32>
    %sub3A_2524 = arith.subf %abs3A_2511, %sub3A_2523 : vector<16xf32>
    %select_n3A_2525 = arith.select %lt3A_2514, %div3A_2521, %sub3A_2524 : vector<16xi1>, vector<16xf32>
    %add3A_2526 = arith.addf %select_n3A_2505, %select_n3A_2525 : vector<16xf32>
    %mul3A_2527 = arith.mulf %get3A_2485, %add3A_2526 : vector<16xf32>
    %add3A_2528 = arith.addf %add3A_2449, %mul3A_2527 : vector<16xf32>
    %add3A_2529 = arith.addf %add3A_2450, %get3A_2485 : vector<16xf32>
    %get3A_2530 = arith.constant 3 : i32
    %get3A_2531 = arith.index_cast %get3A_2530 : i32 to index
    %get3A_2532 = arith.constant 64 : index
    %get3A_2533 = tpu.vector_load %arg12[%get3A_2531, %get3A_2532] {strides = array<i32>} : memref<4x128xf32, #tpu.memory_space<vmem>>, vector<1x16xf32>,
    %get3A_2534 = vector.shape_cast %get3A_2533 : vector<1x16xf32> to vector<16xf32>
    %get3A_2535 = arith.constant 3 : i32
    %get3A_2536 = arith.index_cast %get3A_2535 : i32 to index
    %get3A_2537 = arith.constant 64 : index
    %get3A_2538 = tpu.vector_load %arg13[%get3A_2536, %get3A_2537] {strides = array<i32>} : memref<4x128xf32, #tpu.memory_space<vmem>>, vector<1x16xf32>,
    %get3A_2539 = vector.shape_cast %get3A_2538 : vector<1x16xf32> to vector<16xf32>
    %get3A_2540 = arith.constant 3 : i32
    %get3A_2541 = arith.index_cast %get3A_2540 : i32 to index
    %get3A_2542 = arith.constant 64 : index
    %get3A_2543 = tpu.vector_load %arg14[%get3A_2541, %get3A_2542] {strides = array<i32>} : memref<4x128xf32, #tpu.memory_space<vmem>>, vector<1x16xf32>,
    %get3A_2544 = vector.shape_cast %get3A_2543 : vector<1x16xf32> to vector<16xf32>
    %get3A_2545 = arith.constant 3 : i32
    %get3A_2546 = arith.index_cast %get3A_2545 : i32 to index
    %get3A_2547 = arith.constant 64 : index
    %get3A_2548 = tpu.vector_load %arg15[%get3A_2546, %get3A_2547] {strides = array<i32>} : memref<4x128xf32, #tpu.memory_space<vmem>>, vector<1x16xf32>,
    %get3A_2549 = vector.shape_cast %get3A_2548 : vector<1x16xf32> to vector<16xf32>
    %get3A_2550 = arith.constant 3 : i32
    %get3A_2551 = arith.index_cast %get3A_2550 : i32 to index
    %get3A_2552 = arith.constant 64 : index
    %get3A_2553 = tpu.vector_load %arg16[%get3A_2551, %get3A_2552] {strides = array<i32>} : memref<4x128xf32, #tpu.memory_space<vmem>>, vector<1x16xf32>,
    %get3A_2554 = vector.shape_cast %get3A_2553 : vector<1x16xf32> to vector<16xf32>
    %get3A_2555 = arith.constant 3 : i32
    %get3A_2556 = arith.index_cast %get3A_2555 : i32 to index
    %get3A_2557 = arith.constant 64 : index
    %get3A_2558 = tpu.vector_load %arg17[%get3A_2556, %get3A_2557] {strides = array<i32>} : memref<4x128xf32, #tpu.memory_space<vmem>>, vector<1x16xf32>,
    %get3A_2559 = vector.shape_cast %get3A_2558 : vector<1x16xf32> to vector<16xf32>
    %get3A_2560 = arith.constant 3 : i32
    %get3A_2561 = arith.index_cast %get3A_2560 : i32 to index
    %get3A_2562 = arith.constant 64 : index
    %get3A_2563 = tpu.vector_load %arg18[%get3A_2561, %get3A_2562] {strides = array<i32>} : memref<4x128xf32, #tpu.memory_space<vmem>>, vector<1x16xf32>,
    %get3A_2564 = vector.shape_cast %get3A_2563 : vector<1x16xf32> to vector<16xf32>
    %sub3A_2565 = arith.subf %get3A_2554, %get3A_2534 : vector<16xf32>
    %mul3A_2566 = arith.constant 2.500000e-01 : f32
    %mul3A_2567 = vector.broadcast %mul3A_2566 : f32 to vector<16xf32>
    %mul3A_2568 = arith.mulf %sub3A_2565, %mul3A_2567 : vector<16xf32>
    %sub3A_2569 = arith.subf %get3A_2544, %mul3A_2568 : vector<16xf32>
    %abs3A_2570 = math.absf %sub3A_2569 : vector<16xf32>
    %lt3A_2571 = arith.constant 2.500000e-01 : f32
    %lt3A_2572 = vector.broadcast %lt3A_2571 : f32 to vector<16xf32>
    %lt3A_2573 = arith.cmpf olt, %abs3A_2570, %lt3A_2572 : vector<16xf32>
    %mul3A_2574 = arith.constant 5.000000e-01 : f32
    %mul3A_2575 = vector.broadcast %mul3A_2574 : f32 to vector<16xf32>
    %mul3A_2576 = arith.mulf %mul3A_2575, %abs3A_2570 : vector<16xf32>
    %mul3A_2577 = arith.mulf %mul3A_2576, %abs3A_2570 : vector<16xf32>
    %div3A_2578 = arith.constant 2.500000e-01 : f32
    %div3A_2579 = vector.broadcast %div3A_2578 : f32 to vector<16xf32>
    %div3A_2580 = arith.divf %mul3A_2577, %div3A_2579 : vector<16xf32>
    %sub3A_2581 = arith.constant 1.250000e-01 : f32
    %sub3A_2582 = vector.broadcast %sub3A_2581 : f32 to vector<16xf32>
    %sub3A_2583 = arith.subf %abs3A_2570, %sub3A_2582 : vector<16xf32>
    %select_n3A_2584 = arith.select %lt3A_2573, %div3A_2580, %sub3A_2583 : vector<16xi1>, vector<16xf32>
    %sub3A_2585 = arith.subf %get3A_2559, %get3A_2539 : vector<16xf32>
    %mul3A_2586 = arith.constant 2.500000e-01 : f32
    %mul3A_2587 = vector.broadcast %mul3A_2586 : f32 to vector<16xf32>
    %mul3A_2588 = arith.mulf %sub3A_2585, %mul3A_2587 : vector<16xf32>
    %sub3A_2589 = arith.subf %get3A_2549, %mul3A_2588 : vector<16xf32>
    %abs3A_2590 = math.absf %sub3A_2589 : vector<16xf32>
    %lt3A_2591 = arith.constant 2.500000e-01 : f32
    %lt3A_2592 = vector.broadcast %lt3A_2591 : f32 to vector<16xf32>
    %lt3A_2593 = arith.cmpf olt, %abs3A_2590, %lt3A_2592 : vector<16xf32>
    %mul3A_2594 = arith.constant 5.000000e-01 : f32
    %mul3A_2595 = vector.broadcast %mul3A_2594 : f32 to vector<16xf32>
    %mul3A_2596 = arith.mulf %mul3A_2595, %abs3A_2590 : vector<16xf32>
    %mul3A_2597 = arith.mulf %mul3A_2596, %abs3A_2590 : vector<16xf32>
    %div3A_2598 = arith.constant 2.500000e-01 : f32
    %div3A_2599 = vector.broadcast %div3A_2598 : f32 to vector<16xf32>
    %div3A_2600 = arith.divf %mul3A_2597, %div3A_2599 : vector<16xf32>
    %sub3A_2601 = arith.constant 1.250000e-01 : f32
    %sub3A_2602 = vector.broadcast %sub3A_2601 : f32 to vector<16xf32>
    %sub3A_2603 = arith.subf %abs3A_2590, %sub3A_2602 : vector<16xf32>
    %select_n3A_2604 = arith.select %lt3A_2593, %div3A_2600, %sub3A_2603 : vector<16xi1>, vector<16xf32>
    %add3A_2605 = arith.addf %select_n3A_2584, %select_n3A_2604 : vector<16xf32>
    %mul3A_2606 = arith.mulf %get3A_2564, %add3A_2605 : vector<16xf32>
    %add3A_2607 = arith.addf %add3A_2528, %mul3A_2606 : vector<16xf32>
    %add3A_2608 = arith.addf %add3A_2529, %get3A_2564 : vector<16xf32>
    %get3A_2609 = arith.constant 3 : i32
    %get3A_2610 = arith.index_cast %get3A_2609 : i32 to index
    %get3A_2611 = arith.constant 80 : index
    %get3A_2612 = tpu.vector_load %arg12[%get3A_2610, %get3A_2611] {strides = array<i32>} : memref<4x128xf32, #tpu.memory_space<vmem>>, vector<1x16xf32>,
    %get3A_2613 = vector.shape_cast %get3A_2612 : vector<1x16xf32> to vector<16xf32>
    %get3A_2614 = arith.constant 3 : i32
    %get3A_2615 = arith.index_cast %get3A_2614 : i32 to index
    %get3A_2616 = arith.constant 80 : index
    %get3A_2617 = tpu.vector_load %arg13[%get3A_2615, %get3A_2616] {strides = array<i32>} : memref<4x128xf32, #tpu.memory_space<vmem>>, vector<1x16xf32>,
    %get3A_2618 = vector.shape_cast %get3A_2617 : vector<1x16xf32> to vector<16xf32>
    %get3A_2619 = arith.constant 3 : i32
    %get3A_2620 = arith.index_cast %get3A_2619 : i32 to index
    %get3A_2621 = arith.constant 80 : index
    %get3A_2622 = tpu.vector_load %arg14[%get3A_2620, %get3A_2621] {strides = array<i32>} : memref<4x128xf32, #tpu.memory_space<vmem>>, vector<1x16xf32>,
    %get3A_2623 = vector.shape_cast %get3A_2622 : vector<1x16xf32> to vector<16xf32>
    %get3A_2624 = arith.constant 3 : i32
    %get3A_2625 = arith.index_cast %get3A_2624 : i32 to index
    %get3A_2626 = arith.constant 80 : index
    %get3A_2627 = tpu.vector_load %arg15[%get3A_2625, %get3A_2626] {strides = array<i32>} : memref<4x128xf32, #tpu.memory_space<vmem>>, vector<1x16xf32>,
    %get3A_2628 = vector.shape_cast %get3A_2627 : vector<1x16xf32> to vector<16xf32>
    %get3A_2629 = arith.constant 3 : i32
    %get3A_2630 = arith.index_cast %get3A_2629 : i32 to index
    %get3A_2631 = arith.constant 80 : index
    %get3A_2632 = tpu.vector_load %arg16[%get3A_2630, %get3A_2631] {strides = array<i32>} : memref<4x128xf32, #tpu.memory_space<vmem>>, vector<1x16xf32>,
    %get3A_2633 = vector.shape_cast %get3A_2632 : vector<1x16xf32> to vector<16xf32>
    %get3A_2634 = arith.constant 3 : i32
    %get3A_2635 = arith.index_cast %get3A_2634 : i32 to index
    %get3A_2636 = arith.constant 80 : index
    %get3A_2637 = tpu.vector_load %arg17[%get3A_2635, %get3A_2636] {strides = array<i32>} : memref<4x128xf32, #tpu.memory_space<vmem>>, vector<1x16xf32>,
    %get3A_2638 = vector.shape_cast %get3A_2637 : vector<1x16xf32> to vector<16xf32>
    %get3A_2639 = arith.constant 3 : i32
    %get3A_2640 = arith.index_cast %get3A_2639 : i32 to index
    %get3A_2641 = arith.constant 80 : index
    %get3A_2642 = tpu.vector_load %arg18[%get3A_2640, %get3A_2641] {strides = array<i32>} : memref<4x128xf32, #tpu.memory_space<vmem>>, vector<1x16xf32>,
    %get3A_2643 = vector.shape_cast %get3A_2642 : vector<1x16xf32> to vector<16xf32>
    %sub3A_2644 = arith.subf %get3A_2633, %get3A_2613 : vector<16xf32>
    %mul3A_2645 = arith.constant 2.500000e-01 : f32
    %mul3A_2646 = vector.broadcast %mul3A_2645 : f32 to vector<16xf32>
    %mul3A_2647 = arith.mulf %sub3A_2644, %mul3A_2646 : vector<16xf32>
    %sub3A_2648 = arith.subf %get3A_2623, %mul3A_2647 : vector<16xf32>
    %abs3A_2649 = math.absf %sub3A_2648 : vector<16xf32>
    %lt3A_2650 = arith.constant 2.500000e-01 : f32
    %lt3A_2651 = vector.broadcast %lt3A_2650 : f32 to vector<16xf32>
    %lt3A_2652 = arith.cmpf olt, %abs3A_2649, %lt3A_2651 : vector<16xf32>
    %mul3A_2653 = arith.constant 5.000000e-01 : f32
    %mul3A_2654 = vector.broadcast %mul3A_2653 : f32 to vector<16xf32>
    %mul3A_2655 = arith.mulf %mul3A_2654, %abs3A_2649 : vector<16xf32>
    %mul3A_2656 = arith.mulf %mul3A_2655, %abs3A_2649 : vector<16xf32>
    %div3A_2657 = arith.constant 2.500000e-01 : f32
    %div3A_2658 = vector.broadcast %div3A_2657 : f32 to vector<16xf32>
    %div3A_2659 = arith.divf %mul3A_2656, %div3A_2658 : vector<16xf32>
    %sub3A_2660 = arith.constant 1.250000e-01 : f32
    %sub3A_2661 = vector.broadcast %sub3A_2660 : f32 to vector<16xf32>
    %sub3A_2662 = arith.subf %abs3A_2649, %sub3A_2661 : vector<16xf32>
    %select_n3A_2663 = arith.select %lt3A_2652, %div3A_2659, %sub3A_2662 : vector<16xi1>, vector<16xf32>
    %sub3A_2664 = arith.subf %get3A_2638, %get3A_2618 : vector<16xf32>
    %mul3A_2665 = arith.constant 2.500000e-01 : f32
    %mul3A_2666 = vector.broadcast %mul3A_2665 : f32 to vector<16xf32>
    %mul3A_2667 = arith.mulf %sub3A_2664, %mul3A_2666 : vector<16xf32>
    %sub3A_2668 = arith.subf %get3A_2628, %mul3A_2667 : vector<16xf32>
    %abs3A_2669 = math.absf %sub3A_2668 : vector<16xf32>
    %lt3A_2670 = arith.constant 2.500000e-01 : f32
    %lt3A_2671 = vector.broadcast %lt3A_2670 : f32 to vector<16xf32>
    %lt3A_2672 = arith.cmpf olt, %abs3A_2669, %lt3A_2671 : vector<16xf32>
    %mul3A_2673 = arith.constant 5.000000e-01 : f32
    %mul3A_2674 = vector.broadcast %mul3A_2673 : f32 to vector<16xf32>
    %mul3A_2675 = arith.mulf %mul3A_2674, %abs3A_2669 : vector<16xf32>
    %mul3A_2676 = arith.mulf %mul3A_2675, %abs3A_2669 : vector<16xf32>
    %div3A_2677 = arith.constant 2.500000e-01 : f32
    %div3A_2678 = vector.broadcast %div3A_2677 : f32 to vector<16xf32>
    %div3A_2679 = arith.divf %mul3A_2676, %div3A_2678 : vector<16xf32>
    %sub3A_2680 = arith.constant 1.250000e-01 : f32
    %sub3A_2681 = vector.broadcast %sub3A_2680 : f32 to vector<16xf32>
    %sub3A_2682 = arith.subf %abs3A_2669, %sub3A_2681 : vector<16xf32>
    %select_n3A_2683 = arith.select %lt3A_2672, %div3A_2679, %sub3A_2682 : vector<16xi1>, vector<16xf32>
    %add3A_2684 = arith.addf %select_n3A_2663, %select_n3A_2683 : vector<16xf32>
    %mul3A_2685 = arith.mulf %get3A_2643, %add3A_2684 : vector<16xf32>
    %add3A_2686 = arith.addf %add3A_2607, %mul3A_2685 : vector<16xf32>
    %add3A_2687 = arith.addf %add3A_2608, %get3A_2643 : vector<16xf32>
    %get3A_2688 = arith.constant 3 : i32
    %get3A_2689 = arith.index_cast %get3A_2688 : i32 to index
    %get3A_2690 = arith.constant 96 : index
    %get3A_2691 = tpu.vector_load %arg12[%get3A_2689, %get3A_2690] {strides = array<i32>} : memref<4x128xf32, #tpu.memory_space<vmem>>, vector<1x16xf32>,
    %get3A_2692 = vector.shape_cast %get3A_2691 : vector<1x16xf32> to vector<16xf32>
    %get3A_2693 = arith.constant 3 : i32
    %get3A_2694 = arith.index_cast %get3A_2693 : i32 to index
    %get3A_2695 = arith.constant 96 : index
    %get3A_2696 = tpu.vector_load %arg13[%get3A_2694, %get3A_2695] {strides = array<i32>} : memref<4x128xf32, #tpu.memory_space<vmem>>, vector<1x16xf32>,
    %get3A_2697 = vector.shape_cast %get3A_2696 : vector<1x16xf32> to vector<16xf32>
    %get3A_2698 = arith.constant 3 : i32
    %get3A_2699 = arith.index_cast %get3A_2698 : i32 to index
    %get3A_2700 = arith.constant 96 : index
    %get3A_2701 = tpu.vector_load %arg14[%get3A_2699, %get3A_2700] {strides = array<i32>} : memref<4x128xf32, #tpu.memory_space<vmem>>, vector<1x16xf32>,
    %get3A_2702 = vector.shape_cast %get3A_2701 : vector<1x16xf32> to vector<16xf32>
    %get3A_2703 = arith.constant 3 : i32
    %get3A_2704 = arith.index_cast %get3A_2703 : i32 to index
    %get3A_2705 = arith.constant 96 : index
    %get3A_2706 = tpu.vector_load %arg15[%get3A_2704, %get3A_2705] {strides = array<i32>} : memref<4x128xf32, #tpu.memory_space<vmem>>, vector<1x16xf32>,
    %get3A_2707 = vector.shape_cast %get3A_2706 : vector<1x16xf32> to vector<16xf32>
    %get3A_2708 = arith.constant 3 : i32
    %get3A_2709 = arith.index_cast %get3A_2708 : i32 to index
    %get3A_2710 = arith.constant 96 : index
    %get3A_2711 = tpu.vector_load %arg16[%get3A_2709, %get3A_2710] {strides = array<i32>} : memref<4x128xf32, #tpu.memory_space<vmem>>, vector<1x16xf32>,
    %get3A_2712 = vector.shape_cast %get3A_2711 : vector<1x16xf32> to vector<16xf32>
    %get3A_2713 = arith.constant 3 : i32
    %get3A_2714 = arith.index_cast %get3A_2713 : i32 to index
    %get3A_2715 = arith.constant 96 : index
    %get3A_2716 = tpu.vector_load %arg17[%get3A_2714, %get3A_2715] {strides = array<i32>} : memref<4x128xf32, #tpu.memory_space<vmem>>, vector<1x16xf32>,
    %get3A_2717 = vector.shape_cast %get3A_2716 : vector<1x16xf32> to vector<16xf32>
    %get3A_2718 = arith.constant 3 : i32
    %get3A_2719 = arith.index_cast %get3A_2718 : i32 to index
    %get3A_2720 = arith.constant 96 : index
    %get3A_2721 = tpu.vector_load %arg18[%get3A_2719, %get3A_2720] {strides = array<i32>} : memref<4x128xf32, #tpu.memory_space<vmem>>, vector<1x16xf32>,
    %get3A_2722 = vector.shape_cast %get3A_2721 : vector<1x16xf32> to vector<16xf32>
    %sub3A_2723 = arith.subf %get3A_2712, %get3A_2692 : vector<16xf32>
    %mul3A_2724 = arith.constant 2.500000e-01 : f32
    %mul3A_2725 = vector.broadcast %mul3A_2724 : f32 to vector<16xf32>
    %mul3A_2726 = arith.mulf %sub3A_2723, %mul3A_2725 : vector<16xf32>
    %sub3A_2727 = arith.subf %get3A_2702, %mul3A_2726 : vector<16xf32>
    %abs3A_2728 = math.absf %sub3A_2727 : vector<16xf32>
    %lt3A_2729 = arith.constant 2.500000e-01 : f32
    %lt3A_2730 = vector.broadcast %lt3A_2729 : f32 to vector<16xf32>
    %lt3A_2731 = arith.cmpf olt, %abs3A_2728, %lt3A_2730 : vector<16xf32>
    %mul3A_2732 = arith.constant 5.000000e-01 : f32
    %mul3A_2733 = vector.broadcast %mul3A_2732 : f32 to vector<16xf32>
    %mul3A_2734 = arith.mulf %mul3A_2733, %abs3A_2728 : vector<16xf32>
    %mul3A_2735 = arith.mulf %mul3A_2734, %abs3A_2728 : vector<16xf32>
    %div3A_2736 = arith.constant 2.500000e-01 : f32
    %div3A_2737 = vector.broadcast %div3A_2736 : f32 to vector<16xf32>
    %div3A_2738 = arith.divf %mul3A_2735, %div3A_2737 : vector<16xf32>
    %sub3A_2739 = arith.constant 1.250000e-01 : f32
    %sub3A_2740 = vector.broadcast %sub3A_2739 : f32 to vector<16xf32>
    %sub3A_2741 = arith.subf %abs3A_2728, %sub3A_2740 : vector<16xf32>
    %select_n3A_2742 = arith.select %lt3A_2731, %div3A_2738, %sub3A_2741 : vector<16xi1>, vector<16xf32>
    %sub3A_2743 = arith.subf %get3A_2717, %get3A_2697 : vector<16xf32>
    %mul3A_2744 = arith.constant 2.500000e-01 : f32
    %mul3A_2745 = vector.broadcast %mul3A_2744 : f32 to vector<16xf32>
    %mul3A_2746 = arith.mulf %sub3A_2743, %mul3A_2745 : vector<16xf32>
    %sub3A_2747 = arith.subf %get3A_2707, %mul3A_2746 : vector<16xf32>
    %abs3A_2748 = math.absf %sub3A_2747 : vector<16xf32>
    %lt3A_2749 = arith.constant 2.500000e-01 : f32
    %lt3A_2750 = vector.broadcast %lt3A_2749 : f32 to vector<16xf32>
    %lt3A_2751 = arith.cmpf olt, %abs3A_2748, %lt3A_2750 : vector<16xf32>
    %mul3A_2752 = arith.constant 5.000000e-01 : f32
    %mul3A_2753 = vector.broadcast %mul3A_2752 : f32 to vector<16xf32>
    %mul3A_2754 = arith.mulf %mul3A_2753, %abs3A_2748 : vector<16xf32>
    %mul3A_2755 = arith.mulf %mul3A_2754, %abs3A_2748 : vector<16xf32>
    %div3A_2756 = arith.constant 2.500000e-01 : f32
    %div3A_2757 = vector.broadcast %div3A_2756 : f32 to vector<16xf32>
    %div3A_2758 = arith.divf %mul3A_2755, %div3A_2757 : vector<16xf32>
    %sub3A_2759 = arith.constant 1.250000e-01 : f32
    %sub3A_2760 = vector.broadcast %sub3A_2759 : f32 to vector<16xf32>
    %sub3A_2761 = arith.subf %abs3A_2748, %sub3A_2760 : vector<16xf32>
    %select_n3A_2762 = arith.select %lt3A_2751, %div3A_2758, %sub3A_2761 : vector<16xi1>, vector<16xf32>
    %add3A_2763 = arith.addf %select_n3A_2742, %select_n3A_2762 : vector<16xf32>
    %mul3A_2764 = arith.mulf %get3A_2722, %add3A_2763 : vector<16xf32>
    %add3A_2765 = arith.addf %add3A_2686, %mul3A_2764 : vector<16xf32>
    %add3A_2766 = arith.addf %add3A_2687, %get3A_2722 : vector<16xf32>
    %get3A_2767 = arith.constant 3 : i32
    %get3A_2768 = arith.index_cast %get3A_2767 : i32 to index
    %get3A_2769 = arith.constant 112 : index
    %get3A_2770 = tpu.vector_load %arg12[%get3A_2768, %get3A_2769] {strides = array<i32>} : memref<4x128xf32, #tpu.memory_space<vmem>>, vector<1x16xf32>,
    %get3A_2771 = vector.shape_cast %get3A_2770 : vector<1x16xf32> to vector<16xf32>
    %get3A_2772 = arith.constant 3 : i32
    %get3A_2773 = arith.index_cast %get3A_2772 : i32 to index
    %get3A_2774 = arith.constant 112 : index
    %get3A_2775 = tpu.vector_load %arg13[%get3A_2773, %get3A_2774] {strides = array<i32>} : memref<4x128xf32, #tpu.memory_space<vmem>>, vector<1x16xf32>,
    %get3A_2776 = vector.shape_cast %get3A_2775 : vector<1x16xf32> to vector<16xf32>
    %get3A_2777 = arith.constant 3 : i32
    %get3A_2778 = arith.index_cast %get3A_2777 : i32 to index
    %get3A_2779 = arith.constant 112 : index
    %get3A_2780 = tpu.vector_load %arg14[%get3A_2778, %get3A_2779] {strides = array<i32>} : memref<4x128xf32, #tpu.memory_space<vmem>>, vector<1x16xf32>,
    %get3A_2781 = vector.shape_cast %get3A_2780 : vector<1x16xf32> to vector<16xf32>
    %get3A_2782 = arith.constant 3 : i32
    %get3A_2783 = arith.index_cast %get3A_2782 : i32 to index
    %get3A_2784 = arith.constant 112 : index
    %get3A_2785 = tpu.vector_load %arg15[%get3A_2783, %get3A_2784] {strides = array<i32>} : memref<4x128xf32, #tpu.memory_space<vmem>>, vector<1x16xf32>,
    %get3A_2786 = vector.shape_cast %get3A_2785 : vector<1x16xf32> to vector<16xf32>
    %get3A_2787 = arith.constant 3 : i32
    %get3A_2788 = arith.index_cast %get3A_2787 : i32 to index
    %get3A_2789 = arith.constant 112 : index
    %get3A_2790 = tpu.vector_load %arg16[%get3A_2788, %get3A_2789] {strides = array<i32>} : memref<4x128xf32, #tpu.memory_space<vmem>>, vector<1x16xf32>,
    %get3A_2791 = vector.shape_cast %get3A_2790 : vector<1x16xf32> to vector<16xf32>
    %get3A_2792 = arith.constant 3 : i32
    %get3A_2793 = arith.index_cast %get3A_2792 : i32 to index
    %get3A_2794 = arith.constant 112 : index
    %get3A_2795 = tpu.vector_load %arg17[%get3A_2793, %get3A_2794] {strides = array<i32>} : memref<4x128xf32, #tpu.memory_space<vmem>>, vector<1x16xf32>,
    %get3A_2796 = vector.shape_cast %get3A_2795 : vector<1x16xf32> to vector<16xf32>
    %get3A_2797 = arith.constant 3 : i32
    %get3A_2798 = arith.index_cast %get3A_2797 : i32 to index
    %get3A_2799 = arith.constant 112 : index
    %get3A_2800 = tpu.vector_load %arg18[%get3A_2798, %get3A_2799] {strides = array<i32>} : memref<4x128xf32, #tpu.memory_space<vmem>>, vector<1x16xf32>,
    %get3A_2801 = vector.shape_cast %get3A_2800 : vector<1x16xf32> to vector<16xf32>
    %sub3A_2802 = arith.subf %get3A_2791, %get3A_2771 : vector<16xf32>
    %mul3A_2803 = arith.constant 2.500000e-01 : f32
    %mul3A_2804 = vector.broadcast %mul3A_2803 : f32 to vector<16xf32>
    %mul3A_2805 = arith.mulf %sub3A_2802, %mul3A_2804 : vector<16xf32>
    %sub3A_2806 = arith.subf %get3A_2781, %mul3A_2805 : vector<16xf32>
    %abs3A_2807 = math.absf %sub3A_2806 : vector<16xf32>
    %lt3A_2808 = arith.constant 2.500000e-01 : f32
    %lt3A_2809 = vector.broadcast %lt3A_2808 : f32 to vector<16xf32>
    %lt3A_2810 = arith.cmpf olt, %abs3A_2807, %lt3A_2809 : vector<16xf32>
    %mul3A_2811 = arith.constant 5.000000e-01 : f32
    %mul3A_2812 = vector.broadcast %mul3A_2811 : f32 to vector<16xf32>
    %mul3A_2813 = arith.mulf %mul3A_2812, %abs3A_2807 : vector<16xf32>
    %mul3A_2814 = arith.mulf %mul3A_2813, %abs3A_2807 : vector<16xf32>
    %div3A_2815 = arith.constant 2.500000e-01 : f32
    %div3A_2816 = vector.broadcast %div3A_2815 : f32 to vector<16xf32>
    %div3A_2817 = arith.divf %mul3A_2814, %div3A_2816 : vector<16xf32>
    %sub3A_2818 = arith.constant 1.250000e-01 : f32
    %sub3A_2819 = vector.broadcast %sub3A_2818 : f32 to vector<16xf32>
    %sub3A_2820 = arith.subf %abs3A_2807, %sub3A_2819 : vector<16xf32>
    %select_n3A_2821 = arith.select %lt3A_2810, %div3A_2817, %sub3A_2820 : vector<16xi1>, vector<16xf32>
    %sub3A_2822 = arith.subf %get3A_2796, %get3A_2776 : vector<16xf32>
    %mul3A_2823 = arith.constant 2.500000e-01 : f32
    %mul3A_2824 = vector.broadcast %mul3A_2823 : f32 to vector<16xf32>
    %mul3A_2825 = arith.mulf %sub3A_2822, %mul3A_2824 : vector<16xf32>
    %sub3A_2826 = arith.subf %get3A_2786, %mul3A_2825 : vector<16xf32>
    %abs3A_2827 = math.absf %sub3A_2826 : vector<16xf32>
    %lt3A_2828 = arith.constant 2.500000e-01 : f32
    %lt3A_2829 = vector.broadcast %lt3A_2828 : f32 to vector<16xf32>
    %lt3A_2830 = arith.cmpf olt, %abs3A_2827, %lt3A_2829 : vector<16xf32>
    %mul3A_2831 = arith.constant 5.000000e-01 : f32
    %mul3A_2832 = vector.broadcast %mul3A_2831 : f32 to vector<16xf32>
    %mul3A_2833 = arith.mulf %mul3A_2832, %abs3A_2827 : vector<16xf32>
    %mul3A_2834 = arith.mulf %mul3A_2833, %abs3A_2827 : vector<16xf32>
    %div3A_2835 = arith.constant 2.500000e-01 : f32
    %div3A_2836 = vector.broadcast %div3A_2835 : f32 to vector<16xf32>
    %div3A_2837 = arith.divf %mul3A_2834, %div3A_2836 : vector<16xf32>
    %sub3A_2838 = arith.constant 1.250000e-01 : f32
    %sub3A_2839 = vector.broadcast %sub3A_2838 : f32 to vector<16xf32>
    %sub3A_2840 = arith.subf %abs3A_2827, %sub3A_2839 : vector<16xf32>
    %select_n3A_2841 = arith.select %lt3A_2830, %div3A_2837, %sub3A_2840 : vector<16xi1>, vector<16xf32>
    %add3A_2842 = arith.addf %select_n3A_2821, %select_n3A_2841 : vector<16xf32>
    %mul3A_2843 = arith.mulf %get3A_2801, %add3A_2842 : vector<16xf32>
    %add3A_2844 = arith.addf %add3A_2765, %mul3A_2843 : vector<16xf32>
    %add3A_2845 = arith.addf %add3A_2766, %get3A_2801 : vector<16xf32>
    %swap3A = arith.constant 0 : i32
    %swap3A_2846 = arith.index_cast %swap3A : i32 to index
    %swap3A_2847 = arith.constant 0 : index
    %swap3A_2848 = tpu.vector_load %arg19[%swap3A_2846, %swap3A_2847] {strides = array<i32>} : memref<2x16xf32, #tpu.memory_space<vmem>>, vector<1x16xf32>,
    %swap3A_2849 = vector.shape_cast %swap3A_2848 : vector<1x16xf32> to vector<16xf32>
    %swap3A_2850 = vector.shape_cast %add3A_2844 : vector<16xf32> to vector<1x16xf32>
    tpu.vector_store %arg19[%swap3A_2846, %swap3A_2847], %swap3A_2850 {strides = array<i32>} : memref<2x16xf32, #tpu.memory_space<vmem>>, vector<1x16xf32>,
    %swap3A_2851 = arith.constant 1 : i32
    %swap3A_2852 = arith.index_cast %swap3A_2851 : i32 to index
    %swap3A_2853 = arith.constant 0 : index
    %swap3A_2854 = tpu.vector_load %arg19[%swap3A_2852, %swap3A_2853] {strides = array<i32>} : memref<2x16xf32, #tpu.memory_space<vmem>>, vector<1x16xf32>,
    %swap3A_2855 = vector.shape_cast %swap3A_2854 : vector<1x16xf32> to vector<16xf32>
    %swap3A_2856 = vector.shape_cast %add3A_2845 : vector<16xf32> to vector<1x16xf32>
    tpu.vector_store %arg19[%swap3A_2852, %swap3A_2853], %swap3A_2856 {strides = array<i32>} : memref<2x16xf32, #tpu.memory_space<vmem>>, vector<1x16xf32>,
    "tpu.region"() ({
      %run_scoped3A = tpu.sem_alloc : memref<!tpu.dma_semaphore, #tpu.memory_space<semaphore_mem>>
      %dma_start3A_2857 = arith.constant 0 : i32
      %dma_start3A_2858 = arith.constant 0 : i32
      %dma_start3A_2859 = tpu.memref_slice %arg10[%add3A, %dma_start3A_2857, %dma_start3A_2858] : memref<32x2x16xf32, #tpu.memory_space<hbm>> -> memref<1x2x16xf32, #tpu.memory_space<hbm>>
      %dma_start3A_2860 = tpu.memref_squeeze %dma_start3A_2859 : memref<1x2x16xf32, #tpu.memory_space<hbm>> -> memref<2x16xf32, #tpu.memory_space<hbm>>
      %dma_start3A_2861 = arith.constant 0 : i32
      %dma_start3A_2862 = arith.constant 0 : i32
      %dma_start3A_2863 = tpu.memref_slice %arg10[%add3A, %dma_start3A_2861, %dma_start3A_2862] : memref<32x2x16xf32, #tpu.memory_space<hbm>> -> memref<1x2x16xf32, #tpu.memory_space<hbm>>
      %dma_start3A_2864 = tpu.memref_squeeze %dma_start3A_2863 : memref<1x2x16xf32, #tpu.memory_space<hbm>> -> memref<2x16xf32, #tpu.memory_space<hbm>>
      tpu.enqueue_dma source(%arg19 : memref<2x16xf32, #tpu.memory_space<vmem>>) target(%dma_start3A_2864 : memref<2x16xf32, #tpu.memory_space<hbm>>) target_semaphore(%run_scoped3A : memref<!tpu.dma_semaphore, #tpu.memory_space<semaphore_mem>>)
      %dma_wait3A_2865 = arith.constant 0 : i32
      %dma_wait3A_2866 = arith.constant 0 : i32
      %dma_wait3A_2867 = tpu.memref_slice %arg10[%add3A, %dma_wait3A_2865, %dma_wait3A_2866] : memref<32x2x16xf32, #tpu.memory_space<hbm>> -> memref<1x2x16xf32, #tpu.memory_space<hbm>>
      %dma_wait3A_2868 = tpu.memref_squeeze %dma_wait3A_2867 : memref<1x2x16xf32, #tpu.memory_space<hbm>> -> memref<2x16xf32, #tpu.memory_space<hbm>>
      %dma_wait3A_2869 = arith.constant 0 : i32
      %dma_wait3A_2870 = arith.constant 0 : i32
      %dma_wait3A_2871 = tpu.memref_slice %arg10[%add3A, %dma_wait3A_2869, %dma_wait3A_2870] : memref<32x2x16xf32, #tpu.memory_space<hbm>> -> memref<1x2x16xf32, #tpu.memory_space<hbm>>
      %dma_wait3A_2872 = tpu.memref_squeeze %dma_wait3A_2871 : memref<1x2x16xf32, #tpu.memory_space<hbm>> -> memref<2x16xf32, #tpu.memory_space<hbm>>
      tpu.wait_dma2 semaphore(%run_scoped3A : memref<!tpu.dma_semaphore, #tpu.memory_space<semaphore_mem>>) src(%arg19 : memref<2x16xf32, #tpu.memory_space<vmem>>) dst(%dma_wait3A_2872 : memref<2x16xf32, #tpu.memory_space<hbm>>)
      tpu.yield
    }) : () -> ()
    return
  }
}

module attributes {stable_mosaic.version = 14 : i64} {
  func.func @_tc_kernel(%arg0: i32, %arg1: memref<128x128xf32, #tpu.memory_space<vmem>>, %arg2: memref<128x128xf32, #tpu.memory_space<vmem>>, %arg3: memref<128x128xf32, #tpu.memory_space<vmem>>, %arg4: memref<128x128xf32, #tpu.memory_space<vmem>>, %arg5: memref<128x128xf32, #tpu.memory_space<vmem>>, %arg6: memref<128x128xf32, #tpu.memory_space<vmem>>, %arg7: memref<128x128xf32, #tpu.memory_space<vmem>>, %arg8: memref<16x128xf32, #tpu.memory_space<vmem>>, %arg9: memref<16x128xf32, #tpu.memory_space<vmem>>, %arg10: memref<16x128xf32, #tpu.memory_space<vmem>>, %arg11: memref<16x128xf32, #tpu.memory_space<vmem>>, %arg12: memref<16x128xf32, #tpu.memory_space<vmem>>, %arg13: memref<16x128xf32, #tpu.memory_space<vmem>>, %arg14: memref<1x2xf32, #tpu.memory_space<smem>>, %arg15: memref<128x128xi32, #tpu.memory_space<vmem>>, %arg16: memref<128x128xf32, #tpu.memory_space<vmem>>, %arg17: memref<128x128xf32, #tpu.memory_space<vmem>>, %arg18: memref<128x128xf32, #tpu.memory_space<vmem>>, %arg19: memref<128x128xf32, #tpu.memory_space<vmem>>, %arg20: memref<128x128xf32, #tpu.memory_space<vmem>>, %arg21: memref<128x128xf32, #tpu.memory_space<vmem>>) attributes {dimension_semantics = [#tpu.dimension_semantics<arbitrary>], iteration_bounds = array<i64: 8>, scalar_prefetch = 0 : i64, scratch_operands = 5 : i64, tpu.core_type = #tpu.core_type<tc>, window_params = [{pipeline_mode = #tpu.pipeline_mode<synchronous>, transform_indices = @transform_0, window_bounds = array<i64: 128, 128>}, {pipeline_mode = #tpu.pipeline_mode<synchronous>, transform_indices = @transform_1, window_bounds = array<i64: 128, 128>}, {pipeline_mode = #tpu.pipeline_mode<synchronous>, transform_indices = @transform_2, window_bounds = array<i64: 128, 128>}, {pipeline_mode = #tpu.pipeline_mode<synchronous>, transform_indices = @transform_3, window_bounds = array<i64: 128, 128>}, {pipeline_mode = #tpu.pipeline_mode<synchronous>, transform_indices = @transform_4, window_bounds = array<i64: 128, 128>}, {pipeline_mode = #tpu.pipeline_mode<synchronous>, transform_indices = @transform_5, window_bounds = array<i64: 128, 128>}, {pipeline_mode = #tpu.pipeline_mode<synchronous>, transform_indices = @transform_6, window_bounds = array<i64: 128, 128>}, {transform_indices = @transform_7, window_bounds = array<i64: 16, 128>}, {transform_indices = @transform_8, window_bounds = array<i64: 16, 128>}, {transform_indices = @transform_9, window_bounds = array<i64: 16, 128>}, {transform_indices = @transform_10, window_bounds = array<i64: 16, 128>}, {transform_indices = @transform_11, window_bounds = array<i64: 16, 128>}, {transform_indices = @transform_12, window_bounds = array<i64: 16, 128>}, {transform_indices = @transform_13, window_bounds = array<i64: 1, 2>}, {pipeline_mode = #tpu.pipeline_mode<synchronous>, transform_indices = @transform_14, window_bounds = array<i64: 128, 128>}, {pipeline_mode = #tpu.pipeline_mode<synchronous>, transform_indices = @transform_15, window_bounds = array<i64: 128, 128>}]} {
    %eq3A = arith.constant 0 : i32
    %eq3A_0 = arith.cmpi eq, %arg0, %eq3A : i32
    %convert_element_type3A = arith.extui %eq3A_0 : i1 to i32
    %cond3A = arith.constant 0 : i32
    %cond3A_1 = arith.cmpi ne, %convert_element_type3A, %cond3A : i32
    scf.if %cond3A_1 {
      %broadcast_in_dim3A_546 = arith.constant 0x7F800000 : f32
      %broadcast_in_dim3A_547 = vector.broadcast %broadcast_in_dim3A_546 : f32 to vector<128x128xf32>
      %swap3A_548 = arith.constant 0 : index
      %swap3A_549 = arith.constant 0 : index
      %swap3A_550 = vector.load %arg17[%swap3A_548, %swap3A_549] : memref<128x128xf32, #tpu.memory_space<vmem>>, vector<128x128xf32>
      tpu.vector_store %arg17[%swap3A_548, %swap3A_549], %broadcast_in_dim3A_547 {strides = array<i32>} : memref<128x128xf32, #tpu.memory_space<vmem>>, vector<128x128xf32>,
      %broadcast_in_dim3A_551 = arith.constant 0x7F800000 : f32
      %broadcast_in_dim3A_552 = vector.broadcast %broadcast_in_dim3A_551 : f32 to vector<128x128xf32>
      %swap3A_553 = arith.constant 0 : index
      %swap3A_554 = arith.constant 0 : index
      %swap3A_555 = vector.load %arg20[%swap3A_553, %swap3A_554] : memref<128x128xf32, #tpu.memory_space<vmem>>, vector<128x128xf32>
      tpu.vector_store %arg20[%swap3A_553, %swap3A_554], %broadcast_in_dim3A_552 {strides = array<i32>} : memref<128x128xf32, #tpu.memory_space<vmem>>, vector<128x128xf32>,
    } else {
    }
    %get3A = arith.constant 0 : index
    %get3A_2 = arith.constant 0 : index
    %get3A_3 = vector.load %arg10[%get3A, %get3A_2] : memref<16x128xf32, #tpu.memory_space<vmem>>, vector<16x128xf32>
    %broadcast_in_dim3A = vector.shape_cast %get3A_3 : vector<16x128xf32> to vector<16x1x128xf32>
    %get3A_4 = arith.constant 0 : index
    %get3A_5 = arith.constant 0 : index
    %get3A_6 = vector.load %arg11[%get3A_4, %get3A_5] : memref<16x128xf32, #tpu.memory_space<vmem>>, vector<16x128xf32>
    %broadcast_in_dim3A_7 = vector.shape_cast %get3A_6 : vector<16x128xf32> to vector<16x1x128xf32>
    %get3A_8 = arith.constant 0 : index
    %get3A_9 = arith.constant 0 : index
    %get3A_10 = vector.load %arg8[%get3A_8, %get3A_9] : memref<16x128xf32, #tpu.memory_space<vmem>>, vector<16x128xf32>
    %broadcast_in_dim3A_11 = vector.shape_cast %get3A_10 : vector<16x128xf32> to vector<16x1x128xf32>
    %sub3A = arith.subf %broadcast_in_dim3A_11, %broadcast_in_dim3A : vector<16x1x128xf32>
    %get3A_12 = arith.constant 0 : index
    %get3A_13 = arith.constant 0 : index
    %get3A_14 = vector.load %arg9[%get3A_12, %get3A_13] : memref<16x128xf32, #tpu.memory_space<vmem>>, vector<16x128xf32>
    %broadcast_in_dim3A_15 = vector.shape_cast %get3A_14 : vector<16x128xf32> to vector<16x1x128xf32>
    %sub3A_16 = arith.subf %broadcast_in_dim3A_15, %broadcast_in_dim3A_7 : vector<16x1x128xf32>
    %mul3A = arith.mulf %sub3A, %sub3A : vector<16x1x128xf32>
    %mul3A_17 = arith.mulf %sub3A_16, %sub3A_16 : vector<16x1x128xf32>
    %add3A = arith.addf %mul3A, %mul3A_17 : vector<16x1x128xf32>
    %gt3A = arith.constant 1.000000e-30 : f32
    %gt3A_18 = vector.broadcast %gt3A : f32 to vector<16x1x128xf32>
    %gt3A_19 = arith.cmpf ogt, %add3A, %gt3A_18 : vector<16x1x128xf32>
    %div3A = arith.constant -1.000000e+01 : f32
    %div3A_20 = vector.broadcast %div3A : f32 to vector<16x1x128xf32>
    %div3A_21 = arith.divf %div3A_20, %add3A : vector<16x1x128xf32>
    %jit3A = arith.constant 0.000000e+00 : f32
    %broadcast_in_dim3A_22 = vector.broadcast %jit3A : f32 to vector<16x1x128xf32>
    %select_n3A = arith.select %gt3A_19, %div3A_21, %broadcast_in_dim3A_22 : vector<16x1x128xi1>, vector<16x1x128xf32>
    %mul3A_23 = arith.constant 0.00999999977 : f32
    %mul3A_24 = vector.broadcast %mul3A_23 : f32 to vector<16x1x128xf32>
    %mul3A_25 = arith.mulf %add3A, %mul3A_24 : vector<16x1x128xf32>
    %add3A_26 = arith.addf %mul3A_25, %mul3A_25 : vector<16x1x128xf32>
    %mul3A_27 = arith.constant 1.000000e-01 : f32
    %mul3A_28 = vector.broadcast %mul3A_27 : f32 to vector<16x1x128xf32>
    %mul3A_29 = arith.mulf %sub3A, %mul3A_28 : vector<16x1x128xf32>
    %mul3A_30 = arith.constant 1.000000e-01 : f32
    %mul3A_31 = vector.broadcast %mul3A_30 : f32 to vector<16x1x128xf32>
    %mul3A_32 = arith.mulf %sub3A_16, %mul3A_31 : vector<16x1x128xf32>
    %get3A_33 = arith.constant 0 : index
    %get3A_34 = arith.constant 0 : index
    %get3A_35 = vector.load %arg1[%get3A_33, %get3A_34] : memref<128x128xf32, #tpu.memory_space<vmem>>, vector<128x128xf32>
    %broadcast_in_dim3A_36 = vector.shape_cast %get3A_35 : vector<128x128xf32> to vector<1x128x128xf32>
    %get3A_37 = arith.constant 0 : index
    %get3A_38 = arith.constant 0 : index
    %get3A_39 = vector.load %arg2[%get3A_37, %get3A_38] : memref<128x128xf32, #tpu.memory_space<vmem>>, vector<128x128xf32>
    %broadcast_in_dim3A_40 = vector.shape_cast %get3A_39 : vector<128x128xf32> to vector<1x128x128xf32>
    %sub3A_41 = vector.broadcast %broadcast_in_dim3A : vector<16x1x128xf32> to vector<16x128x128xf32>
    %sub3A_42 = vector.broadcast %broadcast_in_dim3A_36 : vector<1x128x128xf32> to vector<16x128x128xf32>
    %sub3A_43 = arith.subf %sub3A_41, %sub3A_42 : vector<16x128x128xf32>
    %sub3A_44 = vector.broadcast %broadcast_in_dim3A_7 : vector<16x1x128xf32> to vector<16x128x128xf32>
    %sub3A_45 = vector.broadcast %broadcast_in_dim3A_40 : vector<1x128x128xf32> to vector<16x128x128xf32>
    %sub3A_46 = arith.subf %sub3A_44, %sub3A_45 : vector<16x128x128xf32>
    %mul3A_47 = arith.mulf %sub3A_43, %sub3A_43 : vector<16x128x128xf32>
    %mul3A_48 = arith.mulf %sub3A_46, %sub3A_46 : vector<16x128x128xf32>
    %add3A_49 = arith.addf %mul3A_47, %mul3A_48 : vector<16x128x128xf32>
    %mul3A_50 = vector.broadcast %sub3A : vector<16x1x128xf32> to vector<16x128x128xf32>
    %mul3A_51 = arith.mulf %sub3A_43, %mul3A_50 : vector<16x128x128xf32>
    %mul3A_52 = vector.broadcast %sub3A_16 : vector<16x1x128xf32> to vector<16x128x128xf32>
    %mul3A_53 = arith.mulf %sub3A_46, %mul3A_52 : vector<16x128x128xf32>
    %add3A_54 = arith.addf %mul3A_51, %mul3A_53 : vector<16x128x128xf32>
    %mul3A_55 = vector.broadcast %select_n3A : vector<16x1x128xf32> to vector<16x128x128xf32>
    %mul3A_56 = arith.mulf %add3A_54, %mul3A_55 : vector<16x128x128xf32>
    %floor3A = math.floor %mul3A_56 : vector<16x128x128xf32>
    %jit3A_57 = arith.constant 0.000000e+00 : f32
    %jit3A_58 = arith.constant 8.000000e+00 : f32
    %max3A = vector.broadcast %jit3A_57 : f32 to vector<16x128x128xf32>
    %max3A_59 = arith.maximumf %max3A, %floor3A : vector<16x128x128xf32>
    %min3A = vector.broadcast %jit3A_58 : f32 to vector<16x128x128xf32>
    %min3A_60 = arith.minimumf %min3A, %max3A_59 : vector<16x128x128xf32>
    %mul3A_61 = arith.constant 2.000000e-01 : f32
    %mul3A_62 = vector.broadcast %mul3A_61 : f32 to vector<16x128x128xf32>
    %mul3A_63 = arith.mulf %add3A_54, %mul3A_62 : vector<16x128x128xf32>
    %mul3A_64 = vector.broadcast %mul3A_25 : vector<16x1x128xf32> to vector<16x128x128xf32>
    %mul3A_65 = arith.mulf %mul3A_64, %min3A_60 : vector<16x128x128xf32>
    %add3A_66 = arith.addf %mul3A_65, %mul3A_63 : vector<16x128x128xf32>
    %mul3A_67 = arith.mulf %add3A_66, %min3A_60 : vector<16x128x128xf32>
    %add3A_68 = arith.addf %mul3A_67, %add3A_49 : vector<16x128x128xf32>
    %mul3A_69 = vector.broadcast %add3A_26 : vector<16x1x128xf32> to vector<16x128x128xf32>
    %mul3A_70 = arith.mulf %mul3A_69, %min3A_60 : vector<16x128x128xf32>
    %add3A_71 = vector.broadcast %mul3A_25 : vector<16x1x128xf32> to vector<16x128x128xf32>
    %add3A_72 = arith.addf %add3A_71, %mul3A_63 : vector<16x128x128xf32>
    %add3A_73 = arith.addf %mul3A_70, %add3A_72 : vector<16x128x128xf32>
    %ge3A = arith.constant 0.000000e+00 : f32
    %ge3A_74 = vector.broadcast %ge3A : f32 to vector<16x128x128xf32>
    %ge3A_75 = arith.cmpf oge, %add3A_73, %ge3A_74 : vector<16x128x128xf32>
    %add3A_76 = arith.addf %add3A_68, %add3A_73 : vector<16x128x128xf32>
    %select_n3A_77 = arith.select %ge3A_75, %add3A_68, %add3A_76 : vector<16x128x128xi1>, vector<16x128x128xf32>
    %add3A_78 = arith.constant 1.000000e+00 : f32
    %add3A_79 = vector.broadcast %add3A_78 : f32 to vector<16x128x128xf32>
    %add3A_80 = arith.addf %min3A_60, %add3A_79 : vector<16x128x128xf32>
    %select_n3A_81 = arith.select %ge3A_75, %min3A_60, %add3A_80 : vector<16x128x128xi1>, vector<16x128x128xf32>
    %mul3A_82 = vector.broadcast %mul3A_29 : vector<16x1x128xf32> to vector<16x128x128xf32>
    %mul3A_83 = arith.mulf %mul3A_82, %select_n3A_81 : vector<16x128x128xf32>
    %add3A_84 = vector.broadcast %broadcast_in_dim3A : vector<16x1x128xf32> to vector<16x128x128xf32>
    %add3A_85 = arith.addf %mul3A_83, %add3A_84 : vector<16x128x128xf32>
    %mul3A_86 = vector.broadcast %mul3A_32 : vector<16x1x128xf32> to vector<16x128x128xf32>
    %mul3A_87 = arith.mulf %mul3A_86, %select_n3A_81 : vector<16x128x128xf32>
    %add3A_88 = vector.broadcast %broadcast_in_dim3A_7 : vector<16x1x128xf32> to vector<16x128x128xf32>
    %add3A_89 = arith.addf %mul3A_87, %add3A_88 : vector<16x128x128xf32>
    %get3A_90 = arith.constant 0 : index
    %get3A_91 = arith.constant 0 : index
    %get3A_92 = vector.load %arg17[%get3A_90, %get3A_91] : memref<128x128xf32, #tpu.memory_space<vmem>>, vector<128x128xf32>
    %get3A_93 = arith.constant 0 : index
    %get3A_94 = arith.constant 0 : index
    %get3A_95 = vector.load %arg18[%get3A_93, %get3A_94] : memref<128x128xf32, #tpu.memory_space<vmem>>, vector<128x128xf32>
    %get3A_96 = arith.constant 0 : index
    %get3A_97 = arith.constant 0 : index
    %get3A_98 = vector.load %arg19[%get3A_96, %get3A_97] : memref<128x128xf32, #tpu.memory_space<vmem>>, vector<128x128xf32>
    %slice3A = vector.extract_strided_slice %select_n3A_77 {offsets = [0, 0, 0], sizes = [1, 128, 128], strides = [1, 1, 1]} : vector<16x128x128xf32> to vector<1x128x128xf32>
    %squeeze3A = vector.shape_cast %slice3A : vector<1x128x128xf32> to vector<128x128xf32>
    %lt3A = arith.cmpf olt, %squeeze3A, %get3A_92 : vector<128x128xf32>
    %slice3A_99 = vector.extract_strided_slice %select_n3A_77 {offsets = [0, 0, 0], sizes = [1, 128, 128], strides = [1, 1, 1]} : vector<16x128x128xf32> to vector<1x128x128xf32>
    %squeeze3A_100 = vector.shape_cast %slice3A_99 : vector<1x128x128xf32> to vector<128x128xf32>
    %select_n3A_101 = arith.select %lt3A, %squeeze3A_100, %get3A_92 : vector<128x128xi1>, vector<128x128xf32>
    %slice3A_102 = vector.extract_strided_slice %add3A_85 {offsets = [0, 0, 0], sizes = [1, 128, 128], strides = [1, 1, 1]} : vector<16x128x128xf32> to vector<1x128x128xf32>
    %squeeze3A_103 = vector.shape_cast %slice3A_102 : vector<1x128x128xf32> to vector<128x128xf32>
    %select_n3A_104 = arith.select %lt3A, %squeeze3A_103, %get3A_95 : vector<128x128xi1>, vector<128x128xf32>
    %slice3A_105 = vector.extract_strided_slice %add3A_89 {offsets = [0, 0, 0], sizes = [1, 128, 128], strides = [1, 1, 1]} : vector<16x128x128xf32> to vector<1x128x128xf32>
    %squeeze3A_106 = vector.shape_cast %slice3A_105 : vector<1x128x128xf32> to vector<128x128xf32>
    %select_n3A_107 = arith.select %lt3A, %squeeze3A_106, %get3A_98 : vector<128x128xi1>, vector<128x128xf32>
    %slice3A_108 = vector.extract_strided_slice %select_n3A_77 {offsets = [1, 0, 0], sizes = [1, 128, 128], strides = [1, 1, 1]} : vector<16x128x128xf32> to vector<1x128x128xf32>
    %squeeze3A_109 = vector.shape_cast %slice3A_108 : vector<1x128x128xf32> to vector<128x128xf32>
    %lt3A_110 = arith.cmpf olt, %squeeze3A_109, %select_n3A_101 : vector<128x128xf32>
    %slice3A_111 = vector.extract_strided_slice %select_n3A_77 {offsets = [1, 0, 0], sizes = [1, 128, 128], strides = [1, 1, 1]} : vector<16x128x128xf32> to vector<1x128x128xf32>
    %squeeze3A_112 = vector.shape_cast %slice3A_111 : vector<1x128x128xf32> to vector<128x128xf32>
    %select_n3A_113 = arith.select %lt3A_110, %squeeze3A_112, %select_n3A_101 : vector<128x128xi1>, vector<128x128xf32>
    %slice3A_114 = vector.extract_strided_slice %add3A_85 {offsets = [1, 0, 0], sizes = [1, 128, 128], strides = [1, 1, 1]} : vector<16x128x128xf32> to vector<1x128x128xf32>
    %squeeze3A_115 = vector.shape_cast %slice3A_114 : vector<1x128x128xf32> to vector<128x128xf32>
    %select_n3A_116 = arith.select %lt3A_110, %squeeze3A_115, %select_n3A_104 : vector<128x128xi1>, vector<128x128xf32>
    %slice3A_117 = vector.extract_strided_slice %add3A_89 {offsets = [1, 0, 0], sizes = [1, 128, 128], strides = [1, 1, 1]} : vector<16x128x128xf32> to vector<1x128x128xf32>
    %squeeze3A_118 = vector.shape_cast %slice3A_117 : vector<1x128x128xf32> to vector<128x128xf32>
    %select_n3A_119 = arith.select %lt3A_110, %squeeze3A_118, %select_n3A_107 : vector<128x128xi1>, vector<128x128xf32>
    %slice3A_120 = vector.extract_strided_slice %select_n3A_77 {offsets = [2, 0, 0], sizes = [1, 128, 128], strides = [1, 1, 1]} : vector<16x128x128xf32> to vector<1x128x128xf32>
    %squeeze3A_121 = vector.shape_cast %slice3A_120 : vector<1x128x128xf32> to vector<128x128xf32>
    %lt3A_122 = arith.cmpf olt, %squeeze3A_121, %select_n3A_113 : vector<128x128xf32>
    %slice3A_123 = vector.extract_strided_slice %select_n3A_77 {offsets = [2, 0, 0], sizes = [1, 128, 128], strides = [1, 1, 1]} : vector<16x128x128xf32> to vector<1x128x128xf32>
    %squeeze3A_124 = vector.shape_cast %slice3A_123 : vector<1x128x128xf32> to vector<128x128xf32>
    %select_n3A_125 = arith.select %lt3A_122, %squeeze3A_124, %select_n3A_113 : vector<128x128xi1>, vector<128x128xf32>
    %slice3A_126 = vector.extract_strided_slice %add3A_85 {offsets = [2, 0, 0], sizes = [1, 128, 128], strides = [1, 1, 1]} : vector<16x128x128xf32> to vector<1x128x128xf32>
    %squeeze3A_127 = vector.shape_cast %slice3A_126 : vector<1x128x128xf32> to vector<128x128xf32>
    %select_n3A_128 = arith.select %lt3A_122, %squeeze3A_127, %select_n3A_116 : vector<128x128xi1>, vector<128x128xf32>
    %slice3A_129 = vector.extract_strided_slice %add3A_89 {offsets = [2, 0, 0], sizes = [1, 128, 128], strides = [1, 1, 1]} : vector<16x128x128xf32> to vector<1x128x128xf32>
    %squeeze3A_130 = vector.shape_cast %slice3A_129 : vector<1x128x128xf32> to vector<128x128xf32>
    %select_n3A_131 = arith.select %lt3A_122, %squeeze3A_130, %select_n3A_119 : vector<128x128xi1>, vector<128x128xf32>
    %slice3A_132 = vector.extract_strided_slice %select_n3A_77 {offsets = [3, 0, 0], sizes = [1, 128, 128], strides = [1, 1, 1]} : vector<16x128x128xf32> to vector<1x128x128xf32>
    %squeeze3A_133 = vector.shape_cast %slice3A_132 : vector<1x128x128xf32> to vector<128x128xf32>
    %lt3A_134 = arith.cmpf olt, %squeeze3A_133, %select_n3A_125 : vector<128x128xf32>
    %slice3A_135 = vector.extract_strided_slice %select_n3A_77 {offsets = [3, 0, 0], sizes = [1, 128, 128], strides = [1, 1, 1]} : vector<16x128x128xf32> to vector<1x128x128xf32>
    %squeeze3A_136 = vector.shape_cast %slice3A_135 : vector<1x128x128xf32> to vector<128x128xf32>
    %select_n3A_137 = arith.select %lt3A_134, %squeeze3A_136, %select_n3A_125 : vector<128x128xi1>, vector<128x128xf32>
    %slice3A_138 = vector.extract_strided_slice %add3A_85 {offsets = [3, 0, 0], sizes = [1, 128, 128], strides = [1, 1, 1]} : vector<16x128x128xf32> to vector<1x128x128xf32>
    %squeeze3A_139 = vector.shape_cast %slice3A_138 : vector<1x128x128xf32> to vector<128x128xf32>
    %select_n3A_140 = arith.select %lt3A_134, %squeeze3A_139, %select_n3A_128 : vector<128x128xi1>, vector<128x128xf32>
    %slice3A_141 = vector.extract_strided_slice %add3A_89 {offsets = [3, 0, 0], sizes = [1, 128, 128], strides = [1, 1, 1]} : vector<16x128x128xf32> to vector<1x128x128xf32>
    %squeeze3A_142 = vector.shape_cast %slice3A_141 : vector<1x128x128xf32> to vector<128x128xf32>
    %select_n3A_143 = arith.select %lt3A_134, %squeeze3A_142, %select_n3A_131 : vector<128x128xi1>, vector<128x128xf32>
    %slice3A_144 = vector.extract_strided_slice %select_n3A_77 {offsets = [4, 0, 0], sizes = [1, 128, 128], strides = [1, 1, 1]} : vector<16x128x128xf32> to vector<1x128x128xf32>
    %squeeze3A_145 = vector.shape_cast %slice3A_144 : vector<1x128x128xf32> to vector<128x128xf32>
    %lt3A_146 = arith.cmpf olt, %squeeze3A_145, %select_n3A_137 : vector<128x128xf32>
    %slice3A_147 = vector.extract_strided_slice %select_n3A_77 {offsets = [4, 0, 0], sizes = [1, 128, 128], strides = [1, 1, 1]} : vector<16x128x128xf32> to vector<1x128x128xf32>
    %squeeze3A_148 = vector.shape_cast %slice3A_147 : vector<1x128x128xf32> to vector<128x128xf32>
    %select_n3A_149 = arith.select %lt3A_146, %squeeze3A_148, %select_n3A_137 : vector<128x128xi1>, vector<128x128xf32>
    %slice3A_150 = vector.extract_strided_slice %add3A_85 {offsets = [4, 0, 0], sizes = [1, 128, 128], strides = [1, 1, 1]} : vector<16x128x128xf32> to vector<1x128x128xf32>
    %squeeze3A_151 = vector.shape_cast %slice3A_150 : vector<1x128x128xf32> to vector<128x128xf32>
    %select_n3A_152 = arith.select %lt3A_146, %squeeze3A_151, %select_n3A_140 : vector<128x128xi1>, vector<128x128xf32>
    %slice3A_153 = vector.extract_strided_slice %add3A_89 {offsets = [4, 0, 0], sizes = [1, 128, 128], strides = [1, 1, 1]} : vector<16x128x128xf32> to vector<1x128x128xf32>
    %squeeze3A_154 = vector.shape_cast %slice3A_153 : vector<1x128x128xf32> to vector<128x128xf32>
    %select_n3A_155 = arith.select %lt3A_146, %squeeze3A_154, %select_n3A_143 : vector<128x128xi1>, vector<128x128xf32>
    %slice3A_156 = vector.extract_strided_slice %select_n3A_77 {offsets = [5, 0, 0], sizes = [1, 128, 128], strides = [1, 1, 1]} : vector<16x128x128xf32> to vector<1x128x128xf32>
    %squeeze3A_157 = vector.shape_cast %slice3A_156 : vector<1x128x128xf32> to vector<128x128xf32>
    %lt3A_158 = arith.cmpf olt, %squeeze3A_157, %select_n3A_149 : vector<128x128xf32>
    %slice3A_159 = vector.extract_strided_slice %select_n3A_77 {offsets = [5, 0, 0], sizes = [1, 128, 128], strides = [1, 1, 1]} : vector<16x128x128xf32> to vector<1x128x128xf32>
    %squeeze3A_160 = vector.shape_cast %slice3A_159 : vector<1x128x128xf32> to vector<128x128xf32>
    %select_n3A_161 = arith.select %lt3A_158, %squeeze3A_160, %select_n3A_149 : vector<128x128xi1>, vector<128x128xf32>
    %slice3A_162 = vector.extract_strided_slice %add3A_85 {offsets = [5, 0, 0], sizes = [1, 128, 128], strides = [1, 1, 1]} : vector<16x128x128xf32> to vector<1x128x128xf32>
    %squeeze3A_163 = vector.shape_cast %slice3A_162 : vector<1x128x128xf32> to vector<128x128xf32>
    %select_n3A_164 = arith.select %lt3A_158, %squeeze3A_163, %select_n3A_152 : vector<128x128xi1>, vector<128x128xf32>
    %slice3A_165 = vector.extract_strided_slice %add3A_89 {offsets = [5, 0, 0], sizes = [1, 128, 128], strides = [1, 1, 1]} : vector<16x128x128xf32> to vector<1x128x128xf32>
    %squeeze3A_166 = vector.shape_cast %slice3A_165 : vector<1x128x128xf32> to vector<128x128xf32>
    %select_n3A_167 = arith.select %lt3A_158, %squeeze3A_166, %select_n3A_155 : vector<128x128xi1>, vector<128x128xf32>
    %slice3A_168 = vector.extract_strided_slice %select_n3A_77 {offsets = [6, 0, 0], sizes = [1, 128, 128], strides = [1, 1, 1]} : vector<16x128x128xf32> to vector<1x128x128xf32>
    %squeeze3A_169 = vector.shape_cast %slice3A_168 : vector<1x128x128xf32> to vector<128x128xf32>
    %lt3A_170 = arith.cmpf olt, %squeeze3A_169, %select_n3A_161 : vector<128x128xf32>
    %slice3A_171 = vector.extract_strided_slice %select_n3A_77 {offsets = [6, 0, 0], sizes = [1, 128, 128], strides = [1, 1, 1]} : vector<16x128x128xf32> to vector<1x128x128xf32>
    %squeeze3A_172 = vector.shape_cast %slice3A_171 : vector<1x128x128xf32> to vector<128x128xf32>
    %select_n3A_173 = arith.select %lt3A_170, %squeeze3A_172, %select_n3A_161 : vector<128x128xi1>, vector<128x128xf32>
    %slice3A_174 = vector.extract_strided_slice %add3A_85 {offsets = [6, 0, 0], sizes = [1, 128, 128], strides = [1, 1, 1]} : vector<16x128x128xf32> to vector<1x128x128xf32>
    %squeeze3A_175 = vector.shape_cast %slice3A_174 : vector<1x128x128xf32> to vector<128x128xf32>
    %select_n3A_176 = arith.select %lt3A_170, %squeeze3A_175, %select_n3A_164 : vector<128x128xi1>, vector<128x128xf32>
    %slice3A_177 = vector.extract_strided_slice %add3A_89 {offsets = [6, 0, 0], sizes = [1, 128, 128], strides = [1, 1, 1]} : vector<16x128x128xf32> to vector<1x128x128xf32>
    %squeeze3A_178 = vector.shape_cast %slice3A_177 : vector<1x128x128xf32> to vector<128x128xf32>
    %select_n3A_179 = arith.select %lt3A_170, %squeeze3A_178, %select_n3A_167 : vector<128x128xi1>, vector<128x128xf32>
    %slice3A_180 = vector.extract_strided_slice %select_n3A_77 {offsets = [7, 0, 0], sizes = [1, 128, 128], strides = [1, 1, 1]} : vector<16x128x128xf32> to vector<1x128x128xf32>
    %squeeze3A_181 = vector.shape_cast %slice3A_180 : vector<1x128x128xf32> to vector<128x128xf32>
    %lt3A_182 = arith.cmpf olt, %squeeze3A_181, %select_n3A_173 : vector<128x128xf32>
    %slice3A_183 = vector.extract_strided_slice %select_n3A_77 {offsets = [7, 0, 0], sizes = [1, 128, 128], strides = [1, 1, 1]} : vector<16x128x128xf32> to vector<1x128x128xf32>
    %squeeze3A_184 = vector.shape_cast %slice3A_183 : vector<1x128x128xf32> to vector<128x128xf32>
    %select_n3A_185 = arith.select %lt3A_182, %squeeze3A_184, %select_n3A_173 : vector<128x128xi1>, vector<128x128xf32>
    %slice3A_186 = vector.extract_strided_slice %add3A_85 {offsets = [7, 0, 0], sizes = [1, 128, 128], strides = [1, 1, 1]} : vector<16x128x128xf32> to vector<1x128x128xf32>
    %squeeze3A_187 = vector.shape_cast %slice3A_186 : vector<1x128x128xf32> to vector<128x128xf32>
    %select_n3A_188 = arith.select %lt3A_182, %squeeze3A_187, %select_n3A_176 : vector<128x128xi1>, vector<128x128xf32>
    %slice3A_189 = vector.extract_strided_slice %add3A_89 {offsets = [7, 0, 0], sizes = [1, 128, 128], strides = [1, 1, 1]} : vector<16x128x128xf32> to vector<1x128x128xf32>
    %squeeze3A_190 = vector.shape_cast %slice3A_189 : vector<1x128x128xf32> to vector<128x128xf32>
    %select_n3A_191 = arith.select %lt3A_182, %squeeze3A_190, %select_n3A_179 : vector<128x128xi1>, vector<128x128xf32>
    %slice3A_192 = vector.extract_strided_slice %select_n3A_77 {offsets = [8, 0, 0], sizes = [1, 128, 128], strides = [1, 1, 1]} : vector<16x128x128xf32> to vector<1x128x128xf32>
    %squeeze3A_193 = vector.shape_cast %slice3A_192 : vector<1x128x128xf32> to vector<128x128xf32>
    %lt3A_194 = arith.cmpf olt, %squeeze3A_193, %select_n3A_185 : vector<128x128xf32>
    %slice3A_195 = vector.extract_strided_slice %select_n3A_77 {offsets = [8, 0, 0], sizes = [1, 128, 128], strides = [1, 1, 1]} : vector<16x128x128xf32> to vector<1x128x128xf32>
    %squeeze3A_196 = vector.shape_cast %slice3A_195 : vector<1x128x128xf32> to vector<128x128xf32>
    %select_n3A_197 = arith.select %lt3A_194, %squeeze3A_196, %select_n3A_185 : vector<128x128xi1>, vector<128x128xf32>
    %slice3A_198 = vector.extract_strided_slice %add3A_85 {offsets = [8, 0, 0], sizes = [1, 128, 128], strides = [1, 1, 1]} : vector<16x128x128xf32> to vector<1x128x128xf32>
    %squeeze3A_199 = vector.shape_cast %slice3A_198 : vector<1x128x128xf32> to vector<128x128xf32>
    %select_n3A_200 = arith.select %lt3A_194, %squeeze3A_199, %select_n3A_188 : vector<128x128xi1>, vector<128x128xf32>
    %slice3A_201 = vector.extract_strided_slice %add3A_89 {offsets = [8, 0, 0], sizes = [1, 128, 128], strides = [1, 1, 1]} : vector<16x128x128xf32> to vector<1x128x128xf32>
    %squeeze3A_202 = vector.shape_cast %slice3A_201 : vector<1x128x128xf32> to vector<128x128xf32>
    %select_n3A_203 = arith.select %lt3A_194, %squeeze3A_202, %select_n3A_191 : vector<128x128xi1>, vector<128x128xf32>
    %slice3A_204 = vector.extract_strided_slice %select_n3A_77 {offsets = [9, 0, 0], sizes = [1, 128, 128], strides = [1, 1, 1]} : vector<16x128x128xf32> to vector<1x128x128xf32>
    %squeeze3A_205 = vector.shape_cast %slice3A_204 : vector<1x128x128xf32> to vector<128x128xf32>
    %lt3A_206 = arith.cmpf olt, %squeeze3A_205, %select_n3A_197 : vector<128x128xf32>
    %slice3A_207 = vector.extract_strided_slice %select_n3A_77 {offsets = [9, 0, 0], sizes = [1, 128, 128], strides = [1, 1, 1]} : vector<16x128x128xf32> to vector<1x128x128xf32>
    %squeeze3A_208 = vector.shape_cast %slice3A_207 : vector<1x128x128xf32> to vector<128x128xf32>
    %select_n3A_209 = arith.select %lt3A_206, %squeeze3A_208, %select_n3A_197 : vector<128x128xi1>, vector<128x128xf32>
    %slice3A_210 = vector.extract_strided_slice %add3A_85 {offsets = [9, 0, 0], sizes = [1, 128, 128], strides = [1, 1, 1]} : vector<16x128x128xf32> to vector<1x128x128xf32>
    %squeeze3A_211 = vector.shape_cast %slice3A_210 : vector<1x128x128xf32> to vector<128x128xf32>
    %select_n3A_212 = arith.select %lt3A_206, %squeeze3A_211, %select_n3A_200 : vector<128x128xi1>, vector<128x128xf32>
    %slice3A_213 = vector.extract_strided_slice %add3A_89 {offsets = [9, 0, 0], sizes = [1, 128, 128], strides = [1, 1, 1]} : vector<16x128x128xf32> to vector<1x128x128xf32>
    %squeeze3A_214 = vector.shape_cast %slice3A_213 : vector<1x128x128xf32> to vector<128x128xf32>
    %select_n3A_215 = arith.select %lt3A_206, %squeeze3A_214, %select_n3A_203 : vector<128x128xi1>, vector<128x128xf32>
    %slice3A_216 = vector.extract_strided_slice %select_n3A_77 {offsets = [10, 0, 0], sizes = [1, 128, 128], strides = [1, 1, 1]} : vector<16x128x128xf32> to vector<1x128x128xf32>
    %squeeze3A_217 = vector.shape_cast %slice3A_216 : vector<1x128x128xf32> to vector<128x128xf32>
    %lt3A_218 = arith.cmpf olt, %squeeze3A_217, %select_n3A_209 : vector<128x128xf32>
    %slice3A_219 = vector.extract_strided_slice %select_n3A_77 {offsets = [10, 0, 0], sizes = [1, 128, 128], strides = [1, 1, 1]} : vector<16x128x128xf32> to vector<1x128x128xf32>
    %squeeze3A_220 = vector.shape_cast %slice3A_219 : vector<1x128x128xf32> to vector<128x128xf32>
    %select_n3A_221 = arith.select %lt3A_218, %squeeze3A_220, %select_n3A_209 : vector<128x128xi1>, vector<128x128xf32>
    %slice3A_222 = vector.extract_strided_slice %add3A_85 {offsets = [10, 0, 0], sizes = [1, 128, 128], strides = [1, 1, 1]} : vector<16x128x128xf32> to vector<1x128x128xf32>
    %squeeze3A_223 = vector.shape_cast %slice3A_222 : vector<1x128x128xf32> to vector<128x128xf32>
    %select_n3A_224 = arith.select %lt3A_218, %squeeze3A_223, %select_n3A_212 : vector<128x128xi1>, vector<128x128xf32>
    %slice3A_225 = vector.extract_strided_slice %add3A_89 {offsets = [10, 0, 0], sizes = [1, 128, 128], strides = [1, 1, 1]} : vector<16x128x128xf32> to vector<1x128x128xf32>
    %squeeze3A_226 = vector.shape_cast %slice3A_225 : vector<1x128x128xf32> to vector<128x128xf32>
    %select_n3A_227 = arith.select %lt3A_218, %squeeze3A_226, %select_n3A_215 : vector<128x128xi1>, vector<128x128xf32>
    %slice3A_228 = vector.extract_strided_slice %select_n3A_77 {offsets = [11, 0, 0], sizes = [1, 128, 128], strides = [1, 1, 1]} : vector<16x128x128xf32> to vector<1x128x128xf32>
    %squeeze3A_229 = vector.shape_cast %slice3A_228 : vector<1x128x128xf32> to vector<128x128xf32>
    %lt3A_230 = arith.cmpf olt, %squeeze3A_229, %select_n3A_221 : vector<128x128xf32>
    %slice3A_231 = vector.extract_strided_slice %select_n3A_77 {offsets = [11, 0, 0], sizes = [1, 128, 128], strides = [1, 1, 1]} : vector<16x128x128xf32> to vector<1x128x128xf32>
    %squeeze3A_232 = vector.shape_cast %slice3A_231 : vector<1x128x128xf32> to vector<128x128xf32>
    %select_n3A_233 = arith.select %lt3A_230, %squeeze3A_232, %select_n3A_221 : vector<128x128xi1>, vector<128x128xf32>
    %slice3A_234 = vector.extract_strided_slice %add3A_85 {offsets = [11, 0, 0], sizes = [1, 128, 128], strides = [1, 1, 1]} : vector<16x128x128xf32> to vector<1x128x128xf32>
    %squeeze3A_235 = vector.shape_cast %slice3A_234 : vector<1x128x128xf32> to vector<128x128xf32>
    %select_n3A_236 = arith.select %lt3A_230, %squeeze3A_235, %select_n3A_224 : vector<128x128xi1>, vector<128x128xf32>
    %slice3A_237 = vector.extract_strided_slice %add3A_89 {offsets = [11, 0, 0], sizes = [1, 128, 128], strides = [1, 1, 1]} : vector<16x128x128xf32> to vector<1x128x128xf32>
    %squeeze3A_238 = vector.shape_cast %slice3A_237 : vector<1x128x128xf32> to vector<128x128xf32>
    %select_n3A_239 = arith.select %lt3A_230, %squeeze3A_238, %select_n3A_227 : vector<128x128xi1>, vector<128x128xf32>
    %slice3A_240 = vector.extract_strided_slice %select_n3A_77 {offsets = [12, 0, 0], sizes = [1, 128, 128], strides = [1, 1, 1]} : vector<16x128x128xf32> to vector<1x128x128xf32>
    %squeeze3A_241 = vector.shape_cast %slice3A_240 : vector<1x128x128xf32> to vector<128x128xf32>
    %lt3A_242 = arith.cmpf olt, %squeeze3A_241, %select_n3A_233 : vector<128x128xf32>
    %slice3A_243 = vector.extract_strided_slice %select_n3A_77 {offsets = [12, 0, 0], sizes = [1, 128, 128], strides = [1, 1, 1]} : vector<16x128x128xf32> to vector<1x128x128xf32>
    %squeeze3A_244 = vector.shape_cast %slice3A_243 : vector<1x128x128xf32> to vector<128x128xf32>
    %select_n3A_245 = arith.select %lt3A_242, %squeeze3A_244, %select_n3A_233 : vector<128x128xi1>, vector<128x128xf32>
    %slice3A_246 = vector.extract_strided_slice %add3A_85 {offsets = [12, 0, 0], sizes = [1, 128, 128], strides = [1, 1, 1]} : vector<16x128x128xf32> to vector<1x128x128xf32>
    %squeeze3A_247 = vector.shape_cast %slice3A_246 : vector<1x128x128xf32> to vector<128x128xf32>
    %select_n3A_248 = arith.select %lt3A_242, %squeeze3A_247, %select_n3A_236 : vector<128x128xi1>, vector<128x128xf32>
    %slice3A_249 = vector.extract_strided_slice %add3A_89 {offsets = [12, 0, 0], sizes = [1, 128, 128], strides = [1, 1, 1]} : vector<16x128x128xf32> to vector<1x128x128xf32>
    %squeeze3A_250 = vector.shape_cast %slice3A_249 : vector<1x128x128xf32> to vector<128x128xf32>
    %select_n3A_251 = arith.select %lt3A_242, %squeeze3A_250, %select_n3A_239 : vector<128x128xi1>, vector<128x128xf32>
    %slice3A_252 = vector.extract_strided_slice %select_n3A_77 {offsets = [13, 0, 0], sizes = [1, 128, 128], strides = [1, 1, 1]} : vector<16x128x128xf32> to vector<1x128x128xf32>
    %squeeze3A_253 = vector.shape_cast %slice3A_252 : vector<1x128x128xf32> to vector<128x128xf32>
    %lt3A_254 = arith.cmpf olt, %squeeze3A_253, %select_n3A_245 : vector<128x128xf32>
    %slice3A_255 = vector.extract_strided_slice %select_n3A_77 {offsets = [13, 0, 0], sizes = [1, 128, 128], strides = [1, 1, 1]} : vector<16x128x128xf32> to vector<1x128x128xf32>
    %squeeze3A_256 = vector.shape_cast %slice3A_255 : vector<1x128x128xf32> to vector<128x128xf32>
    %select_n3A_257 = arith.select %lt3A_254, %squeeze3A_256, %select_n3A_245 : vector<128x128xi1>, vector<128x128xf32>
    %slice3A_258 = vector.extract_strided_slice %add3A_85 {offsets = [13, 0, 0], sizes = [1, 128, 128], strides = [1, 1, 1]} : vector<16x128x128xf32> to vector<1x128x128xf32>
    %squeeze3A_259 = vector.shape_cast %slice3A_258 : vector<1x128x128xf32> to vector<128x128xf32>
    %select_n3A_260 = arith.select %lt3A_254, %squeeze3A_259, %select_n3A_248 : vector<128x128xi1>, vector<128x128xf32>
    %slice3A_261 = vector.extract_strided_slice %add3A_89 {offsets = [13, 0, 0], sizes = [1, 128, 128], strides = [1, 1, 1]} : vector<16x128x128xf32> to vector<1x128x128xf32>
    %squeeze3A_262 = vector.shape_cast %slice3A_261 : vector<1x128x128xf32> to vector<128x128xf32>
    %select_n3A_263 = arith.select %lt3A_254, %squeeze3A_262, %select_n3A_251 : vector<128x128xi1>, vector<128x128xf32>
    %slice3A_264 = vector.extract_strided_slice %select_n3A_77 {offsets = [14, 0, 0], sizes = [1, 128, 128], strides = [1, 1, 1]} : vector<16x128x128xf32> to vector<1x128x128xf32>
    %squeeze3A_265 = vector.shape_cast %slice3A_264 : vector<1x128x128xf32> to vector<128x128xf32>
    %lt3A_266 = arith.cmpf olt, %squeeze3A_265, %select_n3A_257 : vector<128x128xf32>
    %slice3A_267 = vector.extract_strided_slice %select_n3A_77 {offsets = [14, 0, 0], sizes = [1, 128, 128], strides = [1, 1, 1]} : vector<16x128x128xf32> to vector<1x128x128xf32>
    %squeeze3A_268 = vector.shape_cast %slice3A_267 : vector<1x128x128xf32> to vector<128x128xf32>
    %select_n3A_269 = arith.select %lt3A_266, %squeeze3A_268, %select_n3A_257 : vector<128x128xi1>, vector<128x128xf32>
    %slice3A_270 = vector.extract_strided_slice %add3A_85 {offsets = [14, 0, 0], sizes = [1, 128, 128], strides = [1, 1, 1]} : vector<16x128x128xf32> to vector<1x128x128xf32>
    %squeeze3A_271 = vector.shape_cast %slice3A_270 : vector<1x128x128xf32> to vector<128x128xf32>
    %select_n3A_272 = arith.select %lt3A_266, %squeeze3A_271, %select_n3A_260 : vector<128x128xi1>, vector<128x128xf32>
    %slice3A_273 = vector.extract_strided_slice %add3A_89 {offsets = [14, 0, 0], sizes = [1, 128, 128], strides = [1, 1, 1]} : vector<16x128x128xf32> to vector<1x128x128xf32>
    %squeeze3A_274 = vector.shape_cast %slice3A_273 : vector<1x128x128xf32> to vector<128x128xf32>
    %select_n3A_275 = arith.select %lt3A_266, %squeeze3A_274, %select_n3A_263 : vector<128x128xi1>, vector<128x128xf32>
    %slice3A_276 = vector.extract_strided_slice %select_n3A_77 {offsets = [15, 0, 0], sizes = [1, 128, 128], strides = [1, 1, 1]} : vector<16x128x128xf32> to vector<1x128x128xf32>
    %squeeze3A_277 = vector.shape_cast %slice3A_276 : vector<1x128x128xf32> to vector<128x128xf32>
    %lt3A_278 = arith.cmpf olt, %squeeze3A_277, %select_n3A_269 : vector<128x128xf32>
    %slice3A_279 = vector.extract_strided_slice %select_n3A_77 {offsets = [15, 0, 0], sizes = [1, 128, 128], strides = [1, 1, 1]} : vector<16x128x128xf32> to vector<1x128x128xf32>
    %squeeze3A_280 = vector.shape_cast %slice3A_279 : vector<1x128x128xf32> to vector<128x128xf32>
    %select_n3A_281 = arith.select %lt3A_278, %squeeze3A_280, %select_n3A_269 : vector<128x128xi1>, vector<128x128xf32>
    %slice3A_282 = vector.extract_strided_slice %add3A_85 {offsets = [15, 0, 0], sizes = [1, 128, 128], strides = [1, 1, 1]} : vector<16x128x128xf32> to vector<1x128x128xf32>
    %squeeze3A_283 = vector.shape_cast %slice3A_282 : vector<1x128x128xf32> to vector<128x128xf32>
    %select_n3A_284 = arith.select %lt3A_278, %squeeze3A_283, %select_n3A_272 : vector<128x128xi1>, vector<128x128xf32>
    %slice3A_285 = vector.extract_strided_slice %add3A_89 {offsets = [15, 0, 0], sizes = [1, 128, 128], strides = [1, 1, 1]} : vector<16x128x128xf32> to vector<1x128x128xf32>
    %squeeze3A_286 = vector.shape_cast %slice3A_285 : vector<1x128x128xf32> to vector<128x128xf32>
    %select_n3A_287 = arith.select %lt3A_278, %squeeze3A_286, %select_n3A_275 : vector<128x128xi1>, vector<128x128xf32>
    %swap3A = arith.constant 0 : index
    %swap3A_288 = arith.constant 0 : index
    %swap3A_289 = vector.load %arg17[%swap3A, %swap3A_288] : memref<128x128xf32, #tpu.memory_space<vmem>>, vector<128x128xf32>
    tpu.vector_store %arg17[%swap3A, %swap3A_288], %select_n3A_281 {strides = array<i32>} : memref<128x128xf32, #tpu.memory_space<vmem>>, vector<128x128xf32>,
    %swap3A_290 = arith.constant 0 : index
    %swap3A_291 = arith.constant 0 : index
    %swap3A_292 = vector.load %arg18[%swap3A_290, %swap3A_291] : memref<128x128xf32, #tpu.memory_space<vmem>>, vector<128x128xf32>
    tpu.vector_store %arg18[%swap3A_290, %swap3A_291], %select_n3A_284 {strides = array<i32>} : memref<128x128xf32, #tpu.memory_space<vmem>>, vector<128x128xf32>,
    %swap3A_293 = arith.constant 0 : index
    %swap3A_294 = arith.constant 0 : index
    %swap3A_295 = vector.load %arg19[%swap3A_293, %swap3A_294] : memref<128x128xf32, #tpu.memory_space<vmem>>, vector<128x128xf32>
    tpu.vector_store %arg19[%swap3A_293, %swap3A_294], %select_n3A_287 {strides = array<i32>} : memref<128x128xf32, #tpu.memory_space<vmem>>, vector<128x128xf32>,
    %get3A_296 = arith.constant 0 : index
    %get3A_297 = arith.constant 0 : index
    %get3A_298 = vector.load %arg5[%get3A_296, %get3A_297] : memref<128x128xf32, #tpu.memory_space<vmem>>, vector<128x128xf32>
    %broadcast_in_dim3A_299 = vector.shape_cast %get3A_298 : vector<128x128xf32> to vector<1x128x128xf32>
    %get3A_300 = arith.constant 0 : index
    %get3A_301 = arith.constant 0 : index
    %get3A_302 = vector.load %arg6[%get3A_300, %get3A_301] : memref<128x128xf32, #tpu.memory_space<vmem>>, vector<128x128xf32>
    %broadcast_in_dim3A_303 = vector.shape_cast %get3A_302 : vector<128x128xf32> to vector<1x128x128xf32>
    %get3A_304 = arith.constant 0 : index
    %get3A_305 = arith.constant 0 : index
    %get3A_306 = vector.load %arg12[%get3A_304, %get3A_305] : memref<16x128xf32, #tpu.memory_space<vmem>>, vector<16x128xf32>
    %get3A_307 = arith.constant 0 : index
    %get3A_308 = arith.constant 0 : index
    %get3A_309 = vector.load %arg13[%get3A_307, %get3A_308] : memref<16x128xf32, #tpu.memory_space<vmem>>, vector<16x128xf32>
    %broadcast_in_dim3A_310 = vector.shape_cast %get3A_306 : vector<16x128xf32> to vector<16x1x128xf32>
    %sub3A_311 = vector.broadcast %broadcast_in_dim3A_310 : vector<16x1x128xf32> to vector<16x128x128xf32>
    %sub3A_312 = vector.broadcast %broadcast_in_dim3A_299 : vector<1x128x128xf32> to vector<16x128x128xf32>
    %sub3A_313 = arith.subf %sub3A_311, %sub3A_312 : vector<16x128x128xf32>
    %broadcast_in_dim3A_314 = vector.shape_cast %get3A_309 : vector<16x128xf32> to vector<16x1x128xf32>
    %sub3A_315 = vector.broadcast %broadcast_in_dim3A_314 : vector<16x1x128xf32> to vector<16x128x128xf32>
    %sub3A_316 = vector.broadcast %broadcast_in_dim3A_303 : vector<1x128x128xf32> to vector<16x128x128xf32>
    %sub3A_317 = arith.subf %sub3A_315, %sub3A_316 : vector<16x128x128xf32>
    %mul3A_318 = arith.mulf %sub3A_313, %sub3A_313 : vector<16x128x128xf32>
    %mul3A_319 = arith.mulf %sub3A_317, %sub3A_317 : vector<16x128x128xf32>
    %add3A_320 = arith.addf %mul3A_318, %mul3A_319 : vector<16x128x128xf32>
    %get3A_321 = arith.constant 0 : index
    %get3A_322 = arith.constant 0 : index
    %get3A_323 = vector.load %arg20[%get3A_321, %get3A_322] : memref<128x128xf32, #tpu.memory_space<vmem>>, vector<128x128xf32>
    %get3A_324 = arith.constant 0 : index
    %get3A_325 = arith.constant 0 : index
    %get3A_326 = vector.load %arg21[%get3A_324, %get3A_325] : memref<128x128xf32, #tpu.memory_space<vmem>>, vector<128x128xf32>
    %slice3A_327 = vector.extract_strided_slice %add3A_320 {offsets = [0, 0, 0], sizes = [1, 128, 128], strides = [1, 1, 1]} : vector<16x128x128xf32> to vector<1x128x128xf32>
    %squeeze3A_328 = vector.shape_cast %slice3A_327 : vector<1x128x128xf32> to vector<128x128xf32>
    %lt3A_329 = arith.cmpf olt, %squeeze3A_328, %get3A_323 : vector<128x128xf32>
    %slice3A_330 = vector.extract_strided_slice %add3A_320 {offsets = [0, 0, 0], sizes = [1, 128, 128], strides = [1, 1, 1]} : vector<16x128x128xf32> to vector<1x128x128xf32>
    %squeeze3A_331 = vector.shape_cast %slice3A_330 : vector<1x128x128xf32> to vector<128x128xf32>
    %select_n3A_332 = arith.select %lt3A_329, %squeeze3A_331, %get3A_323 : vector<128x128xi1>, vector<128x128xf32>
    %convert_element_type3A_333 = arith.sitofp %arg0 : i32 to f32
    %mul3A_334 = arith.constant 1.600000e+01 : f32
    %mul3A_335 = arith.mulf %mul3A_334, %convert_element_type3A_333 : f32
    %add3A_336 = arith.constant 0.000000e+00 : f32
    %add3A_337 = arith.addf %add3A_336, %mul3A_335 : f32
    %broadcast_in_dim3A_338 = vector.broadcast %add3A_337 : f32 to vector<128x128xf32>
    %select_n3A_339 = arith.select %lt3A_329, %broadcast_in_dim3A_338, %get3A_326 : vector<128x128xi1>, vector<128x128xf32>
    %slice3A_340 = vector.extract_strided_slice %add3A_320 {offsets = [1, 0, 0], sizes = [1, 128, 128], strides = [1, 1, 1]} : vector<16x128x128xf32> to vector<1x128x128xf32>
    %squeeze3A_341 = vector.shape_cast %slice3A_340 : vector<1x128x128xf32> to vector<128x128xf32>
    %lt3A_342 = arith.cmpf olt, %squeeze3A_341, %select_n3A_332 : vector<128x128xf32>
    %slice3A_343 = vector.extract_strided_slice %add3A_320 {offsets = [1, 0, 0], sizes = [1, 128, 128], strides = [1, 1, 1]} : vector<16x128x128xf32> to vector<1x128x128xf32>
    %squeeze3A_344 = vector.shape_cast %slice3A_343 : vector<1x128x128xf32> to vector<128x128xf32>
    %select_n3A_345 = arith.select %lt3A_342, %squeeze3A_344, %select_n3A_332 : vector<128x128xi1>, vector<128x128xf32>
    %convert_element_type3A_346 = arith.sitofp %arg0 : i32 to f32
    %mul3A_347 = arith.constant 1.600000e+01 : f32
    %mul3A_348 = arith.mulf %mul3A_347, %convert_element_type3A_346 : f32
    %add3A_349 = arith.constant 1.000000e+00 : f32
    %add3A_350 = arith.addf %add3A_349, %mul3A_348 : f32
    %broadcast_in_dim3A_351 = vector.broadcast %add3A_350 : f32 to vector<128x128xf32>
    %select_n3A_352 = arith.select %lt3A_342, %broadcast_in_dim3A_351, %select_n3A_339 : vector<128x128xi1>, vector<128x128xf32>
    %slice3A_353 = vector.extract_strided_slice %add3A_320 {offsets = [2, 0, 0], sizes = [1, 128, 128], strides = [1, 1, 1]} : vector<16x128x128xf32> to vector<1x128x128xf32>
    %squeeze3A_354 = vector.shape_cast %slice3A_353 : vector<1x128x128xf32> to vector<128x128xf32>
    %lt3A_355 = arith.cmpf olt, %squeeze3A_354, %select_n3A_345 : vector<128x128xf32>
    %slice3A_356 = vector.extract_strided_slice %add3A_320 {offsets = [2, 0, 0], sizes = [1, 128, 128], strides = [1, 1, 1]} : vector<16x128x128xf32> to vector<1x128x128xf32>
    %squeeze3A_357 = vector.shape_cast %slice3A_356 : vector<1x128x128xf32> to vector<128x128xf32>
    %select_n3A_358 = arith.select %lt3A_355, %squeeze3A_357, %select_n3A_345 : vector<128x128xi1>, vector<128x128xf32>
    %convert_element_type3A_359 = arith.sitofp %arg0 : i32 to f32
    %mul3A_360 = arith.constant 1.600000e+01 : f32
    %mul3A_361 = arith.mulf %mul3A_360, %convert_element_type3A_359 : f32
    %add3A_362 = arith.constant 2.000000e+00 : f32
    %add3A_363 = arith.addf %add3A_362, %mul3A_361 : f32
    %broadcast_in_dim3A_364 = vector.broadcast %add3A_363 : f32 to vector<128x128xf32>
    %select_n3A_365 = arith.select %lt3A_355, %broadcast_in_dim3A_364, %select_n3A_352 : vector<128x128xi1>, vector<128x128xf32>
    %slice3A_366 = vector.extract_strided_slice %add3A_320 {offsets = [3, 0, 0], sizes = [1, 128, 128], strides = [1, 1, 1]} : vector<16x128x128xf32> to vector<1x128x128xf32>
    %squeeze3A_367 = vector.shape_cast %slice3A_366 : vector<1x128x128xf32> to vector<128x128xf32>
    %lt3A_368 = arith.cmpf olt, %squeeze3A_367, %select_n3A_358 : vector<128x128xf32>
    %slice3A_369 = vector.extract_strided_slice %add3A_320 {offsets = [3, 0, 0], sizes = [1, 128, 128], strides = [1, 1, 1]} : vector<16x128x128xf32> to vector<1x128x128xf32>
    %squeeze3A_370 = vector.shape_cast %slice3A_369 : vector<1x128x128xf32> to vector<128x128xf32>
    %select_n3A_371 = arith.select %lt3A_368, %squeeze3A_370, %select_n3A_358 : vector<128x128xi1>, vector<128x128xf32>
    %convert_element_type3A_372 = arith.sitofp %arg0 : i32 to f32
    %mul3A_373 = arith.constant 1.600000e+01 : f32
    %mul3A_374 = arith.mulf %mul3A_373, %convert_element_type3A_372 : f32
    %add3A_375 = arith.constant 3.000000e+00 : f32
    %add3A_376 = arith.addf %add3A_375, %mul3A_374 : f32
    %broadcast_in_dim3A_377 = vector.broadcast %add3A_376 : f32 to vector<128x128xf32>
    %select_n3A_378 = arith.select %lt3A_368, %broadcast_in_dim3A_377, %select_n3A_365 : vector<128x128xi1>, vector<128x128xf32>
    %slice3A_379 = vector.extract_strided_slice %add3A_320 {offsets = [4, 0, 0], sizes = [1, 128, 128], strides = [1, 1, 1]} : vector<16x128x128xf32> to vector<1x128x128xf32>
    %squeeze3A_380 = vector.shape_cast %slice3A_379 : vector<1x128x128xf32> to vector<128x128xf32>
    %lt3A_381 = arith.cmpf olt, %squeeze3A_380, %select_n3A_371 : vector<128x128xf32>
    %slice3A_382 = vector.extract_strided_slice %add3A_320 {offsets = [4, 0, 0], sizes = [1, 128, 128], strides = [1, 1, 1]} : vector<16x128x128xf32> to vector<1x128x128xf32>
    %squeeze3A_383 = vector.shape_cast %slice3A_382 : vector<1x128x128xf32> to vector<128x128xf32>
    %select_n3A_384 = arith.select %lt3A_381, %squeeze3A_383, %select_n3A_371 : vector<128x128xi1>, vector<128x128xf32>
    %convert_element_type3A_385 = arith.sitofp %arg0 : i32 to f32
    %mul3A_386 = arith.constant 1.600000e+01 : f32
    %mul3A_387 = arith.mulf %mul3A_386, %convert_element_type3A_385 : f32
    %add3A_388 = arith.constant 4.000000e+00 : f32
    %add3A_389 = arith.addf %add3A_388, %mul3A_387 : f32
    %broadcast_in_dim3A_390 = vector.broadcast %add3A_389 : f32 to vector<128x128xf32>
    %select_n3A_391 = arith.select %lt3A_381, %broadcast_in_dim3A_390, %select_n3A_378 : vector<128x128xi1>, vector<128x128xf32>
    %slice3A_392 = vector.extract_strided_slice %add3A_320 {offsets = [5, 0, 0], sizes = [1, 128, 128], strides = [1, 1, 1]} : vector<16x128x128xf32> to vector<1x128x128xf32>
    %squeeze3A_393 = vector.shape_cast %slice3A_392 : vector<1x128x128xf32> to vector<128x128xf32>
    %lt3A_394 = arith.cmpf olt, %squeeze3A_393, %select_n3A_384 : vector<128x128xf32>
    %slice3A_395 = vector.extract_strided_slice %add3A_320 {offsets = [5, 0, 0], sizes = [1, 128, 128], strides = [1, 1, 1]} : vector<16x128x128xf32> to vector<1x128x128xf32>
    %squeeze3A_396 = vector.shape_cast %slice3A_395 : vector<1x128x128xf32> to vector<128x128xf32>
    %select_n3A_397 = arith.select %lt3A_394, %squeeze3A_396, %select_n3A_384 : vector<128x128xi1>, vector<128x128xf32>
    %convert_element_type3A_398 = arith.sitofp %arg0 : i32 to f32
    %mul3A_399 = arith.constant 1.600000e+01 : f32
    %mul3A_400 = arith.mulf %mul3A_399, %convert_element_type3A_398 : f32
    %add3A_401 = arith.constant 5.000000e+00 : f32
    %add3A_402 = arith.addf %add3A_401, %mul3A_400 : f32
    %broadcast_in_dim3A_403 = vector.broadcast %add3A_402 : f32 to vector<128x128xf32>
    %select_n3A_404 = arith.select %lt3A_394, %broadcast_in_dim3A_403, %select_n3A_391 : vector<128x128xi1>, vector<128x128xf32>
    %slice3A_405 = vector.extract_strided_slice %add3A_320 {offsets = [6, 0, 0], sizes = [1, 128, 128], strides = [1, 1, 1]} : vector<16x128x128xf32> to vector<1x128x128xf32>
    %squeeze3A_406 = vector.shape_cast %slice3A_405 : vector<1x128x128xf32> to vector<128x128xf32>
    %lt3A_407 = arith.cmpf olt, %squeeze3A_406, %select_n3A_397 : vector<128x128xf32>
    %slice3A_408 = vector.extract_strided_slice %add3A_320 {offsets = [6, 0, 0], sizes = [1, 128, 128], strides = [1, 1, 1]} : vector<16x128x128xf32> to vector<1x128x128xf32>
    %squeeze3A_409 = vector.shape_cast %slice3A_408 : vector<1x128x128xf32> to vector<128x128xf32>
    %select_n3A_410 = arith.select %lt3A_407, %squeeze3A_409, %select_n3A_397 : vector<128x128xi1>, vector<128x128xf32>
    %convert_element_type3A_411 = arith.sitofp %arg0 : i32 to f32
    %mul3A_412 = arith.constant 1.600000e+01 : f32
    %mul3A_413 = arith.mulf %mul3A_412, %convert_element_type3A_411 : f32
    %add3A_414 = arith.constant 6.000000e+00 : f32
    %add3A_415 = arith.addf %add3A_414, %mul3A_413 : f32
    %broadcast_in_dim3A_416 = vector.broadcast %add3A_415 : f32 to vector<128x128xf32>
    %select_n3A_417 = arith.select %lt3A_407, %broadcast_in_dim3A_416, %select_n3A_404 : vector<128x128xi1>, vector<128x128xf32>
    %slice3A_418 = vector.extract_strided_slice %add3A_320 {offsets = [7, 0, 0], sizes = [1, 128, 128], strides = [1, 1, 1]} : vector<16x128x128xf32> to vector<1x128x128xf32>
    %squeeze3A_419 = vector.shape_cast %slice3A_418 : vector<1x128x128xf32> to vector<128x128xf32>
    %lt3A_420 = arith.cmpf olt, %squeeze3A_419, %select_n3A_410 : vector<128x128xf32>
    %slice3A_421 = vector.extract_strided_slice %add3A_320 {offsets = [7, 0, 0], sizes = [1, 128, 128], strides = [1, 1, 1]} : vector<16x128x128xf32> to vector<1x128x128xf32>
    %squeeze3A_422 = vector.shape_cast %slice3A_421 : vector<1x128x128xf32> to vector<128x128xf32>
    %select_n3A_423 = arith.select %lt3A_420, %squeeze3A_422, %select_n3A_410 : vector<128x128xi1>, vector<128x128xf32>
    %convert_element_type3A_424 = arith.sitofp %arg0 : i32 to f32
    %mul3A_425 = arith.constant 1.600000e+01 : f32
    %mul3A_426 = arith.mulf %mul3A_425, %convert_element_type3A_424 : f32
    %add3A_427 = arith.constant 7.000000e+00 : f32
    %add3A_428 = arith.addf %add3A_427, %mul3A_426 : f32
    %broadcast_in_dim3A_429 = vector.broadcast %add3A_428 : f32 to vector<128x128xf32>
    %select_n3A_430 = arith.select %lt3A_420, %broadcast_in_dim3A_429, %select_n3A_417 : vector<128x128xi1>, vector<128x128xf32>
    %slice3A_431 = vector.extract_strided_slice %add3A_320 {offsets = [8, 0, 0], sizes = [1, 128, 128], strides = [1, 1, 1]} : vector<16x128x128xf32> to vector<1x128x128xf32>
    %squeeze3A_432 = vector.shape_cast %slice3A_431 : vector<1x128x128xf32> to vector<128x128xf32>
    %lt3A_433 = arith.cmpf olt, %squeeze3A_432, %select_n3A_423 : vector<128x128xf32>
    %slice3A_434 = vector.extract_strided_slice %add3A_320 {offsets = [8, 0, 0], sizes = [1, 128, 128], strides = [1, 1, 1]} : vector<16x128x128xf32> to vector<1x128x128xf32>
    %squeeze3A_435 = vector.shape_cast %slice3A_434 : vector<1x128x128xf32> to vector<128x128xf32>
    %select_n3A_436 = arith.select %lt3A_433, %squeeze3A_435, %select_n3A_423 : vector<128x128xi1>, vector<128x128xf32>
    %convert_element_type3A_437 = arith.sitofp %arg0 : i32 to f32
    %mul3A_438 = arith.constant 1.600000e+01 : f32
    %mul3A_439 = arith.mulf %mul3A_438, %convert_element_type3A_437 : f32
    %add3A_440 = arith.constant 8.000000e+00 : f32
    %add3A_441 = arith.addf %add3A_440, %mul3A_439 : f32
    %broadcast_in_dim3A_442 = vector.broadcast %add3A_441 : f32 to vector<128x128xf32>
    %select_n3A_443 = arith.select %lt3A_433, %broadcast_in_dim3A_442, %select_n3A_430 : vector<128x128xi1>, vector<128x128xf32>
    %slice3A_444 = vector.extract_strided_slice %add3A_320 {offsets = [9, 0, 0], sizes = [1, 128, 128], strides = [1, 1, 1]} : vector<16x128x128xf32> to vector<1x128x128xf32>
    %squeeze3A_445 = vector.shape_cast %slice3A_444 : vector<1x128x128xf32> to vector<128x128xf32>
    %lt3A_446 = arith.cmpf olt, %squeeze3A_445, %select_n3A_436 : vector<128x128xf32>
    %slice3A_447 = vector.extract_strided_slice %add3A_320 {offsets = [9, 0, 0], sizes = [1, 128, 128], strides = [1, 1, 1]} : vector<16x128x128xf32> to vector<1x128x128xf32>
    %squeeze3A_448 = vector.shape_cast %slice3A_447 : vector<1x128x128xf32> to vector<128x128xf32>
    %select_n3A_449 = arith.select %lt3A_446, %squeeze3A_448, %select_n3A_436 : vector<128x128xi1>, vector<128x128xf32>
    %convert_element_type3A_450 = arith.sitofp %arg0 : i32 to f32
    %mul3A_451 = arith.constant 1.600000e+01 : f32
    %mul3A_452 = arith.mulf %mul3A_451, %convert_element_type3A_450 : f32
    %add3A_453 = arith.constant 9.000000e+00 : f32
    %add3A_454 = arith.addf %add3A_453, %mul3A_452 : f32
    %broadcast_in_dim3A_455 = vector.broadcast %add3A_454 : f32 to vector<128x128xf32>
    %select_n3A_456 = arith.select %lt3A_446, %broadcast_in_dim3A_455, %select_n3A_443 : vector<128x128xi1>, vector<128x128xf32>
    %slice3A_457 = vector.extract_strided_slice %add3A_320 {offsets = [10, 0, 0], sizes = [1, 128, 128], strides = [1, 1, 1]} : vector<16x128x128xf32> to vector<1x128x128xf32>
    %squeeze3A_458 = vector.shape_cast %slice3A_457 : vector<1x128x128xf32> to vector<128x128xf32>
    %lt3A_459 = arith.cmpf olt, %squeeze3A_458, %select_n3A_449 : vector<128x128xf32>
    %slice3A_460 = vector.extract_strided_slice %add3A_320 {offsets = [10, 0, 0], sizes = [1, 128, 128], strides = [1, 1, 1]} : vector<16x128x128xf32> to vector<1x128x128xf32>
    %squeeze3A_461 = vector.shape_cast %slice3A_460 : vector<1x128x128xf32> to vector<128x128xf32>
    %select_n3A_462 = arith.select %lt3A_459, %squeeze3A_461, %select_n3A_449 : vector<128x128xi1>, vector<128x128xf32>
    %convert_element_type3A_463 = arith.sitofp %arg0 : i32 to f32
    %mul3A_464 = arith.constant 1.600000e+01 : f32
    %mul3A_465 = arith.mulf %mul3A_464, %convert_element_type3A_463 : f32
    %add3A_466 = arith.constant 1.000000e+01 : f32
    %add3A_467 = arith.addf %add3A_466, %mul3A_465 : f32
    %broadcast_in_dim3A_468 = vector.broadcast %add3A_467 : f32 to vector<128x128xf32>
    %select_n3A_469 = arith.select %lt3A_459, %broadcast_in_dim3A_468, %select_n3A_456 : vector<128x128xi1>, vector<128x128xf32>
    %slice3A_470 = vector.extract_strided_slice %add3A_320 {offsets = [11, 0, 0], sizes = [1, 128, 128], strides = [1, 1, 1]} : vector<16x128x128xf32> to vector<1x128x128xf32>
    %squeeze3A_471 = vector.shape_cast %slice3A_470 : vector<1x128x128xf32> to vector<128x128xf32>
    %lt3A_472 = arith.cmpf olt, %squeeze3A_471, %select_n3A_462 : vector<128x128xf32>
    %slice3A_473 = vector.extract_strided_slice %add3A_320 {offsets = [11, 0, 0], sizes = [1, 128, 128], strides = [1, 1, 1]} : vector<16x128x128xf32> to vector<1x128x128xf32>
    %squeeze3A_474 = vector.shape_cast %slice3A_473 : vector<1x128x128xf32> to vector<128x128xf32>
    %select_n3A_475 = arith.select %lt3A_472, %squeeze3A_474, %select_n3A_462 : vector<128x128xi1>, vector<128x128xf32>
    %convert_element_type3A_476 = arith.sitofp %arg0 : i32 to f32
    %mul3A_477 = arith.constant 1.600000e+01 : f32
    %mul3A_478 = arith.mulf %mul3A_477, %convert_element_type3A_476 : f32
    %add3A_479 = arith.constant 1.100000e+01 : f32
    %add3A_480 = arith.addf %add3A_479, %mul3A_478 : f32
    %broadcast_in_dim3A_481 = vector.broadcast %add3A_480 : f32 to vector<128x128xf32>
    %select_n3A_482 = arith.select %lt3A_472, %broadcast_in_dim3A_481, %select_n3A_469 : vector<128x128xi1>, vector<128x128xf32>
    %slice3A_483 = vector.extract_strided_slice %add3A_320 {offsets = [12, 0, 0], sizes = [1, 128, 128], strides = [1, 1, 1]} : vector<16x128x128xf32> to vector<1x128x128xf32>
    %squeeze3A_484 = vector.shape_cast %slice3A_483 : vector<1x128x128xf32> to vector<128x128xf32>
    %lt3A_485 = arith.cmpf olt, %squeeze3A_484, %select_n3A_475 : vector<128x128xf32>
    %slice3A_486 = vector.extract_strided_slice %add3A_320 {offsets = [12, 0, 0], sizes = [1, 128, 128], strides = [1, 1, 1]} : vector<16x128x128xf32> to vector<1x128x128xf32>
    %squeeze3A_487 = vector.shape_cast %slice3A_486 : vector<1x128x128xf32> to vector<128x128xf32>
    %select_n3A_488 = arith.select %lt3A_485, %squeeze3A_487, %select_n3A_475 : vector<128x128xi1>, vector<128x128xf32>
    %convert_element_type3A_489 = arith.sitofp %arg0 : i32 to f32
    %mul3A_490 = arith.constant 1.600000e+01 : f32
    %mul3A_491 = arith.mulf %mul3A_490, %convert_element_type3A_489 : f32
    %add3A_492 = arith.constant 1.200000e+01 : f32
    %add3A_493 = arith.addf %add3A_492, %mul3A_491 : f32
    %broadcast_in_dim3A_494 = vector.broadcast %add3A_493 : f32 to vector<128x128xf32>
    %select_n3A_495 = arith.select %lt3A_485, %broadcast_in_dim3A_494, %select_n3A_482 : vector<128x128xi1>, vector<128x128xf32>
    %slice3A_496 = vector.extract_strided_slice %add3A_320 {offsets = [13, 0, 0], sizes = [1, 128, 128], strides = [1, 1, 1]} : vector<16x128x128xf32> to vector<1x128x128xf32>
    %squeeze3A_497 = vector.shape_cast %slice3A_496 : vector<1x128x128xf32> to vector<128x128xf32>
    %lt3A_498 = arith.cmpf olt, %squeeze3A_497, %select_n3A_488 : vector<128x128xf32>
    %slice3A_499 = vector.extract_strided_slice %add3A_320 {offsets = [13, 0, 0], sizes = [1, 128, 128], strides = [1, 1, 1]} : vector<16x128x128xf32> to vector<1x128x128xf32>
    %squeeze3A_500 = vector.shape_cast %slice3A_499 : vector<1x128x128xf32> to vector<128x128xf32>
    %select_n3A_501 = arith.select %lt3A_498, %squeeze3A_500, %select_n3A_488 : vector<128x128xi1>, vector<128x128xf32>
    %convert_element_type3A_502 = arith.sitofp %arg0 : i32 to f32
    %mul3A_503 = arith.constant 1.600000e+01 : f32
    %mul3A_504 = arith.mulf %mul3A_503, %convert_element_type3A_502 : f32
    %add3A_505 = arith.constant 1.300000e+01 : f32
    %add3A_506 = arith.addf %add3A_505, %mul3A_504 : f32
    %broadcast_in_dim3A_507 = vector.broadcast %add3A_506 : f32 to vector<128x128xf32>
    %select_n3A_508 = arith.select %lt3A_498, %broadcast_in_dim3A_507, %select_n3A_495 : vector<128x128xi1>, vector<128x128xf32>
    %slice3A_509 = vector.extract_strided_slice %add3A_320 {offsets = [14, 0, 0], sizes = [1, 128, 128], strides = [1, 1, 1]} : vector<16x128x128xf32> to vector<1x128x128xf32>
    %squeeze3A_510 = vector.shape_cast %slice3A_509 : vector<1x128x128xf32> to vector<128x128xf32>
    %lt3A_511 = arith.cmpf olt, %squeeze3A_510, %select_n3A_501 : vector<128x128xf32>
    %slice3A_512 = vector.extract_strided_slice %add3A_320 {offsets = [14, 0, 0], sizes = [1, 128, 128], strides = [1, 1, 1]} : vector<16x128x128xf32> to vector<1x128x128xf32>
    %squeeze3A_513 = vector.shape_cast %slice3A_512 : vector<1x128x128xf32> to vector<128x128xf32>
    %select_n3A_514 = arith.select %lt3A_511, %squeeze3A_513, %select_n3A_501 : vector<128x128xi1>, vector<128x128xf32>
    %convert_element_type3A_515 = arith.sitofp %arg0 : i32 to f32
    %mul3A_516 = arith.constant 1.600000e+01 : f32
    %mul3A_517 = arith.mulf %mul3A_516, %convert_element_type3A_515 : f32
    %add3A_518 = arith.constant 1.400000e+01 : f32
    %add3A_519 = arith.addf %add3A_518, %mul3A_517 : f32
    %broadcast_in_dim3A_520 = vector.broadcast %add3A_519 : f32 to vector<128x128xf32>
    %select_n3A_521 = arith.select %lt3A_511, %broadcast_in_dim3A_520, %select_n3A_508 : vector<128x128xi1>, vector<128x128xf32>
    %slice3A_522 = vector.extract_strided_slice %add3A_320 {offsets = [15, 0, 0], sizes = [1, 128, 128], strides = [1, 1, 1]} : vector<16x128x128xf32> to vector<1x128x128xf32>
    %squeeze3A_523 = vector.shape_cast %slice3A_522 : vector<1x128x128xf32> to vector<128x128xf32>
    %lt3A_524 = arith.cmpf olt, %squeeze3A_523, %select_n3A_514 : vector<128x128xf32>
    %slice3A_525 = vector.extract_strided_slice %add3A_320 {offsets = [15, 0, 0], sizes = [1, 128, 128], strides = [1, 1, 1]} : vector<16x128x128xf32> to vector<1x128x128xf32>
    %squeeze3A_526 = vector.shape_cast %slice3A_525 : vector<1x128x128xf32> to vector<128x128xf32>
    %select_n3A_527 = arith.select %lt3A_524, %squeeze3A_526, %select_n3A_514 : vector<128x128xi1>, vector<128x128xf32>
    %convert_element_type3A_528 = arith.sitofp %arg0 : i32 to f32
    %mul3A_529 = arith.constant 1.600000e+01 : f32
    %mul3A_530 = arith.mulf %mul3A_529, %convert_element_type3A_528 : f32
    %add3A_531 = arith.constant 1.500000e+01 : f32
    %add3A_532 = arith.addf %add3A_531, %mul3A_530 : f32
    %broadcast_in_dim3A_533 = vector.broadcast %add3A_532 : f32 to vector<128x128xf32>
    %select_n3A_534 = arith.select %lt3A_524, %broadcast_in_dim3A_533, %select_n3A_521 : vector<128x128xi1>, vector<128x128xf32>
    %swap3A_535 = arith.constant 0 : index
    %swap3A_536 = arith.constant 0 : index
    %swap3A_537 = vector.load %arg20[%swap3A_535, %swap3A_536] : memref<128x128xf32, #tpu.memory_space<vmem>>, vector<128x128xf32>
    tpu.vector_store %arg20[%swap3A_535, %swap3A_536], %select_n3A_527 {strides = array<i32>} : memref<128x128xf32, #tpu.memory_space<vmem>>, vector<128x128xf32>,
    %swap3A_538 = arith.constant 0 : index
    %swap3A_539 = arith.constant 0 : index
    %swap3A_540 = vector.load %arg21[%swap3A_538, %swap3A_539] : memref<128x128xf32, #tpu.memory_space<vmem>>, vector<128x128xf32>
    tpu.vector_store %arg21[%swap3A_538, %swap3A_539], %select_n3A_534 {strides = array<i32>} : memref<128x128xf32, #tpu.memory_space<vmem>>, vector<128x128xf32>,
    %eq3A_541 = arith.constant 7 : i32
    %eq3A_542 = arith.cmpi eq, %arg0, %eq3A_541 : i32
    %convert_element_type3A_543 = arith.extui %eq3A_542 : i1 to i32
    %cond3A_544 = arith.constant 0 : i32
    %cond3A_545 = arith.cmpi ne, %convert_element_type3A_543, %cond3A_544 : i32
    scf.if %cond3A_545 {
      %le3A = arith.constant 1.000000e+06 : f32
      %le3A_546 = vector.broadcast %le3A : f32 to vector<128x128xf32>
      %le3A_547 = arith.cmpf ole, %select_n3A_281, %le3A_546 : vector<128x128xf32>
      %get3A_548 = arith.constant 0 : index
      %get3A_549 = arith.constant 0 : index
      %get3A_550 = vector.load %arg3[%get3A_548, %get3A_549] : memref<128x128xf32, #tpu.memory_space<vmem>>, vector<128x128xf32>
      %get3A_551 = arith.constant 0 : index
      %get3A_552 = arith.constant 0 : index
      %get3A_553 = vector.load %arg1[%get3A_551, %get3A_552] : memref<128x128xf32, #tpu.memory_space<vmem>>, vector<128x128xf32>
      %sub3A_554 = arith.subf %select_n3A_284, %get3A_553 : vector<128x128xf32>
      %mul3A_555 = arith.constant 2.500000e-01 : f32
      %mul3A_556 = vector.broadcast %mul3A_555 : f32 to vector<128x128xf32>
      %mul3A_557 = arith.mulf %sub3A_554, %mul3A_556 : vector<128x128xf32>
      %sub3A_558 = arith.subf %get3A_550, %mul3A_557 : vector<128x128xf32>
      %abs3A = math.absf %sub3A_558 : vector<128x128xf32>
      %lt3A_559 = arith.constant 2.500000e-01 : f32
      %lt3A_560 = vector.broadcast %lt3A_559 : f32 to vector<128x128xf32>
      %lt3A_561 = arith.cmpf olt, %abs3A, %lt3A_560 : vector<128x128xf32>
      %mul3A_562 = arith.constant 5.000000e-01 : f32
      %mul3A_563 = vector.broadcast %mul3A_562 : f32 to vector<128x128xf32>
      %mul3A_564 = arith.mulf %mul3A_563, %abs3A : vector<128x128xf32>
      %mul3A_565 = arith.mulf %mul3A_564, %abs3A : vector<128x128xf32>
      %div3A_566 = arith.constant 2.500000e-01 : f32
      %div3A_567 = vector.broadcast %div3A_566 : f32 to vector<128x128xf32>
      %div3A_568 = arith.divf %mul3A_565, %div3A_567 : vector<128x128xf32>
      %sub3A_569 = arith.constant 1.250000e-01 : f32
      %sub3A_570 = vector.broadcast %sub3A_569 : f32 to vector<128x128xf32>
      %sub3A_571 = arith.subf %abs3A, %sub3A_570 : vector<128x128xf32>
      %select_n3A_572 = arith.select %lt3A_561, %div3A_568, %sub3A_571 : vector<128x128xi1>, vector<128x128xf32>
      %get3A_573 = arith.constant 0 : index
      %get3A_574 = arith.constant 0 : index
      %get3A_575 = vector.load %arg4[%get3A_573, %get3A_574] : memref<128x128xf32, #tpu.memory_space<vmem>>, vector<128x128xf32>
      %get3A_576 = arith.constant 0 : index
      %get3A_577 = arith.constant 0 : index
      %get3A_578 = vector.load %arg2[%get3A_576, %get3A_577] : memref<128x128xf32, #tpu.memory_space<vmem>>, vector<128x128xf32>
      %sub3A_579 = arith.subf %select_n3A_287, %get3A_578 : vector<128x128xf32>
      %mul3A_580 = arith.constant 2.500000e-01 : f32
      %mul3A_581 = vector.broadcast %mul3A_580 : f32 to vector<128x128xf32>
      %mul3A_582 = arith.mulf %sub3A_579, %mul3A_581 : vector<128x128xf32>
      %sub3A_583 = arith.subf %get3A_575, %mul3A_582 : vector<128x128xf32>
      %abs3A_584 = math.absf %sub3A_583 : vector<128x128xf32>
      %lt3A_585 = arith.constant 2.500000e-01 : f32
      %lt3A_586 = vector.broadcast %lt3A_585 : f32 to vector<128x128xf32>
      %lt3A_587 = arith.cmpf olt, %abs3A_584, %lt3A_586 : vector<128x128xf32>
      %mul3A_588 = arith.constant 5.000000e-01 : f32
      %mul3A_589 = vector.broadcast %mul3A_588 : f32 to vector<128x128xf32>
      %mul3A_590 = arith.mulf %mul3A_589, %abs3A_584 : vector<128x128xf32>
      %mul3A_591 = arith.mulf %mul3A_590, %abs3A_584 : vector<128x128xf32>
      %div3A_592 = arith.constant 2.500000e-01 : f32
      %div3A_593 = vector.broadcast %div3A_592 : f32 to vector<128x128xf32>
      %div3A_594 = arith.divf %mul3A_591, %div3A_593 : vector<128x128xf32>
      %sub3A_595 = arith.constant 1.250000e-01 : f32
      %sub3A_596 = vector.broadcast %sub3A_595 : f32 to vector<128x128xf32>
      %sub3A_597 = arith.subf %abs3A_584, %sub3A_596 : vector<128x128xf32>
      %select_n3A_598 = arith.select %lt3A_587, %div3A_594, %sub3A_597 : vector<128x128xi1>, vector<128x128xf32>
      %add3A_599 = arith.addf %select_n3A_572, %select_n3A_598 : vector<128x128xf32>
      %jit3A_600 = arith.constant 0.000000e+00 : f32
      %broadcast_in_dim3A_601 = vector.broadcast %jit3A_600 : f32 to vector<128x128xf32>
      %select_n3A_602 = arith.select %le3A_547, %add3A_599, %broadcast_in_dim3A_601 : vector<128x128xi1>, vector<128x128xf32>
      %reduce_sum3A = vector.shape_cast %select_n3A_602 : vector<128x128xf32> to vector<1x128x128xf32>
      %reduce_sum3A_603 = arith.constant dense<0.000000e+00> : vector<1xf32>
      %reduce_sum3A_604 = vector.multi_reduction <add>, %reduce_sum3A, %reduce_sum3A_603 [1, 2] : vector<1x128x128xf32> to vector<1xf32>
      %reduce_sum3A_605 = vector.shape_cast %reduce_sum3A_604 : vector<1xf32> to vector<1x1x1xf32>
      %reduce_sum3A_606 = vector.extract %reduce_sum3A_605[0, 0, 0] : f32 from vector<1x1x1xf32>
      %swap3A_607 = arith.constant 0 : index
      %swap3A_608 = arith.constant 0 : index
      %swap3A_609 = memref.load %arg14[%swap3A_607, %swap3A_608] : memref<1x2xf32, #tpu.memory_space<smem>>
      memref.store %reduce_sum3A_606, %arg14[%swap3A_607, %swap3A_608] : memref<1x2xf32, #tpu.memory_space<smem>>
      %convert_element_type3A_610 = arith.extui %le3A_547 : vector<128x128xi1> to vector<128x128xi32>
      %convert_element_type3A_611 = arith.sitofp %convert_element_type3A_610 : vector<128x128xi32> to vector<128x128xf32>
      %reduce_sum3A_612 = vector.shape_cast %convert_element_type3A_611 : vector<128x128xf32> to vector<1x128x128xf32>
      %reduce_sum3A_613 = arith.constant dense<0.000000e+00> : vector<1xf32>
      %reduce_sum3A_614 = vector.multi_reduction <add>, %reduce_sum3A_612, %reduce_sum3A_613 [1, 2] : vector<1x128x128xf32> to vector<1xf32>
      %reduce_sum3A_615 = vector.shape_cast %reduce_sum3A_614 : vector<1xf32> to vector<1x1x1xf32>
      %reduce_sum3A_616 = vector.extract %reduce_sum3A_615[0, 0, 0] : f32 from vector<1x1x1xf32>
      %swap3A_617 = arith.constant 0 : index
      %swap3A_618 = arith.constant 1 : index
      %swap3A_619 = memref.load %arg14[%swap3A_617, %swap3A_618] : memref<1x2xf32, #tpu.memory_space<smem>>
      memref.store %reduce_sum3A_616, %arg14[%swap3A_617, %swap3A_618] : memref<1x2xf32, #tpu.memory_space<smem>>
      %le3A_620 = arith.constant 1.000000e+06 : f32
      %le3A_621 = vector.broadcast %le3A_620 : f32 to vector<128x128xf32>
      %le3A_622 = arith.cmpf ole, %select_n3A_527, %le3A_621 : vector<128x128xf32>
      %get3A_623 = arith.constant 0 : index
      %get3A_624 = arith.constant 0 : index
      %get3A_625 = vector.load %arg7[%get3A_623, %get3A_624] : memref<128x128xf32, #tpu.memory_space<vmem>>, vector<128x128xf32>
      %gt3A_626 = arith.constant 0.000000e+00 : f32
      %gt3A_627 = vector.broadcast %gt3A_626 : f32 to vector<128x128xf32>
      %gt3A_628 = arith.cmpf ogt, %get3A_625, %gt3A_627 : vector<128x128xf32>
      %and3A = arith.andi %gt3A_628, %le3A_622 : vector<128x128xi1>
      %jit3A_629 = arith.constant 1.000000e+00 : f32
      %jit3A_630 = arith.constant 0.000000e+00 : f32
      %broadcast_in_dim3A_631 = vector.broadcast %jit3A_629 : f32 to vector<128x128xf32>
      %broadcast_in_dim3A_632 = vector.broadcast %jit3A_630 : f32 to vector<128x128xf32>
      %select_n3A_633 = arith.select %and3A, %broadcast_in_dim3A_631, %broadcast_in_dim3A_632 : vector<128x128xi1>, vector<128x128xf32>
      %swap3A_634 = arith.constant 0 : index
      %swap3A_635 = arith.constant 0 : index
      %swap3A_636 = vector.load %arg16[%swap3A_634, %swap3A_635] : memref<128x128xf32, #tpu.memory_space<vmem>>, vector<128x128xf32>
      tpu.vector_store %arg16[%swap3A_634, %swap3A_635], %select_n3A_633 {strides = array<i32>} : memref<128x128xf32, #tpu.memory_space<vmem>>, vector<128x128xf32>,
      %iota3A = tpu.iota {dimensions = array<i32: 1>} : vector<128x128xi32>
      %convert_element_type3A_637 = arith.fptosi %select_n3A_534 : vector<128x128xf32> to vector<128x128xi32>
      %mul3A_638 = arith.constant 128 : i32
      %mul3A_639 = vector.broadcast %mul3A_638 : i32 to vector<128x128xi32>
      %mul3A_640 = arith.muli %iota3A, %mul3A_639 : vector<128x128xi32>
      %add3A_641 = arith.addi %convert_element_type3A_637, %mul3A_640 : vector<128x128xi32>
      %swap3A_642 = arith.constant 0 : index
      %swap3A_643 = arith.constant 0 : index
      %swap3A_644 = vector.load %arg15[%swap3A_642, %swap3A_643] : memref<128x128xi32, #tpu.memory_space<vmem>>, vector<128x128xi32>
      tpu.vector_store %arg15[%swap3A_642, %swap3A_643], %add3A_641 {strides = array<i32>} : memref<128x128xi32, #tpu.memory_space<vmem>>, vector<128x128xi32>,
    } else {
    }
    return
  }
  func.func @transform_0(%arg0: i32) -> (i32, i32) {
    %c0_i32 = arith.constant 0 : i32
    %c0_i32_0 = arith.constant 0 : i32
    %c0_i32_1 = arith.constant 0 : i32
    return %c0_i32, %c0_i32_0 : i32, i32
  }
  func.func @transform_1(%arg0: i32) -> (i32, i32) {
    %c0_i32 = arith.constant 0 : i32
    %c0_i32_0 = arith.constant 0 : i32
    %c0_i32_1 = arith.constant 0 : i32
    return %c0_i32, %c0_i32_0 : i32, i32
  }
  func.func @transform_2(%arg0: i32) -> (i32, i32) {
    %c0_i32 = arith.constant 0 : i32
    %c0_i32_0 = arith.constant 0 : i32
    %c0_i32_1 = arith.constant 0 : i32
    return %c0_i32, %c0_i32_0 : i32, i32
  }
  func.func @transform_3(%arg0: i32) -> (i32, i32) {
    %c0_i32 = arith.constant 0 : i32
    %c0_i32_0 = arith.constant 0 : i32
    %c0_i32_1 = arith.constant 0 : i32
    return %c0_i32, %c0_i32_0 : i32, i32
  }
  func.func @transform_4(%arg0: i32) -> (i32, i32) {
    %c0_i32 = arith.constant 0 : i32
    %c0_i32_0 = arith.constant 0 : i32
    %c0_i32_1 = arith.constant 0 : i32
    return %c0_i32, %c0_i32_0 : i32, i32
  }
  func.func @transform_5(%arg0: i32) -> (i32, i32) {
    %c0_i32 = arith.constant 0 : i32
    %c0_i32_0 = arith.constant 0 : i32
    %c0_i32_1 = arith.constant 0 : i32
    return %c0_i32, %c0_i32_0 : i32, i32
  }
  func.func @transform_6(%arg0: i32) -> (i32, i32) {
    %c0_i32 = arith.constant 0 : i32
    %c0_i32_0 = arith.constant 0 : i32
    %c0_i32_1 = arith.constant 0 : i32
    return %c0_i32, %c0_i32_0 : i32, i32
  }
  func.func @transform_7(%arg0: i32) -> (i32, i32) {
    %c0_i32 = arith.constant 0 : i32
    %c0_i32_0 = arith.constant 0 : i32
    return %arg0, %c0_i32 : i32, i32
  }
  func.func @transform_8(%arg0: i32) -> (i32, i32) {
    %c0_i32 = arith.constant 0 : i32
    %c0_i32_0 = arith.constant 0 : i32
    return %arg0, %c0_i32 : i32, i32
  }
  func.func @transform_9(%arg0: i32) -> (i32, i32) {
    %c0_i32 = arith.constant 0 : i32
    %c0_i32_0 = arith.constant 0 : i32
    return %arg0, %c0_i32 : i32, i32
  }
  func.func @transform_10(%arg0: i32) -> (i32, i32) {
    %c0_i32 = arith.constant 0 : i32
    %c0_i32_0 = arith.constant 0 : i32
    return %arg0, %c0_i32 : i32, i32
  }
  func.func @transform_11(%arg0: i32) -> (i32, i32) {
    %c0_i32 = arith.constant 0 : i32
    %c0_i32_0 = arith.constant 0 : i32
    return %arg0, %c0_i32 : i32, i32
  }
  func.func @transform_12(%arg0: i32) -> (i32, i32) {
    %c0_i32 = arith.constant 0 : i32
    %c0_i32_0 = arith.constant 0 : i32
    return %arg0, %c0_i32 : i32, i32
  }
  func.func @transform_13(%arg0: i32) -> (i32, i32) {
    %c0_i32 = arith.constant 0 : i32
    %c0_i32_0 = arith.constant 0 : i32
    %c0_i32_1 = arith.constant 0 : i32
    return %c0_i32, %c0_i32_0 : i32, i32
  }
  func.func @transform_14(%arg0: i32) -> (i32, i32) {
    %c0_i32 = arith.constant 0 : i32
    %c0_i32_0 = arith.constant 0 : i32
    %c0_i32_1 = arith.constant 0 : i32
    return %c0_i32, %c0_i32_0 : i32, i32
  }
  func.func @transform_15(%arg0: i32) -> (i32, i32) {
    %c0_i32 = arith.constant 0 : i32
    %c0_i32_0 = arith.constant 0 : i32
    %c0_i32_1 = arith.constant 0 : i32
    return %c0_i32, %c0_i32_0 : i32, i32
  }
}

</mosaic_0001>

<sc_bundles>
// kernel: kernel.4.cloned.1.call-start
scs
__scs_entry_jumppad:
0x0: {  	(pc) =	sbr.rel $0x88, $3  }
0x1: {  	(tag) =	ssettag $0x0;
	lr =	simm.s32 $0x1  }
0x2: {  	[smem:$0x3F9C] =	sst lr;
	_ =	strace $0xD0000000  }
0x3: {  	_ = 	snop  }
0x4: {  	_ = 	snop  }
0x5: {  	_ = 	snop  }
0x6: {  	_ = 	snop  }
0x7: {  	_ = 	snop  }
__scs_overlays_trampoline_lowered:
0x8: {  	[smem:$0x3FAB] =	sst s0  }
0x9: {  	[smem:$0x3FAC] =	sst s1  }
0xa: {  	[smem:$0x3FAD] =	sst s2  }
0xb: {  	[smem:$0x3FAE] =	sst s3  }
0xc: {  	[smem:$0x3FAF] =	sst s4  }
0xd: {  	[smem:$0x3FB0] =	sst s5  }
0xe: {  	[smem:$0x3FB1] =	sst s6  }
0xf: {  	[smem:$0x3FB2] =	sst s7  }
0x10: {  	[smem:$0x3FB3] =	sst s8  }
0x11: {  	[smem:$0x3FB4] =	sst s9;
	s0 =	simm.s32 @!p0 $0x0  }
0x12: {  	s1 =	sld [smem:$0x3F9A];
	s0 =	simm.s32 @p0 $0x1  }
0x13: {  	[smem:$0x3FB5] =	sst s0;
	s0 =	simm.s32 @!p1 $0x0  }
0x14: {  	s2 =	sld [smem:$0x3F99];
	s0 =	simm.s32 @p1 $0x1  }
0x15: {  	[smem:$0x3FB6] =	sst s0;
	s0 =	simm.s32 @!p2 $0x0  }
0x16: {  	s3 =	sld [smem:$0x3FDB];
	s0 =	simm.s32 @p2 $0x1  }
0x17: {  	s4 =	simm.s32 $0x1BF5;
	[smem:$0x3FB8] =	sst s0  }
0x18: {  	s0 =	sld [smem:$0x3F9B];
	_ =	swait.ge [sflag:s4], $0x0  }
0x19: {  	s7 =	sld [smem:$0x3F9C]  }
0x1a: {  	s8 =	sadd.s32 $0xFFFFE003, lr  }
0x1b: {  	s9 =	sadd.s32 $0xFFFFFEF7, lr;
	s5 =	simm.s32 $0xFFFFFFFF;
	p2 =	slt.u32 s8, $0xFFFFF086  }
0x1c: {  	p1 =	slt.u32 s9, $0xF7A;
	s5 =	simm.s32 @!p2 $0x0  }
0x1d: {  	s5 =	simm.s32 @p1 $0x1;
	p0 =	seq.s32 s7, s2  }
0x1e: {  	s7 =	smul.u32 @!p0 $0xF7A, s2;
	p2 =	seq.s32 @!p0 s5, $0x0  }
0x1f: {  	s9 =	smul.u32 $0xF7A, s1;
	s8 =	simm.s32 @!p0 $0x1BF5;
	p2 =	por !p2, p0  }
0x20: {  	[sflag:s8] =	ssyncset.s32 @!p0 $0xFFFFF086;
	s6 =	sadd.s32 @!p0 s3, s7;
	s7 =	simm.s32 @!p0 $0x108  }
0x21: {  	s3 =	sadd.s32 s3, s9;
	s6 =	sadd.s32 @!p0 $0x88, s6;
	s7 =	simm.s32 @p2 $0x1082  }
0x22: {  	[simem:s7], [sflag:s8] =	dma.local @!p0 [hbm:s6], $0xF7A  }
0x23: {  	s9 =	sor.u32 $0xD0000000, s2;
	s6 =	simm.s32 $0x108;
	_ =	swait.ge @!p0 [sflag:s8], $0x0  }
0x24: {  	s3 =	sadd.s32 $0x88, s3;
	s6 =	simm.s32 @!p1 $0x1082;
	[sflag:s4] =	ssyncset.s32 $0xFFFFF086  }
0x25: {  	[simem:s6], [sflag:s4] =	dma.local [hbm:s3], $0xF7A  }
0x26: {  	[smem:$0x3F9C] =	sst s1;
	(tag) =	ssettag s2;
	_ =	strace s9  }
0x27: {  	s1 =	sld [smem:$0x3FAC]  }
0x28: {  	s2 =	sld [smem:$0x3FAD]  }
0x29: {  	s4 =	sld [smem:$0x3FAF]  }
0x2a: {  	p0 =	seq.s32 s5, $0x0;
	s5 =	sld [smem:$0x3FB0]  }
0x2b: {  	s6 =	sld [smem:$0x3FB1]  }
0x2c: {  	s7 =	sld [smem:$0x3FB2]  }
0x2d: {  	s3 =	simm.s32 $0x108;
	s8 =	sld [smem:$0x3FB3]  }
0x2e: {  	s3 =	simm.s32 @!p0 $0x1082;
	s9 =	sld [smem:$0x3FB4]  }
0x2f: {  	lr =	sadd.s32 s0, s3;
	s0 =	sld [smem:$0x3FAB]  }
0x30: {  	s3 =	sld [smem:$0x3FAE]  }
0x31: {  	[smem:$0x3FB7] =	sst s10  }
0x32: {  	s10 =	sld [smem:$0x3FB5];
	_ =	sdelay $0x3  }
0x33: {  	p0 =	seq.s32 s10, $0x1;
	s10 =	sld [smem:$0x3FB7];
	_ =	sdelay $0x3  }
0x34: {  	[smem:$0x3FB7] =	sst s10  }
0x35: {  	s10 =	sld [smem:$0x3FB6];
	_ =	sdelay $0x3  }
0x36: {  	p1 =	seq.s32 s10, $0x1;
	s10 =	sld [smem:$0x3FB7];
	_ =	sdelay $0x3  }
0x37: {  	[smem:$0x3FB7] =	sst s10  }
0x38: {  	s10 =	sld [smem:$0x3FB8]  }
0x39: {  	_ = 	snop;
	(pc) =	sbr.ind lr, $3  }
0x3a: {  	_ = 	snop  }
0x3b: {  	_ = 	snop  }
0x3c: {  	p2 =	seq.s32 s10, $0x1;
	s10 =	sld [smem:$0x3FB7]  }
0x3d: {  	_ =	shalt  }
0x3e: {  	_ =	shalt  }
0x3f: {  	_ =	shalt  }
0x40: {  	_ =	shalt  }
0x41: {  	_ =	shalt  }
0x42: {  	_ =	shalt  }
0x43: {  	_ =	shalt  }
0x44: {  	_ =	shalt  }
0x45: {  	_ =	shalt  }
0x46: {  	_ =	shalt  }
0x47: {  	_ =	shalt  }
0x48: {  	_ =	shalt  }
0x49: {  	_ =	shalt  }
0x4a: {  	_ =	shalt  }
0x4b: {  	_ =	shalt  }
0x4c: {  	_ =	shalt  }
0x4d: {  	_ =	shalt  }
0x4e: {  	_ =	shalt  }
0x4f: {  	_ =	shalt  }
0x50: {  	_ =	shalt  }
0x51: {  	_ =	shalt  }
0x52: {  	_ =	shalt  }
0x53: {  	_ =	shalt  }
0x54: {  	_ =	shalt  }
0x55: {  	_ =	shalt  }
0x56: {  	_ =	shalt  }
0x57: {  	_ =	shalt  }
0x58: {  	_ =	shalt  }
0x59: {  	_ =	shalt  }
0x5a: {  	_ =	shalt  }
0x5b: {  	_ =	shalt  }
0x5c: {  	_ =	shalt  }
0x5d: {  	_ =	shalt  }
0x5e: {  	_ =	shalt  }
0x5f: {  	_ =	shalt  }
0x60: {  	_ =	shalt  }
0x61: {  	_ =	shalt  }
0x62: {  	_ =	shalt  }
0x63: {  	_ =	shalt  }
0x64: {  	_ =	shalt  }
0x65: {  	_ =	shalt  }
0x66: {  	_ =	shalt  }
0x67: {  	_ =	shalt  }
0x68: {  	_ =	shalt  }
0x69: {  	_ =	shalt  }
0x6a: {  	_ =	shalt  }
0x6b: {  	_ =	shalt  }
0x6c: {  	_ =	shalt  }
0x6d: {  	_ =	shalt  }
0x6e: {  	_ =	shalt  }
0x6f: {  	_ =	shalt  }
0x70: {  	_ =	shalt  }
0x71: {  	_ =	shalt  }
0x72: {  	_ =	shalt  }
0x73: {  	_ =	shalt  }
0x74: {  	_ =	shalt  }
0x75: {  	_ =	shalt  }
0x76: {  	_ =	shalt  }
0x77: {  	_ =	shalt  }
0x78: {  	_ =	shalt  }
0x79: {  	_ =	shalt  }
0x7a: {  	_ =	shalt  }
0x7b: {  	_ =	shalt  }
0x7c: {  	_ =	shalt  }
0x7d: {  	_ =	shalt  }
0x7e: {  	_ =	shalt  }
0x7f: {  	_ =	shalt  }
0x80: {  	_ =	shalt  }
0x81: {  	_ =	shalt  }
0x82: {  	_ =	shalt  }
0x83: {  	_ =	shalt  }
0x84: {  	_ =	shalt  }
0x85: {  	_ =	shalt  }
0x86: {  	_ =	shalt  }
0x87: {  	_ =	shalt  }
.Lfunc_end0:
.L_simem_size_0:
called_computation_lowered:
.L_overlay_start_0:
0x88: {  	s2 =	sld [smem:$0x3FD9]  }
0x89: {  	s3 =	sld [smem:$0x3FFE];
	_ =	sdelay $0x1  }
0x8a: {  	s1 =	srdreg.scid  }
0x8b: {  	s0 =	sand.u32 $0x1, s1  }
0x8c: {  	s16 =	sshll.u32 s0, $0xA;
	s2 =	sadd.s32 s3, s2  }
0x8d: {  	s2 =	sadd.s32 s2, s16  }
0x8e: {  	[smem:$0x3FC3] =	sst s2  }
0x8f: {  	_ = 	snop  }
0x90: {  	(tm) =	ssettm $0x1  }
0x91: {  	s17 =	sld [smem:$0x3FFB];
	_ =	sdelay $0x3  }
0x92: {  	_ =	strace s17  }
0x93: {  	s2 =	sld [smem:$0x3FFC];
	_ =	sdelay $0x3  }
0x94: {  	_ =	strace s2  }
0x95: {  	s2 =	sld [smem:$0x3FFD];
	_ =	sdelay $0x3  }
0x96: {  	_ =	strace s2  }
0x97: {  	_ =	strace $0x8FFFFFFF  }
0x98: {  	s18 =	sld [smem:$0x3FDB];
	_ =	sdelay $0x1  }
0x99: {  	s19 =	simm.s32 $_scs_section_size  }
0x9a: {  	s4 =	simm.s32 $_size__tile_overlayer_lowered;
	s5 =	simm.s32 $_tile_overlayer_lowered  }
0x9b: {  	s22 =	simm.s32 $0x1BFF;
	s21 =	sshll.u32 s5, $0x1;
	s2 =	sadd.s32 s19, s18  }
0x9c: {  	s6 =	simm.s32 $0x0;
	s20 =	sshll.u32 s4, $0x1;
	s4 =	sadd.s32 s21, s2  }
0x9d: {  	[timem:s6], [sflag:s22] =	dma.local [hbm:s4], s20  }
0x9e: {  	_ =	swait.ge [sflag:s22], s20  }
0x9f: {  	s3 =	ssub.s32 $0x0, s20;
	[sflag:s22] =	ssyncset.done $0x0  }
0xa0: {  	[sflag:s22] =	ssyncadd.s32 s3;
	_ =	sdelay $0x1  }
0xa1: {  	s23 =	simm.s32 $0x1B8B  }
0xa2: {  	_ =	swait.ge [sflag:s23], $0x1  }
0xa3: {  	[sflag:s23] =	ssyncset.done $0x0  }
0xa4: {  	s25 =	simm.s32 $0x1B8E;
	s24 =	sld [smem:$0x3FFE];
	[sflag:s23] =	ssyncadd.s32 $0xFFFFFFFF  }
0xa5: {  	s26 =	simm.s32 $execute0_lowered;
	[smem:$0x3FD2] =	sst s25  }
0xa6: {  	s4 =	sshll.u32 s26, $0x1;
	_ =	strace $0x80000046;
	[dreg:$0x1] =	wrdreg $0xFFFFFFFF  }
0xa7: {  	s28 =	simm.s32 $_size_execute0_lowered;
	s2 =	sadd.s32 s2, s4;
	[dreg:$0x0] =	wrdreg $0x0  }
0xa8: {  	s4 =	sshll.u32 s28, $0x1;
	[dreg:$0x2] =	wrdreg s2  }
0xa9: {  	[dreg:$0x3] =	wrdreg s4  }
0xaa: {  	[dreg:$0x4] =	wrdreg $0xC0  }
0xab: {  	_ =	task [dreg:s6], $0x5FFFF  }
0xac: {  	[dreg:$0x1] =	wrdreg $0xFFFFFFFF  }
0xad: {  	[dreg:$0x0] =	wrdreg $0x60  }
0xae: {  	[dreg:$0x2] =	wrdreg s24  }
0xaf: {  	[dreg:$0x3] =	wrdreg $0x9  }
0xb0: {  	_ =	task.clear_ibuf [dreg:s6], $0x4FFFF;
	_ =	strace $0x90000046  }
0xb1: {  	s29 =	simm.s32 $0x9;
	_ =	strace $0x80000048  }
0xb2: {  	_ =	swait.ge [sflag:s29], $0x1  }
0xb3: {  	[sflag:s29] =	ssyncadd.s32 $0xFFFFFFFF  }
0xb4: {  	_ =	strace $0x90000048  }
0xb5: {  	_ =	sfence  }
0xb6: {  	s30 =	sld [smem:$0x0];
	_ =	sdelay $0x2  }
0xb7: {  	s31 =	sshll.u32 s1, $0xD;
	s1 =	sshrl.u32 s1, $0x2  }
0xb8: {  	s3 =	sand.u32 $0x4000, s31;
	s1 =	sadd.s32 s1, s30  }
0xb9: {  	s0 =	sor.u32 s3, s0;
	s1 =	sshll.u32 s1, $0x11  }
0xba: {  	s0 =	sor.u32 s1, s0  }
0xbb: {  	s0 =	sadd.s32 $0x8F2B, s0  }
0xbc: {  	[sflag:s0] =	ssyncadd.remote.s32 $0x1  }
0xbd: {  	_ =	sfence.sel $0xFFFF  }
0xbe: {  	[dreg:$0x0] =	wrdreg $0xFFFFFFFF;
	(pc) =	sbr.abs _section_cstart, $3  }
0xbf: {  	[dreg:$0x1] =	wrdreg $0xFFFFFFFF  }
0xc0: {  	_ =	task.clear_ibuf [dreg:s6], $0x2FFFF;
	_ =	strace $0x9FFFFFFF  }
0xc1: {  	(tm) =	ssettm $0x7FFFFFFF  }
tec
execute0_lowered:
.L_overlay_start_1:
0x0: {  	(tag) =	ssettag $0x1  }
0x1: {  	s0 =	rddreg [dreg:$0x0]  }
0x2: {  	s3 =	srdreg.scid;
	s2 =	simm.s32 $0x0;
	s1 =	stileid.u32  }
0x3: {  	s26 =	simm.s32 $0xA00;
	s11 =	simm.s32 $0x80;
	s12 =	simm.s32 $0x200  }
0x4: {  	s13 =	simm.s32 $0x400;
	s14 =	simm.s32 $0x600;
	s15 =	simm.s32 $0x800  }
0x5: {  	s16 =	simm.s32 $0x280;
	s17 =	simm.s32 $0x480;
	s18 =	simm.s32 $0x680  }
0x6: {  	s28 =	simm.s32 $0x580;
	s29 =	simm.s32 $0x780;
	s30 =	simm.s32 $0x980  }
0x7: {  	s31 =	simm.s32 $0x1;
	s6 =	sand.u32 $0x1, s3;
	[smem:$0x7FF] =	sst s2  }
0x8: {  	s4 =	sshll.u32 s1, $0x7;
	s3 =	sadd.s32 $0x2400, s0;
	s21 =	sshll.u32 s1, $0x6  }
0x9: {  	s5 =	sshll.u32 s6, $0x6;
	_ =	strace $0x80000047;
	s8 =	sshll.u32 s6, $0x5  }
0xa: {  	v0 =	vimm.f32 $2.500000000e-01;
	s10 =	ssub.s32 $0x2, s6;
	s6 =	sadd.s32 $0x2C00, s0;
	[dreg:$0x7] =	wrdreg s26  }
0xb: {  	s26 =	simm.s32 $0x380;
	s5 =	sor.u32 s5, s4;
	s4 =	sadd.s32 $0x1C00, s0;
	(erf) = vrcp.f32 v0  }
0xc: {  	s8 =	sadd.s32 s8, s0;
	s24 =	sshrl.u32 s10, $0x1;
	s7 =	sadd.s32 s5, s0  }
0xd: {  	s5 =	sadd.s32 $0x3400, s0;
	s23 =	sadd.s32 s21, s8;
	s25 =	ssub.s32 s10, s24  }
0xe: {  	s8 =	simm.s32 $0x2;
	s10 =	simm.s32 $0xE00;
	s9 =	sadd.s32 $0x4C00, s7  }
0xf: {  	s21 =	simm.s32 $0x300;
	s19 =	sadd.s32 $0x3C00, s7;
	[dreg:$0x2] =	wrdreg s9  }
0x10: {  	s24 =	simm.s32 $0x900;
	s20 =	sadd.s32 $0x4400, s7;
	[dreg:$0x3] =	wrdreg s19  }
0x11: {  	s0 =	simm.s32 $0x1000;
	s22 =	sadd.s32 $0x5400, s7;
	[dreg:$0x4] =	wrdreg s20  }
0x12: {  	s7 =	sadd.s32 $0x5C00, s23;
	s23 =	simm.s32 $0x700;
	[dreg:$0x5] =	wrdreg s22  }
0x13: {  	[dreg:$0x6] =	wrdreg s7;
	s7 =	smax.u32 s25, $0x1;
	s19 =	simm.s32 $0x880  }
0x14: {  	s20 =	simm.s32 $0x100;
	s22 =	simm.s32 $0x500;
	s25 =	simm.s32 $0x180;
	v0 =	vpop (erf)  }
.LBB2_1:
0x15: {  	s1 =	rddreg [dreg:$0x2]  }
0x16: {  	[tilespmem:s2], [sflag:$0x2] =	stream.linear.gather [hbm4b:s1+s2], $0x200, $0x38;
	[tilespmem:$0x1100] =	vst v63  }
0x17: {  	_ =	swait.ge [sflag:s8], $0x200  }
0x18: {  	s1 =	rddreg [dreg:$0x3];
	[sflag:s8] =	ssyncset.done $0x0  }
0x19: {  	s9 =	rddreg [dreg:$0x7];
	[sflag:s8] =	ssyncadd.s32 $0xFFFFFE00  }
0x1a: {  	[tilespmem:s9], [sflag:$0x2] =	stream.linear.gather [hbm4b:s1+s2], $0x200, $0x38;
	[tilespmem:$0x1100] =	vst v63  }
0x1b: {  	_ =	swait.ge [sflag:s8], $0x200  }
0x1c: {  	[sflag:s8] =	ssyncset.done $0x0  }
0x1d: {  	s9 =	simm.s32 $0xC00;
	s1 =	rddreg [dreg:$0x4];
	[sflag:s8] =	ssyncadd.s32 $0xFFFFFE00  }
0x1e: {  	[tilespmem:s9], [sflag:$0x2] =	stream.linear.gather [hbm4b:s1+s2], $0x200, $0x38;
	[tilespmem:$0x1100] =	vst v63  }
0x1f: {  	_ =	swait.ge [sflag:s8], $0x200  }
0x20: {  	[sflag:s8] =	ssyncset.done $0x0  }
0x21: {  	s9 =	rddreg [dreg:$0x5];
	[sflag:s8] =	ssyncadd.s32 $0xFFFFFE00  }
0x22: {  	[tilespmem:s10], [sflag:$0x2] =	stream.linear.gather [hbm4b:s9+s2], $0x200, $0x38;
	[tilespmem:$0x1100] =	vst v63  }
0x23: {  	_ =	swait.ge [sflag:s8], $0x200  }
0x24: {  	[sflag:s8] =	ssyncset.done $0x0  }
0x25: {  	[sflag:s8] =	ssyncadd.s32 $0xFFFFFE00  }
0x26: {  	[tilespmem:s12], [sflag:$0x1] =	stream.indirect.gather [hbm4b:s3+s11], $0x1, s2, s11, $0xb8;
	[tilespmem:$0x1100] =	vst v63  }
0x27: {  	_ = 	snop  }
0x28: {  	[tilespmem:s13], [sflag:$0x1] =	stream.indirect.gather [hbm4b:s4+s11], $0x1, s2, s11, $0xb8;
	[tilespmem:$0x1100] =	vst v63  }
0x29: {  	_ = 	snop  }
0x2a: {  	[tilespmem:s14], [sflag:$0x1] =	stream.indirect.gather [hbm4b:s5+s11], $0x1, s2, s11, $0xb8;
	[tilespmem:$0x1100] =	vst v63  }
0x2b: {  	_ = 	snop  }
0x2c: {  	[tilespmem:s15], [sflag:$0x1] =	stream.indirect.gather [hbm4b:s6+s11], $0x1, s2, s11, $0xb8;
	[tilespmem:$0x1100] =	vst v63  }
0x2d: {  	_ = 	snop  }
0x2e: {  	[tilespmem:s16], [sflag:$0x1] =	stream.indirect.gather [hbm4b:s3+s11], $0x1, s11, s11, $0xb8;
	[tilespmem:$0x1100] =	vst v63  }
0x2f: {  	_ = 	snop  }
0x30: {  	[tilespmem:s17], [sflag:$0x1] =	stream.indirect.gather [hbm4b:s4+s11], $0x1, s11, s11, $0xb8;
	[tilespmem:$0x1100] =	vst v63  }
0x31: {  	_ = 	snop  }
0x32: {  	[tilespmem:s18], [sflag:$0x1] =	stream.indirect.gather [hbm4b:s5+s11], $0x1, s11, s11, $0xb8;
	[tilespmem:$0x1100] =	vst v63  }
0x33: {  	_ = 	snop  }
0x34: {  	[tilespmem:s19], [sflag:$0x1] =	stream.indirect.gather [hbm4b:s6+s11], $0x1, s11, s11, $0xb8;
	[tilespmem:$0x1100] =	vst v63  }
0x35: {  	_ = 	snop  }
0x36: {  	[tilespmem:s21], [sflag:$0x1] =	stream.indirect.gather [hbm4b:s3+s11], $0x1, s20, s11, $0xb8;
	[tilespmem:$0x1100] =	vst v63  }
0x37: {  	_ = 	snop  }
0x38: {  	[tilespmem:s22], [sflag:$0x1] =	stream.indirect.gather [hbm4b:s4+s11], $0x1, s20, s11, $0xb8;
	[tilespmem:$0x1100] =	vst v63  }
0x39: {  	_ = 	snop  }
0x3a: {  	[tilespmem:s23], [sflag:$0x1] =	stream.indirect.gather [hbm4b:s5+s11], $0x1, s20, s11, $0xb8;
	[tilespmem:$0x1100] =	vst v63  }
0x3b: {  	_ = 	snop  }
0x3c: {  	[tilespmem:s24], [sflag:$0x1] =	stream.indirect.gather [hbm4b:s6+s11], $0x1, s20, s11, $0xb8;
	[tilespmem:$0x1100] =	vst v63  }
0x3d: {  	_ = 	snop  }
0x3e: {  	[tilespmem:s26], [sflag:$0x1] =	stream.indirect.gather [hbm4b:s3+s11], $0x1, s25, s11, $0xb8;
	[tilespmem:$0x1100] =	vst v63  }
0x3f: {  	_ = 	snop  }
0x40: {  	[tilespmem:s28], [sflag:$0x1] =	stream.indirect.gather [hbm4b:s4+s11], $0x1, s25, s11, $0xb8;
	[tilespmem:$0x1100] =	vst v63  }
0x41: {  	_ = 	snop  }
0x42: {  	[tilespmem:s29], [sflag:$0x1] =	stream.indirect.gather [hbm4b:s5+s11], $0x1, s25, s11, $0xb8;
	[tilespmem:$0x1100] =	vst v63  }
0x43: {  	_ = 	snop  }
0x44: {  	[tilespmem:s30], [sflag:$0x1] =	stream.indirect.gather [hbm4b:s6+s11], $0x1, s25, s11, $0xb8;
	[tilespmem:$0x1100] =	vst v63  }
0x45: {  	_ =	swait.ge [sflag:s31], $0x80  }
0x46: {  	[sflag:s31] =	ssyncset.done $0x0  }
0x47: {  	[sflag:s31] =	ssyncadd.s32 $0xFFFFFF80  }
0x48: {  	_ =	swait.ge [sflag:s31], $0x80  }
0x49: {  	[sflag:s31] =	ssyncset.done $0x0  }
0x4a: {  	[sflag:s31] =	ssyncadd.s32 $0xFFFFFF80  }
0x4b: {  	_ =	swait.ge [sflag:s31], $0x80  }
0x4c: {  	[sflag:s31] =	ssyncset.done $0x0  }
0x4d: {  	[sflag:s31] =	ssyncadd.s32 $0xFFFFFF80  }
0x4e: {  	_ =	swait.ge [sflag:s31], $0x80  }
0x4f: {  	[sflag:s31] =	ssyncset.done $0x0  }
0x50: {  	[sflag:s31] =	ssyncadd.s32 $0xFFFFFF80  }
0x51: {  	_ =	swait.ge [sflag:s31], $0x80  }
0x52: {  	[sflag:s31] =	ssyncset.done $0x0  }
0x53: {  	[sflag:s31] =	ssyncadd.s32 $0xFFFFFF80  }
0x54: {  	_ =	swait.ge [sflag:s31], $0x80  }
0x55: {  	[sflag:s31] =	ssyncset.done $0x0  }
0x56: {  	[sflag:s31] =	ssyncadd.s32 $0xFFFFFF80  }
0x57: {  	_ =	swait.ge [sflag:s31], $0x80  }
0x58: {  	[sflag:s31] =	ssyncset.done $0x0  }
0x59: {  	[sflag:s31] =	ssyncadd.s32 $0xFFFFFF80  }
0x5a: {  	_ =	swait.ge [sflag:s31], $0x80  }
0x5b: {  	[sflag:s31] =	ssyncset.done $0x0  }
0x5c: {  	[sflag:s31] =	ssyncadd.s32 $0xFFFFFF80  }
0x5d: {  	_ =	swait.ge [sflag:s31], $0x80  }
0x5e: {  	[sflag:s31] =	ssyncset.done $0x0  }
0x5f: {  	[sflag:s31] =	ssyncadd.s32 $0xFFFFFF80  }
0x60: {  	_ =	swait.ge [sflag:s31], $0x80  }
0x61: {  	[sflag:s31] =	ssyncset.done $0x0  }
0x62: {  	[sflag:s31] =	ssyncadd.s32 $0xFFFFFF80  }
0x63: {  	_ =	swait.ge [sflag:s31], $0x80  }
0x64: {  	[sflag:s31] =	ssyncset.done $0x0  }
0x65: {  	[sflag:s31] =	ssyncadd.s32 $0xFFFFFF80  }
0x66: {  	_ =	swait.ge [sflag:s31], $0x80  }
0x67: {  	[sflag:s31] =	ssyncset.done $0x0  }
0x68: {  	[sflag:s31] =	ssyncadd.s32 $0xFFFFFF80  }
0x69: {  	_ =	swait.ge [sflag:s31], $0x80  }
0x6a: {  	[sflag:s31] =	ssyncset.done $0x0  }
0x6b: {  	[sflag:s31] =	ssyncadd.s32 $0xFFFFFF80  }
0x6c: {  	_ =	swait.ge [sflag:s31], $0x80  }
0x6d: {  	[sflag:s31] =	ssyncset.done $0x0  }
0x6e: {  	[sflag:s31] =	ssyncadd.s32 $0xFFFFFF80  }
0x6f: {  	_ =	swait.ge [sflag:s31], $0x80  }
0x70: {  	[sflag:s31] =	ssyncset.done $0x0  }
0x71: {  	[sflag:s31] =	ssyncadd.s32 $0xFFFFFF80  }
0x72: {  	_ =	swait.ge [sflag:s31], $0x80  }
0x73: {  	[sflag:s31] =	ssyncset.done $0x0  }
0x74: {  	[sflag:s31] =	ssyncadd.s32 $0xFFFFFF80  }
0x75: {  	v1 =	vld [tilespmem:$0x200]  }
0x76: {  	v2 =	vld [tilespmem:$0x400]  }
0x77: {  	v3 =	vld [tilespmem:$0xA00]  }
0x78: {  	v4 =	vld [tilespmem:$0xC00]  }
0x79: {  	v5 =	vld [tilespmem:$0x600]  }
0x7a: {  	v6 =	vld [tilespmem:$0x800]  }
0x7b: {  	v18 =	vld [tilespmem:$0x410]  }
0x7c: {  	v19 =	vld [tilespmem:$0xA10]  }
0x7d: {  	v20 =	vld [tilespmem:$0xC10]  }
0x7e: {  	v11 =	vld [tilespmem:$0x810]  }
0x7f: {  	v21 =	vld [tilespmem:$0x220]  }
0x80: {  	v22 =	vld [tilespmem:$0x420]  }
0x81: {  	v16 =	vld [tilespmem:$0x240]  }
0x82: {  	v39 =	vld [tilespmem:$0xA40]  }
0x83: {  	v51 =	vld [tilespmem:$0x450]  }
0x84: {  	v53 =	vld [tilespmem:$0xC50]  }
0x85: {  	v13 =	vld [tilespmem:$0xA20];
	v1 =	vsub.f32 v3, v1  }
0x86: {  	v15 =	vld [tilespmem:$0xC20];
	v2 =	vsub.f32 v4, v2;
	v4 =	vsub.f32 v20, v18  }
0x87: {  	v3 =	vld [tilespmem:$0x210];
	v1 =	vmul.f32 $2.500000000e-01, v1  }
0x88: {  	v44 =	vsub.f32 v39, v16;
	v2 =	vmul.f32 $2.500000000e-01, v2;
	v4 =	vmul.f32 $2.500000000e-01, v4  }
0x89: {  	v61 =	vsub.f32 v53, v51;
	v1 =	vsub.f32 v5, v1  }
0x8a: {  	v9 =	vld [tilespmem:$0x610];
	v2 =	vsub.f32 v6, v2;
	v4 =	vsub.f32 v11, v4  }
0x8b: {  	v24 =	vld [tilespmem:$0x820];
	v5 =	vsub.f32 v13, v21;
	v6 =	vsub.f32 v15, v22  }
0x8c: {  	v30 =	vld [tilespmem:$0x430];
	v3 =	vsub.f32 v19, v3;
	v1 =	vand.u32 $0x7FFFFFFF, v1;
	v2 =	vand.u32 $0x7FFFFFFF, v2  }
0x8d: {  	v34 =	vld [tilespmem:$0xC30];
	v4 =	vand.u32 $0x7FFFFFFF, v4;
	v5 =	vmul.f32 $2.500000000e-01, v5;
	v6 =	vmul.f32 $2.500000000e-01, v6  }
0x8e: {  	v60 =	vld [tilespmem:$0x260];
	v8 =	vmul.f32 $5.000000000e-01, v1;
	v10 =	vmul.f32 $5.000000000e-01, v2;
	v12 =	vadd.f32 $-1.250000000e-01, v1  }
0x8f: {  	v22 =	vld [tilespmem:$0xA60];
	v3 =	vmul.f32 $2.500000000e-01, v3;
	v14 =	vadd.f32 $-1.250000000e-01, v2;
	vm0 =	vlt.f32 v1, $2.500000000e-01  }
0x90: {  	vm1 =	vlt.f32 v2, $2.500000000e-01;
	v25 =	vmul.f32 $5.000000000e-01, v4;
	v29 =	vadd.f32 $-1.250000000e-01, v4  }
0x91: {  	v7 =	vld [tilespmem:$0xE00];
	v8 =	vmul.f32 v8, v1;
	v10 =	vmul.f32 v10, v2;
	v1 =	vsub.f32 v9, v3  }
0x92: {  	v26 =	vld [tilespmem:$0xE10];
	vm15 =	vlt.f32 v4, $2.500000000e-01;
	v6 =	vsub.f32 v24, v6;
	v9 =	vsub.f32 v34, v30  }
0x93: {  	v27 =	vld [tilespmem:$0xE20];
	v8 =	vmul.f32 v8, v0;
	v10 =	vmul.f32 v10, v0;
	v1 =	vand.u32 $0x7FFFFFFF, v1  }
0x94: {  	v28 =	vld [tilespmem:$0x230];
	v11 =	vsub.f32 v22, v60;
	v6 =	vand.u32 $0x7FFFFFFF, v6;
	v23 =	vmul.f32 $5.000000000e-01, v1  }
0x95: {  	v31 =	vld [tilespmem:$0xA30];
	v2 =	vsel vm0, v8, v12;
	v3 =	vsel vm1, v10, v14;
	v10 =	vmul.f32 v25, v4  }
0x96: {  	v35 =	vmul.f32 $5.000000000e-01, v6;
	v2 =	vadd.f32 v3, v2;
	v3 =	vld [tilespmem:$0x620];
	v8 =	vmul.f32 v23, v1  }
0x97: {  	v37 =	vld [tilespmem:$0x830];
	vm14 =	vlt.f32 v1, $2.500000000e-01;
	v1 =	vadd.f32 $-1.250000000e-01, v1;
	v10 =	vmul.f32 v10, v0  }
0x98: {  	v38 =	vld [tilespmem:$0x440];
	v2 =	vmul.f32 v2, v7;
	v8 =	vmul.f32 v8, v0;
	v7 =	vadd.f32 $0.0e+00, v7  }
0x99: {  	v45 =	vld [tilespmem:$0xE30];
	v18 =	vadd.f32 $-1.250000000e-01, v6;
	vm5 =	vlt.f32 v6, $2.500000000e-01;
	v9 =	vmul.f32 $2.500000000e-01, v9  }
0x9a: {  	v62 =	vld [tilespmem:$0x460];
	v32 =	vsel vm15, v10, v29;
	v1 =	vsel vm14, v8, v1;
	v47 =	vadd.f32 v26, v7  }
0x9b: {  	v19 =	vld [tilespmem:$0xC60];
	v11 =	vmul.f32 $2.500000000e-01, v11;
	v3 =	vsub.f32 v3, v5;
	v1 =	vadd.f32 v32, v1  }
0x9c: {  	v40 =	vld [tilespmem:$0xC40];
	v4 =	vsub.f32 v31, v28;
	v2 =	vadd.f32 $0.0e+00, v2;
	v8 =	vmul.f32 v35, v6  }
0x9d: {  	v54 =	vld [tilespmem:$0xE40];
	v5 =	vadd.f32 v27, v47;
	v3 =	vand.u32 $0x7FFFFFFF, v3;
	v1 =	vmul.f32 v1, v26  }
0x9e: {  	v36 =	vld [tilespmem:$0x630];
	v8 =	vmul.f32 v8, v0;
	v33 =	vmul.f32 $5.000000000e-01, v3;
	v17 =	vadd.f32 $-1.250000000e-01, v3  }
0x9f: {  	vm4 =	vlt.f32 v3, $2.500000000e-01;
	v5 =	vadd.f32 v45, v5;
	v1 =	vadd.f32 v1, v2  }
0xa0: {  	v42 =	vld [tilespmem:$0x640];
	v8 =	vsel vm5, v8, v18;
	v2 =	vsub.f32 v37, v9;
	v9 =	vsub.f32 v19, v62  }
0xa1: {  	v43 =	vld [tilespmem:$0x840];
	v10 =	vmul.f32 v33, v3;
	v3 =	vmul.f32 $2.500000000e-01, v4;
	v4 =	vsub.f32 v40, v38  }
0xa2: {  	v49 =	vld [tilespmem:$0x250];
	v5 =	vadd.f32 v54, v5;
	v2 =	vand.u32 $0x7FFFFFFF, v2;
	v9 =	vmul.f32 $2.500000000e-01, v9  }
0xa3: {  	v52 =	vld [tilespmem:$0xA50];
	v10 =	vmul.f32 v10, v0;
	v3 =	vsub.f32 v36, v3;
	v48 =	vmul.f32 $5.000000000e-01, v2  }
0xa4: {  	v4 =	vmul.f32 $2.500000000e-01, v4;
	v55 =	vadd.f32 $-1.250000000e-01, v2;
	vm7 =	vlt.f32 v2, $2.500000000e-01  }
0xa5: {  	v41 =	vsel vm4, v10, v17;
	v3 =	vand.u32 $0x7FFFFFFF, v3;
	v10 =	vmul.f32 $2.500000000e-01, v44  }
0xa6: {  	v7 =	vmul.f32 v48, v2;
	v4 =	vsub.f32 v43, v4;
	v6 =	vadd.f32 v8, v41  }
0xa7: {  	v57 =	vld [tilespmem:$0x650];
	v46 =	vmul.f32 $5.000000000e-01, v3;
	vm6 =	vlt.f32 v3, $2.500000000e-01;
	v8 =	vsub.f32 v42, v10  }
0xa8: {  	v32 =	vld [tilespmem:$0x470];
	v7 =	vmul.f32 v7, v0;
	v4 =	vand.u32 $0x7FFFFFFF, v4;
	v10 =	vsub.f32 v52, v49  }
0xa9: {  	v37 =	vld [tilespmem:$0xC70];
	v6 =	vmul.f32 v6, v27;
	v50 =	vmul.f32 v46, v3;
	v3 =	vadd.f32 $-1.250000000e-01, v3  }
0xaa: {  	v2 =	vmul.f32 $5.000000000e-01, v4;
	v23 =	vadd.f32 $-1.250000000e-01, v4;
	vm9 =	vlt.f32 v4, $2.500000000e-01  }
0xab: {  	v27 =	vld [tilespmem:$0x860];
	v8 =	vand.u32 $0x7FFFFFFF, v8;
	v7 =	vsel vm7, v7, v55;
	v10 =	vmul.f32 $2.500000000e-01, v10  }
0xac: {  	v1 =	vadd.f32 v6, v1;
	v6 =	vmul.f32 v50, v0;
	v56 =	vmul.f32 $5.000000000e-01, v8  }
0xad: {  	v58 =	vld [tilespmem:$0x850];
	v2 =	vmul.f32 v2, v4;
	v21 =	vadd.f32 $-1.250000000e-01, v8;
	vm8 =	vlt.f32 v8, $2.500000000e-01  }
0xae: {  	v25 =	vld [tilespmem:$0x660];
	v24 =	vsub.f32 v57, v10;
	v10 =	vsub.f32 v37, v32;
	v3 =	vsel vm6, v6, v3  }
0xaf: {  	v40 =	vld [tilespmem:$0x870];
	v59 =	vmul.f32 v56, v8;
	v2 =	vmul.f32 v2, v0;
	v3 =	vadd.f32 v7, v3  }
0xb0: {  	v7 =	vmul.f32 $2.500000000e-01, v61;
	v4 =	vand.u32 $0x7FFFFFFF, v24;
	v9 =	vsub.f32 v27, v9  }
0xb1: {  	v30 =	vld [tilespmem:$0x270];
	v48 =	vmul.f32 $2.500000000e-01, v10;
	v63 =	vmul.f32 v59, v0;
	v2 =	vsel vm9, v2, v23  }
0xb2: {  	v34 =	vld [tilespmem:$0xA70];
	v26 =	vmul.f32 $5.000000000e-01, v4;
	vm10 =	vlt.f32 v4, $2.500000000e-01;
	v6 =	vsub.f32 v58, v7  }
0xb3: {  	v47 =	vld [tilespmem:$0xC80];
	v3 =	vmul.f32 v3, v45;
	v7 =	vsub.f32 v25, v11;
	v9 =	vand.u32 $0x7FFFFFFF, v9  }
0xb4: {  	v43 =	vld [tilespmem:$0x480];
	v49 =	vsub.f32 v40, v48;
	v8 =	vsel vm8, v63, v21;
	v38 =	vmul.f32 $5.000000000e-01, v9  }
0xb5: {  	v41 =	vld [tilespmem:$0x280];
	v44 =	vadd.f32 $-1.250000000e-01, v9;
	vm13 =	vlt.f32 v9, $2.500000000e-01;
	v2 =	vadd.f32 v2, v8  }
0xb6: {  	v45 =	vld [tilespmem:$0xA80];
	v6 =	vand.u32 $0x7FFFFFFF, v6;
	v1 =	vadd.f32 v3, v1;
	v8 =	vmul.f32 v26, v4  }
0xb7: {  	v39 =	vld [tilespmem:$0x670];
	v4 =	vadd.f32 $-1.250000000e-01, v4;
	v33 =	vand.u32 $0x7FFFFFFF, v7;
	v7 =	vsub.f32 v34, v30  }
0xb8: {  	v57 =	vld [tilespmem:$0x490];
	v28 =	vmul.f32 $5.000000000e-01, v6;
	v31 =	vadd.f32 $-1.250000000e-01, v6;
	vm11 =	vlt.f32 v6, $2.500000000e-01  }
0xb9: {  	v59 =	vld [tilespmem:$0xC90];
	v36 =	vmul.f32 $5.000000000e-01, v33;
	v42 =	vadd.f32 $-1.250000000e-01, v33;
	v2 =	vmul.f32 v2, v54  }
0xba: {  	vm12 =	vlt.f32 v33, $2.500000000e-01;
	v8 =	vmul.f32 v8, v0;
	v46 =	vmul.f32 $2.500000000e-01, v7  }
0xbb: {  	v51 =	vld [tilespmem:$0x880];
	v7 =	vsub.f32 v47, v43;
	v14 =	vmul.f32 v28, v6;
	v52 =	vsub.f32 v45, v41  }
0xbc: {  	v50 =	vld [tilespmem:$0x680];
	v4 =	vsel vm10, v8, v4;
	v1 =	vadd.f32 v2, v1;
	v2 =	vmul.f32 v36, v33  }
0xbd: {  	v56 =	vld [tilespmem:$0x290];
	v8 =	vmul.f32 v38, v9;
	v6 =	vsub.f32 v39, v46;
	v7 =	vmul.f32 $2.500000000e-01, v7  }
0xbe: {  	v58 =	vld [tilespmem:$0xA90];
	v25 =	vsub.f32 v59, v57;
	v14 =	vmul.f32 v14, v0;
	v10 =	vmul.f32 $2.500000000e-01, v52  }
0xbf: {  	v3 =	vld [tilespmem:$0xE50];
	v2 =	vmul.f32 v2, v0;
	v8 =	vmul.f32 v8, v0;
	v6 =	vand.u32 $0x7FFFFFFF, v6  }
0xc0: {  	v29 =	vld [tilespmem:$0xE60];
	v7 =	vsub.f32 v51, v7;
	v35 =	vsel vm11, v14, v31;
	v54 =	vmul.f32 $5.000000000e-01, v6  }
0xc1: {  	v63 =	vld [tilespmem:$0x690];
	vm14 =	vlt.f32 v6, $2.500000000e-01;
	v2 =	vsel vm12, v2, v42;
	v8 =	vsel vm13, v8, v44  }
0xc2: {  	v26 =	vld [tilespmem:$0x4A0];
	v4 =	vadd.f32 v35, v4;
	v7 =	vand.u32 $0x7FFFFFFF, v7;
	v2 =	vadd.f32 v8, v2  }
0xc3: {  	v31 =	vld [tilespmem:$0xCA0];
	v8 =	vsub.f32 v50, v10;
	v21 =	vmul.f32 $5.000000000e-01, v7;
	v10 =	vsub.f32 v58, v56  }
0xc4: {  	v41 =	vld [tilespmem:$0x4B0];
	v30 =	vadd.f32 $-1.250000000e-01, v7;
	vm5 =	vlt.f32 v7, $2.500000000e-01;
	v4 =	vmul.f32 v4, v3  }
0xc5: {  	v46 =	vld [tilespmem:$0xCB0];
	v3 =	vadd.f32 v3, v5;
	v2 =	vmul.f32 v2, v29;
	v8 =	vand.u32 $0x7FFFFFFF, v8  }
0xc6: {  	v53 =	vld [tilespmem:$0xE70];
	v10 =	vmul.f32 $2.500000000e-01, v10;
	v1 =	vadd.f32 v4, v1;
	v4 =	vand.u32 $0x7FFFFFFF, v49  }
0xc7: {  	v60 =	vld [tilespmem:$0xE80];
	v3 =	vadd.f32 v29, v3;
	v62 =	vmul.f32 $5.000000000e-01, v8;
	v28 =	vadd.f32 $-1.250000000e-01, v8  }
0xc8: {  	v24 =	vld [tilespmem:$0x2A0];
	vm4 =	vlt.f32 v8, $2.500000000e-01;
	v9 =	vsub.f32 v31, v26;
	v55 =	vmul.f32 $5.000000000e-01, v4  }
0xc9: {  	v36 =	vld [tilespmem:$0x8A0];
	v61 =	vadd.f32 $-1.250000000e-01, v4;
	vm15 =	vlt.f32 v4, $2.500000000e-01;
	v32 =	vsub.f32 v63, v10  }
0xca: {  	v50 =	vld [tilespmem:$0x8B0];
	v10 =	vsub.f32 v46, v41;
	v1 =	vadd.f32 v2, v1;
	v2 =	vmul.f32 v54, v6  }
0xcb: {  	v29 =	vld [tilespmem:$0xAA0];
	v6 =	vadd.f32 $-1.250000000e-01, v6;
	v23 =	vmul.f32 v62, v8;
	v9 =	vmul.f32 $2.500000000e-01, v9  }
0xcc: {  	v3 =	vadd.f32 v53, v3;
	v5 =	vmul.f32 v55, v4;
	v4 =	vmul.f32 v21, v7  }
0xcd: {  	v33 =	vand.u32 $0x7FFFFFFF, v32;
	v58 =	vmul.f32 $2.500000000e-01, v10;
	v2 =	vmul.f32 v2, v0  }
0xce: {  	v34 =	vld [tilespmem:$0x6A0];
	v27 =	vmul.f32 v23, v0;
	v35 =	vmul.f32 $5.000000000e-01, v33;
	vm6 =	vlt.f32 v33, $2.500000000e-01  }
0xcf: {  	v51 =	vld [tilespmem:$0x2C0];
	v9 =	vsub.f32 v36, v9;
	v3 =	vadd.f32 v60, v3;
	v5 =	vmul.f32 v5, v0  }
0xd0: {  	v55 =	vld [tilespmem:$0xAC0];
	v4 =	vmul.f32 v4, v0;
	v11 =	vsub.f32 v29, v24;
	v59 =	vsub.f32 v50, v58  }
0xd1: {  	v22 =	vld [tilespmem:$0x890];
	v2 =	vsel vm14, v2, v6;
	v8 =	vsel vm4, v27, v28;
	v6 =	vadd.f32 $-1.250000000e-01, v33  }
0xd2: {  	v43 =	vld [tilespmem:$0xAB0];
	v9 =	vand.u32 $0x7FFFFFFF, v9;
	v5 =	vsel vm15, v5, v61;
	v4 =	vsel vm5, v4, v30  }
0xd3: {  	v39 =	vld [tilespmem:$0x2B0];
	v11 =	vmul.f32 $2.500000000e-01, v11;
	v47 =	vmul.f32 $5.000000000e-01, v9;
	v54 =	vadd.f32 $-1.250000000e-01, v9  }
0xd4: {  	v48 =	vld [tilespmem:$0x6B0];
	v2 =	vadd.f32 v5, v2;
	v5 =	vmul.f32 $2.500000000e-01, v25;
	v4 =	vadd.f32 v4, v8  }
0xd5: {  	v57 =	vld [tilespmem:$0xCC0];
	v8 =	vmul.f32 v35, v33;
	v62 =	vsub.f32 v55, v51;
	v7 =	vsub.f32 v34, v11  }
0xd6: {  	v23 =	vld [tilespmem:$0x4D0];
	v5 =	vsub.f32 v22, v5;
	v2 =	vmul.f32 v2, v53;
	v4 =	vmul.f32 v4, v60  }
0xd7: {  	vm9 =	vlt.f32 v9, $2.500000000e-01;
	v25 =	vld [tilespmem:$0xCD0];
	v8 =	vmul.f32 v8, v0;
	v10 =	vmul.f32 $2.500000000e-01, v62  }
0xd8: {  	v38 =	vld [tilespmem:$0xEA0];
	v42 =	vand.u32 $0x7FFFFFFF, v7;
	v7 =	vsub.f32 v43, v39;
	v5 =	vand.u32 $0x7FFFFFFF, v5  }
0xd9: {  	v53 =	vld [tilespmem:$0x4C0];
	v1 =	vadd.f32 v2, v1;
	v6 =	vsel vm6, v8, v6;
	v45 =	vmul.f32 $5.000000000e-01, v42  }
0xda: {  	v21 =	vld [tilespmem:$0x2D0];
	v8 =	vmul.f32 v47, v9;
	v52 =	vadd.f32 $-1.250000000e-01, v42;
	vm8 =	vlt.f32 v42, $2.500000000e-01  }
0xdb: {  	v24 =	vld [tilespmem:$0xAD0];
	v37 =	vmul.f32 $5.000000000e-01, v5;
	v40 =	vadd.f32 $-1.250000000e-01, v5;
	v56 =	vmul.f32 $2.500000000e-01, v7  }
0xdc: {  	v60 =	vld [tilespmem:$0x6C0];
	vm7 =	vlt.f32 v5, $2.500000000e-01;
	v34 =	vsub.f32 v25, v23;
	v49 =	vmul.f32 v45, v42  }
0xdd: {  	v61 =	vld [tilespmem:$0x8C0];
	v8 =	vmul.f32 v8, v0;
	v13 =	vmul.f32 v37, v5;
	v5 =	vsub.f32 v48, v56  }
0xde: {  	v50 =	vld [tilespmem:$0xAF0];
	v1 =	vadd.f32 v4, v1;
	v7 =	vsub.f32 v57, v53;
	v4 =	vmul.f32 v49, v0  }
0xdf: {  	v28 =	vld [tilespmem:$0x6D0];
	v8 =	vsel vm9, v8, v54;
	v13 =	vmul.f32 v13, v0;
	v5 =	vand.u32 $0x7FFFFFFF, v5  }
0xe0: {  	v2 =	vld [tilespmem:$0xE90];
	v7 =	vmul.f32 $2.500000000e-01, v7;
	v4 =	vsel vm8, v4, v52;
	v20 =	vmul.f32 $5.000000000e-01, v5  }
0xe1: {  	v35 =	vld [tilespmem:$0x4E0];
	vm10 =	vlt.f32 v5, $2.500000000e-01;
	v4 =	vadd.f32 v8, v4;
	v8 =	vsub.f32 v60, v10  }
0xe2: {  	v47 =	vld [tilespmem:$0x2F0];
	v44 =	vsel vm7, v13, v40;
	v7 =	vsub.f32 v61, v7;
	v10 =	vsub.f32 v24, v21  }
0xe3: {  	v40 =	vld [tilespmem:$0xCE0];
	v6 =	vadd.f32 v44, v6;
	v22 =	vmul.f32 v20, v5;
	v5 =	vadd.f32 $-1.250000000e-01, v5  }
0xe4: {  	v21 =	vld [tilespmem:$0x500];
	v4 =	vmul.f32 v4, v38;
	v8 =	vand.u32 $0x7FFFFFFF, v8;
	v7 =	vand.u32 $0x7FFFFFFF, v7  }
0xe5: {  	v24 =	vld [tilespmem:$0xD00];
	v10 =	vmul.f32 $2.500000000e-01, v10;
	v6 =	vmul.f32 v6, v2;
	v2 =	vadd.f32 v2, v3  }
0xe6: {  	v27 =	vmul.f32 $5.000000000e-01, v8;
	v29 =	vmul.f32 $5.000000000e-01, v7;
	v37 =	vadd.f32 $-1.250000000e-01, v8  }
0xe7: {  	v14 =	vld [tilespmem:$0xEC0];
	v39 =	vadd.f32 $-1.250000000e-01, v7;
	vm12 =	vlt.f32 v8, $2.500000000e-01;
	v41 =	vsub.f32 v28, v10  }
0xe8: {  	v63 =	vld [tilespmem:$0xEB0];
	vm13 =	vlt.f32 v7, $2.500000000e-01;
	v10 =	vsub.f32 v50, v47;
	v1 =	vadd.f32 v6, v1  }
0xe9: {  	v32 =	vld [tilespmem:$0x2E0];
	v6 =	vand.u32 $0x7FFFFFFF, v59;
	v2 =	vadd.f32 v38, v2;
	v31 =	vmul.f32 v27, v8  }
0xea: {  	v58 =	vld [tilespmem:$0x6F0];
	v33 =	vmul.f32 v29, v7;
	v9 =	vsub.f32 v40, v35;
	v12 =	vsub.f32 v24, v21  }
0xeb: {  	v45 =	vld [tilespmem:$0x8E0];
	v3 =	vmul.f32 $5.000000000e-01, v6;
	v26 =	vadd.f32 $-1.250000000e-01, v6;
	v42 =	vand.u32 $0x7FFFFFFF, v41  }
0xec: {  	v38 =	vld [tilespmem:$0xAE0];
	v10 =	vmul.f32 $2.500000000e-01, v10;
	v1 =	vadd.f32 v4, v1;
	v4 =	vmul.f32 v22, v0  }
0xed: {  	v27 =	vld [tilespmem:$0x900];
	vm11 =	vlt.f32 v6, $2.500000000e-01;
	v36 =	vmul.f32 v31, v0;
	v44 =	vmul.f32 $5.000000000e-01, v42  }
0xee: {  	v30 =	vld [tilespmem:$0x8D0];
	vm14 =	vlt.f32 v42, $2.500000000e-01;
	v9 =	vmul.f32 $2.500000000e-01, v9;
	v2 =	vadd.f32 v63, v2  }
0xef: {  	v12 =	vmul.f32 $2.500000000e-01, v12;
	v3 =	vmul.f32 v3, v6;
	v6 =	vadd.f32 $-1.250000000e-01, v42  }
0xf0: {  	v10 =	vsub.f32 v58, v10;
	v4 =	vsel vm10, v4, v5;
	v5 =	vmul.f32 $2.500000000e-01, v34  }
0xf1: {  	v9 =	vsub.f32 v45, v9;
	v2 =	vadd.f32 v14, v2;
	v3 =	vmul.f32 v3, v0  }
0xf2: {  	v43 =	vld [tilespmem:$0x6E0];
	v8 =	vsel vm12, v36, v37;
	v11 =	vsub.f32 v38, v32;
	v36 =	vsub.f32 v27, v12  }
0xf3: {  	v48 =	vld [tilespmem:$0x4F0];
	v5 =	vsub.f32 v30, v5;
	v9 =	vand.u32 $0x7FFFFFFF, v9;
	v3 =	vsel vm11, v3, v26  }
0xf4: {  	v29 =	vld [tilespmem:$0x310];
	v11 =	vmul.f32 $2.500000000e-01, v11;
	v56 =	vmul.f32 $5.000000000e-01, v9;
	vm5 =	vlt.f32 v9, $2.500000000e-01  }
0xf5: {  	v32 =	vld [tilespmem:$0xB10];
	v26 =	vand.u32 $0x7FFFFFFF, v10;
	v3 =	vadd.f32 v3, v4;
	v4 =	vmul.f32 v33, v0  }
0xf6: {  	v52 =	vld [tilespmem:$0xCF0];
	v5 =	vand.u32 $0x7FFFFFFF, v5;
	v28 =	vmul.f32 $5.000000000e-01, v26;
	vm6 =	vlt.f32 v26, $2.500000000e-01  }
0xf7: {  	v62 =	vld [tilespmem:$0x300];
	v46 =	vmul.f32 $5.000000000e-01, v5;
	v7 =	vsub.f32 v43, v11;
	v49 =	vadd.f32 $-1.250000000e-01, v5  }
0xf8: {  	v23 =	vld [tilespmem:$0xB00];
	vm15 =	vlt.f32 v5, $2.500000000e-01;
	v59 =	vmul.f32 v56, v9;
	v4 =	vsel vm13, v4, v39  }
0xf9: {  	v30 =	vld [tilespmem:$0x510];
	v3 =	vmul.f32 v3, v63;
	v63 =	vadd.f32 $-1.250000000e-01, v9;
	v31 =	vmul.f32 v28, v26  }
0xfa: {  	v33 =	vld [tilespmem:$0xD10];
	v39 =	vsub.f32 v32, v29;
	v4 =	vadd.f32 v4, v8;
	v8 =	vmul.f32 v44, v42  }
0xfb: {  	v13 =	vmul.f32 v46, v5;
	v51 =	vand.u32 $0x7FFFFFFF, v7;
	v7 =	vsub.f32 v52, v48  }
0xfc: {  	v60 =	vld [tilespmem:$0x8F0];
	v1 =	vadd.f32 v3, v1;
	v54 =	vmul.f32 $5.000000000e-01, v51;
	v10 =	vmul.f32 $2.500000000e-01, v39  }
0xfd: {  	v61 =	vadd.f32 $-1.250000000e-01, v51;
	v4 =	vmul.f32 v4, v14;
	v8 =	vmul.f32 v8, v0  }
0xfe: {  	v3 =	vld [tilespmem:$0xED0];
	vm4 =	vlt.f32 v51, $2.500000000e-01;
	v13 =	vmul.f32 v13, v0;
	v22 =	vmul.f32 $2.500000000e-01, v7  }
0xff: {  	v25 =	vld [tilespmem:$0x700];
	v7 =	vsub.f32 v23, v62;
	v11 =	vsub.f32 v33, v30;
	v57 =	vmul.f32 v54, v51  }
0x100: {  	v6 =	vsel vm14, v8, v6;
	v53 =	vsel vm15, v13, v49;
	v1 =	vadd.f32 v4, v1  }
0x101: {  	v55 =	vld [tilespmem:$0xEE0];
	v13 =	vmul.f32 v59, v0;
	v5 =	vsub.f32 v60, v22;
	v7 =	vmul.f32 $2.500000000e-01, v7  }
0x102: {  	v38 =	vld [tilespmem:$0x910];
	v11 =	vmul.f32 $2.500000000e-01, v11;
	v6 =	vadd.f32 v53, v6;
	v4 =	vmul.f32 v57, v0  }
0x103: {  	v9 =	vsel vm5, v13, v63;
	v5 =	vand.u32 $0x7FFFFFFF, v5;
	v2 =	vadd.f32 v3, v2  }
0x104: {  	v41 =	vld [tilespmem:$0xF00];
	v7 =	vsub.f32 v25, v7;
	v6 =	vmul.f32 v6, v3;
	v4 =	vsel vm4, v4, v61  }
0x105: {  	v34 =	vld [tilespmem:$0xEF0];
	v3 =	vmul.f32 $5.000000000e-01, v5;
	v35 =	vadd.f32 $-1.250000000e-01, v5;
	vm7 =	vlt.f32 v5, $2.500000000e-01  }
0x106: {  	v37 =	vld [tilespmem:$0x710];
	v4 =	vadd.f32 v9, v4;
	v7 =	vand.u32 $0x7FFFFFFF, v7;
	v2 =	vadd.f32 v55, v2  }
0x107: {  	v45 =	vld [tilespmem:$0xB20];
	v9 =	vsub.f32 v38, v11;
	v1 =	vadd.f32 v6, v1;
	v3 =	vmul.f32 v3, v5  }
0x108: {  	v44 =	vld [tilespmem:$0x320];
	v6 =	vadd.f32 $-1.250000000e-01, v26;
	v40 =	vmul.f32 $5.000000000e-01, v7;
	v5 =	vand.u32 $0x7FFFFFFF, v36  }
0x109: {  	v46 =	vld [tilespmem:$0xF10];
	vm8 =	vlt.f32 v7, $2.500000000e-01;
	v4 =	vmul.f32 v4, v55;
	v42 =	vmul.f32 $5.000000000e-01, v5  }
0x10a: {  	v48 =	vld [tilespmem:$0x520];
	v49 =	vadd.f32 $-1.250000000e-01, v5;
	v9 =	vand.u32 $0x7FFFFFFF, v9;
	vm9 =	vlt.f32 v5, $2.500000000e-01  }
0x10b: {  	v51 =	vld [tilespmem:$0xD20];
	v2 =	vadd.f32 v34, v2;
	v3 =	vmul.f32 v3, v0;
	v43 =	vmul.f32 v40, v7  }
0x10c: {  	v59 =	vld [tilespmem:$0x530];
	v7 =	vadd.f32 $-1.250000000e-01, v7;
	v52 =	vmul.f32 $5.000000000e-01, v9;
	v60 =	vadd.f32 $-1.250000000e-01, v9  }
0x10d: {  	v63 =	vld [tilespmem:$0xD30];
	v1 =	vadd.f32 v4, v1;
	v4 =	vmul.f32 v31, v0;
	v13 =	vmul.f32 v42, v5  }
0x10e: {  	v2 =	vadd.f32 v41, v2;
	v3 =	vsel vm7, v3, v35;
	v8 =	vmul.f32 v43, v0  }
0x10f: {  	v24 =	vld [tilespmem:$0x340];
	v5 =	vmul.f32 v52, v9;
	v4 =	vsel vm6, v4, v6;
	v6 =	vsub.f32 v37, v10  }
0x110: {  	v53 =	vld [tilespmem:$0x720];
	v47 =	vmul.f32 v13, v0;
	v10 =	vsub.f32 v45, v44;
	v13 =	vsub.f32 v51, v48  }
0x111: {  	v55 =	vld [tilespmem:$0x920];
	vm11 =	vlt.f32 v9, $2.500000000e-01;
	v2 =	vadd.f32 v46, v2;
	v3 =	vadd.f32 v3, v4  }
0x112: {  	v56 =	vld [tilespmem:$0x330];
	v7 =	vsel vm8, v8, v7;
	v5 =	vmul.f32 v5, v0;
	v8 =	vsub.f32 v63, v59  }
0x113: {  	v61 =	vld [tilespmem:$0xB30];
	v6 =	vand.u32 $0x7FFFFFFF, v6;
	v10 =	vmul.f32 $2.500000000e-01, v10;
	v20 =	vmul.f32 $2.500000000e-01, v13  }
0x114: {  	v27 =	vld [tilespmem:$0x540];
	v11 =	vsel vm9, v47, v49;
	v3 =	vmul.f32 v3, v34;
	v50 =	vmul.f32 $5.000000000e-01, v6  }
0x115: {  	v36 =	vld [tilespmem:$0xB50];
	v58 =	vadd.f32 $-1.250000000e-01, v6;
	vm10 =	vlt.f32 v6, $2.500000000e-01;
	v5 =	vsel vm11, v5, v60  }
0x116: {  	v34 =	vld [tilespmem:$0x350];
	v62 =	vsub.f32 v53, v10;
	v10 =	vsub.f32 v55, v20;
	v54 =	vmul.f32 v50, v6  }
0x117: {  	v22 =	vld [tilespmem:$0x730];
	v8 =	vmul.f32 $2.500000000e-01, v8;
	v1 =	vadd.f32 v3, v1;
	v3 =	vadd.f32 v11, v7  }
0x118: {  	v28 =	vld [tilespmem:$0xD40];
	v7 =	vsub.f32 v61, v56;
	v6 =	vand.u32 $0x7FFFFFFF, v62;
	v57 =	vmul.f32 v54, v0  }
0x119: {  	v26 =	vld [tilespmem:$0xB40];
	v10 =	vand.u32 $0x7FFFFFFF, v10;
	v3 =	vmul.f32 v3, v41;
	v21 =	vmul.f32 $5.000000000e-01, v6  }
0x11a: {  	v29 =	vld [tilespmem:$0x740];
	v25 =	vmul.f32 $5.000000000e-01, v10;
	v7 =	vmul.f32 $2.500000000e-01, v7;
	vm12 =	vlt.f32 v6, $2.500000000e-01  }
0x11b: {  	v23 =	vld [tilespmem:$0x930];
	vm13 =	vlt.f32 v10, $2.500000000e-01;
	v13 =	vsub.f32 v36, v34;
	v12 =	vsel vm10, v57, v58  }
0x11c: {  	v38 =	vld [tilespmem:$0x750];
	v1 =	vadd.f32 v3, v1;
	v9 =	vmul.f32 v21, v6;
	v7 =	vsub.f32 v22, v7  }
0x11d: {  	v43 =	vld [tilespmem:$0xB60];
	v4 =	vmul.f32 v25, v10;
	v6 =	vadd.f32 $-1.250000000e-01, v6;
	v10 =	vadd.f32 $-1.250000000e-01, v10  }
0x11e: {  	v41 =	vld [tilespmem:$0x360];
	v5 =	vadd.f32 v5, v12;
	v12 =	vsub.f32 v26, v24;
	v13 =	vmul.f32 $2.500000000e-01, v13  }
0x11f: {  	v32 =	vld [tilespmem:$0x940];
	v9 =	vmul.f32 v9, v0;
	v4 =	vmul.f32 v4, v0;
	v7 =	vand.u32 $0x7FFFFFFF, v7  }
0x120: {  	v40 =	vld [tilespmem:$0xD50];
	v3 =	vmul.f32 v5, v46;
	v5 =	vsub.f32 v23, v8;
	v30 =	vmul.f32 $5.000000000e-01, v7  }
0x121: {  	v63 =	vld [tilespmem:$0x570];
	v12 =	vmul.f32 $2.500000000e-01, v12;
	vm14 =	vlt.f32 v7, $2.500000000e-01;
	v8 =	vsub.f32 v28, v27  }
0x122: {  	v26 =	vld [tilespmem:$0xD70];
	v49 =	vsub.f32 v38, v13;
	v6 =	vsel vm12, v9, v6;
	v4 =	vsel vm13, v4, v10  }
0x123: {  	v59 =	vld [tilespmem:$0x370];
	v10 =	vsub.f32 v43, v41;
	v1 =	vadd.f32 v3, v1;
	v5 =	vand.u32 $0x7FFFFFFF, v5  }
0x124: {  	v50 =	vld [tilespmem:$0x760];
	v4 =	vadd.f32 v4, v6;
	v33 =	vmul.f32 v30, v7;
	v7 =	vadd.f32 $-1.250000000e-01, v7  }
0x125: {  	v62 =	vld [tilespmem:$0xB70];
	v12 =	vsub.f32 v29, v12;
	v8 =	vmul.f32 $2.500000000e-01, v8;
	v31 =	vmul.f32 $5.000000000e-01, v5  }
0x126: {  	v3 =	vld [tilespmem:$0xF20];
	v37 =	vadd.f32 $-1.250000000e-01, v5;
	vm15 =	vlt.f32 v5, $2.500000000e-01;
	v10 =	vmul.f32 $2.500000000e-01, v10  }
0x127: {  	v35 =	vld [tilespmem:$0x550];
	v17 =	vsub.f32 v26, v63;
	v6 =	vmul.f32 v33, v0;
	v39 =	vand.u32 $0x7FFFFFFF, v12  }
0x128: {  	v16 =	vld [tilespmem:$0xF30];
	v8 =	vsub.f32 v32, v8;
	v9 =	vmul.f32 v31, v5;
	v12 =	vmul.f32 $5.000000000e-01, v39  }
0x129: {  	v30 =	vld [tilespmem:$0x970];
	v48 =	vadd.f32 $-1.250000000e-01, v39;
	vm4 =	vlt.f32 v39, $2.500000000e-01;
	v5 =	vsub.f32 v50, v10  }
0x12a: {  	v42 =	vld [tilespmem:$0x560];
	v10 =	vsub.f32 v62, v59;
	v36 =	vmul.f32 $2.500000000e-01, v17;
	v6 =	vsel vm14, v6, v7  }
0x12b: {  	v47 =	vld [tilespmem:$0x950];
	v8 =	vand.u32 $0x7FFFFFFF, v8;
	v9 =	vmul.f32 v9, v0;
	v4 =	vmul.f32 v4, v3  }
0x12c: {  	v20 =	vld [tilespmem:$0x770];
	v7 =	vsub.f32 v40, v35;
	v12 =	vmul.f32 v12, v39;
	v45 =	vmul.f32 $5.000000000e-01, v8  }
0x12d: {  	v46 =	vld [tilespmem:$0xD60];
	v2 =	vadd.f32 v3, v2;
	v53 =	vadd.f32 $-1.250000000e-01, v8;
	vm5 =	vlt.f32 v8, $2.500000000e-01  }
0x12e: {  	v33 =	vld [tilespmem:$0xB80];
	v5 =	vand.u32 $0x7FFFFFFF, v5;
	v10 =	vmul.f32 $2.500000000e-01, v10;
	v38 =	vsub.f32 v30, v36  }
0x12f: {  	v31 =	vld [tilespmem:$0x380];
	v7 =	vmul.f32 $2.500000000e-01, v7;
	v24 =	vmul.f32 $5.000000000e-01, v5;
	vm8 =	vlt.f32 v5, $2.500000000e-01  }
0x130: {  	v52 =	vld [tilespmem:$0xF40];
	v9 =	vsel vm15, v9, v37;
	v1 =	vadd.f32 v4, v1;
	v3 =	vmul.f32 v12, v0  }
0x131: {  	v4 =	vand.u32 $0x7FFFFFFF, v49;
	v35 =	vsub.f32 v20, v10;
	v2 =	vadd.f32 v16, v2  }
0x132: {  	v6 =	vadd.f32 v9, v6;
	v9 =	vsub.f32 v46, v42;
	v54 =	vmul.f32 $5.000000000e-01, v4  }
0x133: {  	v7 =	vsub.f32 v47, v7;
	v61 =	vadd.f32 $-1.250000000e-01, v4;
	vm6 =	vlt.f32 v4, $2.500000000e-01  }
0x134: {  	v55 =	vld [tilespmem:$0xF50];
	v12 =	vsub.f32 v33, v31;
	v3 =	vsel vm4, v3, v48;
	v37 =	vand.u32 $0x7FFFFFFF, v35  }
0x135: {  	v51 =	vld [tilespmem:$0x960];
	v2 =	vadd.f32 v52, v2;
	v44 =	vmul.f32 v6, v16;
	v6 =	vmul.f32 v45, v8  }
0x136: {  	v34 =	vld [tilespmem:$0xD80];
	v9 =	vmul.f32 $2.500000000e-01, v9;
	v56 =	vmul.f32 v54, v4;
	v7 =	vand.u32 $0x7FFFFFFF, v7  }
0x137: {  	v57 =	vld [tilespmem:$0xF60];
	v4 =	vmul.f32 v24, v5;
	v5 =	vadd.f32 $-1.250000000e-01, v5;
	v40 =	vmul.f32 $5.000000000e-01, v37  }
0x138: {  	v32 =	vld [tilespmem:$0x580];
	vm10 =	vlt.f32 v37, $2.500000000e-01;
	v58 =	vmul.f32 $5.000000000e-01, v7;
	v28 =	vadd.f32 $-1.250000000e-01, v7  }
0x139: {  	v46 =	vld [tilespmem:$0xB90];
	vm7 =	vlt.f32 v7, $2.500000000e-01;
	v2 =	vadd.f32 v55, v2;
	v6 =	vmul.f32 v6, v0  }
0x13a: {  	v45 =	vld [tilespmem:$0x390];
	v9 =	vsub.f32 v51, v9;
	v60 =	vmul.f32 v56, v0;
	v4 =	vmul.f32 v4, v0  }
0x13b: {  	v42 =	vld [tilespmem:$0xF70];
	v1 =	vadd.f32 v44, v1;
	v44 =	vmul.f32 $2.500000000e-01, v12;
	v15 =	vmul.f32 v58, v7  }
0x13c: {  	v41 =	vld [tilespmem:$0x980];
	v2 =	vadd.f32 v57, v2;
	v6 =	vsel vm5, v6, v53;
	v9 =	vand.u32 $0x7FFFFFFF, v9  }
0x13d: {  	v50 =	vld [tilespmem:$0xF80];
	v4 =	vsel vm8, v4, v5;
	v5 =	vsub.f32 v34, v32;
	v3 =	vadd.f32 v6, v3  }
0x13e: {  	v62 =	vld [tilespmem:$0xBA0];
	v25 =	vmul.f32 $5.000000000e-01, v9;
	v6 =	vsel vm6, v60, v61;
	v27 =	vmul.f32 v15, v0  }
0x13f: {  	v58 =	vld [tilespmem:$0x3A0];
	v21 =	vadd.f32 $-1.250000000e-01, v9;
	vm9 =	vlt.f32 v9, $2.500000000e-01;
	v12 =	vsub.f32 v46, v45  }
0x140: {  	v2 =	vadd.f32 v42, v2;
	v5 =	vmul.f32 $2.500000000e-01, v5;
	v29 =	vmul.f32 v25, v9  }
0x141: {  	v26 =	vld [tilespmem:$0x9A0];
	v11 =	vsel vm7, v27, v28;
	v3 =	vmul.f32 v3, v52;
	v9 =	vand.u32 $0x7FFFFFFF, v38  }
0x142: {  	v39 =	vld [tilespmem:$0x780];
	v59 =	vmul.f32 $2.500000000e-01, v12;
	v2 =	vadd.f32 v50, v2;
	v6 =	vadd.f32 v11, v6  }
0x143: {  	v47 =	vld [tilespmem:$0x590];
	v43 =	vmul.f32 $5.000000000e-01, v9;
	v5 =	vsub.f32 v41, v5;
	v51 =	vadd.f32 $-1.250000000e-01, v9  }
0x144: {  	v28 =	vld [tilespmem:$0xF90];
	vm11 =	vlt.f32 v9, $2.500000000e-01;
	v27 =	vsub.f32 v62, v58;
	v7 =	vmul.f32 v29, v0  }
0x145: {  	v60 =	vld [tilespmem:$0x5A0];
	v1 =	vadd.f32 v3, v1;
	v6 =	vmul.f32 v6, v55;
	v5 =	vand.u32 $0x7FFFFFFF, v5  }
0x146: {  	v45 =	vld [tilespmem:$0xBC0];
	v15 =	vmul.f32 v43, v9;
	v7 =	vsel vm9, v7, v21;
	v63 =	vadd.f32 $-1.250000000e-01, v5  }
0x147: {  	v43 =	vld [tilespmem:$0x3C0];
	v53 =	vmul.f32 $5.000000000e-01, v5;
	v4 =	vadd.f32 v7, v4;
	v1 =	vadd.f32 v6, v1  }
0x148: {  	v21 =	vld [tilespmem:$0xDA0];
	vm13 =	vlt.f32 v5, $2.500000000e-01;
	v7 =	vadd.f32 $-1.250000000e-01, v37;
	v6 =	vsub.f32 v39, v44  }
0x149: {  	v31 =	vld [tilespmem:$0x5B0];
	v49 =	vmul.f32 v15, v0;
	v2 =	vadd.f32 v28, v2;
	v3 =	vmul.f32 v4, v57  }
0x14a: {  	v48 =	vld [tilespmem:$0xD90];
	v4 =	vmul.f32 v40, v37;
	v6 =	vand.u32 $0x7FFFFFFF, v6;
	v57 =	vmul.f32 v53, v5  }
0x14b: {  	v54 =	vld [tilespmem:$0x790];
	v52 =	vmul.f32 $5.000000000e-01, v6;
	v61 =	vadd.f32 $-1.250000000e-01, v6;
	vm12 =	vlt.f32 v6, $2.500000000e-01  }
0x14c: {  	v37 =	vld [tilespmem:$0xFA0];
	v13 =	vsub.f32 v45, v43;
	v4 =	vmul.f32 v4, v0;
	v1 =	vadd.f32 v3, v1  }
0x14d: {  	v34 =	vld [tilespmem:$0xDB0];
	v14 =	vmul.f32 v57, v0;
	v10 =	vsub.f32 v21, v60;
	v56 =	vmul.f32 v52, v6  }
0x14e: {  	v55 =	vld [tilespmem:$0x990];
	v13 =	vmul.f32 $2.500000000e-01, v13;
	v3 =	vsel vm10, v4, v7;
	v7 =	vsel vm11, v49, v51  }
0x14f: {  	v30 =	vld [tilespmem:$0x3B0];
	v4 =	vsub.f32 v48, v47;
	v23 =	vsel vm13, v14, v63;
	v10 =	vmul.f32 $2.500000000e-01, v10  }
0x150: {  	v32 =	vld [tilespmem:$0xBB0];
	v3 =	vadd.f32 v7, v3;
	v11 =	vmul.f32 v56, v0;
	v7 =	vsub.f32 v54, v59  }
0x151: {  	v25 =	vld [tilespmem:$0x7A0];
	v2 =	vadd.f32 v37, v2;
	v4 =	vmul.f32 $2.500000000e-01, v4;
	v9 =	vsub.f32 v26, v10  }
0x152: {  	v40 =	vld [tilespmem:$0x7B0];
	v10 =	vsub.f32 v34, v31;
	v3 =	vmul.f32 v3, v42;
	v22 =	vsel vm12, v11, v61  }
0x153: {  	v53 =	vld [tilespmem:$0x9C0];
	v24 =	vand.u32 $0x7FFFFFFF, v7;
	v11 =	vmul.f32 $2.500000000e-01, v27;
	v4 =	vsub.f32 v55, v4  }
0x154: {  	v47 =	vld [tilespmem:$0x5C0];
	v7 =	vmul.f32 $5.000000000e-01, v24;
	vm14 =	vlt.f32 v24, $2.500000000e-01;
	v5 =	vadd.f32 $-1.250000000e-01, v24  }
0x155: {  	v49 =	vld [tilespmem:$0xDC0];
	v9 =	vand.u32 $0x7FFFFFFF, v9;
	v10 =	vmul.f32 $2.500000000e-01, v10;
	v1 =	vadd.f32 v3, v1  }
0x156: {  	v21 =	vld [tilespmem:$0x3E0];
	v3 =	vadd.f32 v23, v22;
	v6 =	vsub.f32 v25, v11;
	v39 =	vmul.f32 $5.000000000e-01, v9  }
0x157: {  	v42 =	vld [tilespmem:$0x9B0];
	v11 =	vsub.f32 v32, v30;
	v46 =	vadd.f32 $-1.250000000e-01, v9;
	vm5 =	vlt.f32 v9, $2.500000000e-01  }
0x158: {  	v56 =	vld [tilespmem:$0xBD0];
	v4 =	vand.u32 $0x7FFFFFFF, v4;
	v7 =	vmul.f32 v7, v24;
	v3 =	vmul.f32 v3, v50  }
0x159: {  	v55 =	vld [tilespmem:$0x3D0];
	v29 =	vmul.f32 $5.000000000e-01, v4;
	v33 =	vadd.f32 $-1.250000000e-01, v4;
	vm15 =	vlt.f32 v4, $2.500000000e-01  }
0x15a: {  	v27 =	vld [tilespmem:$0xBE0];
	v35 =	vand.u32 $0x7FFFFFFF, v6;
	v11 =	vmul.f32 $2.500000000e-01, v11;
	v6 =	vsub.f32 v49, v47  }
0x15b: {  	v32 =	vld [tilespmem:$0xDE0];
	v7 =	vmul.f32 v7, v0;
	v38 =	vmul.f32 $5.000000000e-01, v35;
	v44 =	vadd.f32 $-1.250000000e-01, v35  }
0x15c: {  	v24 =	vld [tilespmem:$0x5E0];
	vm4 =	vlt.f32 v35, $2.500000000e-01;
	v10 =	vsub.f32 v42, v10;
	v14 =	vmul.f32 v29, v4  }
0x15d: {  	v1 =	vadd.f32 v3, v1;
	v48 =	vsub.f32 v40, v11;
	v6 =	vmul.f32 $2.500000000e-01, v6  }
0x15e: {  	v50 =	vld [tilespmem:$0xFB0];
	v20 =	vsub.f32 v56, v55;
	v5 =	vsel vm14, v7, v5;
	v41 =	vmul.f32 v38, v35  }
0x15f: {  	v10 =	vand.u32 $0x7FFFFFFF, v10;
	v38 =	vsub.f32 v27, v21;
	v14 =	vmul.f32 v14, v0  }
0x160: {  	v57 =	vld [tilespmem:$0x5D0];
	v4 =	vand.u32 $0x7FFFFFFF, v48;
	v54 =	vmul.f32 $5.000000000e-01, v10;
	v58 =	vadd.f32 $-1.250000000e-01, v10  }
0x161: {  	v60 =	vld [tilespmem:$0x7D0];
	vm7 =	vlt.f32 v10, $2.500000000e-01;
	v6 =	vsub.f32 v53, v6;
	v15 =	vsub.f32 v32, v24  }
0x162: {  	v25 =	vld [tilespmem:$0x7E0];
	v8 =	vmul.f32 v41, v0;
	v52 =	vmul.f32 $5.000000000e-01, v4;
	vm6 =	vlt.f32 v4, $2.500000000e-01  }
0x163: {  	v51 =	vld [tilespmem:$0x7C0];
	v2 =	vadd.f32 v50, v2;
	v36 =	vsel vm15, v14, v33;
	v63 =	vand.u32 $0x7FFFFFFF, v6  }
0x164: {  	v14 =	vld [tilespmem:$0xFC0];
	v6 =	vmul.f32 $2.500000000e-01, v20;
	v3 =	vadd.f32 v36, v5;
	v5 =	vmul.f32 v39, v9  }
0x165: {  	v59 =	vld [tilespmem:$0xDD0];
	v15 =	vmul.f32 $2.500000000e-01, v15;
	v8 =	vsel vm4, v8, v44;
	v9 =	vmul.f32 $2.500000000e-01, v38  }
0x166: {  	v35 =	vld [tilespmem:$0x3F0];
	v31 =	vadd.f32 $-1.250000000e-01, v63;
	v3 =	vmul.f32 v3, v28;
	v5 =	vmul.f32 v5, v0  }
0x167: {  	v23 =	vmul.f32 $5.000000000e-01, v63;
	v39 =	vld [tilespmem:$0xBF0];
	v28 =	vsub.f32 v60, v6;
	v9 =	vsub.f32 v25, v9  }
0x168: {  	vm9 =	vlt.f32 v63, $2.500000000e-01;
	v5 =	vsel vm5, v5, v46;
	v1 =	vadd.f32 v3, v1  }
0x169: {  	v33 =	vand.u32 $0x7FFFFFFF, v28;
	v9 =	vand.u32 $0x7FFFFFFF, v9;
	v2 =	vadd.f32 v14, v2  }
0x16a: {  	v3 =	vadd.f32 v5, v8;
	v8 =	vmul.f32 v52, v4;
	v5 =	vsub.f32 v51, v13  }
0x16b: {  	v4 =	vadd.f32 $-1.250000000e-01, v4;
	v13 =	vsub.f32 v59, v57;
	v36 =	vmul.f32 $5.000000000e-01, v33  }
0x16c: {  	v62 =	vld [tilespmem:$0x9D0];
	vm10 =	vlt.f32 v33, $2.500000000e-01;
	v6 =	vsub.f32 v39, v35;
	v46 =	vmul.f32 $5.000000000e-01, v9  }
0x16d: {  	v30 =	vld [tilespmem:$0x9E0];
	vm12 =	vlt.f32 v9, $2.500000000e-01;
	v3 =	vmul.f32 v3, v37;
	v8 =	vmul.f32 v8, v0  }
0x16e: {  	v43 =	vld [tilespmem:$0x7F0];
	v5 =	vand.u32 $0x7FFFFFFF, v5;
	v29 =	vmul.f32 $2.500000000e-01, v13;
	v40 =	vmul.f32 v36, v33  }
0x16f: {  	v6 =	vmul.f32 $2.500000000e-01, v6;
	v12 =	vmul.f32 v46, v9;
	v9 =	vadd.f32 $-1.250000000e-01, v9  }
0x170: {  	v61 =	vmul.f32 $5.000000000e-01, v5;
	v26 =	vadd.f32 $-1.250000000e-01, v5;
	vm8 =	vlt.f32 v5, $2.500000000e-01  }
0x171: {  	v42 =	vld [tilespmem:$0xDF0];
	v1 =	vadd.f32 v3, v1;
	v3 =	vmul.f32 v54, v10;
	v4 =	vsel vm6, v8, v4  }
0x172: {  	v37 =	vld [tilespmem:$0x5F0];
	v8 =	vmul.f32 v23, v63;
	v34 =	vsub.f32 v62, v29;
	v10 =	vsub.f32 v30, v15  }
0x173: {  	v6 =	vsub.f32 v43, v6;
	v49 =	vmul.f32 v12, v0;
	v3 =	vmul.f32 v3, v0  }
0x174: {  	v22 =	vmul.f32 v61, v5;
	v8 =	vmul.f32 v8, v0;
	v5 =	vand.u32 $0x7FFFFFFF, v34  }
0x175: {  	v10 =	vand.u32 $0x7FFFFFFF, v10;
	v6 =	vand.u32 $0x7FFFFFFF, v6;
	v3 =	vsel vm7, v3, v58  }
0x176: {  	v45 =	vld [tilespmem:$0x9F0];
	v7 =	vmul.f32 v22, v0;
	v41 =	vmul.f32 $5.000000000e-01, v5;
	v3 =	vadd.f32 v3, v4  }
0x177: {  	v11 =	vsub.f32 v42, v37;
	vm11 =	vlt.f32 v5, $2.500000000e-01;
	v47 =	vmul.f32 $5.000000000e-01, v10  }
0x178: {  	v51 =	vmul.f32 $5.000000000e-01, v6;
	v53 =	vadd.f32 $-1.250000000e-01, v10;
	v3 =	vmul.f32 v3, v50  }
0x179: {  	vm13 =	vlt.f32 v10, $2.500000000e-01;
	v7 =	vsel vm8, v7, v26;
	v11 =	vmul.f32 $2.500000000e-01, v11  }
0x17a: {  	v4 =	vadd.f32 $-1.250000000e-01, v33;
	v1 =	vadd.f32 v3, v1;
	v3 =	vsel vm9, v8, v31  }
0x17b: {  	v48 =	vsub.f32 v45, v11;
	v3 =	vadd.f32 v3, v7;
	v7 =	vmul.f32 v40, v0  }
0x17c: {  	v60 =	vadd.f32 $-1.250000000e-01, v6;
	v55 =	vmul.f32 v51, v6;
	v8 =	vmul.f32 v41, v5  }
0x17d: {  	v50 =	vmul.f32 v47, v10;
	v4 =	vsel vm10, v7, v4;
	v7 =	vand.u32 $0x7FFFFFFF, v48  }
0x17e: {  	v52 =	vld [tilespmem:$0xFD0];
	v5 =	vadd.f32 $-1.250000000e-01, v5;
	v44 =	vmul.f32 v8, v0;
	v54 =	vmul.f32 $5.000000000e-01, v7  }
0x17f: {  	vm14 =	vlt.f32 v6, $2.500000000e-01;
	v58 =	vmul.f32 v55, v0;
	v11 =	vmul.f32 v50, v0  }
0x180: {  	v56 =	vld [tilespmem:$0xFE0];
	v3 =	vmul.f32 v3, v14;
	v5 =	vsel vm11, v44, v5;
	v57 =	vmul.f32 v54, v7  }
0x181: {  	v8 =	vsel vm12, v49, v9;
	v61 =	vadd.f32 $-1.250000000e-01, v7;
	v4 =	vadd.f32 v5, v4  }
0x182: {  	v59 =	vld [tilespmem:$0xFF0];
	v1 =	vadd.f32 v3, v1;
	v3 =	vsel vm13, v11, v53;
	v11 =	vmul.f32 v57, v0  }
0x183: {  	vm15 =	vlt.f32 v7, $2.500000000e-01;
	v3 =	vadd.f32 v3, v8;
	v4 =	vmul.f32 v4, v52  }
0x184: {  	v2 =	vadd.f32 v52, v2;
	v5 =	vsel vm14, v58, v60;
	v62 =	vsel vm15, v11, v61  }
0x185: {  	v3 =	vmul.f32 v3, v56;
	v1 =	vadd.f32 v4, v1;
	v63 =	vadd.f32 v62, v5  }
0x186: {  	v2 =	vadd.f32 v56, v2  }
0x187: {  	v1 =	vadd.f32 v3, v1;
	v3 =	vmul.f32 v63, v59  }
0x188: {  	v2 =	vadd.f32 v59, v2  }
0x189: {  	v1 =	vadd.f32 v3, v1  }
0x18a: {  	p0 =	sne.s32 s7, $0x1;
	[tilespmem:$0x1080] =	vst v2  }
.Ltmp0:
0x18b: {  	s9 =	rddreg [dreg:$0x6];
	[tilespmem:$0x1000] =	vst v1;
	(pc) =	sbr.rel @p0 .LBB2_1-.Ltmp0, $4  }
0x18c: {  	[hbm4b:s9+s2] =	stream.linear.scatter [tilespmem:s0], [sflag:$0x2], $0x100, $0x38;
	[tilespmem:$0x1100] =	vst v63  }
0x18d: {  	_ =	swait.ge [sflag:s8], $0x100  }
0x18e: {  	[sflag:s8] =	ssyncset.done $0x0  }
0x18f: {  	s7 =	sadd.s32 $0xFFFFFFFF, s7;
	[sflag:s8] =	ssyncadd.s32 $0xFFFFFF00  }
0x190: {  	_ =	sfence.sel $0x180000  }
0x191: {  	[bflag:$0x0] =	sbarrier.arrive $0xFFFF  }
0x192: {  	_ =	strace $0x90000047  }
0x193: {  	s0 =	stileid.u32;
	[bflag:$0x2] =	sbarrier.arrive $0xFFFF  }
0x194: {  	p0 =	sne.s32 s0, $0x0;
	s0 =	rddreg [dreg:$0x1]  }
0x195: {  	s0 =	sadd.s32 @!p0 $0x100000, s0  }
0x196: {  	[sflag:s0] =	ssyncadd.tile.s32 @!p0 $0x1;
	_ =	shalt  }
.Lfunc_end2:
_tile_overlayer_lowered:
.L_overlay_start_2:
0x197: {  	(tag) =	ssettag $0x2  }
0x198: {  	s0 =	rddreg [dreg:$0x0];
	s2 =	stileid.u32  }
0x199: {  	s1 =	rddreg [dreg:$0x1];
	p0 =	sne.s32 s2, $0x0  }
0x19a: {  	s3 =	rddreg [dreg:$0x2];
	[bflag:$0x3] =	sbarrier.arrive $0xFFFF;
	s2 =	simm.s32 @!p0 $0x1C02  }
0x19b: {  	[timem:s3], [sflag:s2] =	dma.local @!p0 [hbm:s0], s1  }
0x19c: {  	s0 =	simm.s32 @!p0 $0x2  }
0x19d: {  	_ =	swait.ge @!p0 [sflag:s0], s1  }
0x19e: {  	s1 =	ssub.s32 @!p0 $0x0, s1;
	[sflag:s0] =	ssyncset.done @!p0 $0x0  }
0x19f: {  	[sflag:s0] =	ssyncadd.s32 @!p0 s1  }
0x1a0: {  	[bflag:$0x3] =	sbarrier.arrive $0xFFFF  }
0x1a1: {  	_ =	shalt  }

</sc_bundles>
